<compile_context>
chip_gen: v7x
topology: tpu7x:2x2x1
jax: 0.10.2.dev20260603
libtpu: 0.0.44.dev20260713+nightly
codegen_flags: <defaults>
</compile_context>

<pallas_src>
import functools

import jax
import jax.numpy as jnp
from jax import lax
from jax.experimental import pallas as pl
from jax.experimental.pallas import tpu as pltpu
from jax.experimental.pallas import tpu_sc as plsc

BATCH = 16384
HIST = 200
D = 64
VOCAB = 2048
L = 16
NDG = 4
NBG = 8
DG = D // NDG
BG = BATCH // NBG
HB = 8
NHB = HIST // HB
NIV = BG // L
TILE_W = 1024
XBLK_W = HB * BG
STG_W = DG * BG
HALF_STG = STG_W // 2

_mesh = plsc.VectorSubcoreMesh(core_axis_name="c", subcore_axis_name="s")


@functools.partial(
    pl.kernel,
    mesh=_mesh,
    compiler_params=pltpu.CompilerParams(
        use_tc_tiling_on_sc=False, needs_layout_passes=False),
    out_type=jax.ShapeDtypeStruct((HIST * D * BATCH,), jnp.float32),
    scratch_types=[
        pltpu.VMEM((DG * VOCAB,), jnp.float32),
        pltpu.VMEM((XBLK_W,), jnp.int32),
        pltpu.VMEM((STG_W,), jnp.float32),
        pltpu.VMEM((STG_W,), jnp.float32),
        pltpu.SemaphoreType.DMA,
        pltpu.SemaphoreType.DMA,
    ],
)
def _lookup_kernel(x4_hbm, tt_hbm, out_hbm, tbl_v, xblk_v, stg_a, stg_b,
                   sem_a, sem_b):
    wid = lax.axis_index("s") * 2 + lax.axis_index("c")
    dg = wid % NDG
    bg = wid // NDG
    d0 = dg * DG
    b0 = bg * BG

    pltpu.sync_copy(tt_hbm.at[pl.ds(d0 * VOCAB, DG * VOCAB)], tbl_v)

    def store_descs(h, stg, sem):
        return [
            pltpu.make_async_copy(
                stg.at[pl.ds(j * HALF_STG, HALF_STG)],
                out_hbm.at[pl.ds(
                    ((h * 8 + 2 * dg + j) * 128 + 16 * bg) * TILE_W,
                    HALF_STG)],
                sem)
            for j in range(2)
        ]

    def hblock(hb, carry):
        pltpu.sync_copy(
            x4_hbm.at[pl.ds((hb * 128 + 16 * bg) * TILE_W, XBLK_W)], xblk_v)
        for hl in range(HB):
            h = hb * HB + hl
            stg, sem = (stg_a, sem_a) if hl % 2 == 0 else (stg_b, sem_b)

            def drain():
                for d_ in store_descs(h, stg, sem):
                    d_.wait()

            if hl >= 2:
                drain()
            else:
                @pl.when(hb > 0)
                def _():
                    drain()

            @plsc.parallel_loop(0, NIV, unroll=8)
            def inner(i):
                base = (i // 8) * TILE_W + (i % 8) * L
                xv = xblk_v[pl.ds(base + hl * 128, L)]
                for dl in range(DG):
                    off = base + (dl // 8) * HALF_STG + (dl % 8) * 128
                    tbl_slice = tbl_v.at[pl.ds(dl * VOCAB, VOCAB)]
                    stg[pl.ds(off, L)] = plsc.load_gather(tbl_slice, [xv])

            for d_ in store_descs(h, stg, sem):
                d_.start()
        return carry

    lax.fori_loop(0, NHB, hblock, 0)

    for d_ in store_descs(HIST - 2, stg_a, sem_a):
        d_.wait()
    for d_ in store_descs(HIST - 1, stg_b, sem_b):
        d_.wait()


def kernel(x, table):
    x4 = (x.astype(jnp.int32)
          .reshape(128, 128, NHB, HB)
          .transpose(2, 0, 3, 1)
          .reshape(-1))
    tt = table.T.reshape(-1)
    out_f = _lookup_kernel(x4, tt)
    out5 = out_f.reshape(HIST, 8, 128, 8, 128)
    return out5.transpose(2, 4, 0, 1, 3).reshape(BATCH, HIST, D)

# --- scband reference (transcript-rebuilt; emitter-appended) ---
"""Pipeline reference for scband-position-embedding-6768868458535 (READ-ONLY COPY).

The authoritative reference and input builder live on the scoring server;
editing this copy changes nothing except your own understanding.
"""

import jax, jax.numpy as jnp
import numpy as np

MAX_SEQ_LEN = 2048
HIDDEN_SIZE = 64
BATCH = 16384
HIST_LEN = 200

def setup_inputs(seed: int = 0) -> dict:
    key = jax.random.key(seed)
    k1, k2 = jax.random.split(key)
    x = jax.random.randint(k1, (BATCH, HIST_LEN), 0, MAX_SEQ_LEN, dtype=jnp.int64 if jax.config.read('jax_enable_x64') else jnp.int32)
    table = jax.random.normal(k2, (MAX_SEQ_LEN, HIDDEN_SIZE), dtype=jnp.float32)
    return {"x": x, "table": table}

def reference(x, table):
    # nn.Embedding forward: gather rows of the position embedding table
    return jnp.take(table, x, axis=0)

if __name__ == "__main__":
    import jax
    _d = setup_inputs()
    print(jax.jit(kernel)(*tuple(_d.values())))

</pallas_src>

<mosaic_0001>
#map = affine_map<(d0, d1) -> (0)>
module attributes {stable_mosaic.version = 14 : i64} {
  func.func @_lookup_kernel(%arg0: i32, %arg1: i32, %arg2: memref<3276800xi32, #tpu.memory_space<hbm>>, %arg3: memref<131072xf32, #tpu.memory_space<hbm>>, %arg4: memref<209715200xf32, #tpu.memory_space<hbm>>, %arg5: memref<32768xf32, #tpu.memory_space<vmem>>, %arg6: memref<16384xi32, #tpu.memory_space<vmem>>, %arg7: memref<32768xf32, #tpu.memory_space<vmem>>, %arg8: memref<32768xf32, #tpu.memory_space<vmem>>, %arg9: memref<!tpu.dma_semaphore, #tpu.memory_space<semaphore_mem>>, %arg10: memref<!tpu.dma_semaphore, #tpu.memory_space<semaphore_mem>>) attributes {dimension_semantics = [#tpu.dimension_semantics<core_parallel>, #tpu.dimension_semantics<subcore_parallel>], iteration_bounds = array<i64: 2, 16>, scalar_prefetch = 0 : i64, scratch_operands = 6 : i64, tpu.core_type = #tpu.core_type<sc_vector_subcore>, window_params = [{transform_indices = #map}, {transform_indices = #map}, {transform_indices = #map}]} {
    %mul3A = arith.constant 2 : i32
    %mul3A_0 = arith.muli %arg1, %mul3A : i32
    %add3A = arith.addi %mul3A_0, %arg0 : i32
    %jit3A = arith.constant 4 : i32
    %eq3A = arith.constant 0 : i32
    %eq3A_1 = arith.cmpi eq, %jit3A, %eq3A : i32
    %jit3A_2 = arith.constant 1 : i32
    %select_n3A = arith.select %eq3A_1, %jit3A_2, %jit3A : i32
    %rem3A = arith.remsi %add3A, %select_n3A : i32
    %ne3A = arith.constant 0 : i32
    %ne3A_3 = arith.cmpi ne, %rem3A, %ne3A : i32
    %lt3A = arith.constant 0 : i32
    %lt3A_4 = arith.cmpi slt, %rem3A, %lt3A : i32
    %lt3A_5 = arith.constant 0 : i32
    %lt3A_6 = arith.cmpi slt, %select_n3A, %lt3A_5 : i32
    %ne3A_7 = arith.xori %lt3A_4, %lt3A_6 : i1
    %and3A = arith.andi %ne3A_7, %ne3A_3 : i1
    %add3A_8 = arith.addi %rem3A, %select_n3A : i32
    %select_n3A_9 = arith.select %and3A, %add3A_8, %rem3A : i32
    %jit3A_10 = arith.constant 4 : i32
    %div3A = arith.divsi %add3A, %jit3A_10 : i32
    %sign3A = arith.constant 0 : i32
    %sign3A_11 = arith.cmpi sgt, %add3A, %sign3A : i32
    %sign3A_12 = arith.extui %sign3A_11 : i1 to i32
    %sign3A_13 = arith.constant 0 : i32
    %sign3A_14 = arith.cmpi slt, %add3A, %sign3A_13 : i32
    %sign3A_15 = arith.extui %sign3A_14 : i1 to i32
    %sign3A_16 = arith.subi %sign3A_12, %sign3A_15 : i32
    %sign3A_17 = arith.constant 0 : i32
    %sign3A_18 = arith.cmpi sgt, %jit3A_10, %sign3A_17 : i32
    %sign3A_19 = arith.extui %sign3A_18 : i1 to i32
    %sign3A_20 = arith.constant 0 : i32
    %sign3A_21 = arith.cmpi slt, %jit3A_10, %sign3A_20 : i32
    %sign3A_22 = arith.extui %sign3A_21 : i1 to i32
    %sign3A_23 = arith.subi %sign3A_19, %sign3A_22 : i32
    %ne3A_24 = arith.cmpi ne, %sign3A_16, %sign3A_23 : i32
    %rem3A_25 = arith.remsi %add3A, %jit3A_10 : i32
    %ne3A_26 = arith.constant 0 : i32
    %ne3A_27 = arith.cmpi ne, %rem3A_25, %ne3A_26 : i32
    %and3A_28 = arith.andi %ne3A_24, %ne3A_27 : i1
    %sub3A = arith.constant 1 : i32
    %sub3A_29 = arith.subi %div3A, %sub3A : i32
    %select_n3A_30 = arith.select %and3A_28, %sub3A_29, %div3A : i32
    %mul3A_31 = arith.constant 16 : i32
    %mul3A_32 = arith.muli %select_n3A_9, %mul3A_31 : i32
    %mul3A_33 = arith.constant 2048 : i32
    %mul3A_34 = arith.muli %select_n3A_30, %mul3A_33 : i32
    %mul3A_35 = arith.constant 2048 : i32
    %mul3A_36 = arith.muli %mul3A_32, %mul3A_35 : i32
    "tpu.region"() ({
      %run_scoped3A = tpu.sem_alloc : memref<!tpu.dma_semaphore, #tpu.memory_space<semaphore_mem>>
      %dma_start3A = tpu.memref_slice %arg3[%mul3A_36] : memref<131072xf32, #tpu.memory_space<hbm>> -> memref<32768xf32, #tpu.memory_space<hbm>>
      %dma_start3A_117 = tpu.memref_slice %arg3[%mul3A_36] : memref<131072xf32, #tpu.memory_space<hbm>> -> memref<32768xf32, #tpu.memory_space<hbm>>
      tpu.enqueue_dma source(%dma_start3A_117 : memref<32768xf32, #tpu.memory_space<hbm>>) target(%arg5 : memref<32768xf32, #tpu.memory_space<vmem>>) target_semaphore(%run_scoped3A : memref<!tpu.dma_semaphore, #tpu.memory_space<semaphore_mem>>)
      %dma_wait3A_118 = tpu.memref_slice %arg3[%mul3A_36] : memref<131072xf32, #tpu.memory_space<hbm>> -> memref<32768xf32, #tpu.memory_space<hbm>>
      %dma_wait3A_119 = tpu.memref_slice %arg3[%mul3A_36] : memref<131072xf32, #tpu.memory_space<hbm>> -> memref<32768xf32, #tpu.memory_space<hbm>>
      tpu.wait_dma2 semaphore(%run_scoped3A : memref<!tpu.dma_semaphore, #tpu.memory_space<semaphore_mem>>) src(%dma_wait3A_119 : memref<32768xf32, #tpu.memory_space<hbm>>) dst(%arg5 : memref<32768xf32, #tpu.memory_space<vmem>>)
      tpu.yield
    }) : () -> ()
    %scan3A = arith.constant 0 : i32
    %scan3A_37 = arith.constant 0 : i32
    %scan3A_38 = arith.constant 25 : i32
    %scan3A_39 = arith.addi %scan3A_37, %scan3A_38 : i32
    %scan3A_40 = arith.constant 1 : i32
    scf.for %scan3A_117 = %scan3A_37 to %scan3A_39 step %scan3A_40  : i32 {
      %mul3A_118 = arith.constant 128 : i32
      %mul3A_119 = arith.muli %scan3A_117, %mul3A_118 : i32
      %mul3A_120 = arith.constant 16 : i32
      %mul3A_121 = arith.muli %mul3A_120, %select_n3A_30 : i32
      %add3A_122 = arith.addi %mul3A_119, %mul3A_121 : i32
      %mul3A_123 = arith.constant 1024 : i32
      %mul3A_124 = arith.muli %add3A_122, %mul3A_123 : i32
      "tpu.region"() ({
        %run_scoped3A = tpu.sem_alloc : memref<!tpu.dma_semaphore, #tpu.memory_space<semaphore_mem>>
        %dma_start3A_746 = tpu.memref_slice %arg2[%mul3A_124] : memref<3276800xi32, #tpu.memory_space<hbm>> -> memref<16384xi32, #tpu.memory_space<hbm>>
        %dma_start3A_747 = tpu.memref_slice %arg2[%mul3A_124] : memref<3276800xi32, #tpu.memory_space<hbm>> -> memref<16384xi32, #tpu.memory_space<hbm>>
        tpu.enqueue_dma source(%dma_start3A_747 : memref<16384xi32, #tpu.memory_space<hbm>>) target(%arg6 : memref<16384xi32, #tpu.memory_space<vmem>>) target_semaphore(%run_scoped3A : memref<!tpu.dma_semaphore, #tpu.memory_space<semaphore_mem>>)
        %dma_wait3A_748 = tpu.memref_slice %arg2[%mul3A_124] : memref<3276800xi32, #tpu.memory_space<hbm>> -> memref<16384xi32, #tpu.memory_space<hbm>>
        %dma_wait3A_749 = tpu.memref_slice %arg2[%mul3A_124] : memref<3276800xi32, #tpu.memory_space<hbm>> -> memref<16384xi32, #tpu.memory_space<hbm>>
        tpu.wait_dma2 semaphore(%run_scoped3A : memref<!tpu.dma_semaphore, #tpu.memory_space<semaphore_mem>>) src(%dma_wait3A_749 : memref<16384xi32, #tpu.memory_space<hbm>>) dst(%arg6 : memref<16384xi32, #tpu.memory_space<vmem>>)
        tpu.yield
      }) : () -> ()
      %mul3A_125 = arith.constant 8 : i32
      %mul3A_126 = arith.muli %scan3A_117, %mul3A_125 : i32
      %add3A_127 = arith.constant 0 : i32
      %add3A_128 = arith.addi %mul3A_126, %add3A_127 : i32
      %gt3A = arith.constant 0 : i32
      %gt3A_129 = arith.cmpi sgt, %scan3A_117, %gt3A : i32
      %convert_element_type3A = arith.extui %gt3A_129 : i1 to i32
      %cond3A = arith.constant 0 : i32
      %cond3A_130 = arith.cmpi ne, %convert_element_type3A, %cond3A : i32
      scf.if %cond3A_130 {
        %mul3A_746 = arith.constant 8 : i32
        %mul3A_747 = arith.muli %add3A_128, %mul3A_746 : i32
        %mul3A_748 = arith.constant 2 : i32
        %mul3A_749 = arith.muli %mul3A_748, %select_n3A_9 : i32
        %add3A_750 = arith.addi %mul3A_747, %mul3A_749 : i32
        %add3A_751 = arith.constant 0 : i32
        %add3A_752 = arith.addi %add3A_750, %add3A_751 : i32
        %mul3A_753 = arith.constant 128 : i32
        %mul3A_754 = arith.muli %add3A_752, %mul3A_753 : i32
        %mul3A_755 = arith.constant 16 : i32
        %mul3A_756 = arith.muli %mul3A_755, %select_n3A_30 : i32
        %add3A_757 = arith.addi %mul3A_754, %mul3A_756 : i32
        %mul3A_758 = arith.constant 1024 : i32
        %mul3A_759 = arith.muli %add3A_757, %mul3A_758 : i32
        %mul3A_760 = arith.constant 8 : i32
        %mul3A_761 = arith.muli %add3A_128, %mul3A_760 : i32
        %mul3A_762 = arith.constant 2 : i32
        %mul3A_763 = arith.muli %mul3A_762, %select_n3A_9 : i32
        %add3A_764 = arith.addi %mul3A_761, %mul3A_763 : i32
        %add3A_765 = arith.constant 1 : i32
        %add3A_766 = arith.addi %add3A_764, %add3A_765 : i32
        %mul3A_767 = arith.constant 128 : i32
        %mul3A_768 = arith.muli %add3A_766, %mul3A_767 : i32
        %mul3A_769 = arith.constant 16 : i32
        %mul3A_770 = arith.muli %mul3A_769, %select_n3A_30 : i32
        %add3A_771 = arith.addi %mul3A_768, %mul3A_770 : i32
        %mul3A_772 = arith.constant 1024 : i32
        %mul3A_773 = arith.muli %add3A_771, %mul3A_772 : i32
        %dma_wait3A_774 = arith.constant 0 : i32
        %dma_wait3A_775 = tpu.memref_slice %arg7[%dma_wait3A_774] : memref<32768xf32, #tpu.memory_space<vmem>> -> memref<16384xf32, #tpu.memory_space<vmem>>
        %dma_wait3A_776 = tpu.memref_slice %arg4[%mul3A_759] : memref<209715200xf32, #tpu.memory_space<hbm>> -> memref<16384xf32, #tpu.memory_space<hbm>>
        %dma_wait3A_777 = tpu.memref_slice %arg4[%mul3A_759] : memref<209715200xf32, #tpu.memory_space<hbm>> -> memref<16384xf32, #tpu.memory_space<hbm>>
        %dma_wait3A_778 = arith.constant 0 : i32
        %dma_wait3A_779 = tpu.memref_slice %arg7[%dma_wait3A_778] : memref<32768xf32, #tpu.memory_space<vmem>> -> memref<16384xf32, #tpu.memory_space<vmem>>
        tpu.wait_dma2 semaphore(%arg9 : memref<!tpu.dma_semaphore, #tpu.memory_space<semaphore_mem>>) src(%dma_wait3A_779 : memref<16384xf32, #tpu.memory_space<vmem>>) dst(%dma_wait3A_777 : memref<16384xf32, #tpu.memory_space<hbm>>)
        %dma_wait3A_780 = arith.constant 16384 : i32
        %dma_wait3A_781 = tpu.memref_slice %arg7[%dma_wait3A_780] : memref<32768xf32, #tpu.memory_space<vmem>> -> memref<16384xf32, #tpu.memory_space<vmem>>
        %dma_wait3A_782 = tpu.memref_slice %arg4[%mul3A_773] : memref<209715200xf32, #tpu.memory_space<hbm>> -> memref<16384xf32, #tpu.memory_space<hbm>>
        %dma_wait3A_783 = tpu.memref_slice %arg4[%mul3A_773] : memref<209715200xf32, #tpu.memory_space<hbm>> -> memref<16384xf32, #tpu.memory_space<hbm>>
        %dma_wait3A_784 = arith.constant 16384 : i32
        %dma_wait3A_785 = tpu.memref_slice %arg7[%dma_wait3A_784] : memref<32768xf32, #tpu.memory_space<vmem>> -> memref<16384xf32, #tpu.memory_space<vmem>>
        tpu.wait_dma2 semaphore(%arg9 : memref<!tpu.dma_semaphore, #tpu.memory_space<semaphore_mem>>) src(%dma_wait3A_785 : memref<16384xf32, #tpu.memory_space<vmem>>) dst(%dma_wait3A_783 : memref<16384xf32, #tpu.memory_space<hbm>>)
      } else {
      }
      %parallel_loop3A = arith.constant 0 : i32
      %parallel_loop3A_131 = arith.constant 128 : i32
      %parallel_loop3A_132 = arith.constant 1 : i32
      scf.for %parallel_loop3A_746 = %parallel_loop3A to %parallel_loop3A_131 step %parallel_loop3A_132  : i32 {
        %parallel_loop3A_747 = arith.constant 8 : i32
        %parallel_loop3A_748 = arith.divsi %parallel_loop3A_746, %parallel_loop3A_747 : i32
        %parallel_loop3A_749 = arith.constant 0 : i32
        %parallel_loop3A_750 = arith.cmpi sgt, %parallel_loop3A_746, %parallel_loop3A_749 : i32
        %parallel_loop3A_751 = arith.extui %parallel_loop3A_750 : i1 to i32
        %parallel_loop3A_752 = arith.constant 0 : i32
        %parallel_loop3A_753 = arith.cmpi slt, %parallel_loop3A_746, %parallel_loop3A_752 : i32
        %parallel_loop3A_754 = arith.extui %parallel_loop3A_753 : i1 to i32
        %parallel_loop3A_755 = arith.subi %parallel_loop3A_751, %parallel_loop3A_754 : i32
        %parallel_loop3A_756 = arith.constant 0 : i32
        %parallel_loop3A_757 = arith.cmpi sgt, %parallel_loop3A_747, %parallel_loop3A_756 : i32
        %parallel_loop3A_758 = arith.extui %parallel_loop3A_757 : i1 to i32
        %parallel_loop3A_759 = arith.constant 0 : i32
        %parallel_loop3A_760 = arith.cmpi slt, %parallel_loop3A_747, %parallel_loop3A_759 : i32
        %parallel_loop3A_761 = arith.extui %parallel_loop3A_760 : i1 to i32
        %parallel_loop3A_762 = arith.subi %parallel_loop3A_758, %parallel_loop3A_761 : i32
        %parallel_loop3A_763 = arith.cmpi ne, %parallel_loop3A_755, %parallel_loop3A_762 : i32
        %parallel_loop3A_764 = arith.remsi %parallel_loop3A_746, %parallel_loop3A_747 : i32
        %parallel_loop3A_765 = arith.constant 0 : i32
        %parallel_loop3A_766 = arith.cmpi ne, %parallel_loop3A_764, %parallel_loop3A_765 : i32
        %parallel_loop3A_767 = arith.andi %parallel_loop3A_763, %parallel_loop3A_766 : i1
        %parallel_loop3A_768 = arith.constant 1 : i32
        %parallel_loop3A_769 = arith.subi %parallel_loop3A_748, %parallel_loop3A_768 : i32
        %parallel_loop3A_770 = arith.select %parallel_loop3A_767, %parallel_loop3A_769, %parallel_loop3A_748 : i32
        %parallel_loop3A_771 = arith.constant 1024 : i32
        %parallel_loop3A_772 = arith.muli %parallel_loop3A_770, %parallel_loop3A_771 : i32
        %parallel_loop3A_773 = arith.constant 8 : i32
        %parallel_loop3A_774 = arith.constant 0 : i32
        %parallel_loop3A_775 = arith.cmpi eq, %parallel_loop3A_773, %parallel_loop3A_774 : i32
        %parallel_loop3A_776 = arith.constant 1 : i32
        %parallel_loop3A_777 = arith.select %parallel_loop3A_775, %parallel_loop3A_776, %parallel_loop3A_773 : i32
        %parallel_loop3A_778 = arith.remsi %parallel_loop3A_746, %parallel_loop3A_777 : i32
        %parallel_loop3A_779 = arith.constant 0 : i32
        %parallel_loop3A_780 = arith.cmpi ne, %parallel_loop3A_778, %parallel_loop3A_779 : i32
        %parallel_loop3A_781 = arith.constant 0 : i32
        %parallel_loop3A_782 = arith.cmpi slt, %parallel_loop3A_778, %parallel_loop3A_781 : i32
        %parallel_loop3A_783 = arith.constant 0 : i32
        %parallel_loop3A_784 = arith.cmpi slt, %parallel_loop3A_777, %parallel_loop3A_783 : i32
        %parallel_loop3A_785 = arith.xori %parallel_loop3A_782, %parallel_loop3A_784 : i1
        %parallel_loop3A_786 = arith.andi %parallel_loop3A_785, %parallel_loop3A_780 : i1
        %parallel_loop3A_787 = arith.addi %parallel_loop3A_778, %parallel_loop3A_777 : i32
        %parallel_loop3A_788 = arith.select %parallel_loop3A_786, %parallel_loop3A_787, %parallel_loop3A_778 : i32
        %parallel_loop3A_789 = arith.constant 16 : i32
        %parallel_loop3A_790 = arith.muli %parallel_loop3A_788, %parallel_loop3A_789 : i32
        %parallel_loop3A_791 = arith.addi %parallel_loop3A_772, %parallel_loop3A_790 : i32
        %parallel_loop3A_792 = arith.constant 0 : i32
        %parallel_loop3A_793 = arith.addi %parallel_loop3A_791, %parallel_loop3A_792 : i32
        %parallel_loop3A_794 = arith.index_cast %parallel_loop3A_793 : i32 to index
        %parallel_loop3A_795 = tpu.vector_load %arg6[%parallel_loop3A_794] {strides = array<i32>} : memref<16384xi32, #tpu.memory_space<vmem>>, vector<16xi32>,
        %parallel_loop3A_796 = arith.constant 0 : i32
        %parallel_loop3A_797 = arith.addi %parallel_loop3A_791, %parallel_loop3A_796 : i32
        %parallel_loop3A_798 = arith.constant 0 : i32
        %parallel_loop3A_799 = arith.addi %parallel_loop3A_797, %parallel_loop3A_798 : i32
        %parallel_loop3A_800 = arith.constant 0 : i32
        %parallel_loop3A_801 = tpu.memref_slice %arg5[%parallel_loop3A_800] : memref<32768xf32, #tpu.memory_space<vmem>> -> memref<2048xf32, #tpu.memory_space<vmem>>
        %parallel_loop3A_802 = tpu.vector_load_idx %parallel_loop3A_801[%parallel_loop3A_795] : memref<2048xf32, #tpu.memory_space<vmem>>[vector<16xi32>], vector<16xf32>,
        %parallel_loop3A_803 = arith.index_cast %parallel_loop3A_799 : i32 to index
        %parallel_loop3A_804 = tpu.vector_load %arg7[%parallel_loop3A_803] {strides = array<i32>} : memref<32768xf32, #tpu.memory_space<vmem>>, vector<16xf32>,
        tpu.vector_store %arg7[%parallel_loop3A_803], %parallel_loop3A_802 {strides = array<i32>} : memref<32768xf32, #tpu.memory_space<vmem>>, vector<16xf32>,
        %parallel_loop3A_805 = arith.constant 0 : i32
        %parallel_loop3A_806 = arith.addi %parallel_loop3A_791, %parallel_loop3A_805 : i32
        %parallel_loop3A_807 = arith.constant 128 : i32
        %parallel_loop3A_808 = arith.addi %parallel_loop3A_806, %parallel_loop3A_807 : i32
        %parallel_loop3A_809 = arith.constant 2048 : i32
        %parallel_loop3A_810 = tpu.memref_slice %arg5[%parallel_loop3A_809] : memref<32768xf32, #tpu.memory_space<vmem>> -> memref<2048xf32, #tpu.memory_space<vmem>>
        %parallel_loop3A_811 = tpu.vector_load_idx %parallel_loop3A_810[%parallel_loop3A_795] : memref<2048xf32, #tpu.memory_space<vmem>>[vector<16xi32>], vector<16xf32>,
        %parallel_loop3A_812 = arith.index_cast %parallel_loop3A_808 : i32 to index
        %parallel_loop3A_813 = tpu.vector_load %arg7[%parallel_loop3A_812] {strides = array<i32>} : memref<32768xf32, #tpu.memory_space<vmem>>, vector<16xf32>,
        tpu.vector_store %arg7[%parallel_loop3A_812], %parallel_loop3A_811 {strides = array<i32>} : memref<32768xf32, #tpu.memory_space<vmem>>, vector<16xf32>,
        %parallel_loop3A_814 = arith.constant 0 : i32
        %parallel_loop3A_815 = arith.addi %parallel_loop3A_791, %parallel_loop3A_814 : i32
        %parallel_loop3A_816 = arith.constant 256 : i32
        %parallel_loop3A_817 = arith.addi %parallel_loop3A_815, %parallel_loop3A_816 : i32
        %parallel_loop3A_818 = arith.constant 4096 : i32
        %parallel_loop3A_819 = tpu.memref_slice %arg5[%parallel_loop3A_818] : memref<32768xf32, #tpu.memory_space<vmem>> -> memref<2048xf32, #tpu.memory_space<vmem>>
        %parallel_loop3A_820 = tpu.vector_load_idx %parallel_loop3A_819[%parallel_loop3A_795] : memref<2048xf32, #tpu.memory_space<vmem>>[vector<16xi32>], vector<16xf32>,
        %parallel_loop3A_821 = arith.index_cast %parallel_loop3A_817 : i32 to index
        %parallel_loop3A_822 = tpu.vector_load %arg7[%parallel_loop3A_821] {strides = array<i32>} : memref<32768xf32, #tpu.memory_space<vmem>>, vector<16xf32>,
        tpu.vector_store %arg7[%parallel_loop3A_821], %parallel_loop3A_820 {strides = array<i32>} : memref<32768xf32, #tpu.memory_space<vmem>>, vector<16xf32>,
        %parallel_loop3A_823 = arith.constant 0 : i32
        %parallel_loop3A_824 = arith.addi %parallel_loop3A_791, %parallel_loop3A_823 : i32
        %parallel_loop3A_825 = arith.constant 384 : i32
        %parallel_loop3A_826 = arith.addi %parallel_loop3A_824, %parallel_loop3A_825 : i32
        %parallel_loop3A_827 = arith.constant 6144 : i32
        %parallel_loop3A_828 = tpu.memref_slice %arg5[%parallel_loop3A_827] : memref<32768xf32, #tpu.memory_space<vmem>> -> memref<2048xf32, #tpu.memory_space<vmem>>
        %parallel_loop3A_829 = tpu.vector_load_idx %parallel_loop3A_828[%parallel_loop3A_795] : memref<2048xf32, #tpu.memory_space<vmem>>[vector<16xi32>], vector<16xf32>,
        %parallel_loop3A_830 = arith.index_cast %parallel_loop3A_826 : i32 to index
        %parallel_loop3A_831 = tpu.vector_load %arg7[%parallel_loop3A_830] {strides = array<i32>} : memref<32768xf32, #tpu.memory_space<vmem>>, vector<16xf32>,
        tpu.vector_store %arg7[%parallel_loop3A_830], %parallel_loop3A_829 {strides = array<i32>} : memref<32768xf32, #tpu.memory_space<vmem>>, vector<16xf32>,
        %parallel_loop3A_832 = arith.constant 0 : i32
        %parallel_loop3A_833 = arith.addi %parallel_loop3A_791, %parallel_loop3A_832 : i32
        %parallel_loop3A_834 = arith.constant 512 : i32
        %parallel_loop3A_835 = arith.addi %parallel_loop3A_833, %parallel_loop3A_834 : i32
        %parallel_loop3A_836 = arith.constant 8192 : i32
        %parallel_loop3A_837 = tpu.memref_slice %arg5[%parallel_loop3A_836] : memref<32768xf32, #tpu.memory_space<vmem>> -> memref<2048xf32, #tpu.memory_space<vmem>>
        %parallel_loop3A_838 = tpu.vector_load_idx %parallel_loop3A_837[%parallel_loop3A_795] : memref<2048xf32, #tpu.memory_space<vmem>>[vector<16xi32>], vector<16xf32>,
        %parallel_loop3A_839 = arith.index_cast %parallel_loop3A_835 : i32 to index
        %parallel_loop3A_840 = tpu.vector_load %arg7[%parallel_loop3A_839] {strides = array<i32>} : memref<32768xf32, #tpu.memory_space<vmem>>, vector<16xf32>,
        tpu.vector_store %arg7[%parallel_loop3A_839], %parallel_loop3A_838 {strides = array<i32>} : memref<32768xf32, #tpu.memory_space<vmem>>, vector<16xf32>,
        %parallel_loop3A_841 = arith.constant 0 : i32
        %parallel_loop3A_842 = arith.addi %parallel_loop3A_791, %parallel_loop3A_841 : i32
        %parallel_loop3A_843 = arith.constant 640 : i32
        %parallel_loop3A_844 = arith.addi %parallel_loop3A_842, %parallel_loop3A_843 : i32
        %parallel_loop3A_845 = arith.constant 10240 : i32
        %parallel_loop3A_846 = tpu.memref_slice %arg5[%parallel_loop3A_845] : memref<32768xf32, #tpu.memory_space<vmem>> -> memref<2048xf32, #tpu.memory_space<vmem>>
        %parallel_loop3A_847 = tpu.vector_load_idx %parallel_loop3A_846[%parallel_loop3A_795] : memref<2048xf32, #tpu.memory_space<vmem>>[vector<16xi32>], vector<16xf32>,
        %parallel_loop3A_848 = arith.index_cast %parallel_loop3A_844 : i32 to index
        %parallel_loop3A_849 = tpu.vector_load %arg7[%parallel_loop3A_848] {strides = array<i32>} : memref<32768xf32, #tpu.memory_space<vmem>>, vector<16xf32>,
        tpu.vector_store %arg7[%parallel_loop3A_848], %parallel_loop3A_847 {strides = array<i32>} : memref<32768xf32, #tpu.memory_space<vmem>>, vector<16xf32>,
        %parallel_loop3A_850 = arith.constant 0 : i32
        %parallel_loop3A_851 = arith.addi %parallel_loop3A_791, %parallel_loop3A_850 : i32
        %parallel_loop3A_852 = arith.constant 768 : i32
        %parallel_loop3A_853 = arith.addi %parallel_loop3A_851, %parallel_loop3A_852 : i32
        %parallel_loop3A_854 = arith.constant 12288 : i32
        %parallel_loop3A_855 = tpu.memref_slice %arg5[%parallel_loop3A_854] : memref<32768xf32, #tpu.memory_space<vmem>> -> memref<2048xf32, #tpu.memory_space<vmem>>
        %parallel_loop3A_856 = tpu.vector_load_idx %parallel_loop3A_855[%parallel_loop3A_795] : memref<2048xf32, #tpu.memory_space<vmem>>[vector<16xi32>], vector<16xf32>,
        %parallel_loop3A_857 = arith.index_cast %parallel_loop3A_853 : i32 to index
        %parallel_loop3A_858 = tpu.vector_load %arg7[%parallel_loop3A_857] {strides = array<i32>} : memref<32768xf32, #tpu.memory_space<vmem>>, vector<16xf32>,
        tpu.vector_store %arg7[%parallel_loop3A_857], %parallel_loop3A_856 {strides = array<i32>} : memref<32768xf32, #tpu.memory_space<vmem>>, vector<16xf32>,
        %parallel_loop3A_859 = arith.constant 0 : i32
        %parallel_loop3A_860 = arith.addi %parallel_loop3A_791, %parallel_loop3A_859 : i32
        %parallel_loop3A_861 = arith.constant 896 : i32
        %parallel_loop3A_862 = arith.addi %parallel_loop3A_860, %parallel_loop3A_861 : i32
        %parallel_loop3A_863 = arith.constant 14336 : i32
        %parallel_loop3A_864 = tpu.memref_slice %arg5[%parallel_loop3A_863] : memref<32768xf32, #tpu.memory_space<vmem>> -> memref<2048xf32, #tpu.memory_space<vmem>>
        %parallel_loop3A_865 = tpu.vector_load_idx %parallel_loop3A_864[%parallel_loop3A_795] : memref<2048xf32, #tpu.memory_space<vmem>>[vector<16xi32>], vector<16xf32>,
        %parallel_loop3A_866 = arith.index_cast %parallel_loop3A_862 : i32 to index
        %parallel_loop3A_867 = tpu.vector_load %arg7[%parallel_loop3A_866] {strides = array<i32>} : memref<32768xf32, #tpu.memory_space<vmem>>, vector<16xf32>,
        tpu.vector_store %arg7[%parallel_loop3A_866], %parallel_loop3A_865 {strides = array<i32>} : memref<32768xf32, #tpu.memory_space<vmem>>, vector<16xf32>,
        %parallel_loop3A_868 = arith.constant 16384 : i32
        %parallel_loop3A_869 = arith.addi %parallel_loop3A_791, %parallel_loop3A_868 : i32
        %parallel_loop3A_870 = arith.constant 0 : i32
        %parallel_loop3A_871 = arith.addi %parallel_loop3A_869, %parallel_loop3A_870 : i32
        %parallel_loop3A_872 = arith.constant 16384 : i32
        %parallel_loop3A_873 = tpu.memref_slice %arg5[%parallel_loop3A_872] : memref<32768xf32, #tpu.memory_space<vmem>> -> memref<2048xf32, #tpu.memory_space<vmem>>
        %parallel_loop3A_874 = tpu.vector_load_idx %parallel_loop3A_873[%parallel_loop3A_795] : memref<2048xf32, #tpu.memory_space<vmem>>[vector<16xi32>], vector<16xf32>,
        %parallel_loop3A_875 = arith.index_cast %parallel_loop3A_871 : i32 to index
        %parallel_loop3A_876 = tpu.vector_load %arg7[%parallel_loop3A_875] {strides = array<i32>} : memref<32768xf32, #tpu.memory_space<vmem>>, vector<16xf32>,
        tpu.vector_store %arg7[%parallel_loop3A_875], %parallel_loop3A_874 {strides = array<i32>} : memref<32768xf32, #tpu.memory_space<vmem>>, vector<16xf32>,
        %parallel_loop3A_877 = arith.constant 16384 : i32
        %parallel_loop3A_878 = arith.addi %parallel_loop3A_791, %parallel_loop3A_877 : i32
        %parallel_loop3A_879 = arith.constant 128 : i32
        %parallel_loop3A_880 = arith.addi %parallel_loop3A_878, %parallel_loop3A_879 : i32
        %parallel_loop3A_881 = arith.constant 18432 : i32
        %parallel_loop3A_882 = tpu.memref_slice %arg5[%parallel_loop3A_881] : memref<32768xf32, #tpu.memory_space<vmem>> -> memref<2048xf32, #tpu.memory_space<vmem>>
        %parallel_loop3A_883 = tpu.vector_load_idx %parallel_loop3A_882[%parallel_loop3A_795] : memref<2048xf32, #tpu.memory_space<vmem>>[vector<16xi32>], vector<16xf32>,
        %parallel_loop3A_884 = arith.index_cast %parallel_loop3A_880 : i32 to index
        %parallel_loop3A_885 = tpu.vector_load %arg7[%parallel_loop3A_884] {strides = array<i32>} : memref<32768xf32, #tpu.memory_space<vmem>>, vector<16xf32>,
        tpu.vector_store %arg7[%parallel_loop3A_884], %parallel_loop3A_883 {strides = array<i32>} : memref<32768xf32, #tpu.memory_space<vmem>>, vector<16xf32>,
        %parallel_loop3A_886 = arith.constant 16384 : i32
        %parallel_loop3A_887 = arith.addi %parallel_loop3A_791, %parallel_loop3A_886 : i32
        %parallel_loop3A_888 = arith.constant 256 : i32
        %parallel_loop3A_889 = arith.addi %parallel_loop3A_887, %parallel_loop3A_888 : i32
        %parallel_loop3A_890 = arith.constant 20480 : i32
        %parallel_loop3A_891 = tpu.memref_slice %arg5[%parallel_loop3A_890] : memref<32768xf32, #tpu.memory_space<vmem>> -> memref<2048xf32, #tpu.memory_space<vmem>>
        %parallel_loop3A_892 = tpu.vector_load_idx %parallel_loop3A_891[%parallel_loop3A_795] : memref<2048xf32, #tpu.memory_space<vmem>>[vector<16xi32>], vector<16xf32>,
        %parallel_loop3A_893 = arith.index_cast %parallel_loop3A_889 : i32 to index
        %parallel_loop3A_894 = tpu.vector_load %arg7[%parallel_loop3A_893] {strides = array<i32>} : memref<32768xf32, #tpu.memory_space<vmem>>, vector<16xf32>,
        tpu.vector_store %arg7[%parallel_loop3A_893], %parallel_loop3A_892 {strides = array<i32>} : memref<32768xf32, #tpu.memory_space<vmem>>, vector<16xf32>,
        %parallel_loop3A_895 = arith.constant 16384 : i32
        %parallel_loop3A_896 = arith.addi %parallel_loop3A_791, %parallel_loop3A_895 : i32
        %parallel_loop3A_897 = arith.constant 384 : i32
        %parallel_loop3A_898 = arith.addi %parallel_loop3A_896, %parallel_loop3A_897 : i32
        %parallel_loop3A_899 = arith.constant 22528 : i32
        %parallel_loop3A_900 = tpu.memref_slice %arg5[%parallel_loop3A_899] : memref<32768xf32, #tpu.memory_space<vmem>> -> memref<2048xf32, #tpu.memory_space<vmem>>
        %parallel_loop3A_901 = tpu.vector_load_idx %parallel_loop3A_900[%parallel_loop3A_795] : memref<2048xf32, #tpu.memory_space<vmem>>[vector<16xi32>], vector<16xf32>,
        %parallel_loop3A_902 = arith.index_cast %parallel_loop3A_898 : i32 to index
        %parallel_loop3A_903 = tpu.vector_load %arg7[%parallel_loop3A_902] {strides = array<i32>} : memref<32768xf32, #tpu.memory_space<vmem>>, vector<16xf32>,
        tpu.vector_store %arg7[%parallel_loop3A_902], %parallel_loop3A_901 {strides = array<i32>} : memref<32768xf32, #tpu.memory_space<vmem>>, vector<16xf32>,
        %parallel_loop3A_904 = arith.constant 16384 : i32
        %parallel_loop3A_905 = arith.addi %parallel_loop3A_791, %parallel_loop3A_904 : i32
        %parallel_loop3A_906 = arith.constant 512 : i32
        %parallel_loop3A_907 = arith.addi %parallel_loop3A_905, %parallel_loop3A_906 : i32
        %parallel_loop3A_908 = arith.constant 24576 : i32
        %parallel_loop3A_909 = tpu.memref_slice %arg5[%parallel_loop3A_908] : memref<32768xf32, #tpu.memory_space<vmem>> -> memref<2048xf32, #tpu.memory_space<vmem>>
        %parallel_loop3A_910 = tpu.vector_load_idx %parallel_loop3A_909[%parallel_loop3A_795] : memref<2048xf32, #tpu.memory_space<vmem>>[vector<16xi32>], vector<16xf32>,
        %parallel_loop3A_911 = arith.index_cast %parallel_loop3A_907 : i32 to index
        %parallel_loop3A_912 = tpu.vector_load %arg7[%parallel_loop3A_911] {strides = array<i32>} : memref<32768xf32, #tpu.memory_space<vmem>>, vector<16xf32>,
        tpu.vector_store %arg7[%parallel_loop3A_911], %parallel_loop3A_910 {strides = array<i32>} : memref<32768xf32, #tpu.memory_space<vmem>>, vector<16xf32>,
        %parallel_loop3A_913 = arith.constant 16384 : i32
        %parallel_loop3A_914 = arith.addi %parallel_loop3A_791, %parallel_loop3A_913 : i32
        %parallel_loop3A_915 = arith.constant 640 : i32
        %parallel_loop3A_916 = arith.addi %parallel_loop3A_914, %parallel_loop3A_915 : i32
        %parallel_loop3A_917 = arith.constant 26624 : i32
        %parallel_loop3A_918 = tpu.memref_slice %arg5[%parallel_loop3A_917] : memref<32768xf32, #tpu.memory_space<vmem>> -> memref<2048xf32, #tpu.memory_space<vmem>>
        %parallel_loop3A_919 = tpu.vector_load_idx %parallel_loop3A_918[%parallel_loop3A_795] : memref<2048xf32, #tpu.memory_space<vmem>>[vector<16xi32>], vector<16xf32>,
        %parallel_loop3A_920 = arith.index_cast %parallel_loop3A_916 : i32 to index
        %parallel_loop3A_921 = tpu.vector_load %arg7[%parallel_loop3A_920] {strides = array<i32>} : memref<32768xf32, #tpu.memory_space<vmem>>, vector<16xf32>,
        tpu.vector_store %arg7[%parallel_loop3A_920], %parallel_loop3A_919 {strides = array<i32>} : memref<32768xf32, #tpu.memory_space<vmem>>, vector<16xf32>,
        %parallel_loop3A_922 = arith.constant 16384 : i32
        %parallel_loop3A_923 = arith.addi %parallel_loop3A_791, %parallel_loop3A_922 : i32
        %parallel_loop3A_924 = arith.constant 768 : i32
        %parallel_loop3A_925 = arith.addi %parallel_loop3A_923, %parallel_loop3A_924 : i32
        %parallel_loop3A_926 = arith.constant 28672 : i32
        %parallel_loop3A_927 = tpu.memref_slice %arg5[%parallel_loop3A_926] : memref<32768xf32, #tpu.memory_space<vmem>> -> memref<2048xf32, #tpu.memory_space<vmem>>
        %parallel_loop3A_928 = tpu.vector_load_idx %parallel_loop3A_927[%parallel_loop3A_795] : memref<2048xf32, #tpu.memory_space<vmem>>[vector<16xi32>], vector<16xf32>,
        %parallel_loop3A_929 = arith.index_cast %parallel_loop3A_925 : i32 to index
        %parallel_loop3A_930 = tpu.vector_load %arg7[%parallel_loop3A_929] {strides = array<i32>} : memref<32768xf32, #tpu.memory_space<vmem>>, vector<16xf32>,
        tpu.vector_store %arg7[%parallel_loop3A_929], %parallel_loop3A_928 {strides = array<i32>} : memref<32768xf32, #tpu.memory_space<vmem>>, vector<16xf32>,
        %parallel_loop3A_931 = arith.constant 16384 : i32
        %parallel_loop3A_932 = arith.addi %parallel_loop3A_791, %parallel_loop3A_931 : i32
        %parallel_loop3A_933 = arith.constant 896 : i32
        %parallel_loop3A_934 = arith.addi %parallel_loop3A_932, %parallel_loop3A_933 : i32
        %parallel_loop3A_935 = arith.constant 30720 : i32
        %parallel_loop3A_936 = tpu.memref_slice %arg5[%parallel_loop3A_935] : memref<32768xf32, #tpu.memory_space<vmem>> -> memref<2048xf32, #tpu.memory_space<vmem>>
        %parallel_loop3A_937 = tpu.vector_load_idx %parallel_loop3A_936[%parallel_loop3A_795] : memref<2048xf32, #tpu.memory_space<vmem>>[vector<16xi32>], vector<16xf32>,
        %parallel_loop3A_938 = arith.index_cast %parallel_loop3A_934 : i32 to index
        %parallel_loop3A_939 = tpu.vector_load %arg7[%parallel_loop3A_938] {strides = array<i32>} : memref<32768xf32, #tpu.memory_space<vmem>>, vector<16xf32>,
        tpu.vector_store %arg7[%parallel_loop3A_938], %parallel_loop3A_937 {strides = array<i32>} : memref<32768xf32, #tpu.memory_space<vmem>>, vector<16xf32>,
      } {sc.loop_unroll_factor = 8 : i64, sc.parallel_access}
      %mul3A_133 = arith.constant 8 : i32
      %mul3A_134 = arith.muli %add3A_128, %mul3A_133 : i32
      %mul3A_135 = arith.constant 2 : i32
      %mul3A_136 = arith.muli %mul3A_135, %select_n3A_9 : i32
      %add3A_137 = arith.addi %mul3A_134, %mul3A_136 : i32
      %add3A_138 = arith.constant 0 : i32
      %add3A_139 = arith.addi %add3A_137, %add3A_138 : i32
      %mul3A_140 = arith.constant 128 : i32
      %mul3A_141 = arith.muli %add3A_139, %mul3A_140 : i32
      %mul3A_142 = arith.constant 16 : i32
      %mul3A_143 = arith.muli %mul3A_142, %select_n3A_30 : i32
      %add3A_144 = arith.addi %mul3A_141, %mul3A_143 : i32
      %mul3A_145 = arith.constant 1024 : i32
      %mul3A_146 = arith.muli %add3A_144, %mul3A_145 : i32
      %mul3A_147 = arith.constant 8 : i32
      %mul3A_148 = arith.muli %add3A_128, %mul3A_147 : i32
      %mul3A_149 = arith.constant 2 : i32
      %mul3A_150 = arith.muli %mul3A_149, %select_n3A_9 : i32
      %add3A_151 = arith.addi %mul3A_148, %mul3A_150 : i32
      %add3A_152 = arith.constant 1 : i32
      %add3A_153 = arith.addi %add3A_151, %add3A_152 : i32
      %mul3A_154 = arith.constant 128 : i32
      %mul3A_155 = arith.muli %add3A_153, %mul3A_154 : i32
      %mul3A_156 = arith.constant 16 : i32
      %mul3A_157 = arith.muli %mul3A_156, %select_n3A_30 : i32
      %add3A_158 = arith.addi %mul3A_155, %mul3A_157 : i32
      %mul3A_159 = arith.constant 1024 : i32
      %mul3A_160 = arith.muli %add3A_158, %mul3A_159 : i32
      %dma_start3A = arith.constant 0 : i32
      %dma_start3A_161 = tpu.memref_slice %arg7[%dma_start3A] : memref<32768xf32, #tpu.memory_space<vmem>> -> memref<16384xf32, #tpu.memory_space<vmem>>
      %dma_start3A_162 = tpu.memref_slice %arg4[%mul3A_146] : memref<209715200xf32, #tpu.memory_space<hbm>> -> memref<16384xf32, #tpu.memory_space<hbm>>
      %dma_start3A_163 = tpu.memref_slice %arg4[%mul3A_146] : memref<209715200xf32, #tpu.memory_space<hbm>> -> memref<16384xf32, #tpu.memory_space<hbm>>
      %dma_start3A_164 = arith.constant 0 : i32
      %dma_start3A_165 = tpu.memref_slice %arg7[%dma_start3A_164] : memref<32768xf32, #tpu.memory_space<vmem>> -> memref<16384xf32, #tpu.memory_space<vmem>>
      tpu.enqueue_dma source(%dma_start3A_165 : memref<16384xf32, #tpu.memory_space<vmem>>) target(%dma_start3A_163 : memref<16384xf32, #tpu.memory_space<hbm>>) target_semaphore(%arg9 : memref<!tpu.dma_semaphore, #tpu.memory_space<semaphore_mem>>)
      %dma_start3A_166 = arith.constant 16384 : i32
      %dma_start3A_167 = tpu.memref_slice %arg7[%dma_start3A_166] : memref<32768xf32, #tpu.memory_space<vmem>> -> memref<16384xf32, #tpu.memory_space<vmem>>
      %dma_start3A_168 = tpu.memref_slice %arg4[%mul3A_160] : memref<209715200xf32, #tpu.memory_space<hbm>> -> memref<16384xf32, #tpu.memory_space<hbm>>
      %dma_start3A_169 = tpu.memref_slice %arg4[%mul3A_160] : memref<209715200xf32, #tpu.memory_space<hbm>> -> memref<16384xf32, #tpu.memory_space<hbm>>
      %dma_start3A_170 = arith.constant 16384 : i32
      %dma_start3A_171 = tpu.memref_slice %arg7[%dma_start3A_170] : memref<32768xf32, #tpu.memory_space<vmem>> -> memref<16384xf32, #tpu.memory_space<vmem>>
      tpu.enqueue_dma source(%dma_start3A_171 : memref<16384xf32, #tpu.memory_space<vmem>>) target(%dma_start3A_169 : memref<16384xf32, #tpu.memory_space<hbm>>) target_semaphore(%arg9 : memref<!tpu.dma_semaphore, #tpu.memory_space<semaphore_mem>>)
      %mul3A_172 = arith.constant 8 : i32
      %mul3A_173 = arith.muli %scan3A_117, %mul3A_172 : i32
      %add3A_174 = arith.constant 1 : i32
      %add3A_175 = arith.addi %mul3A_173, %add3A_174 : i32
      %gt3A_176 = arith.constant 0 : i32
      %gt3A_177 = arith.cmpi sgt, %scan3A_117, %gt3A_176 : i32
      %convert_element_type3A_178 = arith.extui %gt3A_177 : i1 to i32
      %cond3A_179 = arith.constant 0 : i32
      %cond3A_180 = arith.cmpi ne, %convert_element_type3A_178, %cond3A_179 : i32
      scf.if %cond3A_180 {
        %mul3A_746 = arith.constant 8 : i32
        %mul3A_747 = arith.muli %add3A_175, %mul3A_746 : i32
        %mul3A_748 = arith.constant 2 : i32
        %mul3A_749 = arith.muli %mul3A_748, %select_n3A_9 : i32
        %add3A_750 = arith.addi %mul3A_747, %mul3A_749 : i32
        %add3A_751 = arith.constant 0 : i32
        %add3A_752 = arith.addi %add3A_750, %add3A_751 : i32
        %mul3A_753 = arith.constant 128 : i32
        %mul3A_754 = arith.muli %add3A_752, %mul3A_753 : i32
        %mul3A_755 = arith.constant 16 : i32
        %mul3A_756 = arith.muli %mul3A_755, %select_n3A_30 : i32
        %add3A_757 = arith.addi %mul3A_754, %mul3A_756 : i32
        %mul3A_758 = arith.constant 1024 : i32
        %mul3A_759 = arith.muli %add3A_757, %mul3A_758 : i32
        %mul3A_760 = arith.constant 8 : i32
        %mul3A_761 = arith.muli %add3A_175, %mul3A_760 : i32
        %mul3A_762 = arith.constant 2 : i32
        %mul3A_763 = arith.muli %mul3A_762, %select_n3A_9 : i32
        %add3A_764 = arith.addi %mul3A_761, %mul3A_763 : i32
        %add3A_765 = arith.constant 1 : i32
        %add3A_766 = arith.addi %add3A_764, %add3A_765 : i32
        %mul3A_767 = arith.constant 128 : i32
        %mul3A_768 = arith.muli %add3A_766, %mul3A_767 : i32
        %mul3A_769 = arith.constant 16 : i32
        %mul3A_770 = arith.muli %mul3A_769, %select_n3A_30 : i32
        %add3A_771 = arith.addi %mul3A_768, %mul3A_770 : i32
        %mul3A_772 = arith.constant 1024 : i32
        %mul3A_773 = arith.muli %add3A_771, %mul3A_772 : i32
        %dma_wait3A_774 = arith.constant 0 : i32
        %dma_wait3A_775 = tpu.memref_slice %arg8[%dma_wait3A_774] : memref<32768xf32, #tpu.memory_space<vmem>> -> memref<16384xf32, #tpu.memory_space<vmem>>
        %dma_wait3A_776 = tpu.memref_slice %arg4[%mul3A_759] : memref<209715200xf32, #tpu.memory_space<hbm>> -> memref<16384xf32, #tpu.memory_space<hbm>>
        %dma_wait3A_777 = tpu.memref_slice %arg4[%mul3A_759] : memref<209715200xf32, #tpu.memory_space<hbm>> -> memref<16384xf32, #tpu.memory_space<hbm>>
        %dma_wait3A_778 = arith.constant 0 : i32
        %dma_wait3A_779 = tpu.memref_slice %arg8[%dma_wait3A_778] : memref<32768xf32, #tpu.memory_space<vmem>> -> memref<16384xf32, #tpu.memory_space<vmem>>
        tpu.wait_dma2 semaphore(%arg10 : memref<!tpu.dma_semaphore, #tpu.memory_space<semaphore_mem>>) src(%dma_wait3A_779 : memref<16384xf32, #tpu.memory_space<vmem>>) dst(%dma_wait3A_777 : memref<16384xf32, #tpu.memory_space<hbm>>)
        %dma_wait3A_780 = arith.constant 16384 : i32
        %dma_wait3A_781 = tpu.memref_slice %arg8[%dma_wait3A_780] : memref<32768xf32, #tpu.memory_space<vmem>> -> memref<16384xf32, #tpu.memory_space<vmem>>
        %dma_wait3A_782 = tpu.memref_slice %arg4[%mul3A_773] : memref<209715200xf32, #tpu.memory_space<hbm>> -> memref<16384xf32, #tpu.memory_space<hbm>>
        %dma_wait3A_783 = tpu.memref_slice %arg4[%mul3A_773] : memref<209715200xf32, #tpu.memory_space<hbm>> -> memref<16384xf32, #tpu.memory_space<hbm>>
        %dma_wait3A_784 = arith.constant 16384 : i32
        %dma_wait3A_785 = tpu.memref_slice %arg8[%dma_wait3A_784] : memref<32768xf32, #tpu.memory_space<vmem>> -> memref<16384xf32, #tpu.memory_space<vmem>>
        tpu.wait_dma2 semaphore(%arg10 : memref<!tpu.dma_semaphore, #tpu.memory_space<semaphore_mem>>) src(%dma_wait3A_785 : memref<16384xf32, #tpu.memory_space<vmem>>) dst(%dma_wait3A_783 : memref<16384xf32, #tpu.memory_space<hbm>>)
      } else {
      }
      %parallel_loop3A_181 = arith.constant 0 : i32
      %parallel_loop3A_182 = arith.constant 128 : i32
      %parallel_loop3A_183 = arith.constant 1 : i32
      scf.for %parallel_loop3A_746 = %parallel_loop3A_181 to %parallel_loop3A_182 step %parallel_loop3A_183  : i32 {
        %parallel_loop3A_747 = arith.constant 8 : i32
        %parallel_loop3A_748 = arith.divsi %parallel_loop3A_746, %parallel_loop3A_747 : i32
        %parallel_loop3A_749 = arith.constant 0 : i32
        %parallel_loop3A_750 = arith.cmpi sgt, %parallel_loop3A_746, %parallel_loop3A_749 : i32
        %parallel_loop3A_751 = arith.extui %parallel_loop3A_750 : i1 to i32
        %parallel_loop3A_752 = arith.constant 0 : i32
        %parallel_loop3A_753 = arith.cmpi slt, %parallel_loop3A_746, %parallel_loop3A_752 : i32
        %parallel_loop3A_754 = arith.extui %parallel_loop3A_753 : i1 to i32
        %parallel_loop3A_755 = arith.subi %parallel_loop3A_751, %parallel_loop3A_754 : i32
        %parallel_loop3A_756 = arith.constant 0 : i32
        %parallel_loop3A_757 = arith.cmpi sgt, %parallel_loop3A_747, %parallel_loop3A_756 : i32
        %parallel_loop3A_758 = arith.extui %parallel_loop3A_757 : i1 to i32
        %parallel_loop3A_759 = arith.constant 0 : i32
        %parallel_loop3A_760 = arith.cmpi slt, %parallel_loop3A_747, %parallel_loop3A_759 : i32
        %parallel_loop3A_761 = arith.extui %parallel_loop3A_760 : i1 to i32
        %parallel_loop3A_762 = arith.subi %parallel_loop3A_758, %parallel_loop3A_761 : i32
        %parallel_loop3A_763 = arith.cmpi ne, %parallel_loop3A_755, %parallel_loop3A_762 : i32
        %parallel_loop3A_764 = arith.remsi %parallel_loop3A_746, %parallel_loop3A_747 : i32
        %parallel_loop3A_765 = arith.constant 0 : i32
        %parallel_loop3A_766 = arith.cmpi ne, %parallel_loop3A_764, %parallel_loop3A_765 : i32
        %parallel_loop3A_767 = arith.andi %parallel_loop3A_763, %parallel_loop3A_766 : i1
        %parallel_loop3A_768 = arith.constant 1 : i32
        %parallel_loop3A_769 = arith.subi %parallel_loop3A_748, %parallel_loop3A_768 : i32
        %parallel_loop3A_770 = arith.select %parallel_loop3A_767, %parallel_loop3A_769, %parallel_loop3A_748 : i32
        %parallel_loop3A_771 = arith.constant 1024 : i32
        %parallel_loop3A_772 = arith.muli %parallel_loop3A_770, %parallel_loop3A_771 : i32
        %parallel_loop3A_773 = arith.constant 8 : i32
        %parallel_loop3A_774 = arith.constant 0 : i32
        %parallel_loop3A_775 = arith.cmpi eq, %parallel_loop3A_773, %parallel_loop3A_774 : i32
        %parallel_loop3A_776 = arith.constant 1 : i32
        %parallel_loop3A_777 = arith.select %parallel_loop3A_775, %parallel_loop3A_776, %parallel_loop3A_773 : i32
        %parallel_loop3A_778 = arith.remsi %parallel_loop3A_746, %parallel_loop3A_777 : i32
        %parallel_loop3A_779 = arith.constant 0 : i32
        %parallel_loop3A_780 = arith.cmpi ne, %parallel_loop3A_778, %parallel_loop3A_779 : i32
        %parallel_loop3A_781 = arith.constant 0 : i32
        %parallel_loop3A_782 = arith.cmpi slt, %parallel_loop3A_778, %parallel_loop3A_781 : i32
        %parallel_loop3A_783 = arith.constant 0 : i32
        %parallel_loop3A_784 = arith.cmpi slt, %parallel_loop3A_777, %parallel_loop3A_783 : i32
        %parallel_loop3A_785 = arith.xori %parallel_loop3A_782, %parallel_loop3A_784 : i1
        %parallel_loop3A_786 = arith.andi %parallel_loop3A_785, %parallel_loop3A_780 : i1
        %parallel_loop3A_787 = arith.addi %parallel_loop3A_778, %parallel_loop3A_777 : i32
        %parallel_loop3A_788 = arith.select %parallel_loop3A_786, %parallel_loop3A_787, %parallel_loop3A_778 : i32
        %parallel_loop3A_789 = arith.constant 16 : i32
        %parallel_loop3A_790 = arith.muli %parallel_loop3A_788, %parallel_loop3A_789 : i32
        %parallel_loop3A_791 = arith.addi %parallel_loop3A_772, %parallel_loop3A_790 : i32
        %parallel_loop3A_792 = arith.constant 128 : i32
        %parallel_loop3A_793 = arith.addi %parallel_loop3A_791, %parallel_loop3A_792 : i32
        %parallel_loop3A_794 = arith.index_cast %parallel_loop3A_793 : i32 to index
        %parallel_loop3A_795 = tpu.vector_load %arg6[%parallel_loop3A_794] {strides = array<i32>} : memref<16384xi32, #tpu.memory_space<vmem>>, vector<16xi32>,
        %parallel_loop3A_796 = arith.constant 0 : i32
        %parallel_loop3A_797 = arith.addi %parallel_loop3A_791, %parallel_loop3A_796 : i32
        %parallel_loop3A_798 = arith.constant 0 : i32
        %parallel_loop3A_799 = arith.addi %parallel_loop3A_797, %parallel_loop3A_798 : i32
        %parallel_loop3A_800 = arith.constant 0 : i32
        %parallel_loop3A_801 = tpu.memref_slice %arg5[%parallel_loop3A_800] : memref<32768xf32, #tpu.memory_space<vmem>> -> memref<2048xf32, #tpu.memory_space<vmem>>
        %parallel_loop3A_802 = tpu.vector_load_idx %parallel_loop3A_801[%parallel_loop3A_795] : memref<2048xf32, #tpu.memory_space<vmem>>[vector<16xi32>], vector<16xf32>,
        %parallel_loop3A_803 = arith.index_cast %parallel_loop3A_799 : i32 to index
        %parallel_loop3A_804 = tpu.vector_load %arg8[%parallel_loop3A_803] {strides = array<i32>} : memref<32768xf32, #tpu.memory_space<vmem>>, vector<16xf32>,
        tpu.vector_store %arg8[%parallel_loop3A_803], %parallel_loop3A_802 {strides = array<i32>} : memref<32768xf32, #tpu.memory_space<vmem>>, vector<16xf32>,
        %parallel_loop3A_805 = arith.constant 0 : i32
        %parallel_loop3A_806 = arith.addi %parallel_loop3A_791, %parallel_loop3A_805 : i32
        %parallel_loop3A_807 = arith.constant 128 : i32
        %parallel_loop3A_808 = arith.addi %parallel_loop3A_806, %parallel_loop3A_807 : i32
        %parallel_loop3A_809 = arith.constant 2048 : i32
        %parallel_loop3A_810 = tpu.memref_slice %arg5[%parallel_loop3A_809] : memref<32768xf32, #tpu.memory_space<vmem>> -> memref<2048xf32, #tpu.memory_space<vmem>>
        %parallel_loop3A_811 = tpu.vector_load_idx %parallel_loop3A_810[%parallel_loop3A_795] : memref<2048xf32, #tpu.memory_space<vmem>>[vector<16xi32>], vector<16xf32>,
        %parallel_loop3A_812 = arith.index_cast %parallel_loop3A_808 : i32 to index
        %parallel_loop3A_813 = tpu.vector_load %arg8[%parallel_loop3A_812] {strides = array<i32>} : memref<32768xf32, #tpu.memory_space<vmem>>, vector<16xf32>,
        tpu.vector_store %arg8[%parallel_loop3A_812], %parallel_loop3A_811 {strides = array<i32>} : memref<32768xf32, #tpu.memory_space<vmem>>, vector<16xf32>,
        %parallel_loop3A_814 = arith.constant 0 : i32
        %parallel_loop3A_815 = arith.addi %parallel_loop3A_791, %parallel_loop3A_814 : i32
        %parallel_loop3A_816 = arith.constant 256 : i32
        %parallel_loop3A_817 = arith.addi %parallel_loop3A_815, %parallel_loop3A_816 : i32
        %parallel_loop3A_818 = arith.constant 4096 : i32
        %parallel_loop3A_819 = tpu.memref_slice %arg5[%parallel_loop3A_818] : memref<32768xf32, #tpu.memory_space<vmem>> -> memref<2048xf32, #tpu.memory_space<vmem>>
        %parallel_loop3A_820 = tpu.vector_load_idx %parallel_loop3A_819[%parallel_loop3A_795] : memref<2048xf32, #tpu.memory_space<vmem>>[vector<16xi32>], vector<16xf32>,
        %parallel_loop3A_821 = arith.index_cast %parallel_loop3A_817 : i32 to index
        %parallel_loop3A_822 = tpu.vector_load %arg8[%parallel_loop3A_821] {strides = array<i32>} : memref<32768xf32, #tpu.memory_space<vmem>>, vector<16xf32>,
        tpu.vector_store %arg8[%parallel_loop3A_821], %parallel_loop3A_820 {strides = array<i32>} : memref<32768xf32, #tpu.memory_space<vmem>>, vector<16xf32>,
        %parallel_loop3A_823 = arith.constant 0 : i32
        %parallel_loop3A_824 = arith.addi %parallel_loop3A_791, %parallel_loop3A_823 : i32
        %parallel_loop3A_825 = arith.constant 384 : i32
        %parallel_loop3A_826 = arith.addi %parallel_loop3A_824, %parallel_loop3A_825 : i32
        %parallel_loop3A_827 = arith.constant 6144 : i32
        %parallel_loop3A_828 = tpu.memref_slice %arg5[%parallel_loop3A_827] : memref<32768xf32, #tpu.memory_space<vmem>> -> memref<2048xf32, #tpu.memory_space<vmem>>
        %parallel_loop3A_829 = tpu.vector_load_idx %parallel_loop3A_828[%parallel_loop3A_795] : memref<2048xf32, #tpu.memory_space<vmem>>[vector<16xi32>], vector<16xf32>,
        %parallel_loop3A_830 = arith.index_cast %parallel_loop3A_826 : i32 to index
        %parallel_loop3A_831 = tpu.vector_load %arg8[%parallel_loop3A_830] {strides = array<i32>} : memref<32768xf32, #tpu.memory_space<vmem>>, vector<16xf32>,
        tpu.vector_store %arg8[%parallel_loop3A_830], %parallel_loop3A_829 {strides = array<i32>} : memref<32768xf32, #tpu.memory_space<vmem>>, vector<16xf32>,
        %parallel_loop3A_832 = arith.constant 0 : i32
        %parallel_loop3A_833 = arith.addi %parallel_loop3A_791, %parallel_loop3A_832 : i32
        %parallel_loop3A_834 = arith.constant 512 : i32
        %parallel_loop3A_835 = arith.addi %parallel_loop3A_833, %parallel_loop3A_834 : i32
        %parallel_loop3A_836 = arith.constant 8192 : i32
        %parallel_loop3A_837 = tpu.memref_slice %arg5[%parallel_loop3A_836] : memref<32768xf32, #tpu.memory_space<vmem>> -> memref<2048xf32, #tpu.memory_space<vmem>>
        %parallel_loop3A_838 = tpu.vector_load_idx %parallel_loop3A_837[%parallel_loop3A_795] : memref<2048xf32, #tpu.memory_space<vmem>>[vector<16xi32>], vector<16xf32>,
        %parallel_loop3A_839 = arith.index_cast %parallel_loop3A_835 : i32 to index
        %parallel_loop3A_840 = tpu.vector_load %arg8[%parallel_loop3A_839] {strides = array<i32>} : memref<32768xf32, #tpu.memory_space<vmem>>, vector<16xf32>,
        tpu.vector_store %arg8[%parallel_loop3A_839], %parallel_loop3A_838 {strides = array<i32>} : memref<32768xf32, #tpu.memory_space<vmem>>, vector<16xf32>,
        %parallel_loop3A_841 = arith.constant 0 : i32
        %parallel_loop3A_842 = arith.addi %parallel_loop3A_791, %parallel_loop3A_841 : i32
        %parallel_loop3A_843 = arith.constant 640 : i32
        %parallel_loop3A_844 = arith.addi %parallel_loop3A_842, %parallel_loop3A_843 : i32
        %parallel_loop3A_845 = arith.constant 10240 : i32
        %parallel_loop3A_846 = tpu.memref_slice %arg5[%parallel_loop3A_845] : memref<32768xf32, #tpu.memory_space<vmem>> -> memref<2048xf32, #tpu.memory_space<vmem>>
        %parallel_loop3A_847 = tpu.vector_load_idx %parallel_loop3A_846[%parallel_loop3A_795] : memref<2048xf32, #tpu.memory_space<vmem>>[vector<16xi32>], vector<16xf32>,
        %parallel_loop3A_848 = arith.index_cast %parallel_loop3A_844 : i32 to index
        %parallel_loop3A_849 = tpu.vector_load %arg8[%parallel_loop3A_848] {strides = array<i32>} : memref<32768xf32, #tpu.memory_space<vmem>>, vector<16xf32>,
        tpu.vector_store %arg8[%parallel_loop3A_848], %parallel_loop3A_847 {strides = array<i32>} : memref<32768xf32, #tpu.memory_space<vmem>>, vector<16xf32>,
        %parallel_loop3A_850 = arith.constant 0 : i32
        %parallel_loop3A_851 = arith.addi %parallel_loop3A_791, %parallel_loop3A_850 : i32
        %parallel_loop3A_852 = arith.constant 768 : i32
        %parallel_loop3A_853 = arith.addi %parallel_loop3A_851, %parallel_loop3A_852 : i32
        %parallel_loop3A_854 = arith.constant 12288 : i32
        %parallel_loop3A_855 = tpu.memref_slice %arg5[%parallel_loop3A_854] : memref<32768xf32, #tpu.memory_space<vmem>> -> memref<2048xf32, #tpu.memory_space<vmem>>
        %parallel_loop3A_856 = tpu.vector_load_idx %parallel_loop3A_855[%parallel_loop3A_795] : memref<2048xf32, #tpu.memory_space<vmem>>[vector<16xi32>], vector<16xf32>,
        %parallel_loop3A_857 = arith.index_cast %parallel_loop3A_853 : i32 to index
        %parallel_loop3A_858 = tpu.vector_load %arg8[%parallel_loop3A_857] {strides = array<i32>} : memref<32768xf32, #tpu.memory_space<vmem>>, vector<16xf32>,
        tpu.vector_store %arg8[%parallel_loop3A_857], %parallel_loop3A_856 {strides = array<i32>} : memref<32768xf32, #tpu.memory_space<vmem>>, vector<16xf32>,
        %parallel_loop3A_859 = arith.constant 0 : i32
        %parallel_loop3A_860 = arith.addi %parallel_loop3A_791, %parallel_loop3A_859 : i32
        %parallel_loop3A_861 = arith.constant 896 : i32
        %parallel_loop3A_862 = arith.addi %parallel_loop3A_860, %parallel_loop3A_861 : i32
        %parallel_loop3A_863 = arith.constant 14336 : i32
        %parallel_loop3A_864 = tpu.memref_slice %arg5[%parallel_loop3A_863] : memref<32768xf32, #tpu.memory_space<vmem>> -> memref<2048xf32, #tpu.memory_space<vmem>>
        %parallel_loop3A_865 = tpu.vector_load_idx %parallel_loop3A_864[%parallel_loop3A_795] : memref<2048xf32, #tpu.memory_space<vmem>>[vector<16xi32>], vector<16xf32>,
        %parallel_loop3A_866 = arith.index_cast %parallel_loop3A_862 : i32 to index
        %parallel_loop3A_867 = tpu.vector_load %arg8[%parallel_loop3A_866] {strides = array<i32>} : memref<32768xf32, #tpu.memory_space<vmem>>, vector<16xf32>,
        tpu.vector_store %arg8[%parallel_loop3A_866], %parallel_loop3A_865 {strides = array<i32>} : memref<32768xf32, #tpu.memory_space<vmem>>, vector<16xf32>,
        %parallel_loop3A_868 = arith.constant 16384 : i32
        %parallel_loop3A_869 = arith.addi %parallel_loop3A_791, %parallel_loop3A_868 : i32
        %parallel_loop3A_870 = arith.constant 0 : i32
        %parallel_loop3A_871 = arith.addi %parallel_loop3A_869, %parallel_loop3A_870 : i32
        %parallel_loop3A_872 = arith.constant 16384 : i32
        %parallel_loop3A_873 = tpu.memref_slice %arg5[%parallel_loop3A_872] : memref<32768xf32, #tpu.memory_space<vmem>> -> memref<2048xf32, #tpu.memory_space<vmem>>
        %parallel_loop3A_874 = tpu.vector_load_idx %parallel_loop3A_873[%parallel_loop3A_795] : memref<2048xf32, #tpu.memory_space<vmem>>[vector<16xi32>], vector<16xf32>,
        %parallel_loop3A_875 = arith.index_cast %parallel_loop3A_871 : i32 to index
        %parallel_loop3A_876 = tpu.vector_load %arg8[%parallel_loop3A_875] {strides = array<i32>} : memref<32768xf32, #tpu.memory_space<vmem>>, vector<16xf32>,
        tpu.vector_store %arg8[%parallel_loop3A_875], %parallel_loop3A_874 {strides = array<i32>} : memref<32768xf32, #tpu.memory_space<vmem>>, vector<16xf32>,
        %parallel_loop3A_877 = arith.constant 16384 : i32
        %parallel_loop3A_878 = arith.addi %parallel_loop3A_791, %parallel_loop3A_877 : i32
        %parallel_loop3A_879 = arith.constant 128 : i32
        %parallel_loop3A_880 = arith.addi %parallel_loop3A_878, %parallel_loop3A_879 : i32
        %parallel_loop3A_881 = arith.constant 18432 : i32
        %parallel_loop3A_882 = tpu.memref_slice %arg5[%parallel_loop3A_881] : memref<32768xf32, #tpu.memory_space<vmem>> -> memref<2048xf32, #tpu.memory_space<vmem>>
        %parallel_loop3A_883 = tpu.vector_load_idx %parallel_loop3A_882[%parallel_loop3A_795] : memref<2048xf32, #tpu.memory_space<vmem>>[vector<16xi32>], vector<16xf32>,
        %parallel_loop3A_884 = arith.index_cast %parallel_loop3A_880 : i32 to index
        %parallel_loop3A_885 = tpu.vector_load %arg8[%parallel_loop3A_884] {strides = array<i32>} : memref<32768xf32, #tpu.memory_space<vmem>>, vector<16xf32>,
        tpu.vector_store %arg8[%parallel_loop3A_884], %parallel_loop3A_883 {strides = array<i32>} : memref<32768xf32, #tpu.memory_space<vmem>>, vector<16xf32>,
        %parallel_loop3A_886 = arith.constant 16384 : i32
        %parallel_loop3A_887 = arith.addi %parallel_loop3A_791, %parallel_loop3A_886 : i32
        %parallel_loop3A_888 = arith.constant 256 : i32
        %parallel_loop3A_889 = arith.addi %parallel_loop3A_887, %parallel_loop3A_888 : i32
        %parallel_loop3A_890 = arith.constant 20480 : i32
        %parallel_loop3A_891 = tpu.memref_slice %arg5[%parallel_loop3A_890] : memref<32768xf32, #tpu.memory_space<vmem>> -> memref<2048xf32, #tpu.memory_space<vmem>>
        %parallel_loop3A_892 = tpu.vector_load_idx %parallel_loop3A_891[%parallel_loop3A_795] : memref<2048xf32, #tpu.memory_space<vmem>>[vector<16xi32>], vector<16xf32>,
        %parallel_loop3A_893 = arith.index_cast %parallel_loop3A_889 : i32 to index
        %parallel_loop3A_894 = tpu.vector_load %arg8[%parallel_loop3A_893] {strides = array<i32>} : memref<32768xf32, #tpu.memory_space<vmem>>, vector<16xf32>,
        tpu.vector_store %arg8[%parallel_loop3A_893], %parallel_loop3A_892 {strides = array<i32>} : memref<32768xf32, #tpu.memory_space<vmem>>, vector<16xf32>,
        %parallel_loop3A_895 = arith.constant 16384 : i32
        %parallel_loop3A_896 = arith.addi %parallel_loop3A_791, %parallel_loop3A_895 : i32
        %parallel_loop3A_897 = arith.constant 384 : i32
        %parallel_loop3A_898 = arith.addi %parallel_loop3A_896, %parallel_loop3A_897 : i32
        %parallel_loop3A_899 = arith.constant 22528 : i32
        %parallel_loop3A_900 = tpu.memref_slice %arg5[%parallel_loop3A_899] : memref<32768xf32, #tpu.memory_space<vmem>> -> memref<2048xf32, #tpu.memory_space<vmem>>
        %parallel_loop3A_901 = tpu.vector_load_idx %parallel_loop3A_900[%parallel_loop3A_795] : memref<2048xf32, #tpu.memory_space<vmem>>[vector<16xi32>], vector<16xf32>,
        %parallel_loop3A_902 = arith.index_cast %parallel_loop3A_898 : i32 to index
        %parallel_loop3A_903 = tpu.vector_load %arg8[%parallel_loop3A_902] {strides = array<i32>} : memref<32768xf32, #tpu.memory_space<vmem>>, vector<16xf32>,
        tpu.vector_store %arg8[%parallel_loop3A_902], %parallel_loop3A_901 {strides = array<i32>} : memref<32768xf32, #tpu.memory_space<vmem>>, vector<16xf32>,
        %parallel_loop3A_904 = arith.constant 16384 : i32
        %parallel_loop3A_905 = arith.addi %parallel_loop3A_791, %parallel_loop3A_904 : i32
        %parallel_loop3A_906 = arith.constant 512 : i32
        %parallel_loop3A_907 = arith.addi %parallel_loop3A_905, %parallel_loop3A_906 : i32
        %parallel_loop3A_908 = arith.constant 24576 : i32
        %parallel_loop3A_909 = tpu.memref_slice %arg5[%parallel_loop3A_908] : memref<32768xf32, #tpu.memory_space<vmem>> -> memref<2048xf32, #tpu.memory_space<vmem>>
        %parallel_loop3A_910 = tpu.vector_load_idx %parallel_loop3A_909[%parallel_loop3A_795] : memref<2048xf32, #tpu.memory_space<vmem>>[vector<16xi32>], vector<16xf32>,
        %parallel_loop3A_911 = arith.index_cast %parallel_loop3A_907 : i32 to index
        %parallel_loop3A_912 = tpu.vector_load %arg8[%parallel_loop3A_911] {strides = array<i32>} : memref<32768xf32, #tpu.memory_space<vmem>>, vector<16xf32>,
        tpu.vector_store %arg8[%parallel_loop3A_911], %parallel_loop3A_910 {strides = array<i32>} : memref<32768xf32, #tpu.memory_space<vmem>>, vector<16xf32>,
        %parallel_loop3A_913 = arith.constant 16384 : i32
        %parallel_loop3A_914 = arith.addi %parallel_loop3A_791, %parallel_loop3A_913 : i32
        %parallel_loop3A_915 = arith.constant 640 : i32
        %parallel_loop3A_916 = arith.addi %parallel_loop3A_914, %parallel_loop3A_915 : i32
        %parallel_loop3A_917 = arith.constant 26624 : i32
        %parallel_loop3A_918 = tpu.memref_slice %arg5[%parallel_loop3A_917] : memref<32768xf32, #tpu.memory_space<vmem>> -> memref<2048xf32, #tpu.memory_space<vmem>>
        %parallel_loop3A_919 = tpu.vector_load_idx %parallel_loop3A_918[%parallel_loop3A_795] : memref<2048xf32, #tpu.memory_space<vmem>>[vector<16xi32>], vector<16xf32>,
        %parallel_loop3A_920 = arith.index_cast %parallel_loop3A_916 : i32 to index
        %parallel_loop3A_921 = tpu.vector_load %arg8[%parallel_loop3A_920] {strides = array<i32>} : memref<32768xf32, #tpu.memory_space<vmem>>, vector<16xf32>,
        tpu.vector_store %arg8[%parallel_loop3A_920], %parallel_loop3A_919 {strides = array<i32>} : memref<32768xf32, #tpu.memory_space<vmem>>, vector<16xf32>,
        %parallel_loop3A_922 = arith.constant 16384 : i32
        %parallel_loop3A_923 = arith.addi %parallel_loop3A_791, %parallel_loop3A_922 : i32
        %parallel_loop3A_924 = arith.constant 768 : i32
        %parallel_loop3A_925 = arith.addi %parallel_loop3A_923, %parallel_loop3A_924 : i32
        %parallel_loop3A_926 = arith.constant 28672 : i32
        %parallel_loop3A_927 = tpu.memref_slice %arg5[%parallel_loop3A_926] : memref<32768xf32, #tpu.memory_space<vmem>> -> memref<2048xf32, #tpu.memory_space<vmem>>
        %parallel_loop3A_928 = tpu.vector_load_idx %parallel_loop3A_927[%parallel_loop3A_795] : memref<2048xf32, #tpu.memory_space<vmem>>[vector<16xi32>], vector<16xf32>,
        %parallel_loop3A_929 = arith.index_cast %parallel_loop3A_925 : i32 to index
        %parallel_loop3A_930 = tpu.vector_load %arg8[%parallel_loop3A_929] {strides = array<i32>} : memref<32768xf32, #tpu.memory_space<vmem>>, vector<16xf32>,
        tpu.vector_store %arg8[%parallel_loop3A_929], %parallel_loop3A_928 {strides = array<i32>} : memref<32768xf32, #tpu.memory_space<vmem>>, vector<16xf32>,
        %parallel_loop3A_931 = arith.constant 16384 : i32
        %parallel_loop3A_932 = arith.addi %parallel_loop3A_791, %parallel_loop3A_931 : i32
        %parallel_loop3A_933 = arith.constant 896 : i32
        %parallel_loop3A_934 = arith.addi %parallel_loop3A_932, %parallel_loop3A_933 : i32
        %parallel_loop3A_935 = arith.constant 30720 : i32
        %parallel_loop3A_936 = tpu.memref_slice %arg5[%parallel_loop3A_935] : memref<32768xf32, #tpu.memory_space<vmem>> -> memref<2048xf32, #tpu.memory_space<vmem>>
        %parallel_loop3A_937 = tpu.vector_load_idx %parallel_loop3A_936[%parallel_loop3A_795] : memref<2048xf32, #tpu.memory_space<vmem>>[vector<16xi32>], vector<16xf32>,
        %parallel_loop3A_938 = arith.index_cast %parallel_loop3A_934 : i32 to index
        %parallel_loop3A_939 = tpu.vector_load %arg8[%parallel_loop3A_938] {strides = array<i32>} : memref<32768xf32, #tpu.memory_space<vmem>>, vector<16xf32>,
        tpu.vector_store %arg8[%parallel_loop3A_938], %parallel_loop3A_937 {strides = array<i32>} : memref<32768xf32, #tpu.memory_space<vmem>>, vector<16xf32>,
      } {sc.loop_unroll_factor = 8 : i64, sc.parallel_access}
      %mul3A_184 = arith.constant 8 : i32
      %mul3A_185 = arith.muli %add3A_175, %mul3A_184 : i32
      %mul3A_186 = arith.constant 2 : i32
      %mul3A_187 = arith.muli %mul3A_186, %select_n3A_9 : i32
      %add3A_188 = arith.addi %mul3A_185, %mul3A_187 : i32
      %add3A_189 = arith.constant 0 : i32
      %add3A_190 = arith.addi %add3A_188, %add3A_189 : i32
      %mul3A_191 = arith.constant 128 : i32
      %mul3A_192 = arith.muli %add3A_190, %mul3A_191 : i32
      %mul3A_193 = arith.constant 16 : i32
      %mul3A_194 = arith.muli %mul3A_193, %select_n3A_30 : i32
      %add3A_195 = arith.addi %mul3A_192, %mul3A_194 : i32
      %mul3A_196 = arith.constant 1024 : i32
      %mul3A_197 = arith.muli %add3A_195, %mul3A_196 : i32
      %mul3A_198 = arith.constant 8 : i32
      %mul3A_199 = arith.muli %add3A_175, %mul3A_198 : i32
      %mul3A_200 = arith.constant 2 : i32
      %mul3A_201 = arith.muli %mul3A_200, %select_n3A_9 : i32
      %add3A_202 = arith.addi %mul3A_199, %mul3A_201 : i32
      %add3A_203 = arith.constant 1 : i32
      %add3A_204 = arith.addi %add3A_202, %add3A_203 : i32
      %mul3A_205 = arith.constant 128 : i32
      %mul3A_206 = arith.muli %add3A_204, %mul3A_205 : i32
      %mul3A_207 = arith.constant 16 : i32
      %mul3A_208 = arith.muli %mul3A_207, %select_n3A_30 : i32
      %add3A_209 = arith.addi %mul3A_206, %mul3A_208 : i32
      %mul3A_210 = arith.constant 1024 : i32
      %mul3A_211 = arith.muli %add3A_209, %mul3A_210 : i32
      %dma_start3A_212 = arith.constant 0 : i32
      %dma_start3A_213 = tpu.memref_slice %arg8[%dma_start3A_212] : memref<32768xf32, #tpu.memory_space<vmem>> -> memref<16384xf32, #tpu.memory_space<vmem>>
      %dma_start3A_214 = tpu.memref_slice %arg4[%mul3A_197] : memref<209715200xf32, #tpu.memory_space<hbm>> -> memref<16384xf32, #tpu.memory_space<hbm>>
      %dma_start3A_215 = tpu.memref_slice %arg4[%mul3A_197] : memref<209715200xf32, #tpu.memory_space<hbm>> -> memref<16384xf32, #tpu.memory_space<hbm>>
      %dma_start3A_216 = arith.constant 0 : i32
      %dma_start3A_217 = tpu.memref_slice %arg8[%dma_start3A_216] : memref<32768xf32, #tpu.memory_space<vmem>> -> memref<16384xf32, #tpu.memory_space<vmem>>
      tpu.enqueue_dma source(%dma_start3A_217 : memref<16384xf32, #tpu.memory_space<vmem>>) target(%dma_start3A_215 : memref<16384xf32, #tpu.memory_space<hbm>>) target_semaphore(%arg10 : memref<!tpu.dma_semaphore, #tpu.memory_space<semaphore_mem>>)
      %dma_start3A_218 = arith.constant 16384 : i32
      %dma_start3A_219 = tpu.memref_slice %arg8[%dma_start3A_218] : memref<32768xf32, #tpu.memory_space<vmem>> -> memref<16384xf32, #tpu.memory_space<vmem>>
      %dma_start3A_220 = tpu.memref_slice %arg4[%mul3A_211] : memref<209715200xf32, #tpu.memory_space<hbm>> -> memref<16384xf32, #tpu.memory_space<hbm>>
      %dma_start3A_221 = tpu.memref_slice %arg4[%mul3A_211] : memref<209715200xf32, #tpu.memory_space<hbm>> -> memref<16384xf32, #tpu.memory_space<hbm>>
      %dma_start3A_222 = arith.constant 16384 : i32
      %dma_start3A_223 = tpu.memref_slice %arg8[%dma_start3A_222] : memref<32768xf32, #tpu.memory_space<vmem>> -> memref<16384xf32, #tpu.memory_space<vmem>>
      tpu.enqueue_dma source(%dma_start3A_223 : memref<16384xf32, #tpu.memory_space<vmem>>) target(%dma_start3A_221 : memref<16384xf32, #tpu.memory_space<hbm>>) target_semaphore(%arg10 : memref<!tpu.dma_semaphore, #tpu.memory_space<semaphore_mem>>)
      %mul3A_224 = arith.constant 8 : i32
      %mul3A_225 = arith.muli %scan3A_117, %mul3A_224 : i32
      %add3A_226 = arith.constant 2 : i32
      %add3A_227 = arith.addi %mul3A_225, %add3A_226 : i32
      %mul3A_228 = arith.constant 8 : i32
      %mul3A_229 = arith.muli %add3A_227, %mul3A_228 : i32
      %mul3A_230 = arith.constant 2 : i32
      %mul3A_231 = arith.muli %mul3A_230, %select_n3A_9 : i32
      %add3A_232 = arith.addi %mul3A_229, %mul3A_231 : i32
      %add3A_233 = arith.constant 0 : i32
      %add3A_234 = arith.addi %add3A_232, %add3A_233 : i32
      %mul3A_235 = arith.constant 128 : i32
      %mul3A_236 = arith.muli %add3A_234, %mul3A_235 : i32
      %mul3A_237 = arith.constant 16 : i32
      %mul3A_238 = arith.muli %mul3A_237, %select_n3A_30 : i32
      %add3A_239 = arith.addi %mul3A_236, %mul3A_238 : i32
      %mul3A_240 = arith.constant 1024 : i32
      %mul3A_241 = arith.muli %add3A_239, %mul3A_240 : i32
      %mul3A_242 = arith.constant 8 : i32
      %mul3A_243 = arith.muli %add3A_227, %mul3A_242 : i32
      %mul3A_244 = arith.constant 2 : i32
      %mul3A_245 = arith.muli %mul3A_244, %select_n3A_9 : i32
      %add3A_246 = arith.addi %mul3A_243, %mul3A_245 : i32
      %add3A_247 = arith.constant 1 : i32
      %add3A_248 = arith.addi %add3A_246, %add3A_247 : i32
      %mul3A_249 = arith.constant 128 : i32
      %mul3A_250 = arith.muli %add3A_248, %mul3A_249 : i32
      %mul3A_251 = arith.constant 16 : i32
      %mul3A_252 = arith.muli %mul3A_251, %select_n3A_30 : i32
      %add3A_253 = arith.addi %mul3A_250, %mul3A_252 : i32
      %mul3A_254 = arith.constant 1024 : i32
      %mul3A_255 = arith.muli %add3A_253, %mul3A_254 : i32
      %dma_wait3A_256 = arith.constant 0 : i32
      %dma_wait3A_257 = tpu.memref_slice %arg7[%dma_wait3A_256] : memref<32768xf32, #tpu.memory_space<vmem>> -> memref<16384xf32, #tpu.memory_space<vmem>>
      %dma_wait3A_258 = tpu.memref_slice %arg4[%mul3A_241] : memref<209715200xf32, #tpu.memory_space<hbm>> -> memref<16384xf32, #tpu.memory_space<hbm>>
      %dma_wait3A_259 = tpu.memref_slice %arg4[%mul3A_241] : memref<209715200xf32, #tpu.memory_space<hbm>> -> memref<16384xf32, #tpu.memory_space<hbm>>
      %dma_wait3A_260 = arith.constant 0 : i32
      %dma_wait3A_261 = tpu.memref_slice %arg7[%dma_wait3A_260] : memref<32768xf32, #tpu.memory_space<vmem>> -> memref<16384xf32, #tpu.memory_space<vmem>>
      tpu.wait_dma2 semaphore(%arg9 : memref<!tpu.dma_semaphore, #tpu.memory_space<semaphore_mem>>) src(%dma_wait3A_261 : memref<16384xf32, #tpu.memory_space<vmem>>) dst(%dma_wait3A_259 : memref<16384xf32, #tpu.memory_space<hbm>>)
      %dma_wait3A_262 = arith.constant 16384 : i32
      %dma_wait3A_263 = tpu.memref_slice %arg7[%dma_wait3A_262] : memref<32768xf32, #tpu.memory_space<vmem>> -> memref<16384xf32, #tpu.memory_space<vmem>>
      %dma_wait3A_264 = tpu.memref_slice %arg4[%mul3A_255] : memref<209715200xf32, #tpu.memory_space<hbm>> -> memref<16384xf32, #tpu.memory_space<hbm>>
      %dma_wait3A_265 = tpu.memref_slice %arg4[%mul3A_255] : memref<209715200xf32, #tpu.memory_space<hbm>> -> memref<16384xf32, #tpu.memory_space<hbm>>
      %dma_wait3A_266 = arith.constant 16384 : i32
      %dma_wait3A_267 = tpu.memref_slice %arg7[%dma_wait3A_266] : memref<32768xf32, #tpu.memory_space<vmem>> -> memref<16384xf32, #tpu.memory_space<vmem>>
      tpu.wait_dma2 semaphore(%arg9 : memref<!tpu.dma_semaphore, #tpu.memory_space<semaphore_mem>>) src(%dma_wait3A_267 : memref<16384xf32, #tpu.memory_space<vmem>>) dst(%dma_wait3A_265 : memref<16384xf32, #tpu.memory_space<hbm>>)
      %parallel_loop3A_268 = arith.constant 0 : i32
      %parallel_loop3A_269 = arith.constant 128 : i32
      %parallel_loop3A_270 = arith.constant 1 : i32
      scf.for %parallel_loop3A_746 = %parallel_loop3A_268 to %parallel_loop3A_269 step %parallel_loop3A_270  : i32 {
        %parallel_loop3A_747 = arith.constant 8 : i32
        %parallel_loop3A_748 = arith.divsi %parallel_loop3A_746, %parallel_loop3A_747 : i32
        %parallel_loop3A_749 = arith.constant 0 : i32
        %parallel_loop3A_750 = arith.cmpi sgt, %parallel_loop3A_746, %parallel_loop3A_749 : i32
        %parallel_loop3A_751 = arith.extui %parallel_loop3A_750 : i1 to i32
        %parallel_loop3A_752 = arith.constant 0 : i32
        %parallel_loop3A_753 = arith.cmpi slt, %parallel_loop3A_746, %parallel_loop3A_752 : i32
        %parallel_loop3A_754 = arith.extui %parallel_loop3A_753 : i1 to i32
        %parallel_loop3A_755 = arith.subi %parallel_loop3A_751, %parallel_loop3A_754 : i32
        %parallel_loop3A_756 = arith.constant 0 : i32
        %parallel_loop3A_757 = arith.cmpi sgt, %parallel_loop3A_747, %parallel_loop3A_756 : i32
        %parallel_loop3A_758 = arith.extui %parallel_loop3A_757 : i1 to i32
        %parallel_loop3A_759 = arith.constant 0 : i32
        %parallel_loop3A_760 = arith.cmpi slt, %parallel_loop3A_747, %parallel_loop3A_759 : i32
        %parallel_loop3A_761 = arith.extui %parallel_loop3A_760 : i1 to i32
        %parallel_loop3A_762 = arith.subi %parallel_loop3A_758, %parallel_loop3A_761 : i32
        %parallel_loop3A_763 = arith.cmpi ne, %parallel_loop3A_755, %parallel_loop3A_762 : i32
        %parallel_loop3A_764 = arith.remsi %parallel_loop3A_746, %parallel_loop3A_747 : i32
        %parallel_loop3A_765 = arith.constant 0 : i32
        %parallel_loop3A_766 = arith.cmpi ne, %parallel_loop3A_764, %parallel_loop3A_765 : i32
        %parallel_loop3A_767 = arith.andi %parallel_loop3A_763, %parallel_loop3A_766 : i1
        %parallel_loop3A_768 = arith.constant 1 : i32
        %parallel_loop3A_769 = arith.subi %parallel_loop3A_748, %parallel_loop3A_768 : i32
        %parallel_loop3A_770 = arith.select %parallel_loop3A_767, %parallel_loop3A_769, %parallel_loop3A_748 : i32
        %parallel_loop3A_771 = arith.constant 1024 : i32
        %parallel_loop3A_772 = arith.muli %parallel_loop3A_770, %parallel_loop3A_771 : i32
        %parallel_loop3A_773 = arith.constant 8 : i32
        %parallel_loop3A_774 = arith.constant 0 : i32
        %parallel_loop3A_775 = arith.cmpi eq, %parallel_loop3A_773, %parallel_loop3A_774 : i32
        %parallel_loop3A_776 = arith.constant 1 : i32
        %parallel_loop3A_777 = arith.select %parallel_loop3A_775, %parallel_loop3A_776, %parallel_loop3A_773 : i32
        %parallel_loop3A_778 = arith.remsi %parallel_loop3A_746, %parallel_loop3A_777 : i32
        %parallel_loop3A_779 = arith.constant 0 : i32
        %parallel_loop3A_780 = arith.cmpi ne, %parallel_loop3A_778, %parallel_loop3A_779 : i32
        %parallel_loop3A_781 = arith.constant 0 : i32
        %parallel_loop3A_782 = arith.cmpi slt, %parallel_loop3A_778, %parallel_loop3A_781 : i32
        %parallel_loop3A_783 = arith.constant 0 : i32
        %parallel_loop3A_784 = arith.cmpi slt, %parallel_loop3A_777, %parallel_loop3A_783 : i32
        %parallel_loop3A_785 = arith.xori %parallel_loop3A_782, %parallel_loop3A_784 : i1
        %parallel_loop3A_786 = arith.andi %parallel_loop3A_785, %parallel_loop3A_780 : i1
        %parallel_loop3A_787 = arith.addi %parallel_loop3A_778, %parallel_loop3A_777 : i32
        %parallel_loop3A_788 = arith.select %parallel_loop3A_786, %parallel_loop3A_787, %parallel_loop3A_778 : i32
        %parallel_loop3A_789 = arith.constant 16 : i32
        %parallel_loop3A_790 = arith.muli %parallel_loop3A_788, %parallel_loop3A_789 : i32
        %parallel_loop3A_791 = arith.addi %parallel_loop3A_772, %parallel_loop3A_790 : i32
        %parallel_loop3A_792 = arith.constant 256 : i32
        %parallel_loop3A_793 = arith.addi %parallel_loop3A_791, %parallel_loop3A_792 : i32
        %parallel_loop3A_794 = arith.index_cast %parallel_loop3A_793 : i32 to index
        %parallel_loop3A_795 = tpu.vector_load %arg6[%parallel_loop3A_794] {strides = array<i32>} : memref<16384xi32, #tpu.memory_space<vmem>>, vector<16xi32>,
        %parallel_loop3A_796 = arith.constant 0 : i32
        %parallel_loop3A_797 = arith.addi %parallel_loop3A_791, %parallel_loop3A_796 : i32
        %parallel_loop3A_798 = arith.constant 0 : i32
        %parallel_loop3A_799 = arith.addi %parallel_loop3A_797, %parallel_loop3A_798 : i32
        %parallel_loop3A_800 = arith.constant 0 : i32
        %parallel_loop3A_801 = tpu.memref_slice %arg5[%parallel_loop3A_800] : memref<32768xf32, #tpu.memory_space<vmem>> -> memref<2048xf32, #tpu.memory_space<vmem>>
        %parallel_loop3A_802 = tpu.vector_load_idx %parallel_loop3A_801[%parallel_loop3A_795] : memref<2048xf32, #tpu.memory_space<vmem>>[vector<16xi32>], vector<16xf32>,
        %parallel_loop3A_803 = arith.index_cast %parallel_loop3A_799 : i32 to index
        %parallel_loop3A_804 = tpu.vector_load %arg7[%parallel_loop3A_803] {strides = array<i32>} : memref<32768xf32, #tpu.memory_space<vmem>>, vector<16xf32>,
        tpu.vector_store %arg7[%parallel_loop3A_803], %parallel_loop3A_802 {strides = array<i32>} : memref<32768xf32, #tpu.memory_space<vmem>>, vector<16xf32>,
        %parallel_loop3A_805 = arith.constant 0 : i32
        %parallel_loop3A_806 = arith.addi %parallel_loop3A_791, %parallel_loop3A_805 : i32
        %parallel_loop3A_807 = arith.constant 128 : i32
        %parallel_loop3A_808 = arith.addi %parallel_loop3A_806, %parallel_loop3A_807 : i32
        %parallel_loop3A_809 = arith.constant 2048 : i32
        %parallel_loop3A_810 = tpu.memref_slice %arg5[%parallel_loop3A_809] : memref<32768xf32, #tpu.memory_space<vmem>> -> memref<2048xf32, #tpu.memory_space<vmem>>
        %parallel_loop3A_811 = tpu.vector_load_idx %parallel_loop3A_810[%parallel_loop3A_795] : memref<2048xf32, #tpu.memory_space<vmem>>[vector<16xi32>], vector<16xf32>,
        %parallel_loop3A_812 = arith.index_cast %parallel_loop3A_808 : i32 to index
        %parallel_loop3A_813 = tpu.vector_load %arg7[%parallel_loop3A_812] {strides = array<i32>} : memref<32768xf32, #tpu.memory_space<vmem>>, vector<16xf32>,
        tpu.vector_store %arg7[%parallel_loop3A_812], %parallel_loop3A_811 {strides = array<i32>} : memref<32768xf32, #tpu.memory_space<vmem>>, vector<16xf32>,
        %parallel_loop3A_814 = arith.constant 0 : i32
        %parallel_loop3A_815 = arith.addi %parallel_loop3A_791, %parallel_loop3A_814 : i32
        %parallel_loop3A_816 = arith.constant 256 : i32
        %parallel_loop3A_817 = arith.addi %parallel_loop3A_815, %parallel_loop3A_816 : i32
        %parallel_loop3A_818 = arith.constant 4096 : i32
        %parallel_loop3A_819 = tpu.memref_slice %arg5[%parallel_loop3A_818] : memref<32768xf32, #tpu.memory_space<vmem>> -> memref<2048xf32, #tpu.memory_space<vmem>>
        %parallel_loop3A_820 = tpu.vector_load_idx %parallel_loop3A_819[%parallel_loop3A_795] : memref<2048xf32, #tpu.memory_space<vmem>>[vector<16xi32>], vector<16xf32>,
        %parallel_loop3A_821 = arith.index_cast %parallel_loop3A_817 : i32 to index
        %parallel_loop3A_822 = tpu.vector_load %arg7[%parallel_loop3A_821] {strides = array<i32>} : memref<32768xf32, #tpu.memory_space<vmem>>, vector<16xf32>,
        tpu.vector_store %arg7[%parallel_loop3A_821], %parallel_loop3A_820 {strides = array<i32>} : memref<32768xf32, #tpu.memory_space<vmem>>, vector<16xf32>,
        %parallel_loop3A_823 = arith.constant 0 : i32
        %parallel_loop3A_824 = arith.addi %parallel_loop3A_791, %parallel_loop3A_823 : i32
        %parallel_loop3A_825 = arith.constant 384 : i32
        %parallel_loop3A_826 = arith.addi %parallel_loop3A_824, %parallel_loop3A_825 : i32
        %parallel_loop3A_827 = arith.constant 6144 : i32
        %parallel_loop3A_828 = tpu.memref_slice %arg5[%parallel_loop3A_827] : memref<32768xf32, #tpu.memory_space<vmem>> -> memref<2048xf32, #tpu.memory_space<vmem>>
        %parallel_loop3A_829 = tpu.vector_load_idx %parallel_loop3A_828[%parallel_loop3A_795] : memref<2048xf32, #tpu.memory_space<vmem>>[vector<16xi32>], vector<16xf32>,
        %parallel_loop3A_830 = arith.index_cast %parallel_loop3A_826 : i32 to index
        %parallel_loop3A_831 = tpu.vector_load %arg7[%parallel_loop3A_830] {strides = array<i32>} : memref<32768xf32, #tpu.memory_space<vmem>>, vector<16xf32>,
        tpu.vector_store %arg7[%parallel_loop3A_830], %parallel_loop3A_829 {strides = array<i32>} : memref<32768xf32, #tpu.memory_space<vmem>>, vector<16xf32>,
        %parallel_loop3A_832 = arith.constant 0 : i32
        %parallel_loop3A_833 = arith.addi %parallel_loop3A_791, %parallel_loop3A_832 : i32
        %parallel_loop3A_834 = arith.constant 512 : i32
        %parallel_loop3A_835 = arith.addi %parallel_loop3A_833, %parallel_loop3A_834 : i32
        %parallel_loop3A_836 = arith.constant 8192 : i32
        %parallel_loop3A_837 = tpu.memref_slice %arg5[%parallel_loop3A_836] : memref<32768xf32, #tpu.memory_space<vmem>> -> memref<2048xf32, #tpu.memory_space<vmem>>
        %parallel_loop3A_838 = tpu.vector_load_idx %parallel_loop3A_837[%parallel_loop3A_795] : memref<2048xf32, #tpu.memory_space<vmem>>[vector<16xi32>], vector<16xf32>,
        %parallel_loop3A_839 = arith.index_cast %parallel_loop3A_835 : i32 to index
        %parallel_loop3A_840 = tpu.vector_load %arg7[%parallel_loop3A_839] {strides = array<i32>} : memref<32768xf32, #tpu.memory_space<vmem>>, vector<16xf32>,
        tpu.vector_store %arg7[%parallel_loop3A_839], %parallel_loop3A_838 {strides = array<i32>} : memref<32768xf32, #tpu.memory_space<vmem>>, vector<16xf32>,
        %parallel_loop3A_841 = arith.constant 0 : i32
        %parallel_loop3A_842 = arith.addi %parallel_loop3A_791, %parallel_loop3A_841 : i32
        %parallel_loop3A_843 = arith.constant 640 : i32
        %parallel_loop3A_844 = arith.addi %parallel_loop3A_842, %parallel_loop3A_843 : i32
        %parallel_loop3A_845 = arith.constant 10240 : i32
        %parallel_loop3A_846 = tpu.memref_slice %arg5[%parallel_loop3A_845] : memref<32768xf32, #tpu.memory_space<vmem>> -> memref<2048xf32, #tpu.memory_space<vmem>>
        %parallel_loop3A_847 = tpu.vector_load_idx %parallel_loop3A_846[%parallel_loop3A_795] : memref<2048xf32, #tpu.memory_space<vmem>>[vector<16xi32>], vector<16xf32>,
        %parallel_loop3A_848 = arith.index_cast %parallel_loop3A_844 : i32 to index
        %parallel_loop3A_849 = tpu.vector_load %arg7[%parallel_loop3A_848] {strides = array<i32>} : memref<32768xf32, #tpu.memory_space<vmem>>, vector<16xf32>,
        tpu.vector_store %arg7[%parallel_loop3A_848], %parallel_loop3A_847 {strides = array<i32>} : memref<32768xf32, #tpu.memory_space<vmem>>, vector<16xf32>,
        %parallel_loop3A_850 = arith.constant 0 : i32
        %parallel_loop3A_851 = arith.addi %parallel_loop3A_791, %parallel_loop3A_850 : i32
        %parallel_loop3A_852 = arith.constant 768 : i32
        %parallel_loop3A_853 = arith.addi %parallel_loop3A_851, %parallel_loop3A_852 : i32
        %parallel_loop3A_854 = arith.constant 12288 : i32
        %parallel_loop3A_855 = tpu.memref_slice %arg5[%parallel_loop3A_854] : memref<32768xf32, #tpu.memory_space<vmem>> -> memref<2048xf32, #tpu.memory_space<vmem>>
        %parallel_loop3A_856 = tpu.vector_load_idx %parallel_loop3A_855[%parallel_loop3A_795] : memref<2048xf32, #tpu.memory_space<vmem>>[vector<16xi32>], vector<16xf32>,
        %parallel_loop3A_857 = arith.index_cast %parallel_loop3A_853 : i32 to index
        %parallel_loop3A_858 = tpu.vector_load %arg7[%parallel_loop3A_857] {strides = array<i32>} : memref<32768xf32, #tpu.memory_space<vmem>>, vector<16xf32>,
        tpu.vector_store %arg7[%parallel_loop3A_857], %parallel_loop3A_856 {strides = array<i32>} : memref<32768xf32, #tpu.memory_space<vmem>>, vector<16xf32>,
        %parallel_loop3A_859 = arith.constant 0 : i32
        %parallel_loop3A_860 = arith.addi %parallel_loop3A_791, %parallel_loop3A_859 : i32
        %parallel_loop3A_861 = arith.constant 896 : i32
        %parallel_loop3A_862 = arith.addi %parallel_loop3A_860, %parallel_loop3A_861 : i32
        %parallel_loop3A_863 = arith.constant 14336 : i32
        %parallel_loop3A_864 = tpu.memref_slice %arg5[%parallel_loop3A_863] : memref<32768xf32, #tpu.memory_space<vmem>> -> memref<2048xf32, #tpu.memory_space<vmem>>
        %parallel_loop3A_865 = tpu.vector_load_idx %parallel_loop3A_864[%parallel_loop3A_795] : memref<2048xf32, #tpu.memory_space<vmem>>[vector<16xi32>], vector<16xf32>,
        %parallel_loop3A_866 = arith.index_cast %parallel_loop3A_862 : i32 to index
        %parallel_loop3A_867 = tpu.vector_load %arg7[%parallel_loop3A_866] {strides = array<i32>} : memref<32768xf32, #tpu.memory_space<vmem>>, vector<16xf32>,
        tpu.vector_store %arg7[%parallel_loop3A_866], %parallel_loop3A_865 {strides = array<i32>} : memref<32768xf32, #tpu.memory_space<vmem>>, vector<16xf32>,
        %parallel_loop3A_868 = arith.constant 16384 : i32
        %parallel_loop3A_869 = arith.addi %parallel_loop3A_791, %parallel_loop3A_868 : i32
        %parallel_loop3A_870 = arith.constant 0 : i32
        %parallel_loop3A_871 = arith.addi %parallel_loop3A_869, %parallel_loop3A_870 : i32
        %parallel_loop3A_872 = arith.constant 16384 : i32
        %parallel_loop3A_873 = tpu.memref_slice %arg5[%parallel_loop3A_872] : memref<32768xf32, #tpu.memory_space<vmem>> -> memref<2048xf32, #tpu.memory_space<vmem>>
        %parallel_loop3A_874 = tpu.vector_load_idx %parallel_loop3A_873[%parallel_loop3A_795] : memref<2048xf32, #tpu.memory_space<vmem>>[vector<16xi32>], vector<16xf32>,
        %parallel_loop3A_875 = arith.index_cast %parallel_loop3A_871 : i32 to index
        %parallel_loop3A_876 = tpu.vector_load %arg7[%parallel_loop3A_875] {strides = array<i32>} : memref<32768xf32, #tpu.memory_space<vmem>>, vector<16xf32>,
        tpu.vector_store %arg7[%parallel_loop3A_875], %parallel_loop3A_874 {strides = array<i32>} : memref<32768xf32, #tpu.memory_space<vmem>>, vector<16xf32>,
        %parallel_loop3A_877 = arith.constant 16384 : i32
        %parallel_loop3A_878 = arith.addi %parallel_loop3A_791, %parallel_loop3A_877 : i32
        %parallel_loop3A_879 = arith.constant 128 : i32
        %parallel_loop3A_880 = arith.addi %parallel_loop3A_878, %parallel_loop3A_879 : i32
        %parallel_loop3A_881 = arith.constant 18432 : i32
        %parallel_loop3A_882 = tpu.memref_slice %arg5[%parallel_loop3A_881] : memref<32768xf32, #tpu.memory_space<vmem>> -> memref<2048xf32, #tpu.memory_space<vmem>>
        %parallel_loop3A_883 = tpu.vector_load_idx %parallel_loop3A_882[%parallel_loop3A_795] : memref<2048xf32, #tpu.memory_space<vmem>>[vector<16xi32>], vector<16xf32>,
        %parallel_loop3A_884 = arith.index_cast %parallel_loop3A_880 : i32 to index
        %parallel_loop3A_885 = tpu.vector_load %arg7[%parallel_loop3A_884] {strides = array<i32>} : memref<32768xf32, #tpu.memory_space<vmem>>, vector<16xf32>,
        tpu.vector_store %arg7[%parallel_loop3A_884], %parallel_loop3A_883 {strides = array<i32>} : memref<32768xf32, #tpu.memory_space<vmem>>, vector<16xf32>,
        %parallel_loop3A_886 = arith.constant 16384 : i32
        %parallel_loop3A_887 = arith.addi %parallel_loop3A_791, %parallel_loop3A_886 : i32
        %parallel_loop3A_888 = arith.constant 256 : i32
        %parallel_loop3A_889 = arith.addi %parallel_loop3A_887, %parallel_loop3A_888 : i32
        %parallel_loop3A_890 = arith.constant 20480 : i32
        %parallel_loop3A_891 = tpu.memref_slice %arg5[%parallel_loop3A_890] : memref<32768xf32, #tpu.memory_space<vmem>> -> memref<2048xf32, #tpu.memory_space<vmem>>
        %parallel_loop3A_892 = tpu.vector_load_idx %parallel_loop3A_891[%parallel_loop3A_795] : memref<2048xf32, #tpu.memory_space<vmem>>[vector<16xi32>], vector<16xf32>,
        %parallel_loop3A_893 = arith.index_cast %parallel_loop3A_889 : i32 to index
        %parallel_loop3A_894 = tpu.vector_load %arg7[%parallel_loop3A_893] {strides = array<i32>} : memref<32768xf32, #tpu.memory_space<vmem>>, vector<16xf32>,
        tpu.vector_store %arg7[%parallel_loop3A_893], %parallel_loop3A_892 {strides = array<i32>} : memref<32768xf32, #tpu.memory_space<vmem>>, vector<16xf32>,
        %parallel_loop3A_895 = arith.constant 16384 : i32
        %parallel_loop3A_896 = arith.addi %parallel_loop3A_791, %parallel_loop3A_895 : i32
        %parallel_loop3A_897 = arith.constant 384 : i32
        %parallel_loop3A_898 = arith.addi %parallel_loop3A_896, %parallel_loop3A_897 : i32
        %parallel_loop3A_899 = arith.constant 22528 : i32
        %parallel_loop3A_900 = tpu.memref_slice %arg5[%parallel_loop3A_899] : memref<32768xf32, #tpu.memory_space<vmem>> -> memref<2048xf32, #tpu.memory_space<vmem>>
        %parallel_loop3A_901 = tpu.vector_load_idx %parallel_loop3A_900[%parallel_loop3A_795] : memref<2048xf32, #tpu.memory_space<vmem>>[vector<16xi32>], vector<16xf32>,
        %parallel_loop3A_902 = arith.index_cast %parallel_loop3A_898 : i32 to index
        %parallel_loop3A_903 = tpu.vector_load %arg7[%parallel_loop3A_902] {strides = array<i32>} : memref<32768xf32, #tpu.memory_space<vmem>>, vector<16xf32>,
        tpu.vector_store %arg7[%parallel_loop3A_902], %parallel_loop3A_901 {strides = array<i32>} : memref<32768xf32, #tpu.memory_space<vmem>>, vector<16xf32>,
        %parallel_loop3A_904 = arith.constant 16384 : i32
        %parallel_loop3A_905 = arith.addi %parallel_loop3A_791, %parallel_loop3A_904 : i32
        %parallel_loop3A_906 = arith.constant 512 : i32
        %parallel_loop3A_907 = arith.addi %parallel_loop3A_905, %parallel_loop3A_906 : i32
        %parallel_loop3A_908 = arith.constant 24576 : i32
        %parallel_loop3A_909 = tpu.memref_slice %arg5[%parallel_loop3A_908] : memref<32768xf32, #tpu.memory_space<vmem>> -> memref<2048xf32, #tpu.memory_space<vmem>>
        %parallel_loop3A_910 = tpu.vector_load_idx %parallel_loop3A_909[%parallel_loop3A_795] : memref<2048xf32, #tpu.memory_space<vmem>>[vector<16xi32>], vector<16xf32>,
        %parallel_loop3A_911 = arith.index_cast %parallel_loop3A_907 : i32 to index
        %parallel_loop3A_912 = tpu.vector_load %arg7[%parallel_loop3A_911] {strides = array<i32>} : memref<32768xf32, #tpu.memory_space<vmem>>, vector<16xf32>,
        tpu.vector_store %arg7[%parallel_loop3A_911], %parallel_loop3A_910 {strides = array<i32>} : memref<32768xf32, #tpu.memory_space<vmem>>, vector<16xf32>,
        %parallel_loop3A_913 = arith.constant 16384 : i32
        %parallel_loop3A_914 = arith.addi %parallel_loop3A_791, %parallel_loop3A_913 : i32
        %parallel_loop3A_915 = arith.constant 640 : i32
        %parallel_loop3A_916 = arith.addi %parallel_loop3A_914, %parallel_loop3A_915 : i32
        %parallel_loop3A_917 = arith.constant 26624 : i32
        %parallel_loop3A_918 = tpu.memref_slice %arg5[%parallel_loop3A_917] : memref<32768xf32, #tpu.memory_space<vmem>> -> memref<2048xf32, #tpu.memory_space<vmem>>
        %parallel_loop3A_919 = tpu.vector_load_idx %parallel_loop3A_918[%parallel_loop3A_795] : memref<2048xf32, #tpu.memory_space<vmem>>[vector<16xi32>], vector<16xf32>,
        %parallel_loop3A_920 = arith.index_cast %parallel_loop3A_916 : i32 to index
        %parallel_loop3A_921 = tpu.vector_load %arg7[%parallel_loop3A_920] {strides = array<i32>} : memref<32768xf32, #tpu.memory_space<vmem>>, vector<16xf32>,
        tpu.vector_store %arg7[%parallel_loop3A_920], %parallel_loop3A_919 {strides = array<i32>} : memref<32768xf32, #tpu.memory_space<vmem>>, vector<16xf32>,
        %parallel_loop3A_922 = arith.constant 16384 : i32
        %parallel_loop3A_923 = arith.addi %parallel_loop3A_791, %parallel_loop3A_922 : i32
        %parallel_loop3A_924 = arith.constant 768 : i32
        %parallel_loop3A_925 = arith.addi %parallel_loop3A_923, %parallel_loop3A_924 : i32
        %parallel_loop3A_926 = arith.constant 28672 : i32
        %parallel_loop3A_927 = tpu.memref_slice %arg5[%parallel_loop3A_926] : memref<32768xf32, #tpu.memory_space<vmem>> -> memref<2048xf32, #tpu.memory_space<vmem>>
        %parallel_loop3A_928 = tpu.vector_load_idx %parallel_loop3A_927[%parallel_loop3A_795] : memref<2048xf32, #tpu.memory_space<vmem>>[vector<16xi32>], vector<16xf32>,
        %parallel_loop3A_929 = arith.index_cast %parallel_loop3A_925 : i32 to index
        %parallel_loop3A_930 = tpu.vector_load %arg7[%parallel_loop3A_929] {strides = array<i32>} : memref<32768xf32, #tpu.memory_space<vmem>>, vector<16xf32>,
        tpu.vector_store %arg7[%parallel_loop3A_929], %parallel_loop3A_928 {strides = array<i32>} : memref<32768xf32, #tpu.memory_space<vmem>>, vector<16xf32>,
        %parallel_loop3A_931 = arith.constant 16384 : i32
        %parallel_loop3A_932 = arith.addi %parallel_loop3A_791, %parallel_loop3A_931 : i32
        %parallel_loop3A_933 = arith.constant 896 : i32
        %parallel_loop3A_934 = arith.addi %parallel_loop3A_932, %parallel_loop3A_933 : i32
        %parallel_loop3A_935 = arith.constant 30720 : i32
        %parallel_loop3A_936 = tpu.memref_slice %arg5[%parallel_loop3A_935] : memref<32768xf32, #tpu.memory_space<vmem>> -> memref<2048xf32, #tpu.memory_space<vmem>>
        %parallel_loop3A_937 = tpu.vector_load_idx %parallel_loop3A_936[%parallel_loop3A_795] : memref<2048xf32, #tpu.memory_space<vmem>>[vector<16xi32>], vector<16xf32>,
        %parallel_loop3A_938 = arith.index_cast %parallel_loop3A_934 : i32 to index
        %parallel_loop3A_939 = tpu.vector_load %arg7[%parallel_loop3A_938] {strides = array<i32>} : memref<32768xf32, #tpu.memory_space<vmem>>, vector<16xf32>,
        tpu.vector_store %arg7[%parallel_loop3A_938], %parallel_loop3A_937 {strides = array<i32>} : memref<32768xf32, #tpu.memory_space<vmem>>, vector<16xf32>,
      } {sc.loop_unroll_factor = 8 : i64, sc.parallel_access}
      %mul3A_271 = arith.constant 8 : i32
      %mul3A_272 = arith.muli %add3A_227, %mul3A_271 : i32
      %mul3A_273 = arith.constant 2 : i32
      %mul3A_274 = arith.muli %mul3A_273, %select_n3A_9 : i32
      %add3A_275 = arith.addi %mul3A_272, %mul3A_274 : i32
      %add3A_276 = arith.constant 0 : i32
      %add3A_277 = arith.addi %add3A_275, %add3A_276 : i32
      %mul3A_278 = arith.constant 128 : i32
      %mul3A_279 = arith.muli %add3A_277, %mul3A_278 : i32
      %mul3A_280 = arith.constant 16 : i32
      %mul3A_281 = arith.muli %mul3A_280, %select_n3A_30 : i32
      %add3A_282 = arith.addi %mul3A_279, %mul3A_281 : i32
      %mul3A_283 = arith.constant 1024 : i32
      %mul3A_284 = arith.muli %add3A_282, %mul3A_283 : i32
      %mul3A_285 = arith.constant 8 : i32
      %mul3A_286 = arith.muli %add3A_227, %mul3A_285 : i32
      %mul3A_287 = arith.constant 2 : i32
      %mul3A_288 = arith.muli %mul3A_287, %select_n3A_9 : i32
      %add3A_289 = arith.addi %mul3A_286, %mul3A_288 : i32
      %add3A_290 = arith.constant 1 : i32
      %add3A_291 = arith.addi %add3A_289, %add3A_290 : i32
      %mul3A_292 = arith.constant 128 : i32
      %mul3A_293 = arith.muli %add3A_291, %mul3A_292 : i32
      %mul3A_294 = arith.constant 16 : i32
      %mul3A_295 = arith.muli %mul3A_294, %select_n3A_30 : i32
      %add3A_296 = arith.addi %mul3A_293, %mul3A_295 : i32
      %mul3A_297 = arith.constant 1024 : i32
      %mul3A_298 = arith.muli %add3A_296, %mul3A_297 : i32
      %dma_start3A_299 = arith.constant 0 : i32
      %dma_start3A_300 = tpu.memref_slice %arg7[%dma_start3A_299] : memref<32768xf32, #tpu.memory_space<vmem>> -> memref<16384xf32, #tpu.memory_space<vmem>>
      %dma_start3A_301 = tpu.memref_slice %arg4[%mul3A_284] : memref<209715200xf32, #tpu.memory_space<hbm>> -> memref<16384xf32, #tpu.memory_space<hbm>>
      %dma_start3A_302 = tpu.memref_slice %arg4[%mul3A_284] : memref<209715200xf32, #tpu.memory_space<hbm>> -> memref<16384xf32, #tpu.memory_space<hbm>>
      %dma_start3A_303 = arith.constant 0 : i32
      %dma_start3A_304 = tpu.memref_slice %arg7[%dma_start3A_303] : memref<32768xf32, #tpu.memory_space<vmem>> -> memref<16384xf32, #tpu.memory_space<vmem>>
      tpu.enqueue_dma source(%dma_start3A_304 : memref<16384xf32, #tpu.memory_space<vmem>>) target(%dma_start3A_302 : memref<16384xf32, #tpu.memory_space<hbm>>) target_semaphore(%arg9 : memref<!tpu.dma_semaphore, #tpu.memory_space<semaphore_mem>>)
      %dma_start3A_305 = arith.constant 16384 : i32
      %dma_start3A_306 = tpu.memref_slice %arg7[%dma_start3A_305] : memref<32768xf32, #tpu.memory_space<vmem>> -> memref<16384xf32, #tpu.memory_space<vmem>>
      %dma_start3A_307 = tpu.memref_slice %arg4[%mul3A_298] : memref<209715200xf32, #tpu.memory_space<hbm>> -> memref<16384xf32, #tpu.memory_space<hbm>>
      %dma_start3A_308 = tpu.memref_slice %arg4[%mul3A_298] : memref<209715200xf32, #tpu.memory_space<hbm>> -> memref<16384xf32, #tpu.memory_space<hbm>>
      %dma_start3A_309 = arith.constant 16384 : i32
      %dma_start3A_310 = tpu.memref_slice %arg7[%dma_start3A_309] : memref<32768xf32, #tpu.memory_space<vmem>> -> memref<16384xf32, #tpu.memory_space<vmem>>
      tpu.enqueue_dma source(%dma_start3A_310 : memref<16384xf32, #tpu.memory_space<vmem>>) target(%dma_start3A_308 : memref<16384xf32, #tpu.memory_space<hbm>>) target_semaphore(%arg9 : memref<!tpu.dma_semaphore, #tpu.memory_space<semaphore_mem>>)
      %mul3A_311 = arith.constant 8 : i32
      %mul3A_312 = arith.muli %scan3A_117, %mul3A_311 : i32
      %add3A_313 = arith.constant 3 : i32
      %add3A_314 = arith.addi %mul3A_312, %add3A_313 : i32
      %mul3A_315 = arith.constant 8 : i32
      %mul3A_316 = arith.muli %add3A_314, %mul3A_315 : i32
      %mul3A_317 = arith.constant 2 : i32
      %mul3A_318 = arith.muli %mul3A_317, %select_n3A_9 : i32
      %add3A_319 = arith.addi %mul3A_316, %mul3A_318 : i32
      %add3A_320 = arith.constant 0 : i32
      %add3A_321 = arith.addi %add3A_319, %add3A_320 : i32
      %mul3A_322 = arith.constant 128 : i32
      %mul3A_323 = arith.muli %add3A_321, %mul3A_322 : i32
      %mul3A_324 = arith.constant 16 : i32
      %mul3A_325 = arith.muli %mul3A_324, %select_n3A_30 : i32
      %add3A_326 = arith.addi %mul3A_323, %mul3A_325 : i32
      %mul3A_327 = arith.constant 1024 : i32
      %mul3A_328 = arith.muli %add3A_326, %mul3A_327 : i32
      %mul3A_329 = arith.constant 8 : i32
      %mul3A_330 = arith.muli %add3A_314, %mul3A_329 : i32
      %mul3A_331 = arith.constant 2 : i32
      %mul3A_332 = arith.muli %mul3A_331, %select_n3A_9 : i32
      %add3A_333 = arith.addi %mul3A_330, %mul3A_332 : i32
      %add3A_334 = arith.constant 1 : i32
      %add3A_335 = arith.addi %add3A_333, %add3A_334 : i32
      %mul3A_336 = arith.constant 128 : i32
      %mul3A_337 = arith.muli %add3A_335, %mul3A_336 : i32
      %mul3A_338 = arith.constant 16 : i32
      %mul3A_339 = arith.muli %mul3A_338, %select_n3A_30 : i32
      %add3A_340 = arith.addi %mul3A_337, %mul3A_339 : i32
      %mul3A_341 = arith.constant 1024 : i32
      %mul3A_342 = arith.muli %add3A_340, %mul3A_341 : i32
      %dma_wait3A_343 = arith.constant 0 : i32
      %dma_wait3A_344 = tpu.memref_slice %arg8[%dma_wait3A_343] : memref<32768xf32, #tpu.memory_space<vmem>> -> memref<16384xf32, #tpu.memory_space<vmem>>
      %dma_wait3A_345 = tpu.memref_slice %arg4[%mul3A_328] : memref<209715200xf32, #tpu.memory_space<hbm>> -> memref<16384xf32, #tpu.memory_space<hbm>>
      %dma_wait3A_346 = tpu.memref_slice %arg4[%mul3A_328] : memref<209715200xf32, #tpu.memory_space<hbm>> -> memref<16384xf32, #tpu.memory_space<hbm>>
      %dma_wait3A_347 = arith.constant 0 : i32
      %dma_wait3A_348 = tpu.memref_slice %arg8[%dma_wait3A_347] : memref<32768xf32, #tpu.memory_space<vmem>> -> memref<16384xf32, #tpu.memory_space<vmem>>
      tpu.wait_dma2 semaphore(%arg10 : memref<!tpu.dma_semaphore, #tpu.memory_space<semaphore_mem>>) src(%dma_wait3A_348 : memref<16384xf32, #tpu.memory_space<vmem>>) dst(%dma_wait3A_346 : memref<16384xf32, #tpu.memory_space<hbm>>)
      %dma_wait3A_349 = arith.constant 16384 : i32
      %dma_wait3A_350 = tpu.memref_slice %arg8[%dma_wait3A_349] : memref<32768xf32, #tpu.memory_space<vmem>> -> memref<16384xf32, #tpu.memory_space<vmem>>
      %dma_wait3A_351 = tpu.memref_slice %arg4[%mul3A_342] : memref<209715200xf32, #tpu.memory_space<hbm>> -> memref<16384xf32, #tpu.memory_space<hbm>>
      %dma_wait3A_352 = tpu.memref_slice %arg4[%mul3A_342] : memref<209715200xf32, #tpu.memory_space<hbm>> -> memref<16384xf32, #tpu.memory_space<hbm>>
      %dma_wait3A_353 = arith.constant 16384 : i32
      %dma_wait3A_354 = tpu.memref_slice %arg8[%dma_wait3A_353] : memref<32768xf32, #tpu.memory_space<vmem>> -> memref<16384xf32, #tpu.memory_space<vmem>>
      tpu.wait_dma2 semaphore(%arg10 : memref<!tpu.dma_semaphore, #tpu.memory_space<semaphore_mem>>) src(%dma_wait3A_354 : memref<16384xf32, #tpu.memory_space<vmem>>) dst(%dma_wait3A_352 : memref<16384xf32, #tpu.memory_space<hbm>>)
      %parallel_loop3A_355 = arith.constant 0 : i32
      %parallel_loop3A_356 = arith.constant 128 : i32
      %parallel_loop3A_357 = arith.constant 1 : i32
      scf.for %parallel_loop3A_746 = %parallel_loop3A_355 to %parallel_loop3A_356 step %parallel_loop3A_357  : i32 {
        %parallel_loop3A_747 = arith.constant 8 : i32
        %parallel_loop3A_748 = arith.divsi %parallel_loop3A_746, %parallel_loop3A_747 : i32
        %parallel_loop3A_749 = arith.constant 0 : i32
        %parallel_loop3A_750 = arith.cmpi sgt, %parallel_loop3A_746, %parallel_loop3A_749 : i32
        %parallel_loop3A_751 = arith.extui %parallel_loop3A_750 : i1 to i32
        %parallel_loop3A_752 = arith.constant 0 : i32
        %parallel_loop3A_753 = arith.cmpi slt, %parallel_loop3A_746, %parallel_loop3A_752 : i32
        %parallel_loop3A_754 = arith.extui %parallel_loop3A_753 : i1 to i32
        %parallel_loop3A_755 = arith.subi %parallel_loop3A_751, %parallel_loop3A_754 : i32
        %parallel_loop3A_756 = arith.constant 0 : i32
        %parallel_loop3A_757 = arith.cmpi sgt, %parallel_loop3A_747, %parallel_loop3A_756 : i32
        %parallel_loop3A_758 = arith.extui %parallel_loop3A_757 : i1 to i32
        %parallel_loop3A_759 = arith.constant 0 : i32
        %parallel_loop3A_760 = arith.cmpi slt, %parallel_loop3A_747, %parallel_loop3A_759 : i32
        %parallel_loop3A_761 = arith.extui %parallel_loop3A_760 : i1 to i32
        %parallel_loop3A_762 = arith.subi %parallel_loop3A_758, %parallel_loop3A_761 : i32
        %parallel_loop3A_763 = arith.cmpi ne, %parallel_loop3A_755, %parallel_loop3A_762 : i32
        %parallel_loop3A_764 = arith.remsi %parallel_loop3A_746, %parallel_loop3A_747 : i32
        %parallel_loop3A_765 = arith.constant 0 : i32
        %parallel_loop3A_766 = arith.cmpi ne, %parallel_loop3A_764, %parallel_loop3A_765 : i32
        %parallel_loop3A_767 = arith.andi %parallel_loop3A_763, %parallel_loop3A_766 : i1
        %parallel_loop3A_768 = arith.constant 1 : i32
        %parallel_loop3A_769 = arith.subi %parallel_loop3A_748, %parallel_loop3A_768 : i32
        %parallel_loop3A_770 = arith.select %parallel_loop3A_767, %parallel_loop3A_769, %parallel_loop3A_748 : i32
        %parallel_loop3A_771 = arith.constant 1024 : i32
        %parallel_loop3A_772 = arith.muli %parallel_loop3A_770, %parallel_loop3A_771 : i32
        %parallel_loop3A_773 = arith.constant 8 : i32
        %parallel_loop3A_774 = arith.constant 0 : i32
        %parallel_loop3A_775 = arith.cmpi eq, %parallel_loop3A_773, %parallel_loop3A_774 : i32
        %parallel_loop3A_776 = arith.constant 1 : i32
        %parallel_loop3A_777 = arith.select %parallel_loop3A_775, %parallel_loop3A_776, %parallel_loop3A_773 : i32
        %parallel_loop3A_778 = arith.remsi %parallel_loop3A_746, %parallel_loop3A_777 : i32
        %parallel_loop3A_779 = arith.constant 0 : i32
        %parallel_loop3A_780 = arith.cmpi ne, %parallel_loop3A_778, %parallel_loop3A_779 : i32
        %parallel_loop3A_781 = arith.constant 0 : i32
        %parallel_loop3A_782 = arith.cmpi slt, %parallel_loop3A_778, %parallel_loop3A_781 : i32
        %parallel_loop3A_783 = arith.constant 0 : i32
        %parallel_loop3A_784 = arith.cmpi slt, %parallel_loop3A_777, %parallel_loop3A_783 : i32
        %parallel_loop3A_785 = arith.xori %parallel_loop3A_782, %parallel_loop3A_784 : i1
        %parallel_loop3A_786 = arith.andi %parallel_loop3A_785, %parallel_loop3A_780 : i1
        %parallel_loop3A_787 = arith.addi %parallel_loop3A_778, %parallel_loop3A_777 : i32
        %parallel_loop3A_788 = arith.select %parallel_loop3A_786, %parallel_loop3A_787, %parallel_loop3A_778 : i32
        %parallel_loop3A_789 = arith.constant 16 : i32
        %parallel_loop3A_790 = arith.muli %parallel_loop3A_788, %parallel_loop3A_789 : i32
        %parallel_loop3A_791 = arith.addi %parallel_loop3A_772, %parallel_loop3A_790 : i32
        %parallel_loop3A_792 = arith.constant 384 : i32
        %parallel_loop3A_793 = arith.addi %parallel_loop3A_791, %parallel_loop3A_792 : i32
        %parallel_loop3A_794 = arith.index_cast %parallel_loop3A_793 : i32 to index
        %parallel_loop3A_795 = tpu.vector_load %arg6[%parallel_loop3A_794] {strides = array<i32>} : memref<16384xi32, #tpu.memory_space<vmem>>, vector<16xi32>,
        %parallel_loop3A_796 = arith.constant 0 : i32
        %parallel_loop3A_797 = arith.addi %parallel_loop3A_791, %parallel_loop3A_796 : i32
        %parallel_loop3A_798 = arith.constant 0 : i32
        %parallel_loop3A_799 = arith.addi %parallel_loop3A_797, %parallel_loop3A_798 : i32
        %parallel_loop3A_800 = arith.constant 0 : i32
        %parallel_loop3A_801 = tpu.memref_slice %arg5[%parallel_loop3A_800] : memref<32768xf32, #tpu.memory_space<vmem>> -> memref<2048xf32, #tpu.memory_space<vmem>>
        %parallel_loop3A_802 = tpu.vector_load_idx %parallel_loop3A_801[%parallel_loop3A_795] : memref<2048xf32, #tpu.memory_space<vmem>>[vector<16xi32>], vector<16xf32>,
        %parallel_loop3A_803 = arith.index_cast %parallel_loop3A_799 : i32 to index
        %parallel_loop3A_804 = tpu.vector_load %arg8[%parallel_loop3A_803] {strides = array<i32>} : memref<32768xf32, #tpu.memory_space<vmem>>, vector<16xf32>,
        tpu.vector_store %arg8[%parallel_loop3A_803], %parallel_loop3A_802 {strides = array<i32>} : memref<32768xf32, #tpu.memory_space<vmem>>, vector<16xf32>,
        %parallel_loop3A_805 = arith.constant 0 : i32
        %parallel_loop3A_806 = arith.addi %parallel_loop3A_791, %parallel_loop3A_805 : i32
        %parallel_loop3A_807 = arith.constant 128 : i32
        %parallel_loop3A_808 = arith.addi %parallel_loop3A_806, %parallel_loop3A_807 : i32
        %parallel_loop3A_809 = arith.constant 2048 : i32
        %parallel_loop3A_810 = tpu.memref_slice %arg5[%parallel_loop3A_809] : memref<32768xf32, #tpu.memory_space<vmem>> -> memref<2048xf32, #tpu.memory_space<vmem>>
        %parallel_loop3A_811 = tpu.vector_load_idx %parallel_loop3A_810[%parallel_loop3A_795] : memref<2048xf32, #tpu.memory_space<vmem>>[vector<16xi32>], vector<16xf32>,
        %parallel_loop3A_812 = arith.index_cast %parallel_loop3A_808 : i32 to index
        %parallel_loop3A_813 = tpu.vector_load %arg8[%parallel_loop3A_812] {strides = array<i32>} : memref<32768xf32, #tpu.memory_space<vmem>>, vector<16xf32>,
        tpu.vector_store %arg8[%parallel_loop3A_812], %parallel_loop3A_811 {strides = array<i32>} : memref<32768xf32, #tpu.memory_space<vmem>>, vector<16xf32>,
        %parallel_loop3A_814 = arith.constant 0 : i32
        %parallel_loop3A_815 = arith.addi %parallel_loop3A_791, %parallel_loop3A_814 : i32
        %parallel_loop3A_816 = arith.constant 256 : i32
        %parallel_loop3A_817 = arith.addi %parallel_loop3A_815, %parallel_loop3A_816 : i32
        %parallel_loop3A_818 = arith.constant 4096 : i32
        %parallel_loop3A_819 = tpu.memref_slice %arg5[%parallel_loop3A_818] : memref<32768xf32, #tpu.memory_space<vmem>> -> memref<2048xf32, #tpu.memory_space<vmem>>
        %parallel_loop3A_820 = tpu.vector_load_idx %parallel_loop3A_819[%parallel_loop3A_795] : memref<2048xf32, #tpu.memory_space<vmem>>[vector<16xi32>], vector<16xf32>,
        %parallel_loop3A_821 = arith.index_cast %parallel_loop3A_817 : i32 to index
        %parallel_loop3A_822 = tpu.vector_load %arg8[%parallel_loop3A_821] {strides = array<i32>} : memref<32768xf32, #tpu.memory_space<vmem>>, vector<16xf32>,
        tpu.vector_store %arg8[%parallel_loop3A_821], %parallel_loop3A_820 {strides = array<i32>} : memref<32768xf32, #tpu.memory_space<vmem>>, vector<16xf32>,
        %parallel_loop3A_823 = arith.constant 0 : i32
        %parallel_loop3A_824 = arith.addi %parallel_loop3A_791, %parallel_loop3A_823 : i32
        %parallel_loop3A_825 = arith.constant 384 : i32
        %parallel_loop3A_826 = arith.addi %parallel_loop3A_824, %parallel_loop3A_825 : i32
        %parallel_loop3A_827 = arith.constant 6144 : i32
        %parallel_loop3A_828 = tpu.memref_slice %arg5[%parallel_loop3A_827] : memref<32768xf32, #tpu.memory_space<vmem>> -> memref<2048xf32, #tpu.memory_space<vmem>>
        %parallel_loop3A_829 = tpu.vector_load_idx %parallel_loop3A_828[%parallel_loop3A_795] : memref<2048xf32, #tpu.memory_space<vmem>>[vector<16xi32>], vector<16xf32>,
        %parallel_loop3A_830 = arith.index_cast %parallel_loop3A_826 : i32 to index
        %parallel_loop3A_831 = tpu.vector_load %arg8[%parallel_loop3A_830] {strides = array<i32>} : memref<32768xf32, #tpu.memory_space<vmem>>, vector<16xf32>,
        tpu.vector_store %arg8[%parallel_loop3A_830], %parallel_loop3A_829 {strides = array<i32>} : memref<32768xf32, #tpu.memory_space<vmem>>, vector<16xf32>,
        %parallel_loop3A_832 = arith.constant 0 : i32
        %parallel_loop3A_833 = arith.addi %parallel_loop3A_791, %parallel_loop3A_832 : i32
        %parallel_loop3A_834 = arith.constant 512 : i32
        %parallel_loop3A_835 = arith.addi %parallel_loop3A_833, %parallel_loop3A_834 : i32
        %parallel_loop3A_836 = arith.constant 8192 : i32
        %parallel_loop3A_837 = tpu.memref_slice %arg5[%parallel_loop3A_836] : memref<32768xf32, #tpu.memory_space<vmem>> -> memref<2048xf32, #tpu.memory_space<vmem>>
        %parallel_loop3A_838 = tpu.vector_load_idx %parallel_loop3A_837[%parallel_loop3A_795] : memref<2048xf32, #tpu.memory_space<vmem>>[vector<16xi32>], vector<16xf32>,
        %parallel_loop3A_839 = arith.index_cast %parallel_loop3A_835 : i32 to index
        %parallel_loop3A_840 = tpu.vector_load %arg8[%parallel_loop3A_839] {strides = array<i32>} : memref<32768xf32, #tpu.memory_space<vmem>>, vector<16xf32>,
        tpu.vector_store %arg8[%parallel_loop3A_839], %parallel_loop3A_838 {strides = array<i32>} : memref<32768xf32, #tpu.memory_space<vmem>>, vector<16xf32>,
        %parallel_loop3A_841 = arith.constant 0 : i32
        %parallel_loop3A_842 = arith.addi %parallel_loop3A_791, %parallel_loop3A_841 : i32
        %parallel_loop3A_843 = arith.constant 640 : i32
        %parallel_loop3A_844 = arith.addi %parallel_loop3A_842, %parallel_loop3A_843 : i32
        %parallel_loop3A_845 = arith.constant 10240 : i32
        %parallel_loop3A_846 = tpu.memref_slice %arg5[%parallel_loop3A_845] : memref<32768xf32, #tpu.memory_space<vmem>> -> memref<2048xf32, #tpu.memory_space<vmem>>
        %parallel_loop3A_847 = tpu.vector_load_idx %parallel_loop3A_846[%parallel_loop3A_795] : memref<2048xf32, #tpu.memory_space<vmem>>[vector<16xi32>], vector<16xf32>,
        %parallel_loop3A_848 = arith.index_cast %parallel_loop3A_844 : i32 to index
        %parallel_loop3A_849 = tpu.vector_load %arg8[%parallel_loop3A_848] {strides = array<i32>} : memref<32768xf32, #tpu.memory_space<vmem>>, vector<16xf32>,
        tpu.vector_store %arg8[%parallel_loop3A_848], %parallel_loop3A_847 {strides = array<i32>} : memref<32768xf32, #tpu.memory_space<vmem>>, vector<16xf32>,
        %parallel_loop3A_850 = arith.constant 0 : i32
        %parallel_loop3A_851 = arith.addi %parallel_loop3A_791, %parallel_loop3A_850 : i32
        %parallel_loop3A_852 = arith.constant 768 : i32
        %parallel_loop3A_853 = arith.addi %parallel_loop3A_851, %parallel_loop3A_852 : i32
        %parallel_loop3A_854 = arith.constant 12288 : i32
        %parallel_loop3A_855 = tpu.memref_slice %arg5[%parallel_loop3A_854] : memref<32768xf32, #tpu.memory_space<vmem>> -> memref<2048xf32, #tpu.memory_space<vmem>>
        %parallel_loop3A_856 = tpu.vector_load_idx %parallel_loop3A_855[%parallel_loop3A_795] : memref<2048xf32, #tpu.memory_space<vmem>>[vector<16xi32>], vector<16xf32>,
        %parallel_loop3A_857 = arith.index_cast %parallel_loop3A_853 : i32 to index
        %parallel_loop3A_858 = tpu.vector_load %arg8[%parallel_loop3A_857] {strides = array<i32>} : memref<32768xf32, #tpu.memory_space<vmem>>, vector<16xf32>,
        tpu.vector_store %arg8[%parallel_loop3A_857], %parallel_loop3A_856 {strides = array<i32>} : memref<32768xf32, #tpu.memory_space<vmem>>, vector<16xf32>,
        %parallel_loop3A_859 = arith.constant 0 : i32
        %parallel_loop3A_860 = arith.addi %parallel_loop3A_791, %parallel_loop3A_859 : i32
        %parallel_loop3A_861 = arith.constant 896 : i32
        %parallel_loop3A_862 = arith.addi %parallel_loop3A_860, %parallel_loop3A_861 : i32
        %parallel_loop3A_863 = arith.constant 14336 : i32
        %parallel_loop3A_864 = tpu.memref_slice %arg5[%parallel_loop3A_863] : memref<32768xf32, #tpu.memory_space<vmem>> -> memref<2048xf32, #tpu.memory_space<vmem>>
        %parallel_loop3A_865 = tpu.vector_load_idx %parallel_loop3A_864[%parallel_loop3A_795] : memref<2048xf32, #tpu.memory_space<vmem>>[vector<16xi32>], vector<16xf32>,
        %parallel_loop3A_866 = arith.index_cast %parallel_loop3A_862 : i32 to index
        %parallel_loop3A_867 = tpu.vector_load %arg8[%parallel_loop3A_866] {strides = array<i32>} : memref<32768xf32, #tpu.memory_space<vmem>>, vector<16xf32>,
        tpu.vector_store %arg8[%parallel_loop3A_866], %parallel_loop3A_865 {strides = array<i32>} : memref<32768xf32, #tpu.memory_space<vmem>>, vector<16xf32>,
        %parallel_loop3A_868 = arith.constant 16384 : i32
        %parallel_loop3A_869 = arith.addi %parallel_loop3A_791, %parallel_loop3A_868 : i32
        %parallel_loop3A_870 = arith.constant 0 : i32
        %parallel_loop3A_871 = arith.addi %parallel_loop3A_869, %parallel_loop3A_870 : i32
        %parallel_loop3A_872 = arith.constant 16384 : i32
        %parallel_loop3A_873 = tpu.memref_slice %arg5[%parallel_loop3A_872] : memref<32768xf32, #tpu.memory_space<vmem>> -> memref<2048xf32, #tpu.memory_space<vmem>>
        %parallel_loop3A_874 = tpu.vector_load_idx %parallel_loop3A_873[%parallel_loop3A_795] : memref<2048xf32, #tpu.memory_space<vmem>>[vector<16xi32>], vector<16xf32>,
        %parallel_loop3A_875 = arith.index_cast %parallel_loop3A_871 : i32 to index
        %parallel_loop3A_876 = tpu.vector_load %arg8[%parallel_loop3A_875] {strides = array<i32>} : memref<32768xf32, #tpu.memory_space<vmem>>, vector<16xf32>,
        tpu.vector_store %arg8[%parallel_loop3A_875], %parallel_loop3A_874 {strides = array<i32>} : memref<32768xf32, #tpu.memory_space<vmem>>, vector<16xf32>,
        %parallel_loop3A_877 = arith.constant 16384 : i32
        %parallel_loop3A_878 = arith.addi %parallel_loop3A_791, %parallel_loop3A_877 : i32
        %parallel_loop3A_879 = arith.constant 128 : i32
        %parallel_loop3A_880 = arith.addi %parallel_loop3A_878, %parallel_loop3A_879 : i32
        %parallel_loop3A_881 = arith.constant 18432 : i32
        %parallel_loop3A_882 = tpu.memref_slice %arg5[%parallel_loop3A_881] : memref<32768xf32, #tpu.memory_space<vmem>> -> memref<2048xf32, #tpu.memory_space<vmem>>
        %parallel_loop3A_883 = tpu.vector_load_idx %parallel_loop3A_882[%parallel_loop3A_795] : memref<2048xf32, #tpu.memory_space<vmem>>[vector<16xi32>], vector<16xf32>,
        %parallel_loop3A_884 = arith.index_cast %parallel_loop3A_880 : i32 to index
        %parallel_loop3A_885 = tpu.vector_load %arg8[%parallel_loop3A_884] {strides = array<i32>} : memref<32768xf32, #tpu.memory_space<vmem>>, vector<16xf32>,
        tpu.vector_store %arg8[%parallel_loop3A_884], %parallel_loop3A_883 {strides = array<i32>} : memref<32768xf32, #tpu.memory_space<vmem>>, vector<16xf32>,
        %parallel_loop3A_886 = arith.constant 16384 : i32
        %parallel_loop3A_887 = arith.addi %parallel_loop3A_791, %parallel_loop3A_886 : i32
        %parallel_loop3A_888 = arith.constant 256 : i32
        %parallel_loop3A_889 = arith.addi %parallel_loop3A_887, %parallel_loop3A_888 : i32
        %parallel_loop3A_890 = arith.constant 20480 : i32
        %parallel_loop3A_891 = tpu.memref_slice %arg5[%parallel_loop3A_890] : memref<32768xf32, #tpu.memory_space<vmem>> -> memref<2048xf32, #tpu.memory_space<vmem>>
        %parallel_loop3A_892 = tpu.vector_load_idx %parallel_loop3A_891[%parallel_loop3A_795] : memref<2048xf32, #tpu.memory_space<vmem>>[vector<16xi32>], vector<16xf32>,
        %parallel_loop3A_893 = arith.index_cast %parallel_loop3A_889 : i32 to index
        %parallel_loop3A_894 = tpu.vector_load %arg8[%parallel_loop3A_893] {strides = array<i32>} : memref<32768xf32, #tpu.memory_space<vmem>>, vector<16xf32>,
        tpu.vector_store %arg8[%parallel_loop3A_893], %parallel_loop3A_892 {strides = array<i32>} : memref<32768xf32, #tpu.memory_space<vmem>>, vector<16xf32>,
        %parallel_loop3A_895 = arith.constant 16384 : i32
        %parallel_loop3A_896 = arith.addi %parallel_loop3A_791, %parallel_loop3A_895 : i32
        %parallel_loop3A_897 = arith.constant 384 : i32
        %parallel_loop3A_898 = arith.addi %parallel_loop3A_896, %parallel_loop3A_897 : i32
        %parallel_loop3A_899 = arith.constant 22528 : i32
        %parallel_loop3A_900 = tpu.memref_slice %arg5[%parallel_loop3A_899] : memref<32768xf32, #tpu.memory_space<vmem>> -> memref<2048xf32, #tpu.memory_space<vmem>>
        %parallel_loop3A_901 = tpu.vector_load_idx %parallel_loop3A_900[%parallel_loop3A_795] : memref<2048xf32, #tpu.memory_space<vmem>>[vector<16xi32>], vector<16xf32>,
        %parallel_loop3A_902 = arith.index_cast %parallel_loop3A_898 : i32 to index
        %parallel_loop3A_903 = tpu.vector_load %arg8[%parallel_loop3A_902] {strides = array<i32>} : memref<32768xf32, #tpu.memory_space<vmem>>, vector<16xf32>,
        tpu.vector_store %arg8[%parallel_loop3A_902], %parallel_loop3A_901 {strides = array<i32>} : memref<32768xf32, #tpu.memory_space<vmem>>, vector<16xf32>,
        %parallel_loop3A_904 = arith.constant 16384 : i32
        %parallel_loop3A_905 = arith.addi %parallel_loop3A_791, %parallel_loop3A_904 : i32
        %parallel_loop3A_906 = arith.constant 512 : i32
        %parallel_loop3A_907 = arith.addi %parallel_loop3A_905, %parallel_loop3A_906 : i32
        %parallel_loop3A_908 = arith.constant 24576 : i32
        %parallel_loop3A_909 = tpu.memref_slice %arg5[%parallel_loop3A_908] : memref<32768xf32, #tpu.memory_space<vmem>> -> memref<2048xf32, #tpu.memory_space<vmem>>
        %parallel_loop3A_910 = tpu.vector_load_idx %parallel_loop3A_909[%parallel_loop3A_795] : memref<2048xf32, #tpu.memory_space<vmem>>[vector<16xi32>], vector<16xf32>,
        %parallel_loop3A_911 = arith.index_cast %parallel_loop3A_907 : i32 to index
        %parallel_loop3A_912 = tpu.vector_load %arg8[%parallel_loop3A_911] {strides = array<i32>} : memref<32768xf32, #tpu.memory_space<vmem>>, vector<16xf32>,
        tpu.vector_store %arg8[%parallel_loop3A_911], %parallel_loop3A_910 {strides = array<i32>} : memref<32768xf32, #tpu.memory_space<vmem>>, vector<16xf32>,
        %parallel_loop3A_913 = arith.constant 16384 : i32
        %parallel_loop3A_914 = arith.addi %parallel_loop3A_791, %parallel_loop3A_913 : i32
        %parallel_loop3A_915 = arith.constant 640 : i32
        %parallel_loop3A_916 = arith.addi %parallel_loop3A_914, %parallel_loop3A_915 : i32
        %parallel_loop3A_917 = arith.constant 26624 : i32
        %parallel_loop3A_918 = tpu.memref_slice %arg5[%parallel_loop3A_917] : memref<32768xf32, #tpu.memory_space<vmem>> -> memref<2048xf32, #tpu.memory_space<vmem>>
        %parallel_loop3A_919 = tpu.vector_load_idx %parallel_loop3A_918[%parallel_loop3A_795] : memref<2048xf32, #tpu.memory_space<vmem>>[vector<16xi32>], vector<16xf32>,
        %parallel_loop3A_920 = arith.index_cast %parallel_loop3A_916 : i32 to index
        %parallel_loop3A_921 = tpu.vector_load %arg8[%parallel_loop3A_920] {strides = array<i32>} : memref<32768xf32, #tpu.memory_space<vmem>>, vector<16xf32>,
        tpu.vector_store %arg8[%parallel_loop3A_920], %parallel_loop3A_919 {strides = array<i32>} : memref<32768xf32, #tpu.memory_space<vmem>>, vector<16xf32>,
        %parallel_loop3A_922 = arith.constant 16384 : i32
        %parallel_loop3A_923 = arith.addi %parallel_loop3A_791, %parallel_loop3A_922 : i32
        %parallel_loop3A_924 = arith.constant 768 : i32
        %parallel_loop3A_925 = arith.addi %parallel_loop3A_923, %parallel_loop3A_924 : i32
        %parallel_loop3A_926 = arith.constant 28672 : i32
        %parallel_loop3A_927 = tpu.memref_slice %arg5[%parallel_loop3A_926] : memref<32768xf32, #tpu.memory_space<vmem>> -> memref<2048xf32, #tpu.memory_space<vmem>>
        %parallel_loop3A_928 = tpu.vector_load_idx %parallel_loop3A_927[%parallel_loop3A_795] : memref<2048xf32, #tpu.memory_space<vmem>>[vector<16xi32>], vector<16xf32>,
        %parallel_loop3A_929 = arith.index_cast %parallel_loop3A_925 : i32 to index
        %parallel_loop3A_930 = tpu.vector_load %arg8[%parallel_loop3A_929] {strides = array<i32>} : memref<32768xf32, #tpu.memory_space<vmem>>, vector<16xf32>,
        tpu.vector_store %arg8[%parallel_loop3A_929], %parallel_loop3A_928 {strides = array<i32>} : memref<32768xf32, #tpu.memory_space<vmem>>, vector<16xf32>,
        %parallel_loop3A_931 = arith.constant 16384 : i32
        %parallel_loop3A_932 = arith.addi %parallel_loop3A_791, %parallel_loop3A_931 : i32
        %parallel_loop3A_933 = arith.constant 896 : i32
        %parallel_loop3A_934 = arith.addi %parallel_loop3A_932, %parallel_loop3A_933 : i32
        %parallel_loop3A_935 = arith.constant 30720 : i32
        %parallel_loop3A_936 = tpu.memref_slice %arg5[%parallel_loop3A_935] : memref<32768xf32, #tpu.memory_space<vmem>> -> memref<2048xf32, #tpu.memory_space<vmem>>
        %parallel_loop3A_937 = tpu.vector_load_idx %parallel_loop3A_936[%parallel_loop3A_795] : memref<2048xf32, #tpu.memory_space<vmem>>[vector<16xi32>], vector<16xf32>,
        %parallel_loop3A_938 = arith.index_cast %parallel_loop3A_934 : i32 to index
        %parallel_loop3A_939 = tpu.vector_load %arg8[%parallel_loop3A_938] {strides = array<i32>} : memref<32768xf32, #tpu.memory_space<vmem>>, vector<16xf32>,
        tpu.vector_store %arg8[%parallel_loop3A_938], %parallel_loop3A_937 {strides = array<i32>} : memref<32768xf32, #tpu.memory_space<vmem>>, vector<16xf32>,
      } {sc.loop_unroll_factor = 8 : i64, sc.parallel_access}
      %mul3A_358 = arith.constant 8 : i32
      %mul3A_359 = arith.muli %add3A_314, %mul3A_358 : i32
      %mul3A_360 = arith.constant 2 : i32
      %mul3A_361 = arith.muli %mul3A_360, %select_n3A_9 : i32
      %add3A_362 = arith.addi %mul3A_359, %mul3A_361 : i32
      %add3A_363 = arith.constant 0 : i32
      %add3A_364 = arith.addi %add3A_362, %add3A_363 : i32
      %mul3A_365 = arith.constant 128 : i32
      %mul3A_366 = arith.muli %add3A_364, %mul3A_365 : i32
      %mul3A_367 = arith.constant 16 : i32
      %mul3A_368 = arith.muli %mul3A_367, %select_n3A_30 : i32
      %add3A_369 = arith.addi %mul3A_366, %mul3A_368 : i32
      %mul3A_370 = arith.constant 1024 : i32
      %mul3A_371 = arith.muli %add3A_369, %mul3A_370 : i32
      %mul3A_372 = arith.constant 8 : i32
      %mul3A_373 = arith.muli %add3A_314, %mul3A_372 : i32
      %mul3A_374 = arith.constant 2 : i32
      %mul3A_375 = arith.muli %mul3A_374, %select_n3A_9 : i32
      %add3A_376 = arith.addi %mul3A_373, %mul3A_375 : i32
      %add3A_377 = arith.constant 1 : i32
      %add3A_378 = arith.addi %add3A_376, %add3A_377 : i32
      %mul3A_379 = arith.constant 128 : i32
      %mul3A_380 = arith.muli %add3A_378, %mul3A_379 : i32
      %mul3A_381 = arith.constant 16 : i32
      %mul3A_382 = arith.muli %mul3A_381, %select_n3A_30 : i32
      %add3A_383 = arith.addi %mul3A_380, %mul3A_382 : i32
      %mul3A_384 = arith.constant 1024 : i32
      %mul3A_385 = arith.muli %add3A_383, %mul3A_384 : i32
      %dma_start3A_386 = arith.constant 0 : i32
      %dma_start3A_387 = tpu.memref_slice %arg8[%dma_start3A_386] : memref<32768xf32, #tpu.memory_space<vmem>> -> memref<16384xf32, #tpu.memory_space<vmem>>
      %dma_start3A_388 = tpu.memref_slice %arg4[%mul3A_371] : memref<209715200xf32, #tpu.memory_space<hbm>> -> memref<16384xf32, #tpu.memory_space<hbm>>
      %dma_start3A_389 = tpu.memref_slice %arg4[%mul3A_371] : memref<209715200xf32, #tpu.memory_space<hbm>> -> memref<16384xf32, #tpu.memory_space<hbm>>
      %dma_start3A_390 = arith.constant 0 : i32
      %dma_start3A_391 = tpu.memref_slice %arg8[%dma_start3A_390] : memref<32768xf32, #tpu.memory_space<vmem>> -> memref<16384xf32, #tpu.memory_space<vmem>>
      tpu.enqueue_dma source(%dma_start3A_391 : memref<16384xf32, #tpu.memory_space<vmem>>) target(%dma_start3A_389 : memref<16384xf32, #tpu.memory_space<hbm>>) target_semaphore(%arg10 : memref<!tpu.dma_semaphore, #tpu.memory_space<semaphore_mem>>)
      %dma_start3A_392 = arith.constant 16384 : i32
      %dma_start3A_393 = tpu.memref_slice %arg8[%dma_start3A_392] : memref<32768xf32, #tpu.memory_space<vmem>> -> memref<16384xf32, #tpu.memory_space<vmem>>
      %dma_start3A_394 = tpu.memref_slice %arg4[%mul3A_385] : memref<209715200xf32, #tpu.memory_space<hbm>> -> memref<16384xf32, #tpu.memory_space<hbm>>
      %dma_start3A_395 = tpu.memref_slice %arg4[%mul3A_385] : memref<209715200xf32, #tpu.memory_space<hbm>> -> memref<16384xf32, #tpu.memory_space<hbm>>
      %dma_start3A_396 = arith.constant 16384 : i32
      %dma_start3A_397 = tpu.memref_slice %arg8[%dma_start3A_396] : memref<32768xf32, #tpu.memory_space<vmem>> -> memref<16384xf32, #tpu.memory_space<vmem>>
      tpu.enqueue_dma source(%dma_start3A_397 : memref<16384xf32, #tpu.memory_space<vmem>>) target(%dma_start3A_395 : memref<16384xf32, #tpu.memory_space<hbm>>) target_semaphore(%arg10 : memref<!tpu.dma_semaphore, #tpu.memory_space<semaphore_mem>>)
      %mul3A_398 = arith.constant 8 : i32
      %mul3A_399 = arith.muli %scan3A_117, %mul3A_398 : i32
      %add3A_400 = arith.constant 4 : i32
      %add3A_401 = arith.addi %mul3A_399, %add3A_400 : i32
      %mul3A_402 = arith.constant 8 : i32
      %mul3A_403 = arith.muli %add3A_401, %mul3A_402 : i32
      %mul3A_404 = arith.constant 2 : i32
      %mul3A_405 = arith.muli %mul3A_404, %select_n3A_9 : i32
      %add3A_406 = arith.addi %mul3A_403, %mul3A_405 : i32
      %add3A_407 = arith.constant 0 : i32
      %add3A_408 = arith.addi %add3A_406, %add3A_407 : i32
      %mul3A_409 = arith.constant 128 : i32
      %mul3A_410 = arith.muli %add3A_408, %mul3A_409 : i32
      %mul3A_411 = arith.constant 16 : i32
      %mul3A_412 = arith.muli %mul3A_411, %select_n3A_30 : i32
      %add3A_413 = arith.addi %mul3A_410, %mul3A_412 : i32
      %mul3A_414 = arith.constant 1024 : i32
      %mul3A_415 = arith.muli %add3A_413, %mul3A_414 : i32
      %mul3A_416 = arith.constant 8 : i32
      %mul3A_417 = arith.muli %add3A_401, %mul3A_416 : i32
      %mul3A_418 = arith.constant 2 : i32
      %mul3A_419 = arith.muli %mul3A_418, %select_n3A_9 : i32
      %add3A_420 = arith.addi %mul3A_417, %mul3A_419 : i32
      %add3A_421 = arith.constant 1 : i32
      %add3A_422 = arith.addi %add3A_420, %add3A_421 : i32
      %mul3A_423 = arith.constant 128 : i32
      %mul3A_424 = arith.muli %add3A_422, %mul3A_423 : i32
      %mul3A_425 = arith.constant 16 : i32
      %mul3A_426 = arith.muli %mul3A_425, %select_n3A_30 : i32
      %add3A_427 = arith.addi %mul3A_424, %mul3A_426 : i32
      %mul3A_428 = arith.constant 1024 : i32
      %mul3A_429 = arith.muli %add3A_427, %mul3A_428 : i32
      %dma_wait3A_430 = arith.constant 0 : i32
      %dma_wait3A_431 = tpu.memref_slice %arg7[%dma_wait3A_430] : memref<32768xf32, #tpu.memory_space<vmem>> -> memref<16384xf32, #tpu.memory_space<vmem>>
      %dma_wait3A_432 = tpu.memref_slice %arg4[%mul3A_415] : memref<209715200xf32, #tpu.memory_space<hbm>> -> memref<16384xf32, #tpu.memory_space<hbm>>
      %dma_wait3A_433 = tpu.memref_slice %arg4[%mul3A_415] : memref<209715200xf32, #tpu.memory_space<hbm>> -> memref<16384xf32, #tpu.memory_space<hbm>>
      %dma_wait3A_434 = arith.constant 0 : i32
      %dma_wait3A_435 = tpu.memref_slice %arg7[%dma_wait3A_434] : memref<32768xf32, #tpu.memory_space<vmem>> -> memref<16384xf32, #tpu.memory_space<vmem>>
      tpu.wait_dma2 semaphore(%arg9 : memref<!tpu.dma_semaphore, #tpu.memory_space<semaphore_mem>>) src(%dma_wait3A_435 : memref<16384xf32, #tpu.memory_space<vmem>>) dst(%dma_wait3A_433 : memref<16384xf32, #tpu.memory_space<hbm>>)
      %dma_wait3A_436 = arith.constant 16384 : i32
      %dma_wait3A_437 = tpu.memref_slice %arg7[%dma_wait3A_436] : memref<32768xf32, #tpu.memory_space<vmem>> -> memref<16384xf32, #tpu.memory_space<vmem>>
      %dma_wait3A_438 = tpu.memref_slice %arg4[%mul3A_429] : memref<209715200xf32, #tpu.memory_space<hbm>> -> memref<16384xf32, #tpu.memory_space<hbm>>
      %dma_wait3A_439 = tpu.memref_slice %arg4[%mul3A_429] : memref<209715200xf32, #tpu.memory_space<hbm>> -> memref<16384xf32, #tpu.memory_space<hbm>>
      %dma_wait3A_440 = arith.constant 16384 : i32
      %dma_wait3A_441 = tpu.memref_slice %arg7[%dma_wait3A_440] : memref<32768xf32, #tpu.memory_space<vmem>> -> memref<16384xf32, #tpu.memory_space<vmem>>
      tpu.wait_dma2 semaphore(%arg9 : memref<!tpu.dma_semaphore, #tpu.memory_space<semaphore_mem>>) src(%dma_wait3A_441 : memref<16384xf32, #tpu.memory_space<vmem>>) dst(%dma_wait3A_439 : memref<16384xf32, #tpu.memory_space<hbm>>)
      %parallel_loop3A_442 = arith.constant 0 : i32
      %parallel_loop3A_443 = arith.constant 128 : i32
      %parallel_loop3A_444 = arith.constant 1 : i32
      scf.for %parallel_loop3A_746 = %parallel_loop3A_442 to %parallel_loop3A_443 step %parallel_loop3A_444  : i32 {
        %parallel_loop3A_747 = arith.constant 8 : i32
        %parallel_loop3A_748 = arith.divsi %parallel_loop3A_746, %parallel_loop3A_747 : i32
        %parallel_loop3A_749 = arith.constant 0 : i32
        %parallel_loop3A_750 = arith.cmpi sgt, %parallel_loop3A_746, %parallel_loop3A_749 : i32
        %parallel_loop3A_751 = arith.extui %parallel_loop3A_750 : i1 to i32
        %parallel_loop3A_752 = arith.constant 0 : i32
        %parallel_loop3A_753 = arith.cmpi slt, %parallel_loop3A_746, %parallel_loop3A_752 : i32
        %parallel_loop3A_754 = arith.extui %parallel_loop3A_753 : i1 to i32
        %parallel_loop3A_755 = arith.subi %parallel_loop3A_751, %parallel_loop3A_754 : i32
        %parallel_loop3A_756 = arith.constant 0 : i32
        %parallel_loop3A_757 = arith.cmpi sgt, %parallel_loop3A_747, %parallel_loop3A_756 : i32
        %parallel_loop3A_758 = arith.extui %parallel_loop3A_757 : i1 to i32
        %parallel_loop3A_759 = arith.constant 0 : i32
        %parallel_loop3A_760 = arith.cmpi slt, %parallel_loop3A_747, %parallel_loop3A_759 : i32
        %parallel_loop3A_761 = arith.extui %parallel_loop3A_760 : i1 to i32
        %parallel_loop3A_762 = arith.subi %parallel_loop3A_758, %parallel_loop3A_761 : i32
        %parallel_loop3A_763 = arith.cmpi ne, %parallel_loop3A_755, %parallel_loop3A_762 : i32
        %parallel_loop3A_764 = arith.remsi %parallel_loop3A_746, %parallel_loop3A_747 : i32
        %parallel_loop3A_765 = arith.constant 0 : i32
        %parallel_loop3A_766 = arith.cmpi ne, %parallel_loop3A_764, %parallel_loop3A_765 : i32
        %parallel_loop3A_767 = arith.andi %parallel_loop3A_763, %parallel_loop3A_766 : i1
        %parallel_loop3A_768 = arith.constant 1 : i32
        %parallel_loop3A_769 = arith.subi %parallel_loop3A_748, %parallel_loop3A_768 : i32
        %parallel_loop3A_770 = arith.select %parallel_loop3A_767, %parallel_loop3A_769, %parallel_loop3A_748 : i32
        %parallel_loop3A_771 = arith.constant 1024 : i32
        %parallel_loop3A_772 = arith.muli %parallel_loop3A_770, %parallel_loop3A_771 : i32
        %parallel_loop3A_773 = arith.constant 8 : i32
        %parallel_loop3A_774 = arith.constant 0 : i32
        %parallel_loop3A_775 = arith.cmpi eq, %parallel_loop3A_773, %parallel_loop3A_774 : i32
        %parallel_loop3A_776 = arith.constant 1 : i32
        %parallel_loop3A_777 = arith.select %parallel_loop3A_775, %parallel_loop3A_776, %parallel_loop3A_773 : i32
        %parallel_loop3A_778 = arith.remsi %parallel_loop3A_746, %parallel_loop3A_777 : i32
        %parallel_loop3A_779 = arith.constant 0 : i32
        %parallel_loop3A_780 = arith.cmpi ne, %parallel_loop3A_778, %parallel_loop3A_779 : i32
        %parallel_loop3A_781 = arith.constant 0 : i32
        %parallel_loop3A_782 = arith.cmpi slt, %parallel_loop3A_778, %parallel_loop3A_781 : i32
        %parallel_loop3A_783 = arith.constant 0 : i32
        %parallel_loop3A_784 = arith.cmpi slt, %parallel_loop3A_777, %parallel_loop3A_783 : i32
        %parallel_loop3A_785 = arith.xori %parallel_loop3A_782, %parallel_loop3A_784 : i1
        %parallel_loop3A_786 = arith.andi %parallel_loop3A_785, %parallel_loop3A_780 : i1
        %parallel_loop3A_787 = arith.addi %parallel_loop3A_778, %parallel_loop3A_777 : i32
        %parallel_loop3A_788 = arith.select %parallel_loop3A_786, %parallel_loop3A_787, %parallel_loop3A_778 : i32
        %parallel_loop3A_789 = arith.constant 16 : i32
        %parallel_loop3A_790 = arith.muli %parallel_loop3A_788, %parallel_loop3A_789 : i32
        %parallel_loop3A_791 = arith.addi %parallel_loop3A_772, %parallel_loop3A_790 : i32
        %parallel_loop3A_792 = arith.constant 512 : i32
        %parallel_loop3A_793 = arith.addi %parallel_loop3A_791, %parallel_loop3A_792 : i32
        %parallel_loop3A_794 = arith.index_cast %parallel_loop3A_793 : i32 to index
        %parallel_loop3A_795 = tpu.vector_load %arg6[%parallel_loop3A_794] {strides = array<i32>} : memref<16384xi32, #tpu.memory_space<vmem>>, vector<16xi32>,
        %parallel_loop3A_796 = arith.constant 0 : i32
        %parallel_loop3A_797 = arith.addi %parallel_loop3A_791, %parallel_loop3A_796 : i32
        %parallel_loop3A_798 = arith.constant 0 : i32
        %parallel_loop3A_799 = arith.addi %parallel_loop3A_797, %parallel_loop3A_798 : i32
        %parallel_loop3A_800 = arith.constant 0 : i32
        %parallel_loop3A_801 = tpu.memref_slice %arg5[%parallel_loop3A_800] : memref<32768xf32, #tpu.memory_space<vmem>> -> memref<2048xf32, #tpu.memory_space<vmem>>
        %parallel_loop3A_802 = tpu.vector_load_idx %parallel_loop3A_801[%parallel_loop3A_795] : memref<2048xf32, #tpu.memory_space<vmem>>[vector<16xi32>], vector<16xf32>,
        %parallel_loop3A_803 = arith.index_cast %parallel_loop3A_799 : i32 to index
        %parallel_loop3A_804 = tpu.vector_load %arg7[%parallel_loop3A_803] {strides = array<i32>} : memref<32768xf32, #tpu.memory_space<vmem>>, vector<16xf32>,
        tpu.vector_store %arg7[%parallel_loop3A_803], %parallel_loop3A_802 {strides = array<i32>} : memref<32768xf32, #tpu.memory_space<vmem>>, vector<16xf32>,
        %parallel_loop3A_805 = arith.constant 0 : i32
        %parallel_loop3A_806 = arith.addi %parallel_loop3A_791, %parallel_loop3A_805 : i32
        %parallel_loop3A_807 = arith.constant 128 : i32
        %parallel_loop3A_808 = arith.addi %parallel_loop3A_806, %parallel_loop3A_807 : i32
        %parallel_loop3A_809 = arith.constant 2048 : i32
        %parallel_loop3A_810 = tpu.memref_slice %arg5[%parallel_loop3A_809] : memref<32768xf32, #tpu.memory_space<vmem>> -> memref<2048xf32, #tpu.memory_space<vmem>>
        %parallel_loop3A_811 = tpu.vector_load_idx %parallel_loop3A_810[%parallel_loop3A_795] : memref<2048xf32, #tpu.memory_space<vmem>>[vector<16xi32>], vector<16xf32>,
        %parallel_loop3A_812 = arith.index_cast %parallel_loop3A_808 : i32 to index
        %parallel_loop3A_813 = tpu.vector_load %arg7[%parallel_loop3A_812] {strides = array<i32>} : memref<32768xf32, #tpu.memory_space<vmem>>, vector<16xf32>,
        tpu.vector_store %arg7[%parallel_loop3A_812], %parallel_loop3A_811 {strides = array<i32>} : memref<32768xf32, #tpu.memory_space<vmem>>, vector<16xf32>,
        %parallel_loop3A_814 = arith.constant 0 : i32
        %parallel_loop3A_815 = arith.addi %parallel_loop3A_791, %parallel_loop3A_814 : i32
        %parallel_loop3A_816 = arith.constant 256 : i32
        %parallel_loop3A_817 = arith.addi %parallel_loop3A_815, %parallel_loop3A_816 : i32
        %parallel_loop3A_818 = arith.constant 4096 : i32
        %parallel_loop3A_819 = tpu.memref_slice %arg5[%parallel_loop3A_818] : memref<32768xf32, #tpu.memory_space<vmem>> -> memref<2048xf32, #tpu.memory_space<vmem>>
        %parallel_loop3A_820 = tpu.vector_load_idx %parallel_loop3A_819[%parallel_loop3A_795] : memref<2048xf32, #tpu.memory_space<vmem>>[vector<16xi32>], vector<16xf32>,
        %parallel_loop3A_821 = arith.index_cast %parallel_loop3A_817 : i32 to index
        %parallel_loop3A_822 = tpu.vector_load %arg7[%parallel_loop3A_821] {strides = array<i32>} : memref<32768xf32, #tpu.memory_space<vmem>>, vector<16xf32>,
        tpu.vector_store %arg7[%parallel_loop3A_821], %parallel_loop3A_820 {strides = array<i32>} : memref<32768xf32, #tpu.memory_space<vmem>>, vector<16xf32>,
        %parallel_loop3A_823 = arith.constant 0 : i32
        %parallel_loop3A_824 = arith.addi %parallel_loop3A_791, %parallel_loop3A_823 : i32
        %parallel_loop3A_825 = arith.constant 384 : i32
        %parallel_loop3A_826 = arith.addi %parallel_loop3A_824, %parallel_loop3A_825 : i32
        %parallel_loop3A_827 = arith.constant 6144 : i32
        %parallel_loop3A_828 = tpu.memref_slice %arg5[%parallel_loop3A_827] : memref<32768xf32, #tpu.memory_space<vmem>> -> memref<2048xf32, #tpu.memory_space<vmem>>
        %parallel_loop3A_829 = tpu.vector_load_idx %parallel_loop3A_828[%parallel_loop3A_795] : memref<2048xf32, #tpu.memory_space<vmem>>[vector<16xi32>], vector<16xf32>,
        %parallel_loop3A_830 = arith.index_cast %parallel_loop3A_826 : i32 to index
        %parallel_loop3A_831 = tpu.vector_load %arg7[%parallel_loop3A_830] {strides = array<i32>} : memref<32768xf32, #tpu.memory_space<vmem>>, vector<16xf32>,
        tpu.vector_store %arg7[%parallel_loop3A_830], %parallel_loop3A_829 {strides = array<i32>} : memref<32768xf32, #tpu.memory_space<vmem>>, vector<16xf32>,
        %parallel_loop3A_832 = arith.constant 0 : i32
        %parallel_loop3A_833 = arith.addi %parallel_loop3A_791, %parallel_loop3A_832 : i32
        %parallel_loop3A_834 = arith.constant 512 : i32
        %parallel_loop3A_835 = arith.addi %parallel_loop3A_833, %parallel_loop3A_834 : i32
        %parallel_loop3A_836 = arith.constant 8192 : i32
        %parallel_loop3A_837 = tpu.memref_slice %arg5[%parallel_loop3A_836] : memref<32768xf32, #tpu.memory_space<vmem>> -> memref<2048xf32, #tpu.memory_space<vmem>>
        %parallel_loop3A_838 = tpu.vector_load_idx %parallel_loop3A_837[%parallel_loop3A_795] : memref<2048xf32, #tpu.memory_space<vmem>>[vector<16xi32>], vector<16xf32>,
        %parallel_loop3A_839 = arith.index_cast %parallel_loop3A_835 : i32 to index
        %parallel_loop3A_840 = tpu.vector_load %arg7[%parallel_loop3A_839] {strides = array<i32>} : memref<32768xf32, #tpu.memory_space<vmem>>, vector<16xf32>,
        tpu.vector_store %arg7[%parallel_loop3A_839], %parallel_loop3A_838 {strides = array<i32>} : memref<32768xf32, #tpu.memory_space<vmem>>, vector<16xf32>,
        %parallel_loop3A_841 = arith.constant 0 : i32
        %parallel_loop3A_842 = arith.addi %parallel_loop3A_791, %parallel_loop3A_841 : i32
        %parallel_loop3A_843 = arith.constant 640 : i32
        %parallel_loop3A_844 = arith.addi %parallel_loop3A_842, %parallel_loop3A_843 : i32
        %parallel_loop3A_845 = arith.constant 10240 : i32
        %parallel_loop3A_846 = tpu.memref_slice %arg5[%parallel_loop3A_845] : memref<32768xf32, #tpu.memory_space<vmem>> -> memref<2048xf32, #tpu.memory_space<vmem>>
        %parallel_loop3A_847 = tpu.vector_load_idx %parallel_loop3A_846[%parallel_loop3A_795] : memref<2048xf32, #tpu.memory_space<vmem>>[vector<16xi32>], vector<16xf32>,
        %parallel_loop3A_848 = arith.index_cast %parallel_loop3A_844 : i32 to index
        %parallel_loop3A_849 = tpu.vector_load %arg7[%parallel_loop3A_848] {strides = array<i32>} : memref<32768xf32, #tpu.memory_space<vmem>>, vector<16xf32>,
        tpu.vector_store %arg7[%parallel_loop3A_848], %parallel_loop3A_847 {strides = array<i32>} : memref<32768xf32, #tpu.memory_space<vmem>>, vector<16xf32>,
        %parallel_loop3A_850 = arith.constant 0 : i32
        %parallel_loop3A_851 = arith.addi %parallel_loop3A_791, %parallel_loop3A_850 : i32
        %parallel_loop3A_852 = arith.constant 768 : i32
        %parallel_loop3A_853 = arith.addi %parallel_loop3A_851, %parallel_loop3A_852 : i32
        %parallel_loop3A_854 = arith.constant 12288 : i32
        %parallel_loop3A_855 = tpu.memref_slice %arg5[%parallel_loop3A_854] : memref<32768xf32, #tpu.memory_space<vmem>> -> memref<2048xf32, #tpu.memory_space<vmem>>
        %parallel_loop3A_856 = tpu.vector_load_idx %parallel_loop3A_855[%parallel_loop3A_795] : memref<2048xf32, #tpu.memory_space<vmem>>[vector<16xi32>], vector<16xf32>,
        %parallel_loop3A_857 = arith.index_cast %parallel_loop3A_853 : i32 to index
        %parallel_loop3A_858 = tpu.vector_load %arg7[%parallel_loop3A_857] {strides = array<i32>} : memref<32768xf32, #tpu.memory_space<vmem>>, vector<16xf32>,
        tpu.vector_store %arg7[%parallel_loop3A_857], %parallel_loop3A_856 {strides = array<i32>} : memref<32768xf32, #tpu.memory_space<vmem>>, vector<16xf32>,
        %parallel_loop3A_859 = arith.constant 0 : i32
        %parallel_loop3A_860 = arith.addi %parallel_loop3A_791, %parallel_loop3A_859 : i32
        %parallel_loop3A_861 = arith.constant 896 : i32
        %parallel_loop3A_862 = arith.addi %parallel_loop3A_860, %parallel_loop3A_861 : i32
        %parallel_loop3A_863 = arith.constant 14336 : i32
        %parallel_loop3A_864 = tpu.memref_slice %arg5[%parallel_loop3A_863] : memref<32768xf32, #tpu.memory_space<vmem>> -> memref<2048xf32, #tpu.memory_space<vmem>>
        %parallel_loop3A_865 = tpu.vector_load_idx %parallel_loop3A_864[%parallel_loop3A_795] : memref<2048xf32, #tpu.memory_space<vmem>>[vector<16xi32>], vector<16xf32>,
        %parallel_loop3A_866 = arith.index_cast %parallel_loop3A_862 : i32 to index
        %parallel_loop3A_867 = tpu.vector_load %arg7[%parallel_loop3A_866] {strides = array<i32>} : memref<32768xf32, #tpu.memory_space<vmem>>, vector<16xf32>,
        tpu.vector_store %arg7[%parallel_loop3A_866], %parallel_loop3A_865 {strides = array<i32>} : memref<32768xf32, #tpu.memory_space<vmem>>, vector<16xf32>,
        %parallel_loop3A_868 = arith.constant 16384 : i32
        %parallel_loop3A_869 = arith.addi %parallel_loop3A_791, %parallel_loop3A_868 : i32
        %parallel_loop3A_870 = arith.constant 0 : i32
        %parallel_loop3A_871 = arith.addi %parallel_loop3A_869, %parallel_loop3A_870 : i32
        %parallel_loop3A_872 = arith.constant 16384 : i32
        %parallel_loop3A_873 = tpu.memref_slice %arg5[%parallel_loop3A_872] : memref<32768xf32, #tpu.memory_space<vmem>> -> memref<2048xf32, #tpu.memory_space<vmem>>
        %parallel_loop3A_874 = tpu.vector_load_idx %parallel_loop3A_873[%parallel_loop3A_795] : memref<2048xf32, #tpu.memory_space<vmem>>[vector<16xi32>], vector<16xf32>,
        %parallel_loop3A_875 = arith.index_cast %parallel_loop3A_871 : i32 to index
        %parallel_loop3A_876 = tpu.vector_load %arg7[%parallel_loop3A_875] {strides = array<i32>} : memref<32768xf32, #tpu.memory_space<vmem>>, vector<16xf32>,
        tpu.vector_store %arg7[%parallel_loop3A_875], %parallel_loop3A_874 {strides = array<i32>} : memref<32768xf32, #tpu.memory_space<vmem>>, vector<16xf32>,
        %parallel_loop3A_877 = arith.constant 16384 : i32
        %parallel_loop3A_878 = arith.addi %parallel_loop3A_791, %parallel_loop3A_877 : i32
        %parallel_loop3A_879 = arith.constant 128 : i32
        %parallel_loop3A_880 = arith.addi %parallel_loop3A_878, %parallel_loop3A_879 : i32
        %parallel_loop3A_881 = arith.constant 18432 : i32
        %parallel_loop3A_882 = tpu.memref_slice %arg5[%parallel_loop3A_881] : memref<32768xf32, #tpu.memory_space<vmem>> -> memref<2048xf32, #tpu.memory_space<vmem>>
        %parallel_loop3A_883 = tpu.vector_load_idx %parallel_loop3A_882[%parallel_loop3A_795] : memref<2048xf32, #tpu.memory_space<vmem>>[vector<16xi32>], vector<16xf32>,
        %parallel_loop3A_884 = arith.index_cast %parallel_loop3A_880 : i32 to index
        %parallel_loop3A_885 = tpu.vector_load %arg7[%parallel_loop3A_884] {strides = array<i32>} : memref<32768xf32, #tpu.memory_space<vmem>>, vector<16xf32>,
        tpu.vector_store %arg7[%parallel_loop3A_884], %parallel_loop3A_883 {strides = array<i32>} : memref<32768xf32, #tpu.memory_space<vmem>>, vector<16xf32>,
        %parallel_loop3A_886 = arith.constant 16384 : i32
        %parallel_loop3A_887 = arith.addi %parallel_loop3A_791, %parallel_loop3A_886 : i32
        %parallel_loop3A_888 = arith.constant 256 : i32
        %parallel_loop3A_889 = arith.addi %parallel_loop3A_887, %parallel_loop3A_888 : i32
        %parallel_loop3A_890 = arith.constant 20480 : i32
        %parallel_loop3A_891 = tpu.memref_slice %arg5[%parallel_loop3A_890] : memref<32768xf32, #tpu.memory_space<vmem>> -> memref<2048xf32, #tpu.memory_space<vmem>>
        %parallel_loop3A_892 = tpu.vector_load_idx %parallel_loop3A_891[%parallel_loop3A_795] : memref<2048xf32, #tpu.memory_space<vmem>>[vector<16xi32>], vector<16xf32>,
        %parallel_loop3A_893 = arith.index_cast %parallel_loop3A_889 : i32 to index
        %parallel_loop3A_894 = tpu.vector_load %arg7[%parallel_loop3A_893] {strides = array<i32>} : memref<32768xf32, #tpu.memory_space<vmem>>, vector<16xf32>,
        tpu.vector_store %arg7[%parallel_loop3A_893], %parallel_loop3A_892 {strides = array<i32>} : memref<32768xf32, #tpu.memory_space<vmem>>, vector<16xf32>,
        %parallel_loop3A_895 = arith.constant 16384 : i32
        %parallel_loop3A_896 = arith.addi %parallel_loop3A_791, %parallel_loop3A_895 : i32
        %parallel_loop3A_897 = arith.constant 384 : i32
        %parallel_loop3A_898 = arith.addi %parallel_loop3A_896, %parallel_loop3A_897 : i32
        %parallel_loop3A_899 = arith.constant 22528 : i32
        %parallel_loop3A_900 = tpu.memref_slice %arg5[%parallel_loop3A_899] : memref<32768xf32, #tpu.memory_space<vmem>> -> memref<2048xf32, #tpu.memory_space<vmem>>
        %parallel_loop3A_901 = tpu.vector_load_idx %parallel_loop3A_900[%parallel_loop3A_795] : memref<2048xf32, #tpu.memory_space<vmem>>[vector<16xi32>], vector<16xf32>,
        %parallel_loop3A_902 = arith.index_cast %parallel_loop3A_898 : i32 to index
        %parallel_loop3A_903 = tpu.vector_load %arg7[%parallel_loop3A_902] {strides = array<i32>} : memref<32768xf32, #tpu.memory_space<vmem>>, vector<16xf32>,
        tpu.vector_store %arg7[%parallel_loop3A_902], %parallel_loop3A_901 {strides = array<i32>} : memref<32768xf32, #tpu.memory_space<vmem>>, vector<16xf32>,
        %parallel_loop3A_904 = arith.constant 16384 : i32
        %parallel_loop3A_905 = arith.addi %parallel_loop3A_791, %parallel_loop3A_904 : i32
        %parallel_loop3A_906 = arith.constant 512 : i32
        %parallel_loop3A_907 = arith.addi %parallel_loop3A_905, %parallel_loop3A_906 : i32
        %parallel_loop3A_908 = arith.constant 24576 : i32
        %parallel_loop3A_909 = tpu.memref_slice %arg5[%parallel_loop3A_908] : memref<32768xf32, #tpu.memory_space<vmem>> -> memref<2048xf32, #tpu.memory_space<vmem>>
        %parallel_loop3A_910 = tpu.vector_load_idx %parallel_loop3A_909[%parallel_loop3A_795] : memref<2048xf32, #tpu.memory_space<vmem>>[vector<16xi32>], vector<16xf32>,
        %parallel_loop3A_911 = arith.index_cast %parallel_loop3A_907 : i32 to index
        %parallel_loop3A_912 = tpu.vector_load %arg7[%parallel_loop3A_911] {strides = array<i32>} : memref<32768xf32, #tpu.memory_space<vmem>>, vector<16xf32>,
        tpu.vector_store %arg7[%parallel_loop3A_911], %parallel_loop3A_910 {strides = array<i32>} : memref<32768xf32, #tpu.memory_space<vmem>>, vector<16xf32>,
        %parallel_loop3A_913 = arith.constant 16384 : i32
        %parallel_loop3A_914 = arith.addi %parallel_loop3A_791, %parallel_loop3A_913 : i32
        %parallel_loop3A_915 = arith.constant 640 : i32
        %parallel_loop3A_916 = arith.addi %parallel_loop3A_914, %parallel_loop3A_915 : i32
        %parallel_loop3A_917 = arith.constant 26624 : i32
        %parallel_loop3A_918 = tpu.memref_slice %arg5[%parallel_loop3A_917] : memref<32768xf32, #tpu.memory_space<vmem>> -> memref<2048xf32, #tpu.memory_space<vmem>>
        %parallel_loop3A_919 = tpu.vector_load_idx %parallel_loop3A_918[%parallel_loop3A_795] : memref<2048xf32, #tpu.memory_space<vmem>>[vector<16xi32>], vector<16xf32>,
        %parallel_loop3A_920 = arith.index_cast %parallel_loop3A_916 : i32 to index
        %parallel_loop3A_921 = tpu.vector_load %arg7[%parallel_loop3A_920] {strides = array<i32>} : memref<32768xf32, #tpu.memory_space<vmem>>, vector<16xf32>,
        tpu.vector_store %arg7[%parallel_loop3A_920], %parallel_loop3A_919 {strides = array<i32>} : memref<32768xf32, #tpu.memory_space<vmem>>, vector<16xf32>,
        %parallel_loop3A_922 = arith.constant 16384 : i32
        %parallel_loop3A_923 = arith.addi %parallel_loop3A_791, %parallel_loop3A_922 : i32
        %parallel_loop3A_924 = arith.constant 768 : i32
        %parallel_loop3A_925 = arith.addi %parallel_loop3A_923, %parallel_loop3A_924 : i32
        %parallel_loop3A_926 = arith.constant 28672 : i32
        %parallel_loop3A_927 = tpu.memref_slice %arg5[%parallel_loop3A_926] : memref<32768xf32, #tpu.memory_space<vmem>> -> memref<2048xf32, #tpu.memory_space<vmem>>
        %parallel_loop3A_928 = tpu.vector_load_idx %parallel_loop3A_927[%parallel_loop3A_795] : memref<2048xf32, #tpu.memory_space<vmem>>[vector<16xi32>], vector<16xf32>,
        %parallel_loop3A_929 = arith.index_cast %parallel_loop3A_925 : i32 to index
        %parallel_loop3A_930 = tpu.vector_load %arg7[%parallel_loop3A_929] {strides = array<i32>} : memref<32768xf32, #tpu.memory_space<vmem>>, vector<16xf32>,
        tpu.vector_store %arg7[%parallel_loop3A_929], %parallel_loop3A_928 {strides = array<i32>} : memref<32768xf32, #tpu.memory_space<vmem>>, vector<16xf32>,
        %parallel_loop3A_931 = arith.constant 16384 : i32
        %parallel_loop3A_932 = arith.addi %parallel_loop3A_791, %parallel_loop3A_931 : i32
        %parallel_loop3A_933 = arith.constant 896 : i32
        %parallel_loop3A_934 = arith.addi %parallel_loop3A_932, %parallel_loop3A_933 : i32
        %parallel_loop3A_935 = arith.constant 30720 : i32
        %parallel_loop3A_936 = tpu.memref_slice %arg5[%parallel_loop3A_935] : memref<32768xf32, #tpu.memory_space<vmem>> -> memref<2048xf32, #tpu.memory_space<vmem>>
        %parallel_loop3A_937 = tpu.vector_load_idx %parallel_loop3A_936[%parallel_loop3A_795] : memref<2048xf32, #tpu.memory_space<vmem>>[vector<16xi32>], vector<16xf32>,
        %parallel_loop3A_938 = arith.index_cast %parallel_loop3A_934 : i32 to index
        %parallel_loop3A_939 = tpu.vector_load %arg7[%parallel_loop3A_938] {strides = array<i32>} : memref<32768xf32, #tpu.memory_space<vmem>>, vector<16xf32>,
        tpu.vector_store %arg7[%parallel_loop3A_938], %parallel_loop3A_937 {strides = array<i32>} : memref<32768xf32, #tpu.memory_space<vmem>>, vector<16xf32>,
      } {sc.loop_unroll_factor = 8 : i64, sc.parallel_access}
      %mul3A_445 = arith.constant 8 : i32
      %mul3A_446 = arith.muli %add3A_401, %mul3A_445 : i32
      %mul3A_447 = arith.constant 2 : i32
      %mul3A_448 = arith.muli %mul3A_447, %select_n3A_9 : i32
      %add3A_449 = arith.addi %mul3A_446, %mul3A_448 : i32
      %add3A_450 = arith.constant 0 : i32
      %add3A_451 = arith.addi %add3A_449, %add3A_450 : i32
      %mul3A_452 = arith.constant 128 : i32
      %mul3A_453 = arith.muli %add3A_451, %mul3A_452 : i32
      %mul3A_454 = arith.constant 16 : i32
      %mul3A_455 = arith.muli %mul3A_454, %select_n3A_30 : i32
      %add3A_456 = arith.addi %mul3A_453, %mul3A_455 : i32
      %mul3A_457 = arith.constant 1024 : i32
      %mul3A_458 = arith.muli %add3A_456, %mul3A_457 : i32
      %mul3A_459 = arith.constant 8 : i32
      %mul3A_460 = arith.muli %add3A_401, %mul3A_459 : i32
      %mul3A_461 = arith.constant 2 : i32
      %mul3A_462 = arith.muli %mul3A_461, %select_n3A_9 : i32
      %add3A_463 = arith.addi %mul3A_460, %mul3A_462 : i32
      %add3A_464 = arith.constant 1 : i32
      %add3A_465 = arith.addi %add3A_463, %add3A_464 : i32
      %mul3A_466 = arith.constant 128 : i32
      %mul3A_467 = arith.muli %add3A_465, %mul3A_466 : i32
      %mul3A_468 = arith.constant 16 : i32
      %mul3A_469 = arith.muli %mul3A_468, %select_n3A_30 : i32
      %add3A_470 = arith.addi %mul3A_467, %mul3A_469 : i32
      %mul3A_471 = arith.constant 1024 : i32
      %mul3A_472 = arith.muli %add3A_470, %mul3A_471 : i32
      %dma_start3A_473 = arith.constant 0 : i32
      %dma_start3A_474 = tpu.memref_slice %arg7[%dma_start3A_473] : memref<32768xf32, #tpu.memory_space<vmem>> -> memref<16384xf32, #tpu.memory_space<vmem>>
      %dma_start3A_475 = tpu.memref_slice %arg4[%mul3A_458] : memref<209715200xf32, #tpu.memory_space<hbm>> -> memref<16384xf32, #tpu.memory_space<hbm>>
      %dma_start3A_476 = tpu.memref_slice %arg4[%mul3A_458] : memref<209715200xf32, #tpu.memory_space<hbm>> -> memref<16384xf32, #tpu.memory_space<hbm>>
      %dma_start3A_477 = arith.constant 0 : i32
      %dma_start3A_478 = tpu.memref_slice %arg7[%dma_start3A_477] : memref<32768xf32, #tpu.memory_space<vmem>> -> memref<16384xf32, #tpu.memory_space<vmem>>
      tpu.enqueue_dma source(%dma_start3A_478 : memref<16384xf32, #tpu.memory_space<vmem>>) target(%dma_start3A_476 : memref<16384xf32, #tpu.memory_space<hbm>>) target_semaphore(%arg9 : memref<!tpu.dma_semaphore, #tpu.memory_space<semaphore_mem>>)
      %dma_start3A_479 = arith.constant 16384 : i32
      %dma_start3A_480 = tpu.memref_slice %arg7[%dma_start3A_479] : memref<32768xf32, #tpu.memory_space<vmem>> -> memref<16384xf32, #tpu.memory_space<vmem>>
      %dma_start3A_481 = tpu.memref_slice %arg4[%mul3A_472] : memref<209715200xf32, #tpu.memory_space<hbm>> -> memref<16384xf32, #tpu.memory_space<hbm>>
      %dma_start3A_482 = tpu.memref_slice %arg4[%mul3A_472] : memref<209715200xf32, #tpu.memory_space<hbm>> -> memref<16384xf32, #tpu.memory_space<hbm>>
      %dma_start3A_483 = arith.constant 16384 : i32
      %dma_start3A_484 = tpu.memref_slice %arg7[%dma_start3A_483] : memref<32768xf32, #tpu.memory_space<vmem>> -> memref<16384xf32, #tpu.memory_space<vmem>>
      tpu.enqueue_dma source(%dma_start3A_484 : memref<16384xf32, #tpu.memory_space<vmem>>) target(%dma_start3A_482 : memref<16384xf32, #tpu.memory_space<hbm>>) target_semaphore(%arg9 : memref<!tpu.dma_semaphore, #tpu.memory_space<semaphore_mem>>)
      %mul3A_485 = arith.constant 8 : i32
      %mul3A_486 = arith.muli %scan3A_117, %mul3A_485 : i32
      %add3A_487 = arith.constant 5 : i32
      %add3A_488 = arith.addi %mul3A_486, %add3A_487 : i32
      %mul3A_489 = arith.constant 8 : i32
      %mul3A_490 = arith.muli %add3A_488, %mul3A_489 : i32
      %mul3A_491 = arith.constant 2 : i32
      %mul3A_492 = arith.muli %mul3A_491, %select_n3A_9 : i32
      %add3A_493 = arith.addi %mul3A_490, %mul3A_492 : i32
      %add3A_494 = arith.constant 0 : i32
      %add3A_495 = arith.addi %add3A_493, %add3A_494 : i32
      %mul3A_496 = arith.constant 128 : i32
      %mul3A_497 = arith.muli %add3A_495, %mul3A_496 : i32
      %mul3A_498 = arith.constant 16 : i32
      %mul3A_499 = arith.muli %mul3A_498, %select_n3A_30 : i32
      %add3A_500 = arith.addi %mul3A_497, %mul3A_499 : i32
      %mul3A_501 = arith.constant 1024 : i32
      %mul3A_502 = arith.muli %add3A_500, %mul3A_501 : i32
      %mul3A_503 = arith.constant 8 : i32
      %mul3A_504 = arith.muli %add3A_488, %mul3A_503 : i32
      %mul3A_505 = arith.constant 2 : i32
      %mul3A_506 = arith.muli %mul3A_505, %select_n3A_9 : i32
      %add3A_507 = arith.addi %mul3A_504, %mul3A_506 : i32
      %add3A_508 = arith.constant 1 : i32
      %add3A_509 = arith.addi %add3A_507, %add3A_508 : i32
      %mul3A_510 = arith.constant 128 : i32
      %mul3A_511 = arith.muli %add3A_509, %mul3A_510 : i32
      %mul3A_512 = arith.constant 16 : i32
      %mul3A_513 = arith.muli %mul3A_512, %select_n3A_30 : i32
      %add3A_514 = arith.addi %mul3A_511, %mul3A_513 : i32
      %mul3A_515 = arith.constant 1024 : i32
      %mul3A_516 = arith.muli %add3A_514, %mul3A_515 : i32
      %dma_wait3A_517 = arith.constant 0 : i32
      %dma_wait3A_518 = tpu.memref_slice %arg8[%dma_wait3A_517] : memref<32768xf32, #tpu.memory_space<vmem>> -> memref<16384xf32, #tpu.memory_space<vmem>>
      %dma_wait3A_519 = tpu.memref_slice %arg4[%mul3A_502] : memref<209715200xf32, #tpu.memory_space<hbm>> -> memref<16384xf32, #tpu.memory_space<hbm>>
      %dma_wait3A_520 = tpu.memref_slice %arg4[%mul3A_502] : memref<209715200xf32, #tpu.memory_space<hbm>> -> memref<16384xf32, #tpu.memory_space<hbm>>
      %dma_wait3A_521 = arith.constant 0 : i32
      %dma_wait3A_522 = tpu.memref_slice %arg8[%dma_wait3A_521] : memref<32768xf32, #tpu.memory_space<vmem>> -> memref<16384xf32, #tpu.memory_space<vmem>>
      tpu.wait_dma2 semaphore(%arg10 : memref<!tpu.dma_semaphore, #tpu.memory_space<semaphore_mem>>) src(%dma_wait3A_522 : memref<16384xf32, #tpu.memory_space<vmem>>) dst(%dma_wait3A_520 : memref<16384xf32, #tpu.memory_space<hbm>>)
      %dma_wait3A_523 = arith.constant 16384 : i32
      %dma_wait3A_524 = tpu.memref_slice %arg8[%dma_wait3A_523] : memref<32768xf32, #tpu.memory_space<vmem>> -> memref<16384xf32, #tpu.memory_space<vmem>>
      %dma_wait3A_525 = tpu.memref_slice %arg4[%mul3A_516] : memref<209715200xf32, #tpu.memory_space<hbm>> -> memref<16384xf32, #tpu.memory_space<hbm>>
      %dma_wait3A_526 = tpu.memref_slice %arg4[%mul3A_516] : memref<209715200xf32, #tpu.memory_space<hbm>> -> memref<16384xf32, #tpu.memory_space<hbm>>
      %dma_wait3A_527 = arith.constant 16384 : i32
      %dma_wait3A_528 = tpu.memref_slice %arg8[%dma_wait3A_527] : memref<32768xf32, #tpu.memory_space<vmem>> -> memref<16384xf32, #tpu.memory_space<vmem>>
      tpu.wait_dma2 semaphore(%arg10 : memref<!tpu.dma_semaphore, #tpu.memory_space<semaphore_mem>>) src(%dma_wait3A_528 : memref<16384xf32, #tpu.memory_space<vmem>>) dst(%dma_wait3A_526 : memref<16384xf32, #tpu.memory_space<hbm>>)
      %parallel_loop3A_529 = arith.constant 0 : i32
      %parallel_loop3A_530 = arith.constant 128 : i32
      %parallel_loop3A_531 = arith.constant 1 : i32
      scf.for %parallel_loop3A_746 = %parallel_loop3A_529 to %parallel_loop3A_530 step %parallel_loop3A_531  : i32 {
        %parallel_loop3A_747 = arith.constant 8 : i32
        %parallel_loop3A_748 = arith.divsi %parallel_loop3A_746, %parallel_loop3A_747 : i32
        %parallel_loop3A_749 = arith.constant 0 : i32
        %parallel_loop3A_750 = arith.cmpi sgt, %parallel_loop3A_746, %parallel_loop3A_749 : i32
        %parallel_loop3A_751 = arith.extui %parallel_loop3A_750 : i1 to i32
        %parallel_loop3A_752 = arith.constant 0 : i32
        %parallel_loop3A_753 = arith.cmpi slt, %parallel_loop3A_746, %parallel_loop3A_752 : i32
        %parallel_loop3A_754 = arith.extui %parallel_loop3A_753 : i1 to i32
        %parallel_loop3A_755 = arith.subi %parallel_loop3A_751, %parallel_loop3A_754 : i32
        %parallel_loop3A_756 = arith.constant 0 : i32
        %parallel_loop3A_757 = arith.cmpi sgt, %parallel_loop3A_747, %parallel_loop3A_756 : i32
        %parallel_loop3A_758 = arith.extui %parallel_loop3A_757 : i1 to i32
        %parallel_loop3A_759 = arith.constant 0 : i32
        %parallel_loop3A_760 = arith.cmpi slt, %parallel_loop3A_747, %parallel_loop3A_759 : i32
        %parallel_loop3A_761 = arith.extui %parallel_loop3A_760 : i1 to i32
        %parallel_loop3A_762 = arith.subi %parallel_loop3A_758, %parallel_loop3A_761 : i32
        %parallel_loop3A_763 = arith.cmpi ne, %parallel_loop3A_755, %parallel_loop3A_762 : i32
        %parallel_loop3A_764 = arith.remsi %parallel_loop3A_746, %parallel_loop3A_747 : i32
        %parallel_loop3A_765 = arith.constant 0 : i32
        %parallel_loop3A_766 = arith.cmpi ne, %parallel_loop3A_764, %parallel_loop3A_765 : i32
        %parallel_loop3A_767 = arith.andi %parallel_loop3A_763, %parallel_loop3A_766 : i1
        %parallel_loop3A_768 = arith.constant 1 : i32
        %parallel_loop3A_769 = arith.subi %parallel_loop3A_748, %parallel_loop3A_768 : i32
        %parallel_loop3A_770 = arith.select %parallel_loop3A_767, %parallel_loop3A_769, %parallel_loop3A_748 : i32
        %parallel_loop3A_771 = arith.constant 1024 : i32
        %parallel_loop3A_772 = arith.muli %parallel_loop3A_770, %parallel_loop3A_771 : i32
        %parallel_loop3A_773 = arith.constant 8 : i32
        %parallel_loop3A_774 = arith.constant 0 : i32
        %parallel_loop3A_775 = arith.cmpi eq, %parallel_loop3A_773, %parallel_loop3A_774 : i32
        %parallel_loop3A_776 = arith.constant 1 : i32
        %parallel_loop3A_777 = arith.select %parallel_loop3A_775, %parallel_loop3A_776, %parallel_loop3A_773 : i32
        %parallel_loop3A_778 = arith.remsi %parallel_loop3A_746, %parallel_loop3A_777 : i32
        %parallel_loop3A_779 = arith.constant 0 : i32
        %parallel_loop3A_780 = arith.cmpi ne, %parallel_loop3A_778, %parallel_loop3A_779 : i32
        %parallel_loop3A_781 = arith.constant 0 : i32
        %parallel_loop3A_782 = arith.cmpi slt, %parallel_loop3A_778, %parallel_loop3A_781 : i32
        %parallel_loop3A_783 = arith.constant 0 : i32
        %parallel_loop3A_784 = arith.cmpi slt, %parallel_loop3A_777, %parallel_loop3A_783 : i32
        %parallel_loop3A_785 = arith.xori %parallel_loop3A_782, %parallel_loop3A_784 : i1
        %parallel_loop3A_786 = arith.andi %parallel_loop3A_785, %parallel_loop3A_780 : i1
        %parallel_loop3A_787 = arith.addi %parallel_loop3A_778, %parallel_loop3A_777 : i32
        %parallel_loop3A_788 = arith.select %parallel_loop3A_786, %parallel_loop3A_787, %parallel_loop3A_778 : i32
        %parallel_loop3A_789 = arith.constant 16 : i32
        %parallel_loop3A_790 = arith.muli %parallel_loop3A_788, %parallel_loop3A_789 : i32
        %parallel_loop3A_791 = arith.addi %parallel_loop3A_772, %parallel_loop3A_790 : i32
        %parallel_loop3A_792 = arith.constant 640 : i32
        %parallel_loop3A_793 = arith.addi %parallel_loop3A_791, %parallel_loop3A_792 : i32
        %parallel_loop3A_794 = arith.index_cast %parallel_loop3A_793 : i32 to index
        %parallel_loop3A_795 = tpu.vector_load %arg6[%parallel_loop3A_794] {strides = array<i32>} : memref<16384xi32, #tpu.memory_space<vmem>>, vector<16xi32>,
        %parallel_loop3A_796 = arith.constant 0 : i32
        %parallel_loop3A_797 = arith.addi %parallel_loop3A_791, %parallel_loop3A_796 : i32
        %parallel_loop3A_798 = arith.constant 0 : i32
        %parallel_loop3A_799 = arith.addi %parallel_loop3A_797, %parallel_loop3A_798 : i32
        %parallel_loop3A_800 = arith.constant 0 : i32
        %parallel_loop3A_801 = tpu.memref_slice %arg5[%parallel_loop3A_800] : memref<32768xf32, #tpu.memory_space<vmem>> -> memref<2048xf32, #tpu.memory_space<vmem>>
        %parallel_loop3A_802 = tpu.vector_load_idx %parallel_loop3A_801[%parallel_loop3A_795] : memref<2048xf32, #tpu.memory_space<vmem>>[vector<16xi32>], vector<16xf32>,
        %parallel_loop3A_803 = arith.index_cast %parallel_loop3A_799 : i32 to index
        %parallel_loop3A_804 = tpu.vector_load %arg8[%parallel_loop3A_803] {strides = array<i32>} : memref<32768xf32, #tpu.memory_space<vmem>>, vector<16xf32>,
        tpu.vector_store %arg8[%parallel_loop3A_803], %parallel_loop3A_802 {strides = array<i32>} : memref<32768xf32, #tpu.memory_space<vmem>>, vector<16xf32>,
        %parallel_loop3A_805 = arith.constant 0 : i32
        %parallel_loop3A_806 = arith.addi %parallel_loop3A_791, %parallel_loop3A_805 : i32
        %parallel_loop3A_807 = arith.constant 128 : i32
        %parallel_loop3A_808 = arith.addi %parallel_loop3A_806, %parallel_loop3A_807 : i32
        %parallel_loop3A_809 = arith.constant 2048 : i32
        %parallel_loop3A_810 = tpu.memref_slice %arg5[%parallel_loop3A_809] : memref<32768xf32, #tpu.memory_space<vmem>> -> memref<2048xf32, #tpu.memory_space<vmem>>
        %parallel_loop3A_811 = tpu.vector_load_idx %parallel_loop3A_810[%parallel_loop3A_795] : memref<2048xf32, #tpu.memory_space<vmem>>[vector<16xi32>], vector<16xf32>,
        %parallel_loop3A_812 = arith.index_cast %parallel_loop3A_808 : i32 to index
        %parallel_loop3A_813 = tpu.vector_load %arg8[%parallel_loop3A_812] {strides = array<i32>} : memref<32768xf32, #tpu.memory_space<vmem>>, vector<16xf32>,
        tpu.vector_store %arg8[%parallel_loop3A_812], %parallel_loop3A_811 {strides = array<i32>} : memref<32768xf32, #tpu.memory_space<vmem>>, vector<16xf32>,
        %parallel_loop3A_814 = arith.constant 0 : i32
        %parallel_loop3A_815 = arith.addi %parallel_loop3A_791, %parallel_loop3A_814 : i32
        %parallel_loop3A_816 = arith.constant 256 : i32
        %parallel_loop3A_817 = arith.addi %parallel_loop3A_815, %parallel_loop3A_816 : i32
        %parallel_loop3A_818 = arith.constant 4096 : i32
        %parallel_loop3A_819 = tpu.memref_slice %arg5[%parallel_loop3A_818] : memref<32768xf32, #tpu.memory_space<vmem>> -> memref<2048xf32, #tpu.memory_space<vmem>>
        %parallel_loop3A_820 = tpu.vector_load_idx %parallel_loop3A_819[%parallel_loop3A_795] : memref<2048xf32, #tpu.memory_space<vmem>>[vector<16xi32>], vector<16xf32>,
        %parallel_loop3A_821 = arith.index_cast %parallel_loop3A_817 : i32 to index
        %parallel_loop3A_822 = tpu.vector_load %arg8[%parallel_loop3A_821] {strides = array<i32>} : memref<32768xf32, #tpu.memory_space<vmem>>, vector<16xf32>,
        tpu.vector_store %arg8[%parallel_loop3A_821], %parallel_loop3A_820 {strides = array<i32>} : memref<32768xf32, #tpu.memory_space<vmem>>, vector<16xf32>,
        %parallel_loop3A_823 = arith.constant 0 : i32
        %parallel_loop3A_824 = arith.addi %parallel_loop3A_791, %parallel_loop3A_823 : i32
        %parallel_loop3A_825 = arith.constant 384 : i32
        %parallel_loop3A_826 = arith.addi %parallel_loop3A_824, %parallel_loop3A_825 : i32
        %parallel_loop3A_827 = arith.constant 6144 : i32
        %parallel_loop3A_828 = tpu.memref_slice %arg5[%parallel_loop3A_827] : memref<32768xf32, #tpu.memory_space<vmem>> -> memref<2048xf32, #tpu.memory_space<vmem>>
        %parallel_loop3A_829 = tpu.vector_load_idx %parallel_loop3A_828[%parallel_loop3A_795] : memref<2048xf32, #tpu.memory_space<vmem>>[vector<16xi32>], vector<16xf32>,
        %parallel_loop3A_830 = arith.index_cast %parallel_loop3A_826 : i32 to index
        %parallel_loop3A_831 = tpu.vector_load %arg8[%parallel_loop3A_830] {strides = array<i32>} : memref<32768xf32, #tpu.memory_space<vmem>>, vector<16xf32>,
        tpu.vector_store %arg8[%parallel_loop3A_830], %parallel_loop3A_829 {strides = array<i32>} : memref<32768xf32, #tpu.memory_space<vmem>>, vector<16xf32>,
        %parallel_loop3A_832 = arith.constant 0 : i32
        %parallel_loop3A_833 = arith.addi %parallel_loop3A_791, %parallel_loop3A_832 : i32
        %parallel_loop3A_834 = arith.constant 512 : i32
        %parallel_loop3A_835 = arith.addi %parallel_loop3A_833, %parallel_loop3A_834 : i32
        %parallel_loop3A_836 = arith.constant 8192 : i32
        %parallel_loop3A_837 = tpu.memref_slice %arg5[%parallel_loop3A_836] : memref<32768xf32, #tpu.memory_space<vmem>> -> memref<2048xf32, #tpu.memory_space<vmem>>
        %parallel_loop3A_838 = tpu.vector_load_idx %parallel_loop3A_837[%parallel_loop3A_795] : memref<2048xf32, #tpu.memory_space<vmem>>[vector<16xi32>], vector<16xf32>,
        %parallel_loop3A_839 = arith.index_cast %parallel_loop3A_835 : i32 to index
        %parallel_loop3A_840 = tpu.vector_load %arg8[%parallel_loop3A_839] {strides = array<i32>} : memref<32768xf32, #tpu.memory_space<vmem>>, vector<16xf32>,
        tpu.vector_store %arg8[%parallel_loop3A_839], %parallel_loop3A_838 {strides = array<i32>} : memref<32768xf32, #tpu.memory_space<vmem>>, vector<16xf32>,
        %parallel_loop3A_841 = arith.constant 0 : i32
        %parallel_loop3A_842 = arith.addi %parallel_loop3A_791, %parallel_loop3A_841 : i32
        %parallel_loop3A_843 = arith.constant 640 : i32
        %parallel_loop3A_844 = arith.addi %parallel_loop3A_842, %parallel_loop3A_843 : i32
        %parallel_loop3A_845 = arith.constant 10240 : i32
        %parallel_loop3A_846 = tpu.memref_slice %arg5[%parallel_loop3A_845] : memref<32768xf32, #tpu.memory_space<vmem>> -> memref<2048xf32, #tpu.memory_space<vmem>>
        %parallel_loop3A_847 = tpu.vector_load_idx %parallel_loop3A_846[%parallel_loop3A_795] : memref<2048xf32, #tpu.memory_space<vmem>>[vector<16xi32>], vector<16xf32>,
        %parallel_loop3A_848 = arith.index_cast %parallel_loop3A_844 : i32 to index
        %parallel_loop3A_849 = tpu.vector_load %arg8[%parallel_loop3A_848] {strides = array<i32>} : memref<32768xf32, #tpu.memory_space<vmem>>, vector<16xf32>,
        tpu.vector_store %arg8[%parallel_loop3A_848], %parallel_loop3A_847 {strides = array<i32>} : memref<32768xf32, #tpu.memory_space<vmem>>, vector<16xf32>,
        %parallel_loop3A_850 = arith.constant 0 : i32
        %parallel_loop3A_851 = arith.addi %parallel_loop3A_791, %parallel_loop3A_850 : i32
        %parallel_loop3A_852 = arith.constant 768 : i32
        %parallel_loop3A_853 = arith.addi %parallel_loop3A_851, %parallel_loop3A_852 : i32
        %parallel_loop3A_854 = arith.constant 12288 : i32
        %parallel_loop3A_855 = tpu.memref_slice %arg5[%parallel_loop3A_854] : memref<32768xf32, #tpu.memory_space<vmem>> -> memref<2048xf32, #tpu.memory_space<vmem>>
        %parallel_loop3A_856 = tpu.vector_load_idx %parallel_loop3A_855[%parallel_loop3A_795] : memref<2048xf32, #tpu.memory_space<vmem>>[vector<16xi32>], vector<16xf32>,
        %parallel_loop3A_857 = arith.index_cast %parallel_loop3A_853 : i32 to index
        %parallel_loop3A_858 = tpu.vector_load %arg8[%parallel_loop3A_857] {strides = array<i32>} : memref<32768xf32, #tpu.memory_space<vmem>>, vector<16xf32>,
        tpu.vector_store %arg8[%parallel_loop3A_857], %parallel_loop3A_856 {strides = array<i32>} : memref<32768xf32, #tpu.memory_space<vmem>>, vector<16xf32>,
        %parallel_loop3A_859 = arith.constant 0 : i32
        %parallel_loop3A_860 = arith.addi %parallel_loop3A_791, %parallel_loop3A_859 : i32
        %parallel_loop3A_861 = arith.constant 896 : i32
        %parallel_loop3A_862 = arith.addi %parallel_loop3A_860, %parallel_loop3A_861 : i32
        %parallel_loop3A_863 = arith.constant 14336 : i32
        %parallel_loop3A_864 = tpu.memref_slice %arg5[%parallel_loop3A_863] : memref<32768xf32, #tpu.memory_space<vmem>> -> memref<2048xf32, #tpu.memory_space<vmem>>
        %parallel_loop3A_865 = tpu.vector_load_idx %parallel_loop3A_864[%parallel_loop3A_795] : memref<2048xf32, #tpu.memory_space<vmem>>[vector<16xi32>], vector<16xf32>,
        %parallel_loop3A_866 = arith.index_cast %parallel_loop3A_862 : i32 to index
        %parallel_loop3A_867 = tpu.vector_load %arg8[%parallel_loop3A_866] {strides = array<i32>} : memref<32768xf32, #tpu.memory_space<vmem>>, vector<16xf32>,
        tpu.vector_store %arg8[%parallel_loop3A_866], %parallel_loop3A_865 {strides = array<i32>} : memref<32768xf32, #tpu.memory_space<vmem>>, vector<16xf32>,
        %parallel_loop3A_868 = arith.constant 16384 : i32
        %parallel_loop3A_869 = arith.addi %parallel_loop3A_791, %parallel_loop3A_868 : i32
        %parallel_loop3A_870 = arith.constant 0 : i32
        %parallel_loop3A_871 = arith.addi %parallel_loop3A_869, %parallel_loop3A_870 : i32
        %parallel_loop3A_872 = arith.constant 16384 : i32
        %parallel_loop3A_873 = tpu.memref_slice %arg5[%parallel_loop3A_872] : memref<32768xf32, #tpu.memory_space<vmem>> -> memref<2048xf32, #tpu.memory_space<vmem>>
        %parallel_loop3A_874 = tpu.vector_load_idx %parallel_loop3A_873[%parallel_loop3A_795] : memref<2048xf32, #tpu.memory_space<vmem>>[vector<16xi32>], vector<16xf32>,
        %parallel_loop3A_875 = arith.index_cast %parallel_loop3A_871 : i32 to index
        %parallel_loop3A_876 = tpu.vector_load %arg8[%parallel_loop3A_875] {strides = array<i32>} : memref<32768xf32, #tpu.memory_space<vmem>>, vector<16xf32>,
        tpu.vector_store %arg8[%parallel_loop3A_875], %parallel_loop3A_874 {strides = array<i32>} : memref<32768xf32, #tpu.memory_space<vmem>>, vector<16xf32>,
        %parallel_loop3A_877 = arith.constant 16384 : i32
        %parallel_loop3A_878 = arith.addi %parallel_loop3A_791, %parallel_loop3A_877 : i32
        %parallel_loop3A_879 = arith.constant 128 : i32
        %parallel_loop3A_880 = arith.addi %parallel_loop3A_878, %parallel_loop3A_879 : i32
        %parallel_loop3A_881 = arith.constant 18432 : i32
        %parallel_loop3A_882 = tpu.memref_slice %arg5[%parallel_loop3A_881] : memref<32768xf32, #tpu.memory_space<vmem>> -> memref<2048xf32, #tpu.memory_space<vmem>>
        %parallel_loop3A_883 = tpu.vector_load_idx %parallel_loop3A_882[%parallel_loop3A_795] : memref<2048xf32, #tpu.memory_space<vmem>>[vector<16xi32>], vector<16xf32>,
        %parallel_loop3A_884 = arith.index_cast %parallel_loop3A_880 : i32 to index
        %parallel_loop3A_885 = tpu.vector_load %arg8[%parallel_loop3A_884] {strides = array<i32>} : memref<32768xf32, #tpu.memory_space<vmem>>, vector<16xf32>,
        tpu.vector_store %arg8[%parallel_loop3A_884], %parallel_loop3A_883 {strides = array<i32>} : memref<32768xf32, #tpu.memory_space<vmem>>, vector<16xf32>,
        %parallel_loop3A_886 = arith.constant 16384 : i32
        %parallel_loop3A_887 = arith.addi %parallel_loop3A_791, %parallel_loop3A_886 : i32
        %parallel_loop3A_888 = arith.constant 256 : i32
        %parallel_loop3A_889 = arith.addi %parallel_loop3A_887, %parallel_loop3A_888 : i32
        %parallel_loop3A_890 = arith.constant 20480 : i32
        %parallel_loop3A_891 = tpu.memref_slice %arg5[%parallel_loop3A_890] : memref<32768xf32, #tpu.memory_space<vmem>> -> memref<2048xf32, #tpu.memory_space<vmem>>
        %parallel_loop3A_892 = tpu.vector_load_idx %parallel_loop3A_891[%parallel_loop3A_795] : memref<2048xf32, #tpu.memory_space<vmem>>[vector<16xi32>], vector<16xf32>,
        %parallel_loop3A_893 = arith.index_cast %parallel_loop3A_889 : i32 to index
        %parallel_loop3A_894 = tpu.vector_load %arg8[%parallel_loop3A_893] {strides = array<i32>} : memref<32768xf32, #tpu.memory_space<vmem>>, vector<16xf32>,
        tpu.vector_store %arg8[%parallel_loop3A_893], %parallel_loop3A_892 {strides = array<i32>} : memref<32768xf32, #tpu.memory_space<vmem>>, vector<16xf32>,
        %parallel_loop3A_895 = arith.constant 16384 : i32
        %parallel_loop3A_896 = arith.addi %parallel_loop3A_791, %parallel_loop3A_895 : i32
        %parallel_loop3A_897 = arith.constant 384 : i32
        %parallel_loop3A_898 = arith.addi %parallel_loop3A_896, %parallel_loop3A_897 : i32
        %parallel_loop3A_899 = arith.constant 22528 : i32
        %parallel_loop3A_900 = tpu.memref_slice %arg5[%parallel_loop3A_899] : memref<32768xf32, #tpu.memory_space<vmem>> -> memref<2048xf32, #tpu.memory_space<vmem>>
        %parallel_loop3A_901 = tpu.vector_load_idx %parallel_loop3A_900[%parallel_loop3A_795] : memref<2048xf32, #tpu.memory_space<vmem>>[vector<16xi32>], vector<16xf32>,
        %parallel_loop3A_902 = arith.index_cast %parallel_loop3A_898 : i32 to index
        %parallel_loop3A_903 = tpu.vector_load %arg8[%parallel_loop3A_902] {strides = array<i32>} : memref<32768xf32, #tpu.memory_space<vmem>>, vector<16xf32>,
        tpu.vector_store %arg8[%parallel_loop3A_902], %parallel_loop3A_901 {strides = array<i32>} : memref<32768xf32, #tpu.memory_space<vmem>>, vector<16xf32>,
        %parallel_loop3A_904 = arith.constant 16384 : i32
        %parallel_loop3A_905 = arith.addi %parallel_loop3A_791, %parallel_loop3A_904 : i32
        %parallel_loop3A_906 = arith.constant 512 : i32
        %parallel_loop3A_907 = arith.addi %parallel_loop3A_905, %parallel_loop3A_906 : i32
        %parallel_loop3A_908 = arith.constant 24576 : i32
        %parallel_loop3A_909 = tpu.memref_slice %arg5[%parallel_loop3A_908] : memref<32768xf32, #tpu.memory_space<vmem>> -> memref<2048xf32, #tpu.memory_space<vmem>>
        %parallel_loop3A_910 = tpu.vector_load_idx %parallel_loop3A_909[%parallel_loop3A_795] : memref<2048xf32, #tpu.memory_space<vmem>>[vector<16xi32>], vector<16xf32>,
        %parallel_loop3A_911 = arith.index_cast %parallel_loop3A_907 : i32 to index
        %parallel_loop3A_912 = tpu.vector_load %arg8[%parallel_loop3A_911] {strides = array<i32>} : memref<32768xf32, #tpu.memory_space<vmem>>, vector<16xf32>,
        tpu.vector_store %arg8[%parallel_loop3A_911], %parallel_loop3A_910 {strides = array<i32>} : memref<32768xf32, #tpu.memory_space<vmem>>, vector<16xf32>,
        %parallel_loop3A_913 = arith.constant 16384 : i32
        %parallel_loop3A_914 = arith.addi %parallel_loop3A_791, %parallel_loop3A_913 : i32
        %parallel_loop3A_915 = arith.constant 640 : i32
        %parallel_loop3A_916 = arith.addi %parallel_loop3A_914, %parallel_loop3A_915 : i32
        %parallel_loop3A_917 = arith.constant 26624 : i32
        %parallel_loop3A_918 = tpu.memref_slice %arg5[%parallel_loop3A_917] : memref<32768xf32, #tpu.memory_space<vmem>> -> memref<2048xf32, #tpu.memory_space<vmem>>
        %parallel_loop3A_919 = tpu.vector_load_idx %parallel_loop3A_918[%parallel_loop3A_795] : memref<2048xf32, #tpu.memory_space<vmem>>[vector<16xi32>], vector<16xf32>,
        %parallel_loop3A_920 = arith.index_cast %parallel_loop3A_916 : i32 to index
        %parallel_loop3A_921 = tpu.vector_load %arg8[%parallel_loop3A_920] {strides = array<i32>} : memref<32768xf32, #tpu.memory_space<vmem>>, vector<16xf32>,
        tpu.vector_store %arg8[%parallel_loop3A_920], %parallel_loop3A_919 {strides = array<i32>} : memref<32768xf32, #tpu.memory_space<vmem>>, vector<16xf32>,
        %parallel_loop3A_922 = arith.constant 16384 : i32
        %parallel_loop3A_923 = arith.addi %parallel_loop3A_791, %parallel_loop3A_922 : i32
        %parallel_loop3A_924 = arith.constant 768 : i32
        %parallel_loop3A_925 = arith.addi %parallel_loop3A_923, %parallel_loop3A_924 : i32
        %parallel_loop3A_926 = arith.constant 28672 : i32
        %parallel_loop3A_927 = tpu.memref_slice %arg5[%parallel_loop3A_926] : memref<32768xf32, #tpu.memory_space<vmem>> -> memref<2048xf32, #tpu.memory_space<vmem>>
        %parallel_loop3A_928 = tpu.vector_load_idx %parallel_loop3A_927[%parallel_loop3A_795] : memref<2048xf32, #tpu.memory_space<vmem>>[vector<16xi32>], vector<16xf32>,
        %parallel_loop3A_929 = arith.index_cast %parallel_loop3A_925 : i32 to index
        %parallel_loop3A_930 = tpu.vector_load %arg8[%parallel_loop3A_929] {strides = array<i32>} : memref<32768xf32, #tpu.memory_space<vmem>>, vector<16xf32>,
        tpu.vector_store %arg8[%parallel_loop3A_929], %parallel_loop3A_928 {strides = array<i32>} : memref<32768xf32, #tpu.memory_space<vmem>>, vector<16xf32>,
        %parallel_loop3A_931 = arith.constant 16384 : i32
        %parallel_loop3A_932 = arith.addi %parallel_loop3A_791, %parallel_loop3A_931 : i32
        %parallel_loop3A_933 = arith.constant 896 : i32
        %parallel_loop3A_934 = arith.addi %parallel_loop3A_932, %parallel_loop3A_933 : i32
        %parallel_loop3A_935 = arith.constant 30720 : i32
        %parallel_loop3A_936 = tpu.memref_slice %arg5[%parallel_loop3A_935] : memref<32768xf32, #tpu.memory_space<vmem>> -> memref<2048xf32, #tpu.memory_space<vmem>>
        %parallel_loop3A_937 = tpu.vector_load_idx %parallel_loop3A_936[%parallel_loop3A_795] : memref<2048xf32, #tpu.memory_space<vmem>>[vector<16xi32>], vector<16xf32>,
        %parallel_loop3A_938 = arith.index_cast %parallel_loop3A_934 : i32 to index
        %parallel_loop3A_939 = tpu.vector_load %arg8[%parallel_loop3A_938] {strides = array<i32>} : memref<32768xf32, #tpu.memory_space<vmem>>, vector<16xf32>,
        tpu.vector_store %arg8[%parallel_loop3A_938], %parallel_loop3A_937 {strides = array<i32>} : memref<32768xf32, #tpu.memory_space<vmem>>, vector<16xf32>,
      } {sc.loop_unroll_factor = 8 : i64, sc.parallel_access}
      %mul3A_532 = arith.constant 8 : i32
      %mul3A_533 = arith.muli %add3A_488, %mul3A_532 : i32
      %mul3A_534 = arith.constant 2 : i32
      %mul3A_535 = arith.muli %mul3A_534, %select_n3A_9 : i32
      %add3A_536 = arith.addi %mul3A_533, %mul3A_535 : i32
      %add3A_537 = arith.constant 0 : i32
      %add3A_538 = arith.addi %add3A_536, %add3A_537 : i32
      %mul3A_539 = arith.constant 128 : i32
      %mul3A_540 = arith.muli %add3A_538, %mul3A_539 : i32
      %mul3A_541 = arith.constant 16 : i32
      %mul3A_542 = arith.muli %mul3A_541, %select_n3A_30 : i32
      %add3A_543 = arith.addi %mul3A_540, %mul3A_542 : i32
      %mul3A_544 = arith.constant 1024 : i32
      %mul3A_545 = arith.muli %add3A_543, %mul3A_544 : i32
      %mul3A_546 = arith.constant 8 : i32
      %mul3A_547 = arith.muli %add3A_488, %mul3A_546 : i32
      %mul3A_548 = arith.constant 2 : i32
      %mul3A_549 = arith.muli %mul3A_548, %select_n3A_9 : i32
      %add3A_550 = arith.addi %mul3A_547, %mul3A_549 : i32
      %add3A_551 = arith.constant 1 : i32
      %add3A_552 = arith.addi %add3A_550, %add3A_551 : i32
      %mul3A_553 = arith.constant 128 : i32
      %mul3A_554 = arith.muli %add3A_552, %mul3A_553 : i32
      %mul3A_555 = arith.constant 16 : i32
      %mul3A_556 = arith.muli %mul3A_555, %select_n3A_30 : i32
      %add3A_557 = arith.addi %mul3A_554, %mul3A_556 : i32
      %mul3A_558 = arith.constant 1024 : i32
      %mul3A_559 = arith.muli %add3A_557, %mul3A_558 : i32
      %dma_start3A_560 = arith.constant 0 : i32
      %dma_start3A_561 = tpu.memref_slice %arg8[%dma_start3A_560] : memref<32768xf32, #tpu.memory_space<vmem>> -> memref<16384xf32, #tpu.memory_space<vmem>>
      %dma_start3A_562 = tpu.memref_slice %arg4[%mul3A_545] : memref<209715200xf32, #tpu.memory_space<hbm>> -> memref<16384xf32, #tpu.memory_space<hbm>>
      %dma_start3A_563 = tpu.memref_slice %arg4[%mul3A_545] : memref<209715200xf32, #tpu.memory_space<hbm>> -> memref<16384xf32, #tpu.memory_space<hbm>>
      %dma_start3A_564 = arith.constant 0 : i32
      %dma_start3A_565 = tpu.memref_slice %arg8[%dma_start3A_564] : memref<32768xf32, #tpu.memory_space<vmem>> -> memref<16384xf32, #tpu.memory_space<vmem>>
      tpu.enqueue_dma source(%dma_start3A_565 : memref<16384xf32, #tpu.memory_space<vmem>>) target(%dma_start3A_563 : memref<16384xf32, #tpu.memory_space<hbm>>) target_semaphore(%arg10 : memref<!tpu.dma_semaphore, #tpu.memory_space<semaphore_mem>>)
      %dma_start3A_566 = arith.constant 16384 : i32
      %dma_start3A_567 = tpu.memref_slice %arg8[%dma_start3A_566] : memref<32768xf32, #tpu.memory_space<vmem>> -> memref<16384xf32, #tpu.memory_space<vmem>>
      %dma_start3A_568 = tpu.memref_slice %arg4[%mul3A_559] : memref<209715200xf32, #tpu.memory_space<hbm>> -> memref<16384xf32, #tpu.memory_space<hbm>>
      %dma_start3A_569 = tpu.memref_slice %arg4[%mul3A_559] : memref<209715200xf32, #tpu.memory_space<hbm>> -> memref<16384xf32, #tpu.memory_space<hbm>>
      %dma_start3A_570 = arith.constant 16384 : i32
      %dma_start3A_571 = tpu.memref_slice %arg8[%dma_start3A_570] : memref<32768xf32, #tpu.memory_space<vmem>> -> memref<16384xf32, #tpu.memory_space<vmem>>
      tpu.enqueue_dma source(%dma_start3A_571 : memref<16384xf32, #tpu.memory_space<vmem>>) target(%dma_start3A_569 : memref<16384xf32, #tpu.memory_space<hbm>>) target_semaphore(%arg10 : memref<!tpu.dma_semaphore, #tpu.memory_space<semaphore_mem>>)
      %mul3A_572 = arith.constant 8 : i32
      %mul3A_573 = arith.muli %scan3A_117, %mul3A_572 : i32
      %add3A_574 = arith.constant 6 : i32
      %add3A_575 = arith.addi %mul3A_573, %add3A_574 : i32
      %mul3A_576 = arith.constant 8 : i32
      %mul3A_577 = arith.muli %add3A_575, %mul3A_576 : i32
      %mul3A_578 = arith.constant 2 : i32
      %mul3A_579 = arith.muli %mul3A_578, %select_n3A_9 : i32
      %add3A_580 = arith.addi %mul3A_577, %mul3A_579 : i32
      %add3A_581 = arith.constant 0 : i32
      %add3A_582 = arith.addi %add3A_580, %add3A_581 : i32
      %mul3A_583 = arith.constant 128 : i32
      %mul3A_584 = arith.muli %add3A_582, %mul3A_583 : i32
      %mul3A_585 = arith.constant 16 : i32
      %mul3A_586 = arith.muli %mul3A_585, %select_n3A_30 : i32
      %add3A_587 = arith.addi %mul3A_584, %mul3A_586 : i32
      %mul3A_588 = arith.constant 1024 : i32
      %mul3A_589 = arith.muli %add3A_587, %mul3A_588 : i32
      %mul3A_590 = arith.constant 8 : i32
      %mul3A_591 = arith.muli %add3A_575, %mul3A_590 : i32
      %mul3A_592 = arith.constant 2 : i32
      %mul3A_593 = arith.muli %mul3A_592, %select_n3A_9 : i32
      %add3A_594 = arith.addi %mul3A_591, %mul3A_593 : i32
      %add3A_595 = arith.constant 1 : i32
      %add3A_596 = arith.addi %add3A_594, %add3A_595 : i32
      %mul3A_597 = arith.constant 128 : i32
      %mul3A_598 = arith.muli %add3A_596, %mul3A_597 : i32
      %mul3A_599 = arith.constant 16 : i32
      %mul3A_600 = arith.muli %mul3A_599, %select_n3A_30 : i32
      %add3A_601 = arith.addi %mul3A_598, %mul3A_600 : i32
      %mul3A_602 = arith.constant 1024 : i32
      %mul3A_603 = arith.muli %add3A_601, %mul3A_602 : i32
      %dma_wait3A_604 = arith.constant 0 : i32
      %dma_wait3A_605 = tpu.memref_slice %arg7[%dma_wait3A_604] : memref<32768xf32, #tpu.memory_space<vmem>> -> memref<16384xf32, #tpu.memory_space<vmem>>
      %dma_wait3A_606 = tpu.memref_slice %arg4[%mul3A_589] : memref<209715200xf32, #tpu.memory_space<hbm>> -> memref<16384xf32, #tpu.memory_space<hbm>>
      %dma_wait3A_607 = tpu.memref_slice %arg4[%mul3A_589] : memref<209715200xf32, #tpu.memory_space<hbm>> -> memref<16384xf32, #tpu.memory_space<hbm>>
      %dma_wait3A_608 = arith.constant 0 : i32
      %dma_wait3A_609 = tpu.memref_slice %arg7[%dma_wait3A_608] : memref<32768xf32, #tpu.memory_space<vmem>> -> memref<16384xf32, #tpu.memory_space<vmem>>
      tpu.wait_dma2 semaphore(%arg9 : memref<!tpu.dma_semaphore, #tpu.memory_space<semaphore_mem>>) src(%dma_wait3A_609 : memref<16384xf32, #tpu.memory_space<vmem>>) dst(%dma_wait3A_607 : memref<16384xf32, #tpu.memory_space<hbm>>)
      %dma_wait3A_610 = arith.constant 16384 : i32
      %dma_wait3A_611 = tpu.memref_slice %arg7[%dma_wait3A_610] : memref<32768xf32, #tpu.memory_space<vmem>> -> memref<16384xf32, #tpu.memory_space<vmem>>
      %dma_wait3A_612 = tpu.memref_slice %arg4[%mul3A_603] : memref<209715200xf32, #tpu.memory_space<hbm>> -> memref<16384xf32, #tpu.memory_space<hbm>>
      %dma_wait3A_613 = tpu.memref_slice %arg4[%mul3A_603] : memref<209715200xf32, #tpu.memory_space<hbm>> -> memref<16384xf32, #tpu.memory_space<hbm>>
      %dma_wait3A_614 = arith.constant 16384 : i32
      %dma_wait3A_615 = tpu.memref_slice %arg7[%dma_wait3A_614] : memref<32768xf32, #tpu.memory_space<vmem>> -> memref<16384xf32, #tpu.memory_space<vmem>>
      tpu.wait_dma2 semaphore(%arg9 : memref<!tpu.dma_semaphore, #tpu.memory_space<semaphore_mem>>) src(%dma_wait3A_615 : memref<16384xf32, #tpu.memory_space<vmem>>) dst(%dma_wait3A_613 : memref<16384xf32, #tpu.memory_space<hbm>>)
      %parallel_loop3A_616 = arith.constant 0 : i32
      %parallel_loop3A_617 = arith.constant 128 : i32
      %parallel_loop3A_618 = arith.constant 1 : i32
      scf.for %parallel_loop3A_746 = %parallel_loop3A_616 to %parallel_loop3A_617 step %parallel_loop3A_618  : i32 {
        %parallel_loop3A_747 = arith.constant 8 : i32
        %parallel_loop3A_748 = arith.divsi %parallel_loop3A_746, %parallel_loop3A_747 : i32
        %parallel_loop3A_749 = arith.constant 0 : i32
        %parallel_loop3A_750 = arith.cmpi sgt, %parallel_loop3A_746, %parallel_loop3A_749 : i32
        %parallel_loop3A_751 = arith.extui %parallel_loop3A_750 : i1 to i32
        %parallel_loop3A_752 = arith.constant 0 : i32
        %parallel_loop3A_753 = arith.cmpi slt, %parallel_loop3A_746, %parallel_loop3A_752 : i32
        %parallel_loop3A_754 = arith.extui %parallel_loop3A_753 : i1 to i32
        %parallel_loop3A_755 = arith.subi %parallel_loop3A_751, %parallel_loop3A_754 : i32
        %parallel_loop3A_756 = arith.constant 0 : i32
        %parallel_loop3A_757 = arith.cmpi sgt, %parallel_loop3A_747, %parallel_loop3A_756 : i32
        %parallel_loop3A_758 = arith.extui %parallel_loop3A_757 : i1 to i32
        %parallel_loop3A_759 = arith.constant 0 : i32
        %parallel_loop3A_760 = arith.cmpi slt, %parallel_loop3A_747, %parallel_loop3A_759 : i32
        %parallel_loop3A_761 = arith.extui %parallel_loop3A_760 : i1 to i32
        %parallel_loop3A_762 = arith.subi %parallel_loop3A_758, %parallel_loop3A_761 : i32
        %parallel_loop3A_763 = arith.cmpi ne, %parallel_loop3A_755, %parallel_loop3A_762 : i32
        %parallel_loop3A_764 = arith.remsi %parallel_loop3A_746, %parallel_loop3A_747 : i32
        %parallel_loop3A_765 = arith.constant 0 : i32
        %parallel_loop3A_766 = arith.cmpi ne, %parallel_loop3A_764, %parallel_loop3A_765 : i32
        %parallel_loop3A_767 = arith.andi %parallel_loop3A_763, %parallel_loop3A_766 : i1
        %parallel_loop3A_768 = arith.constant 1 : i32
        %parallel_loop3A_769 = arith.subi %parallel_loop3A_748, %parallel_loop3A_768 : i32
        %parallel_loop3A_770 = arith.select %parallel_loop3A_767, %parallel_loop3A_769, %parallel_loop3A_748 : i32
        %parallel_loop3A_771 = arith.constant 1024 : i32
        %parallel_loop3A_772 = arith.muli %parallel_loop3A_770, %parallel_loop3A_771 : i32
        %parallel_loop3A_773 = arith.constant 8 : i32
        %parallel_loop3A_774 = arith.constant 0 : i32
        %parallel_loop3A_775 = arith.cmpi eq, %parallel_loop3A_773, %parallel_loop3A_774 : i32
        %parallel_loop3A_776 = arith.constant 1 : i32
        %parallel_loop3A_777 = arith.select %parallel_loop3A_775, %parallel_loop3A_776, %parallel_loop3A_773 : i32
        %parallel_loop3A_778 = arith.remsi %parallel_loop3A_746, %parallel_loop3A_777 : i32
        %parallel_loop3A_779 = arith.constant 0 : i32
        %parallel_loop3A_780 = arith.cmpi ne, %parallel_loop3A_778, %parallel_loop3A_779 : i32
        %parallel_loop3A_781 = arith.constant 0 : i32
        %parallel_loop3A_782 = arith.cmpi slt, %parallel_loop3A_778, %parallel_loop3A_781 : i32
        %parallel_loop3A_783 = arith.constant 0 : i32
        %parallel_loop3A_784 = arith.cmpi slt, %parallel_loop3A_777, %parallel_loop3A_783 : i32
        %parallel_loop3A_785 = arith.xori %parallel_loop3A_782, %parallel_loop3A_784 : i1
        %parallel_loop3A_786 = arith.andi %parallel_loop3A_785, %parallel_loop3A_780 : i1
        %parallel_loop3A_787 = arith.addi %parallel_loop3A_778, %parallel_loop3A_777 : i32
        %parallel_loop3A_788 = arith.select %parallel_loop3A_786, %parallel_loop3A_787, %parallel_loop3A_778 : i32
        %parallel_loop3A_789 = arith.constant 16 : i32
        %parallel_loop3A_790 = arith.muli %parallel_loop3A_788, %parallel_loop3A_789 : i32
        %parallel_loop3A_791 = arith.addi %parallel_loop3A_772, %parallel_loop3A_790 : i32
        %parallel_loop3A_792 = arith.constant 768 : i32
        %parallel_loop3A_793 = arith.addi %parallel_loop3A_791, %parallel_loop3A_792 : i32
        %parallel_loop3A_794 = arith.index_cast %parallel_loop3A_793 : i32 to index
        %parallel_loop3A_795 = tpu.vector_load %arg6[%parallel_loop3A_794] {strides = array<i32>} : memref<16384xi32, #tpu.memory_space<vmem>>, vector<16xi32>,
        %parallel_loop3A_796 = arith.constant 0 : i32
        %parallel_loop3A_797 = arith.addi %parallel_loop3A_791, %parallel_loop3A_796 : i32
        %parallel_loop3A_798 = arith.constant 0 : i32
        %parallel_loop3A_799 = arith.addi %parallel_loop3A_797, %parallel_loop3A_798 : i32
        %parallel_loop3A_800 = arith.constant 0 : i32
        %parallel_loop3A_801 = tpu.memref_slice %arg5[%parallel_loop3A_800] : memref<32768xf32, #tpu.memory_space<vmem>> -> memref<2048xf32, #tpu.memory_space<vmem>>
        %parallel_loop3A_802 = tpu.vector_load_idx %parallel_loop3A_801[%parallel_loop3A_795] : memref<2048xf32, #tpu.memory_space<vmem>>[vector<16xi32>], vector<16xf32>,
        %parallel_loop3A_803 = arith.index_cast %parallel_loop3A_799 : i32 to index
        %parallel_loop3A_804 = tpu.vector_load %arg7[%parallel_loop3A_803] {strides = array<i32>} : memref<32768xf32, #tpu.memory_space<vmem>>, vector<16xf32>,
        tpu.vector_store %arg7[%parallel_loop3A_803], %parallel_loop3A_802 {strides = array<i32>} : memref<32768xf32, #tpu.memory_space<vmem>>, vector<16xf32>,
        %parallel_loop3A_805 = arith.constant 0 : i32
        %parallel_loop3A_806 = arith.addi %parallel_loop3A_791, %parallel_loop3A_805 : i32
        %parallel_loop3A_807 = arith.constant 128 : i32
        %parallel_loop3A_808 = arith.addi %parallel_loop3A_806, %parallel_loop3A_807 : i32
        %parallel_loop3A_809 = arith.constant 2048 : i32
        %parallel_loop3A_810 = tpu.memref_slice %arg5[%parallel_loop3A_809] : memref<32768xf32, #tpu.memory_space<vmem>> -> memref<2048xf32, #tpu.memory_space<vmem>>
        %parallel_loop3A_811 = tpu.vector_load_idx %parallel_loop3A_810[%parallel_loop3A_795] : memref<2048xf32, #tpu.memory_space<vmem>>[vector<16xi32>], vector<16xf32>,
        %parallel_loop3A_812 = arith.index_cast %parallel_loop3A_808 : i32 to index
        %parallel_loop3A_813 = tpu.vector_load %arg7[%parallel_loop3A_812] {strides = array<i32>} : memref<32768xf32, #tpu.memory_space<vmem>>, vector<16xf32>,
        tpu.vector_store %arg7[%parallel_loop3A_812], %parallel_loop3A_811 {strides = array<i32>} : memref<32768xf32, #tpu.memory_space<vmem>>, vector<16xf32>,
        %parallel_loop3A_814 = arith.constant 0 : i32
        %parallel_loop3A_815 = arith.addi %parallel_loop3A_791, %parallel_loop3A_814 : i32
        %parallel_loop3A_816 = arith.constant 256 : i32
        %parallel_loop3A_817 = arith.addi %parallel_loop3A_815, %parallel_loop3A_816 : i32
        %parallel_loop3A_818 = arith.constant 4096 : i32
        %parallel_loop3A_819 = tpu.memref_slice %arg5[%parallel_loop3A_818] : memref<32768xf32, #tpu.memory_space<vmem>> -> memref<2048xf32, #tpu.memory_space<vmem>>
        %parallel_loop3A_820 = tpu.vector_load_idx %parallel_loop3A_819[%parallel_loop3A_795] : memref<2048xf32, #tpu.memory_space<vmem>>[vector<16xi32>], vector<16xf32>,
        %parallel_loop3A_821 = arith.index_cast %parallel_loop3A_817 : i32 to index
        %parallel_loop3A_822 = tpu.vector_load %arg7[%parallel_loop3A_821] {strides = array<i32>} : memref<32768xf32, #tpu.memory_space<vmem>>, vector<16xf32>,
        tpu.vector_store %arg7[%parallel_loop3A_821], %parallel_loop3A_820 {strides = array<i32>} : memref<32768xf32, #tpu.memory_space<vmem>>, vector<16xf32>,
        %parallel_loop3A_823 = arith.constant 0 : i32
        %parallel_loop3A_824 = arith.addi %parallel_loop3A_791, %parallel_loop3A_823 : i32
        %parallel_loop3A_825 = arith.constant 384 : i32
        %parallel_loop3A_826 = arith.addi %parallel_loop3A_824, %parallel_loop3A_825 : i32
        %parallel_loop3A_827 = arith.constant 6144 : i32
        %parallel_loop3A_828 = tpu.memref_slice %arg5[%parallel_loop3A_827] : memref<32768xf32, #tpu.memory_space<vmem>> -> memref<2048xf32, #tpu.memory_space<vmem>>
        %parallel_loop3A_829 = tpu.vector_load_idx %parallel_loop3A_828[%parallel_loop3A_795] : memref<2048xf32, #tpu.memory_space<vmem>>[vector<16xi32>], vector<16xf32>,
        %parallel_loop3A_830 = arith.index_cast %parallel_loop3A_826 : i32 to index
        %parallel_loop3A_831 = tpu.vector_load %arg7[%parallel_loop3A_830] {strides = array<i32>} : memref<32768xf32, #tpu.memory_space<vmem>>, vector<16xf32>,
        tpu.vector_store %arg7[%parallel_loop3A_830], %parallel_loop3A_829 {strides = array<i32>} : memref<32768xf32, #tpu.memory_space<vmem>>, vector<16xf32>,
        %parallel_loop3A_832 = arith.constant 0 : i32
        %parallel_loop3A_833 = arith.addi %parallel_loop3A_791, %parallel_loop3A_832 : i32
        %parallel_loop3A_834 = arith.constant 512 : i32
        %parallel_loop3A_835 = arith.addi %parallel_loop3A_833, %parallel_loop3A_834 : i32
        %parallel_loop3A_836 = arith.constant 8192 : i32
        %parallel_loop3A_837 = tpu.memref_slice %arg5[%parallel_loop3A_836] : memref<32768xf32, #tpu.memory_space<vmem>> -> memref<2048xf32, #tpu.memory_space<vmem>>
        %parallel_loop3A_838 = tpu.vector_load_idx %parallel_loop3A_837[%parallel_loop3A_795] : memref<2048xf32, #tpu.memory_space<vmem>>[vector<16xi32>], vector<16xf32>,
        %parallel_loop3A_839 = arith.index_cast %parallel_loop3A_835 : i32 to index
        %parallel_loop3A_840 = tpu.vector_load %arg7[%parallel_loop3A_839] {strides = array<i32>} : memref<32768xf32, #tpu.memory_space<vmem>>, vector<16xf32>,
        tpu.vector_store %arg7[%parallel_loop3A_839], %parallel_loop3A_838 {strides = array<i32>} : memref<32768xf32, #tpu.memory_space<vmem>>, vector<16xf32>,
        %parallel_loop3A_841 = arith.constant 0 : i32
        %parallel_loop3A_842 = arith.addi %parallel_loop3A_791, %parallel_loop3A_841 : i32
        %parallel_loop3A_843 = arith.constant 640 : i32
        %parallel_loop3A_844 = arith.addi %parallel_loop3A_842, %parallel_loop3A_843 : i32
        %parallel_loop3A_845 = arith.constant 10240 : i32
        %parallel_loop3A_846 = tpu.memref_slice %arg5[%parallel_loop3A_845] : memref<32768xf32, #tpu.memory_space<vmem>> -> memref<2048xf32, #tpu.memory_space<vmem>>
        %parallel_loop3A_847 = tpu.vector_load_idx %parallel_loop3A_846[%parallel_loop3A_795] : memref<2048xf32, #tpu.memory_space<vmem>>[vector<16xi32>], vector<16xf32>,
        %parallel_loop3A_848 = arith.index_cast %parallel_loop3A_844 : i32 to index
        %parallel_loop3A_849 = tpu.vector_load %arg7[%parallel_loop3A_848] {strides = array<i32>} : memref<32768xf32, #tpu.memory_space<vmem>>, vector<16xf32>,
        tpu.vector_store %arg7[%parallel_loop3A_848], %parallel_loop3A_847 {strides = array<i32>} : memref<32768xf32, #tpu.memory_space<vmem>>, vector<16xf32>,
        %parallel_loop3A_850 = arith.constant 0 : i32
        %parallel_loop3A_851 = arith.addi %parallel_loop3A_791, %parallel_loop3A_850 : i32
        %parallel_loop3A_852 = arith.constant 768 : i32
        %parallel_loop3A_853 = arith.addi %parallel_loop3A_851, %parallel_loop3A_852 : i32
        %parallel_loop3A_854 = arith.constant 12288 : i32
        %parallel_loop3A_855 = tpu.memref_slice %arg5[%parallel_loop3A_854] : memref<32768xf32, #tpu.memory_space<vmem>> -> memref<2048xf32, #tpu.memory_space<vmem>>
        %parallel_loop3A_856 = tpu.vector_load_idx %parallel_loop3A_855[%parallel_loop3A_795] : memref<2048xf32, #tpu.memory_space<vmem>>[vector<16xi32>], vector<16xf32>,
        %parallel_loop3A_857 = arith.index_cast %parallel_loop3A_853 : i32 to index
        %parallel_loop3A_858 = tpu.vector_load %arg7[%parallel_loop3A_857] {strides = array<i32>} : memref<32768xf32, #tpu.memory_space<vmem>>, vector<16xf32>,
        tpu.vector_store %arg7[%parallel_loop3A_857], %parallel_loop3A_856 {strides = array<i32>} : memref<32768xf32, #tpu.memory_space<vmem>>, vector<16xf32>,
        %parallel_loop3A_859 = arith.constant 0 : i32
        %parallel_loop3A_860 = arith.addi %parallel_loop3A_791, %parallel_loop3A_859 : i32
        %parallel_loop3A_861 = arith.constant 896 : i32
        %parallel_loop3A_862 = arith.addi %parallel_loop3A_860, %parallel_loop3A_861 : i32
        %parallel_loop3A_863 = arith.constant 14336 : i32
        %parallel_loop3A_864 = tpu.memref_slice %arg5[%parallel_loop3A_863] : memref<32768xf32, #tpu.memory_space<vmem>> -> memref<2048xf32, #tpu.memory_space<vmem>>
        %parallel_loop3A_865 = tpu.vector_load_idx %parallel_loop3A_864[%parallel_loop3A_795] : memref<2048xf32, #tpu.memory_space<vmem>>[vector<16xi32>], vector<16xf32>,
        %parallel_loop3A_866 = arith.index_cast %parallel_loop3A_862 : i32 to index
        %parallel_loop3A_867 = tpu.vector_load %arg7[%parallel_loop3A_866] {strides = array<i32>} : memref<32768xf32, #tpu.memory_space<vmem>>, vector<16xf32>,
        tpu.vector_store %arg7[%parallel_loop3A_866], %parallel_loop3A_865 {strides = array<i32>} : memref<32768xf32, #tpu.memory_space<vmem>>, vector<16xf32>,
        %parallel_loop3A_868 = arith.constant 16384 : i32
        %parallel_loop3A_869 = arith.addi %parallel_loop3A_791, %parallel_loop3A_868 : i32
        %parallel_loop3A_870 = arith.constant 0 : i32
        %parallel_loop3A_871 = arith.addi %parallel_loop3A_869, %parallel_loop3A_870 : i32
        %parallel_loop3A_872 = arith.constant 16384 : i32
        %parallel_loop3A_873 = tpu.memref_slice %arg5[%parallel_loop3A_872] : memref<32768xf32, #tpu.memory_space<vmem>> -> memref<2048xf32, #tpu.memory_space<vmem>>
        %parallel_loop3A_874 = tpu.vector_load_idx %parallel_loop3A_873[%parallel_loop3A_795] : memref<2048xf32, #tpu.memory_space<vmem>>[vector<16xi32>], vector<16xf32>,
        %parallel_loop3A_875 = arith.index_cast %parallel_loop3A_871 : i32 to index
        %parallel_loop3A_876 = tpu.vector_load %arg7[%parallel_loop3A_875] {strides = array<i32>} : memref<32768xf32, #tpu.memory_space<vmem>>, vector<16xf32>,
        tpu.vector_store %arg7[%parallel_loop3A_875], %parallel_loop3A_874 {strides = array<i32>} : memref<32768xf32, #tpu.memory_space<vmem>>, vector<16xf32>,
        %parallel_loop3A_877 = arith.constant 16384 : i32
        %parallel_loop3A_878 = arith.addi %parallel_loop3A_791, %parallel_loop3A_877 : i32
        %parallel_loop3A_879 = arith.constant 128 : i32
        %parallel_loop3A_880 = arith.addi %parallel_loop3A_878, %parallel_loop3A_879 : i32
        %parallel_loop3A_881 = arith.constant 18432 : i32
        %parallel_loop3A_882 = tpu.memref_slice %arg5[%parallel_loop3A_881] : memref<32768xf32, #tpu.memory_space<vmem>> -> memref<2048xf32, #tpu.memory_space<vmem>>
        %parallel_loop3A_883 = tpu.vector_load_idx %parallel_loop3A_882[%parallel_loop3A_795] : memref<2048xf32, #tpu.memory_space<vmem>>[vector<16xi32>], vector<16xf32>,
        %parallel_loop3A_884 = arith.index_cast %parallel_loop3A_880 : i32 to index
        %parallel_loop3A_885 = tpu.vector_load %arg7[%parallel_loop3A_884] {strides = array<i32>} : memref<32768xf32, #tpu.memory_space<vmem>>, vector<16xf32>,
        tpu.vector_store %arg7[%parallel_loop3A_884], %parallel_loop3A_883 {strides = array<i32>} : memref<32768xf32, #tpu.memory_space<vmem>>, vector<16xf32>,
        %parallel_loop3A_886 = arith.constant 16384 : i32
        %parallel_loop3A_887 = arith.addi %parallel_loop3A_791, %parallel_loop3A_886 : i32
        %parallel_loop3A_888 = arith.constant 256 : i32
        %parallel_loop3A_889 = arith.addi %parallel_loop3A_887, %parallel_loop3A_888 : i32
        %parallel_loop3A_890 = arith.constant 20480 : i32
        %parallel_loop3A_891 = tpu.memref_slice %arg5[%parallel_loop3A_890] : memref<32768xf32, #tpu.memory_space<vmem>> -> memref<2048xf32, #tpu.memory_space<vmem>>
        %parallel_loop3A_892 = tpu.vector_load_idx %parallel_loop3A_891[%parallel_loop3A_795] : memref<2048xf32, #tpu.memory_space<vmem>>[vector<16xi32>], vector<16xf32>,
        %parallel_loop3A_893 = arith.index_cast %parallel_loop3A_889 : i32 to index
        %parallel_loop3A_894 = tpu.vector_load %arg7[%parallel_loop3A_893] {strides = array<i32>} : memref<32768xf32, #tpu.memory_space<vmem>>, vector<16xf32>,
        tpu.vector_store %arg7[%parallel_loop3A_893], %parallel_loop3A_892 {strides = array<i32>} : memref<32768xf32, #tpu.memory_space<vmem>>, vector<16xf32>,
        %parallel_loop3A_895 = arith.constant 16384 : i32
        %parallel_loop3A_896 = arith.addi %parallel_loop3A_791, %parallel_loop3A_895 : i32
        %parallel_loop3A_897 = arith.constant 384 : i32
        %parallel_loop3A_898 = arith.addi %parallel_loop3A_896, %parallel_loop3A_897 : i32
        %parallel_loop3A_899 = arith.constant 22528 : i32
        %parallel_loop3A_900 = tpu.memref_slice %arg5[%parallel_loop3A_899] : memref<32768xf32, #tpu.memory_space<vmem>> -> memref<2048xf32, #tpu.memory_space<vmem>>
        %parallel_loop3A_901 = tpu.vector_load_idx %parallel_loop3A_900[%parallel_loop3A_795] : memref<2048xf32, #tpu.memory_space<vmem>>[vector<16xi32>], vector<16xf32>,
        %parallel_loop3A_902 = arith.index_cast %parallel_loop3A_898 : i32 to index
        %parallel_loop3A_903 = tpu.vector_load %arg7[%parallel_loop3A_902] {strides = array<i32>} : memref<32768xf32, #tpu.memory_space<vmem>>, vector<16xf32>,
        tpu.vector_store %arg7[%parallel_loop3A_902], %parallel_loop3A_901 {strides = array<i32>} : memref<32768xf32, #tpu.memory_space<vmem>>, vector<16xf32>,
        %parallel_loop3A_904 = arith.constant 16384 : i32
        %parallel_loop3A_905 = arith.addi %parallel_loop3A_791, %parallel_loop3A_904 : i32
        %parallel_loop3A_906 = arith.constant 512 : i32
        %parallel_loop3A_907 = arith.addi %parallel_loop3A_905, %parallel_loop3A_906 : i32
        %parallel_loop3A_908 = arith.constant 24576 : i32
        %parallel_loop3A_909 = tpu.memref_slice %arg5[%parallel_loop3A_908] : memref<32768xf32, #tpu.memory_space<vmem>> -> memref<2048xf32, #tpu.memory_space<vmem>>
        %parallel_loop3A_910 = tpu.vector_load_idx %parallel_loop3A_909[%parallel_loop3A_795] : memref<2048xf32, #tpu.memory_space<vmem>>[vector<16xi32>], vector<16xf32>,
        %parallel_loop3A_911 = arith.index_cast %parallel_loop3A_907 : i32 to index
        %parallel_loop3A_912 = tpu.vector_load %arg7[%parallel_loop3A_911] {strides = array<i32>} : memref<32768xf32, #tpu.memory_space<vmem>>, vector<16xf32>,
        tpu.vector_store %arg7[%parallel_loop3A_911], %parallel_loop3A_910 {strides = array<i32>} : memref<32768xf32, #tpu.memory_space<vmem>>, vector<16xf32>,
        %parallel_loop3A_913 = arith.constant 16384 : i32
        %parallel_loop3A_914 = arith.addi %parallel_loop3A_791, %parallel_loop3A_913 : i32
        %parallel_loop3A_915 = arith.constant 640 : i32
        %parallel_loop3A_916 = arith.addi %parallel_loop3A_914, %parallel_loop3A_915 : i32
        %parallel_loop3A_917 = arith.constant 26624 : i32
        %parallel_loop3A_918 = tpu.memref_slice %arg5[%parallel_loop3A_917] : memref<32768xf32, #tpu.memory_space<vmem>> -> memref<2048xf32, #tpu.memory_space<vmem>>
        %parallel_loop3A_919 = tpu.vector_load_idx %parallel_loop3A_918[%parallel_loop3A_795] : memref<2048xf32, #tpu.memory_space<vmem>>[vector<16xi32>], vector<16xf32>,
        %parallel_loop3A_920 = arith.index_cast %parallel_loop3A_916 : i32 to index
        %parallel_loop3A_921 = tpu.vector_load %arg7[%parallel_loop3A_920] {strides = array<i32>} : memref<32768xf32, #tpu.memory_space<vmem>>, vector<16xf32>,
        tpu.vector_store %arg7[%parallel_loop3A_920], %parallel_loop3A_919 {strides = array<i32>} : memref<32768xf32, #tpu.memory_space<vmem>>, vector<16xf32>,
        %parallel_loop3A_922 = arith.constant 16384 : i32
        %parallel_loop3A_923 = arith.addi %parallel_loop3A_791, %parallel_loop3A_922 : i32
        %parallel_loop3A_924 = arith.constant 768 : i32
        %parallel_loop3A_925 = arith.addi %parallel_loop3A_923, %parallel_loop3A_924 : i32
        %parallel_loop3A_926 = arith.constant 28672 : i32
        %parallel_loop3A_927 = tpu.memref_slice %arg5[%parallel_loop3A_926] : memref<32768xf32, #tpu.memory_space<vmem>> -> memref<2048xf32, #tpu.memory_space<vmem>>
        %parallel_loop3A_928 = tpu.vector_load_idx %parallel_loop3A_927[%parallel_loop3A_795] : memref<2048xf32, #tpu.memory_space<vmem>>[vector<16xi32>], vector<16xf32>,
        %parallel_loop3A_929 = arith.index_cast %parallel_loop3A_925 : i32 to index
        %parallel_loop3A_930 = tpu.vector_load %arg7[%parallel_loop3A_929] {strides = array<i32>} : memref<32768xf32, #tpu.memory_space<vmem>>, vector<16xf32>,
        tpu.vector_store %arg7[%parallel_loop3A_929], %parallel_loop3A_928 {strides = array<i32>} : memref<32768xf32, #tpu.memory_space<vmem>>, vector<16xf32>,
        %parallel_loop3A_931 = arith.constant 16384 : i32
        %parallel_loop3A_932 = arith.addi %parallel_loop3A_791, %parallel_loop3A_931 : i32
        %parallel_loop3A_933 = arith.constant 896 : i32
        %parallel_loop3A_934 = arith.addi %parallel_loop3A_932, %parallel_loop3A_933 : i32
        %parallel_loop3A_935 = arith.constant 30720 : i32
        %parallel_loop3A_936 = tpu.memref_slice %arg5[%parallel_loop3A_935] : memref<32768xf32, #tpu.memory_space<vmem>> -> memref<2048xf32, #tpu.memory_space<vmem>>
        %parallel_loop3A_937 = tpu.vector_load_idx %parallel_loop3A_936[%parallel_loop3A_795] : memref<2048xf32, #tpu.memory_space<vmem>>[vector<16xi32>], vector<16xf32>,
        %parallel_loop3A_938 = arith.index_cast %parallel_loop3A_934 : i32 to index
        %parallel_loop3A_939 = tpu.vector_load %arg7[%parallel_loop3A_938] {strides = array<i32>} : memref<32768xf32, #tpu.memory_space<vmem>>, vector<16xf32>,
        tpu.vector_store %arg7[%parallel_loop3A_938], %parallel_loop3A_937 {strides = array<i32>} : memref<32768xf32, #tpu.memory_space<vmem>>, vector<16xf32>,
      } {sc.loop_unroll_factor = 8 : i64, sc.parallel_access}
      %mul3A_619 = arith.constant 8 : i32
      %mul3A_620 = arith.muli %add3A_575, %mul3A_619 : i32
      %mul3A_621 = arith.constant 2 : i32
      %mul3A_622 = arith.muli %mul3A_621, %select_n3A_9 : i32
      %add3A_623 = arith.addi %mul3A_620, %mul3A_622 : i32
      %add3A_624 = arith.constant 0 : i32
      %add3A_625 = arith.addi %add3A_623, %add3A_624 : i32
      %mul3A_626 = arith.constant 128 : i32
      %mul3A_627 = arith.muli %add3A_625, %mul3A_626 : i32
      %mul3A_628 = arith.constant 16 : i32
      %mul3A_629 = arith.muli %mul3A_628, %select_n3A_30 : i32
      %add3A_630 = arith.addi %mul3A_627, %mul3A_629 : i32
      %mul3A_631 = arith.constant 1024 : i32
      %mul3A_632 = arith.muli %add3A_630, %mul3A_631 : i32
      %mul3A_633 = arith.constant 8 : i32
      %mul3A_634 = arith.muli %add3A_575, %mul3A_633 : i32
      %mul3A_635 = arith.constant 2 : i32
      %mul3A_636 = arith.muli %mul3A_635, %select_n3A_9 : i32
      %add3A_637 = arith.addi %mul3A_634, %mul3A_636 : i32
      %add3A_638 = arith.constant 1 : i32
      %add3A_639 = arith.addi %add3A_637, %add3A_638 : i32
      %mul3A_640 = arith.constant 128 : i32
      %mul3A_641 = arith.muli %add3A_639, %mul3A_640 : i32
      %mul3A_642 = arith.constant 16 : i32
      %mul3A_643 = arith.muli %mul3A_642, %select_n3A_30 : i32
      %add3A_644 = arith.addi %mul3A_641, %mul3A_643 : i32
      %mul3A_645 = arith.constant 1024 : i32
      %mul3A_646 = arith.muli %add3A_644, %mul3A_645 : i32
      %dma_start3A_647 = arith.constant 0 : i32
      %dma_start3A_648 = tpu.memref_slice %arg7[%dma_start3A_647] : memref<32768xf32, #tpu.memory_space<vmem>> -> memref<16384xf32, #tpu.memory_space<vmem>>
      %dma_start3A_649 = tpu.memref_slice %arg4[%mul3A_632] : memref<209715200xf32, #tpu.memory_space<hbm>> -> memref<16384xf32, #tpu.memory_space<hbm>>
      %dma_start3A_650 = tpu.memref_slice %arg4[%mul3A_632] : memref<209715200xf32, #tpu.memory_space<hbm>> -> memref<16384xf32, #tpu.memory_space<hbm>>
      %dma_start3A_651 = arith.constant 0 : i32
      %dma_start3A_652 = tpu.memref_slice %arg7[%dma_start3A_651] : memref<32768xf32, #tpu.memory_space<vmem>> -> memref<16384xf32, #tpu.memory_space<vmem>>
      tpu.enqueue_dma source(%dma_start3A_652 : memref<16384xf32, #tpu.memory_space<vmem>>) target(%dma_start3A_650 : memref<16384xf32, #tpu.memory_space<hbm>>) target_semaphore(%arg9 : memref<!tpu.dma_semaphore, #tpu.memory_space<semaphore_mem>>)
      %dma_start3A_653 = arith.constant 16384 : i32
      %dma_start3A_654 = tpu.memref_slice %arg7[%dma_start3A_653] : memref<32768xf32, #tpu.memory_space<vmem>> -> memref<16384xf32, #tpu.memory_space<vmem>>
      %dma_start3A_655 = tpu.memref_slice %arg4[%mul3A_646] : memref<209715200xf32, #tpu.memory_space<hbm>> -> memref<16384xf32, #tpu.memory_space<hbm>>
      %dma_start3A_656 = tpu.memref_slice %arg4[%mul3A_646] : memref<209715200xf32, #tpu.memory_space<hbm>> -> memref<16384xf32, #tpu.memory_space<hbm>>
      %dma_start3A_657 = arith.constant 16384 : i32
      %dma_start3A_658 = tpu.memref_slice %arg7[%dma_start3A_657] : memref<32768xf32, #tpu.memory_space<vmem>> -> memref<16384xf32, #tpu.memory_space<vmem>>
      tpu.enqueue_dma source(%dma_start3A_658 : memref<16384xf32, #tpu.memory_space<vmem>>) target(%dma_start3A_656 : memref<16384xf32, #tpu.memory_space<hbm>>) target_semaphore(%arg9 : memref<!tpu.dma_semaphore, #tpu.memory_space<semaphore_mem>>)
      %mul3A_659 = arith.constant 8 : i32
      %mul3A_660 = arith.muli %scan3A_117, %mul3A_659 : i32
      %add3A_661 = arith.constant 7 : i32
      %add3A_662 = arith.addi %mul3A_660, %add3A_661 : i32
      %mul3A_663 = arith.constant 8 : i32
      %mul3A_664 = arith.muli %add3A_662, %mul3A_663 : i32
      %mul3A_665 = arith.constant 2 : i32
      %mul3A_666 = arith.muli %mul3A_665, %select_n3A_9 : i32
      %add3A_667 = arith.addi %mul3A_664, %mul3A_666 : i32
      %add3A_668 = arith.constant 0 : i32
      %add3A_669 = arith.addi %add3A_667, %add3A_668 : i32
      %mul3A_670 = arith.constant 128 : i32
      %mul3A_671 = arith.muli %add3A_669, %mul3A_670 : i32
      %mul3A_672 = arith.constant 16 : i32
      %mul3A_673 = arith.muli %mul3A_672, %select_n3A_30 : i32
      %add3A_674 = arith.addi %mul3A_671, %mul3A_673 : i32
      %mul3A_675 = arith.constant 1024 : i32
      %mul3A_676 = arith.muli %add3A_674, %mul3A_675 : i32
      %mul3A_677 = arith.constant 8 : i32
      %mul3A_678 = arith.muli %add3A_662, %mul3A_677 : i32
      %mul3A_679 = arith.constant 2 : i32
      %mul3A_680 = arith.muli %mul3A_679, %select_n3A_9 : i32
      %add3A_681 = arith.addi %mul3A_678, %mul3A_680 : i32
      %add3A_682 = arith.constant 1 : i32
      %add3A_683 = arith.addi %add3A_681, %add3A_682 : i32
      %mul3A_684 = arith.constant 128 : i32
      %mul3A_685 = arith.muli %add3A_683, %mul3A_684 : i32
      %mul3A_686 = arith.constant 16 : i32
      %mul3A_687 = arith.muli %mul3A_686, %select_n3A_30 : i32
      %add3A_688 = arith.addi %mul3A_685, %mul3A_687 : i32
      %mul3A_689 = arith.constant 1024 : i32
      %mul3A_690 = arith.muli %add3A_688, %mul3A_689 : i32
      %dma_wait3A_691 = arith.constant 0 : i32
      %dma_wait3A_692 = tpu.memref_slice %arg8[%dma_wait3A_691] : memref<32768xf32, #tpu.memory_space<vmem>> -> memref<16384xf32, #tpu.memory_space<vmem>>
      %dma_wait3A_693 = tpu.memref_slice %arg4[%mul3A_676] : memref<209715200xf32, #tpu.memory_space<hbm>> -> memref<16384xf32, #tpu.memory_space<hbm>>
      %dma_wait3A_694 = tpu.memref_slice %arg4[%mul3A_676] : memref<209715200xf32, #tpu.memory_space<hbm>> -> memref<16384xf32, #tpu.memory_space<hbm>>
      %dma_wait3A_695 = arith.constant 0 : i32
      %dma_wait3A_696 = tpu.memref_slice %arg8[%dma_wait3A_695] : memref<32768xf32, #tpu.memory_space<vmem>> -> memref<16384xf32, #tpu.memory_space<vmem>>
      tpu.wait_dma2 semaphore(%arg10 : memref<!tpu.dma_semaphore, #tpu.memory_space<semaphore_mem>>) src(%dma_wait3A_696 : memref<16384xf32, #tpu.memory_space<vmem>>) dst(%dma_wait3A_694 : memref<16384xf32, #tpu.memory_space<hbm>>)
      %dma_wait3A_697 = arith.constant 16384 : i32
      %dma_wait3A_698 = tpu.memref_slice %arg8[%dma_wait3A_697] : memref<32768xf32, #tpu.memory_space<vmem>> -> memref<16384xf32, #tpu.memory_space<vmem>>
      %dma_wait3A_699 = tpu.memref_slice %arg4[%mul3A_690] : memref<209715200xf32, #tpu.memory_space<hbm>> -> memref<16384xf32, #tpu.memory_space<hbm>>
      %dma_wait3A_700 = tpu.memref_slice %arg4[%mul3A_690] : memref<209715200xf32, #tpu.memory_space<hbm>> -> memref<16384xf32, #tpu.memory_space<hbm>>
      %dma_wait3A_701 = arith.constant 16384 : i32
      %dma_wait3A_702 = tpu.memref_slice %arg8[%dma_wait3A_701] : memref<32768xf32, #tpu.memory_space<vmem>> -> memref<16384xf32, #tpu.memory_space<vmem>>
      tpu.wait_dma2 semaphore(%arg10 : memref<!tpu.dma_semaphore, #tpu.memory_space<semaphore_mem>>) src(%dma_wait3A_702 : memref<16384xf32, #tpu.memory_space<vmem>>) dst(%dma_wait3A_700 : memref<16384xf32, #tpu.memory_space<hbm>>)
      %parallel_loop3A_703 = arith.constant 0 : i32
      %parallel_loop3A_704 = arith.constant 128 : i32
      %parallel_loop3A_705 = arith.constant 1 : i32
      scf.for %parallel_loop3A_746 = %parallel_loop3A_703 to %parallel_loop3A_704 step %parallel_loop3A_705  : i32 {
        %parallel_loop3A_747 = arith.constant 8 : i32
        %parallel_loop3A_748 = arith.divsi %parallel_loop3A_746, %parallel_loop3A_747 : i32
        %parallel_loop3A_749 = arith.constant 0 : i32
        %parallel_loop3A_750 = arith.cmpi sgt, %parallel_loop3A_746, %parallel_loop3A_749 : i32
        %parallel_loop3A_751 = arith.extui %parallel_loop3A_750 : i1 to i32
        %parallel_loop3A_752 = arith.constant 0 : i32
        %parallel_loop3A_753 = arith.cmpi slt, %parallel_loop3A_746, %parallel_loop3A_752 : i32
        %parallel_loop3A_754 = arith.extui %parallel_loop3A_753 : i1 to i32
        %parallel_loop3A_755 = arith.subi %parallel_loop3A_751, %parallel_loop3A_754 : i32
        %parallel_loop3A_756 = arith.constant 0 : i32
        %parallel_loop3A_757 = arith.cmpi sgt, %parallel_loop3A_747, %parallel_loop3A_756 : i32
        %parallel_loop3A_758 = arith.extui %parallel_loop3A_757 : i1 to i32
        %parallel_loop3A_759 = arith.constant 0 : i32
        %parallel_loop3A_760 = arith.cmpi slt, %parallel_loop3A_747, %parallel_loop3A_759 : i32
        %parallel_loop3A_761 = arith.extui %parallel_loop3A_760 : i1 to i32
        %parallel_loop3A_762 = arith.subi %parallel_loop3A_758, %parallel_loop3A_761 : i32
        %parallel_loop3A_763 = arith.cmpi ne, %parallel_loop3A_755, %parallel_loop3A_762 : i32
        %parallel_loop3A_764 = arith.remsi %parallel_loop3A_746, %parallel_loop3A_747 : i32
        %parallel_loop3A_765 = arith.constant 0 : i32
        %parallel_loop3A_766 = arith.cmpi ne, %parallel_loop3A_764, %parallel_loop3A_765 : i32
        %parallel_loop3A_767 = arith.andi %parallel_loop3A_763, %parallel_loop3A_766 : i1
        %parallel_loop3A_768 = arith.constant 1 : i32
        %parallel_loop3A_769 = arith.subi %parallel_loop3A_748, %parallel_loop3A_768 : i32
        %parallel_loop3A_770 = arith.select %parallel_loop3A_767, %parallel_loop3A_769, %parallel_loop3A_748 : i32
        %parallel_loop3A_771 = arith.constant 1024 : i32
        %parallel_loop3A_772 = arith.muli %parallel_loop3A_770, %parallel_loop3A_771 : i32
        %parallel_loop3A_773 = arith.constant 8 : i32
        %parallel_loop3A_774 = arith.constant 0 : i32
        %parallel_loop3A_775 = arith.cmpi eq, %parallel_loop3A_773, %parallel_loop3A_774 : i32
        %parallel_loop3A_776 = arith.constant 1 : i32
        %parallel_loop3A_777 = arith.select %parallel_loop3A_775, %parallel_loop3A_776, %parallel_loop3A_773 : i32
        %parallel_loop3A_778 = arith.remsi %parallel_loop3A_746, %parallel_loop3A_777 : i32
        %parallel_loop3A_779 = arith.constant 0 : i32
        %parallel_loop3A_780 = arith.cmpi ne, %parallel_loop3A_778, %parallel_loop3A_779 : i32
        %parallel_loop3A_781 = arith.constant 0 : i32
        %parallel_loop3A_782 = arith.cmpi slt, %parallel_loop3A_778, %parallel_loop3A_781 : i32
        %parallel_loop3A_783 = arith.constant 0 : i32
        %parallel_loop3A_784 = arith.cmpi slt, %parallel_loop3A_777, %parallel_loop3A_783 : i32
        %parallel_loop3A_785 = arith.xori %parallel_loop3A_782, %parallel_loop3A_784 : i1
        %parallel_loop3A_786 = arith.andi %parallel_loop3A_785, %parallel_loop3A_780 : i1
        %parallel_loop3A_787 = arith.addi %parallel_loop3A_778, %parallel_loop3A_777 : i32
        %parallel_loop3A_788 = arith.select %parallel_loop3A_786, %parallel_loop3A_787, %parallel_loop3A_778 : i32
        %parallel_loop3A_789 = arith.constant 16 : i32
        %parallel_loop3A_790 = arith.muli %parallel_loop3A_788, %parallel_loop3A_789 : i32
        %parallel_loop3A_791 = arith.addi %parallel_loop3A_772, %parallel_loop3A_790 : i32
        %parallel_loop3A_792 = arith.constant 896 : i32
        %parallel_loop3A_793 = arith.addi %parallel_loop3A_791, %parallel_loop3A_792 : i32
        %parallel_loop3A_794 = arith.index_cast %parallel_loop3A_793 : i32 to index
        %parallel_loop3A_795 = tpu.vector_load %arg6[%parallel_loop3A_794] {strides = array<i32>} : memref<16384xi32, #tpu.memory_space<vmem>>, vector<16xi32>,
        %parallel_loop3A_796 = arith.constant 0 : i32
        %parallel_loop3A_797 = arith.addi %parallel_loop3A_791, %parallel_loop3A_796 : i32
        %parallel_loop3A_798 = arith.constant 0 : i32
        %parallel_loop3A_799 = arith.addi %parallel_loop3A_797, %parallel_loop3A_798 : i32
        %parallel_loop3A_800 = arith.constant 0 : i32
        %parallel_loop3A_801 = tpu.memref_slice %arg5[%parallel_loop3A_800] : memref<32768xf32, #tpu.memory_space<vmem>> -> memref<2048xf32, #tpu.memory_space<vmem>>
        %parallel_loop3A_802 = tpu.vector_load_idx %parallel_loop3A_801[%parallel_loop3A_795] : memref<2048xf32, #tpu.memory_space<vmem>>[vector<16xi32>], vector<16xf32>,
        %parallel_loop3A_803 = arith.index_cast %parallel_loop3A_799 : i32 to index
        %parallel_loop3A_804 = tpu.vector_load %arg8[%parallel_loop3A_803] {strides = array<i32>} : memref<32768xf32, #tpu.memory_space<vmem>>, vector<16xf32>,
        tpu.vector_store %arg8[%parallel_loop3A_803], %parallel_loop3A_802 {strides = array<i32>} : memref<32768xf32, #tpu.memory_space<vmem>>, vector<16xf32>,
        %parallel_loop3A_805 = arith.constant 0 : i32
        %parallel_loop3A_806 = arith.addi %parallel_loop3A_791, %parallel_loop3A_805 : i32
        %parallel_loop3A_807 = arith.constant 128 : i32
        %parallel_loop3A_808 = arith.addi %parallel_loop3A_806, %parallel_loop3A_807 : i32
        %parallel_loop3A_809 = arith.constant 2048 : i32
        %parallel_loop3A_810 = tpu.memref_slice %arg5[%parallel_loop3A_809] : memref<32768xf32, #tpu.memory_space<vmem>> -> memref<2048xf32, #tpu.memory_space<vmem>>
        %parallel_loop3A_811 = tpu.vector_load_idx %parallel_loop3A_810[%parallel_loop3A_795] : memref<2048xf32, #tpu.memory_space<vmem>>[vector<16xi32>], vector<16xf32>,
        %parallel_loop3A_812 = arith.index_cast %parallel_loop3A_808 : i32 to index
        %parallel_loop3A_813 = tpu.vector_load %arg8[%parallel_loop3A_812] {strides = array<i32>} : memref<32768xf32, #tpu.memory_space<vmem>>, vector<16xf32>,
        tpu.vector_store %arg8[%parallel_loop3A_812], %parallel_loop3A_811 {strides = array<i32>} : memref<32768xf32, #tpu.memory_space<vmem>>, vector<16xf32>,
        %parallel_loop3A_814 = arith.constant 0 : i32
        %parallel_loop3A_815 = arith.addi %parallel_loop3A_791, %parallel_loop3A_814 : i32
        %parallel_loop3A_816 = arith.constant 256 : i32
        %parallel_loop3A_817 = arith.addi %parallel_loop3A_815, %parallel_loop3A_816 : i32
        %parallel_loop3A_818 = arith.constant 4096 : i32
        %parallel_loop3A_819 = tpu.memref_slice %arg5[%parallel_loop3A_818] : memref<32768xf32, #tpu.memory_space<vmem>> -> memref<2048xf32, #tpu.memory_space<vmem>>
        %parallel_loop3A_820 = tpu.vector_load_idx %parallel_loop3A_819[%parallel_loop3A_795] : memref<2048xf32, #tpu.memory_space<vmem>>[vector<16xi32>], vector<16xf32>,
        %parallel_loop3A_821 = arith.index_cast %parallel_loop3A_817 : i32 to index
        %parallel_loop3A_822 = tpu.vector_load %arg8[%parallel_loop3A_821] {strides = array<i32>} : memref<32768xf32, #tpu.memory_space<vmem>>, vector<16xf32>,
        tpu.vector_store %arg8[%parallel_loop3A_821], %parallel_loop3A_820 {strides = array<i32>} : memref<32768xf32, #tpu.memory_space<vmem>>, vector<16xf32>,
        %parallel_loop3A_823 = arith.constant 0 : i32
        %parallel_loop3A_824 = arith.addi %parallel_loop3A_791, %parallel_loop3A_823 : i32
        %parallel_loop3A_825 = arith.constant 384 : i32
        %parallel_loop3A_826 = arith.addi %parallel_loop3A_824, %parallel_loop3A_825 : i32
        %parallel_loop3A_827 = arith.constant 6144 : i32
        %parallel_loop3A_828 = tpu.memref_slice %arg5[%parallel_loop3A_827] : memref<32768xf32, #tpu.memory_space<vmem>> -> memref<2048xf32, #tpu.memory_space<vmem>>
        %parallel_loop3A_829 = tpu.vector_load_idx %parallel_loop3A_828[%parallel_loop3A_795] : memref<2048xf32, #tpu.memory_space<vmem>>[vector<16xi32>], vector<16xf32>,
        %parallel_loop3A_830 = arith.index_cast %parallel_loop3A_826 : i32 to index
        %parallel_loop3A_831 = tpu.vector_load %arg8[%parallel_loop3A_830] {strides = array<i32>} : memref<32768xf32, #tpu.memory_space<vmem>>, vector<16xf32>,
        tpu.vector_store %arg8[%parallel_loop3A_830], %parallel_loop3A_829 {strides = array<i32>} : memref<32768xf32, #tpu.memory_space<vmem>>, vector<16xf32>,
        %parallel_loop3A_832 = arith.constant 0 : i32
        %parallel_loop3A_833 = arith.addi %parallel_loop3A_791, %parallel_loop3A_832 : i32
        %parallel_loop3A_834 = arith.constant 512 : i32
        %parallel_loop3A_835 = arith.addi %parallel_loop3A_833, %parallel_loop3A_834 : i32
        %parallel_loop3A_836 = arith.constant 8192 : i32
        %parallel_loop3A_837 = tpu.memref_slice %arg5[%parallel_loop3A_836] : memref<32768xf32, #tpu.memory_space<vmem>> -> memref<2048xf32, #tpu.memory_space<vmem>>
        %parallel_loop3A_838 = tpu.vector_load_idx %parallel_loop3A_837[%parallel_loop3A_795] : memref<2048xf32, #tpu.memory_space<vmem>>[vector<16xi32>], vector<16xf32>,
        %parallel_loop3A_839 = arith.index_cast %parallel_loop3A_835 : i32 to index
        %parallel_loop3A_840 = tpu.vector_load %arg8[%parallel_loop3A_839] {strides = array<i32>} : memref<32768xf32, #tpu.memory_space<vmem>>, vector<16xf32>,
        tpu.vector_store %arg8[%parallel_loop3A_839], %parallel_loop3A_838 {strides = array<i32>} : memref<32768xf32, #tpu.memory_space<vmem>>, vector<16xf32>,
        %parallel_loop3A_841 = arith.constant 0 : i32
        %parallel_loop3A_842 = arith.addi %parallel_loop3A_791, %parallel_loop3A_841 : i32
        %parallel_loop3A_843 = arith.constant 640 : i32
        %parallel_loop3A_844 = arith.addi %parallel_loop3A_842, %parallel_loop3A_843 : i32
        %parallel_loop3A_845 = arith.constant 10240 : i32
        %parallel_loop3A_846 = tpu.memref_slice %arg5[%parallel_loop3A_845] : memref<32768xf32, #tpu.memory_space<vmem>> -> memref<2048xf32, #tpu.memory_space<vmem>>
        %parallel_loop3A_847 = tpu.vector_load_idx %parallel_loop3A_846[%parallel_loop3A_795] : memref<2048xf32, #tpu.memory_space<vmem>>[vector<16xi32>], vector<16xf32>,
        %parallel_loop3A_848 = arith.index_cast %parallel_loop3A_844 : i32 to index
        %parallel_loop3A_849 = tpu.vector_load %arg8[%parallel_loop3A_848] {strides = array<i32>} : memref<32768xf32, #tpu.memory_space<vmem>>, vector<16xf32>,
        tpu.vector_store %arg8[%parallel_loop3A_848], %parallel_loop3A_847 {strides = array<i32>} : memref<32768xf32, #tpu.memory_space<vmem>>, vector<16xf32>,
        %parallel_loop3A_850 = arith.constant 0 : i32
        %parallel_loop3A_851 = arith.addi %parallel_loop3A_791, %parallel_loop3A_850 : i32
        %parallel_loop3A_852 = arith.constant 768 : i32
        %parallel_loop3A_853 = arith.addi %parallel_loop3A_851, %parallel_loop3A_852 : i32
        %parallel_loop3A_854 = arith.constant 12288 : i32
        %parallel_loop3A_855 = tpu.memref_slice %arg5[%parallel_loop3A_854] : memref<32768xf32, #tpu.memory_space<vmem>> -> memref<2048xf32, #tpu.memory_space<vmem>>
        %parallel_loop3A_856 = tpu.vector_load_idx %parallel_loop3A_855[%parallel_loop3A_795] : memref<2048xf32, #tpu.memory_space<vmem>>[vector<16xi32>], vector<16xf32>,
        %parallel_loop3A_857 = arith.index_cast %parallel_loop3A_853 : i32 to index
        %parallel_loop3A_858 = tpu.vector_load %arg8[%parallel_loop3A_857] {strides = array<i32>} : memref<32768xf32, #tpu.memory_space<vmem>>, vector<16xf32>,
        tpu.vector_store %arg8[%parallel_loop3A_857], %parallel_loop3A_856 {strides = array<i32>} : memref<32768xf32, #tpu.memory_space<vmem>>, vector<16xf32>,
        %parallel_loop3A_859 = arith.constant 0 : i32
        %parallel_loop3A_860 = arith.addi %parallel_loop3A_791, %parallel_loop3A_859 : i32
        %parallel_loop3A_861 = arith.constant 896 : i32
        %parallel_loop3A_862 = arith.addi %parallel_loop3A_860, %parallel_loop3A_861 : i32
        %parallel_loop3A_863 = arith.constant 14336 : i32
        %parallel_loop3A_864 = tpu.memref_slice %arg5[%parallel_loop3A_863] : memref<32768xf32, #tpu.memory_space<vmem>> -> memref<2048xf32, #tpu.memory_space<vmem>>
        %parallel_loop3A_865 = tpu.vector_load_idx %parallel_loop3A_864[%parallel_loop3A_795] : memref<2048xf32, #tpu.memory_space<vmem>>[vector<16xi32>], vector<16xf32>,
        %parallel_loop3A_866 = arith.index_cast %parallel_loop3A_862 : i32 to index
        %parallel_loop3A_867 = tpu.vector_load %arg8[%parallel_loop3A_866] {strides = array<i32>} : memref<32768xf32, #tpu.memory_space<vmem>>, vector<16xf32>,
        tpu.vector_store %arg8[%parallel_loop3A_866], %parallel_loop3A_865 {strides = array<i32>} : memref<32768xf32, #tpu.memory_space<vmem>>, vector<16xf32>,
        %parallel_loop3A_868 = arith.constant 16384 : i32
        %parallel_loop3A_869 = arith.addi %parallel_loop3A_791, %parallel_loop3A_868 : i32
        %parallel_loop3A_870 = arith.constant 0 : i32
        %parallel_loop3A_871 = arith.addi %parallel_loop3A_869, %parallel_loop3A_870 : i32
        %parallel_loop3A_872 = arith.constant 16384 : i32
        %parallel_loop3A_873 = tpu.memref_slice %arg5[%parallel_loop3A_872] : memref<32768xf32, #tpu.memory_space<vmem>> -> memref<2048xf32, #tpu.memory_space<vmem>>
        %parallel_loop3A_874 = tpu.vector_load_idx %parallel_loop3A_873[%parallel_loop3A_795] : memref<2048xf32, #tpu.memory_space<vmem>>[vector<16xi32>], vector<16xf32>,
        %parallel_loop3A_875 = arith.index_cast %parallel_loop3A_871 : i32 to index
        %parallel_loop3A_876 = tpu.vector_load %arg8[%parallel_loop3A_875] {strides = array<i32>} : memref<32768xf32, #tpu.memory_space<vmem>>, vector<16xf32>,
        tpu.vector_store %arg8[%parallel_loop3A_875], %parallel_loop3A_874 {strides = array<i32>} : memref<32768xf32, #tpu.memory_space<vmem>>, vector<16xf32>,
        %parallel_loop3A_877 = arith.constant 16384 : i32
        %parallel_loop3A_878 = arith.addi %parallel_loop3A_791, %parallel_loop3A_877 : i32
        %parallel_loop3A_879 = arith.constant 128 : i32
        %parallel_loop3A_880 = arith.addi %parallel_loop3A_878, %parallel_loop3A_879 : i32
        %parallel_loop3A_881 = arith.constant 18432 : i32
        %parallel_loop3A_882 = tpu.memref_slice %arg5[%parallel_loop3A_881] : memref<32768xf32, #tpu.memory_space<vmem>> -> memref<2048xf32, #tpu.memory_space<vmem>>
        %parallel_loop3A_883 = tpu.vector_load_idx %parallel_loop3A_882[%parallel_loop3A_795] : memref<2048xf32, #tpu.memory_space<vmem>>[vector<16xi32>], vector<16xf32>,
        %parallel_loop3A_884 = arith.index_cast %parallel_loop3A_880 : i32 to index
        %parallel_loop3A_885 = tpu.vector_load %arg8[%parallel_loop3A_884] {strides = array<i32>} : memref<32768xf32, #tpu.memory_space<vmem>>, vector<16xf32>,
        tpu.vector_store %arg8[%parallel_loop3A_884], %parallel_loop3A_883 {strides = array<i32>} : memref<32768xf32, #tpu.memory_space<vmem>>, vector<16xf32>,
        %parallel_loop3A_886 = arith.constant 16384 : i32
        %parallel_loop3A_887 = arith.addi %parallel_loop3A_791, %parallel_loop3A_886 : i32
        %parallel_loop3A_888 = arith.constant 256 : i32
        %parallel_loop3A_889 = arith.addi %parallel_loop3A_887, %parallel_loop3A_888 : i32
        %parallel_loop3A_890 = arith.constant 20480 : i32
        %parallel_loop3A_891 = tpu.memref_slice %arg5[%parallel_loop3A_890] : memref<32768xf32, #tpu.memory_space<vmem>> -> memref<2048xf32, #tpu.memory_space<vmem>>
        %parallel_loop3A_892 = tpu.vector_load_idx %parallel_loop3A_891[%parallel_loop3A_795] : memref<2048xf32, #tpu.memory_space<vmem>>[vector<16xi32>], vector<16xf32>,
        %parallel_loop3A_893 = arith.index_cast %parallel_loop3A_889 : i32 to index
        %parallel_loop3A_894 = tpu.vector_load %arg8[%parallel_loop3A_893] {strides = array<i32>} : memref<32768xf32, #tpu.memory_space<vmem>>, vector<16xf32>,
        tpu.vector_store %arg8[%parallel_loop3A_893], %parallel_loop3A_892 {strides = array<i32>} : memref<32768xf32, #tpu.memory_space<vmem>>, vector<16xf32>,
        %parallel_loop3A_895 = arith.constant 16384 : i32
        %parallel_loop3A_896 = arith.addi %parallel_loop3A_791, %parallel_loop3A_895 : i32
        %parallel_loop3A_897 = arith.constant 384 : i32
        %parallel_loop3A_898 = arith.addi %parallel_loop3A_896, %parallel_loop3A_897 : i32
        %parallel_loop3A_899 = arith.constant 22528 : i32
        %parallel_loop3A_900 = tpu.memref_slice %arg5[%parallel_loop3A_899] : memref<32768xf32, #tpu.memory_space<vmem>> -> memref<2048xf32, #tpu.memory_space<vmem>>
        %parallel_loop3A_901 = tpu.vector_load_idx %parallel_loop3A_900[%parallel_loop3A_795] : memref<2048xf32, #tpu.memory_space<vmem>>[vector<16xi32>], vector<16xf32>,
        %parallel_loop3A_902 = arith.index_cast %parallel_loop3A_898 : i32 to index
        %parallel_loop3A_903 = tpu.vector_load %arg8[%parallel_loop3A_902] {strides = array<i32>} : memref<32768xf32, #tpu.memory_space<vmem>>, vector<16xf32>,
        tpu.vector_store %arg8[%parallel_loop3A_902], %parallel_loop3A_901 {strides = array<i32>} : memref<32768xf32, #tpu.memory_space<vmem>>, vector<16xf32>,
        %parallel_loop3A_904 = arith.constant 16384 : i32
        %parallel_loop3A_905 = arith.addi %parallel_loop3A_791, %parallel_loop3A_904 : i32
        %parallel_loop3A_906 = arith.constant 512 : i32
        %parallel_loop3A_907 = arith.addi %parallel_loop3A_905, %parallel_loop3A_906 : i32
        %parallel_loop3A_908 = arith.constant 24576 : i32
        %parallel_loop3A_909 = tpu.memref_slice %arg5[%parallel_loop3A_908] : memref<32768xf32, #tpu.memory_space<vmem>> -> memref<2048xf32, #tpu.memory_space<vmem>>
        %parallel_loop3A_910 = tpu.vector_load_idx %parallel_loop3A_909[%parallel_loop3A_795] : memref<2048xf32, #tpu.memory_space<vmem>>[vector<16xi32>], vector<16xf32>,
        %parallel_loop3A_911 = arith.index_cast %parallel_loop3A_907 : i32 to index
        %parallel_loop3A_912 = tpu.vector_load %arg8[%parallel_loop3A_911] {strides = array<i32>} : memref<32768xf32, #tpu.memory_space<vmem>>, vector<16xf32>,
        tpu.vector_store %arg8[%parallel_loop3A_911], %parallel_loop3A_910 {strides = array<i32>} : memref<32768xf32, #tpu.memory_space<vmem>>, vector<16xf32>,
        %parallel_loop3A_913 = arith.constant 16384 : i32
        %parallel_loop3A_914 = arith.addi %parallel_loop3A_791, %parallel_loop3A_913 : i32
        %parallel_loop3A_915 = arith.constant 640 : i32
        %parallel_loop3A_916 = arith.addi %parallel_loop3A_914, %parallel_loop3A_915 : i32
        %parallel_loop3A_917 = arith.constant 26624 : i32
        %parallel_loop3A_918 = tpu.memref_slice %arg5[%parallel_loop3A_917] : memref<32768xf32, #tpu.memory_space<vmem>> -> memref<2048xf32, #tpu.memory_space<vmem>>
        %parallel_loop3A_919 = tpu.vector_load_idx %parallel_loop3A_918[%parallel_loop3A_795] : memref<2048xf32, #tpu.memory_space<vmem>>[vector<16xi32>], vector<16xf32>,
        %parallel_loop3A_920 = arith.index_cast %parallel_loop3A_916 : i32 to index
        %parallel_loop3A_921 = tpu.vector_load %arg8[%parallel_loop3A_920] {strides = array<i32>} : memref<32768xf32, #tpu.memory_space<vmem>>, vector<16xf32>,
        tpu.vector_store %arg8[%parallel_loop3A_920], %parallel_loop3A_919 {strides = array<i32>} : memref<32768xf32, #tpu.memory_space<vmem>>, vector<16xf32>,
        %parallel_loop3A_922 = arith.constant 16384 : i32
        %parallel_loop3A_923 = arith.addi %parallel_loop3A_791, %parallel_loop3A_922 : i32
        %parallel_loop3A_924 = arith.constant 768 : i32
        %parallel_loop3A_925 = arith.addi %parallel_loop3A_923, %parallel_loop3A_924 : i32
        %parallel_loop3A_926 = arith.constant 28672 : i32
        %parallel_loop3A_927 = tpu.memref_slice %arg5[%parallel_loop3A_926] : memref<32768xf32, #tpu.memory_space<vmem>> -> memref<2048xf32, #tpu.memory_space<vmem>>
        %parallel_loop3A_928 = tpu.vector_load_idx %parallel_loop3A_927[%parallel_loop3A_795] : memref<2048xf32, #tpu.memory_space<vmem>>[vector<16xi32>], vector<16xf32>,
        %parallel_loop3A_929 = arith.index_cast %parallel_loop3A_925 : i32 to index
        %parallel_loop3A_930 = tpu.vector_load %arg8[%parallel_loop3A_929] {strides = array<i32>} : memref<32768xf32, #tpu.memory_space<vmem>>, vector<16xf32>,
        tpu.vector_store %arg8[%parallel_loop3A_929], %parallel_loop3A_928 {strides = array<i32>} : memref<32768xf32, #tpu.memory_space<vmem>>, vector<16xf32>,
        %parallel_loop3A_931 = arith.constant 16384 : i32
        %parallel_loop3A_932 = arith.addi %parallel_loop3A_791, %parallel_loop3A_931 : i32
        %parallel_loop3A_933 = arith.constant 896 : i32
        %parallel_loop3A_934 = arith.addi %parallel_loop3A_932, %parallel_loop3A_933 : i32
        %parallel_loop3A_935 = arith.constant 30720 : i32
        %parallel_loop3A_936 = tpu.memref_slice %arg5[%parallel_loop3A_935] : memref<32768xf32, #tpu.memory_space<vmem>> -> memref<2048xf32, #tpu.memory_space<vmem>>
        %parallel_loop3A_937 = tpu.vector_load_idx %parallel_loop3A_936[%parallel_loop3A_795] : memref<2048xf32, #tpu.memory_space<vmem>>[vector<16xi32>], vector<16xf32>,
        %parallel_loop3A_938 = arith.index_cast %parallel_loop3A_934 : i32 to index
        %parallel_loop3A_939 = tpu.vector_load %arg8[%parallel_loop3A_938] {strides = array<i32>} : memref<32768xf32, #tpu.memory_space<vmem>>, vector<16xf32>,
        tpu.vector_store %arg8[%parallel_loop3A_938], %parallel_loop3A_937 {strides = array<i32>} : memref<32768xf32, #tpu.memory_space<vmem>>, vector<16xf32>,
      } {sc.loop_unroll_factor = 8 : i64, sc.parallel_access}
      %mul3A_706 = arith.constant 8 : i32
      %mul3A_707 = arith.muli %add3A_662, %mul3A_706 : i32
      %mul3A_708 = arith.constant 2 : i32
      %mul3A_709 = arith.muli %mul3A_708, %select_n3A_9 : i32
      %add3A_710 = arith.addi %mul3A_707, %mul3A_709 : i32
      %add3A_711 = arith.constant 0 : i32
      %add3A_712 = arith.addi %add3A_710, %add3A_711 : i32
      %mul3A_713 = arith.constant 128 : i32
      %mul3A_714 = arith.muli %add3A_712, %mul3A_713 : i32
      %mul3A_715 = arith.constant 16 : i32
      %mul3A_716 = arith.muli %mul3A_715, %select_n3A_30 : i32
      %add3A_717 = arith.addi %mul3A_714, %mul3A_716 : i32
      %mul3A_718 = arith.constant 1024 : i32
      %mul3A_719 = arith.muli %add3A_717, %mul3A_718 : i32
      %mul3A_720 = arith.constant 8 : i32
      %mul3A_721 = arith.muli %add3A_662, %mul3A_720 : i32
      %mul3A_722 = arith.constant 2 : i32
      %mul3A_723 = arith.muli %mul3A_722, %select_n3A_9 : i32
      %add3A_724 = arith.addi %mul3A_721, %mul3A_723 : i32
      %add3A_725 = arith.constant 1 : i32
      %add3A_726 = arith.addi %add3A_724, %add3A_725 : i32
      %mul3A_727 = arith.constant 128 : i32
      %mul3A_728 = arith.muli %add3A_726, %mul3A_727 : i32
      %mul3A_729 = arith.constant 16 : i32
      %mul3A_730 = arith.muli %mul3A_729, %select_n3A_30 : i32
      %add3A_731 = arith.addi %mul3A_728, %mul3A_730 : i32
      %mul3A_732 = arith.constant 1024 : i32
      %mul3A_733 = arith.muli %add3A_731, %mul3A_732 : i32
      %dma_start3A_734 = arith.constant 0 : i32
      %dma_start3A_735 = tpu.memref_slice %arg8[%dma_start3A_734] : memref<32768xf32, #tpu.memory_space<vmem>> -> memref<16384xf32, #tpu.memory_space<vmem>>
      %dma_start3A_736 = tpu.memref_slice %arg4[%mul3A_719] : memref<209715200xf32, #tpu.memory_space<hbm>> -> memref<16384xf32, #tpu.memory_space<hbm>>
      %dma_start3A_737 = tpu.memref_slice %arg4[%mul3A_719] : memref<209715200xf32, #tpu.memory_space<hbm>> -> memref<16384xf32, #tpu.memory_space<hbm>>
      %dma_start3A_738 = arith.constant 0 : i32
      %dma_start3A_739 = tpu.memref_slice %arg8[%dma_start3A_738] : memref<32768xf32, #tpu.memory_space<vmem>> -> memref<16384xf32, #tpu.memory_space<vmem>>
      tpu.enqueue_dma source(%dma_start3A_739 : memref<16384xf32, #tpu.memory_space<vmem>>) target(%dma_start3A_737 : memref<16384xf32, #tpu.memory_space<hbm>>) target_semaphore(%arg10 : memref<!tpu.dma_semaphore, #tpu.memory_space<semaphore_mem>>)
      %dma_start3A_740 = arith.constant 16384 : i32
      %dma_start3A_741 = tpu.memref_slice %arg8[%dma_start3A_740] : memref<32768xf32, #tpu.memory_space<vmem>> -> memref<16384xf32, #tpu.memory_space<vmem>>
      %dma_start3A_742 = tpu.memref_slice %arg4[%mul3A_733] : memref<209715200xf32, #tpu.memory_space<hbm>> -> memref<16384xf32, #tpu.memory_space<hbm>>
      %dma_start3A_743 = tpu.memref_slice %arg4[%mul3A_733] : memref<209715200xf32, #tpu.memory_space<hbm>> -> memref<16384xf32, #tpu.memory_space<hbm>>
      %dma_start3A_744 = arith.constant 16384 : i32
      %dma_start3A_745 = tpu.memref_slice %arg8[%dma_start3A_744] : memref<32768xf32, #tpu.memory_space<vmem>> -> memref<16384xf32, #tpu.memory_space<vmem>>
      tpu.enqueue_dma source(%dma_start3A_745 : memref<16384xf32, #tpu.memory_space<vmem>>) target(%dma_start3A_743 : memref<16384xf32, #tpu.memory_space<hbm>>) target_semaphore(%arg10 : memref<!tpu.dma_semaphore, #tpu.memory_space<semaphore_mem>>)
    }
    %scan3A_41 = arith.constant 25 : i32
    %mul3A_42 = arith.constant 2 : i32
    %mul3A_43 = arith.muli %mul3A_42, %select_n3A_9 : i32
    %add3A_44 = arith.constant 1584 : i32
    %add3A_45 = arith.addi %add3A_44, %mul3A_43 : i32
    %add3A_46 = arith.constant 0 : i32
    %add3A_47 = arith.addi %add3A_45, %add3A_46 : i32
    %mul3A_48 = arith.constant 128 : i32
    %mul3A_49 = arith.muli %add3A_47, %mul3A_48 : i32
    %mul3A_50 = arith.constant 16 : i32
    %mul3A_51 = arith.muli %mul3A_50, %select_n3A_30 : i32
    %add3A_52 = arith.addi %mul3A_49, %mul3A_51 : i32
    %mul3A_53 = arith.constant 1024 : i32
    %mul3A_54 = arith.muli %add3A_52, %mul3A_53 : i32
    %mul3A_55 = arith.constant 2 : i32
    %mul3A_56 = arith.muli %mul3A_55, %select_n3A_9 : i32
    %add3A_57 = arith.constant 1584 : i32
    %add3A_58 = arith.addi %add3A_57, %mul3A_56 : i32
    %add3A_59 = arith.constant 1 : i32
    %add3A_60 = arith.addi %add3A_58, %add3A_59 : i32
    %mul3A_61 = arith.constant 128 : i32
    %mul3A_62 = arith.muli %add3A_60, %mul3A_61 : i32
    %mul3A_63 = arith.constant 16 : i32
    %mul3A_64 = arith.muli %mul3A_63, %select_n3A_30 : i32
    %add3A_65 = arith.addi %mul3A_62, %mul3A_64 : i32
    %mul3A_66 = arith.constant 1024 : i32
    %mul3A_67 = arith.muli %add3A_65, %mul3A_66 : i32
    %dma_wait3A = arith.constant 0 : i32
    %dma_wait3A_68 = tpu.memref_slice %arg7[%dma_wait3A] : memref<32768xf32, #tpu.memory_space<vmem>> -> memref<16384xf32, #tpu.memory_space<vmem>>
    %dma_wait3A_69 = tpu.memref_slice %arg4[%mul3A_54] : memref<209715200xf32, #tpu.memory_space<hbm>> -> memref<16384xf32, #tpu.memory_space<hbm>>
    %dma_wait3A_70 = tpu.memref_slice %arg4[%mul3A_54] : memref<209715200xf32, #tpu.memory_space<hbm>> -> memref<16384xf32, #tpu.memory_space<hbm>>
    %dma_wait3A_71 = arith.constant 0 : i32
    %dma_wait3A_72 = tpu.memref_slice %arg7[%dma_wait3A_71] : memref<32768xf32, #tpu.memory_space<vmem>> -> memref<16384xf32, #tpu.memory_space<vmem>>
    tpu.wait_dma2 semaphore(%arg9 : memref<!tpu.dma_semaphore, #tpu.memory_space<semaphore_mem>>) src(%dma_wait3A_72 : memref<16384xf32, #tpu.memory_space<vmem>>) dst(%dma_wait3A_70 : memref<16384xf32, #tpu.memory_space<hbm>>)
    %dma_wait3A_73 = arith.constant 16384 : i32
    %dma_wait3A_74 = tpu.memref_slice %arg7[%dma_wait3A_73] : memref<32768xf32, #tpu.memory_space<vmem>> -> memref<16384xf32, #tpu.memory_space<vmem>>
    %dma_wait3A_75 = tpu.memref_slice %arg4[%mul3A_67] : memref<209715200xf32, #tpu.memory_space<hbm>> -> memref<16384xf32, #tpu.memory_space<hbm>>
    %dma_wait3A_76 = tpu.memref_slice %arg4[%mul3A_67] : memref<209715200xf32, #tpu.memory_space<hbm>> -> memref<16384xf32, #tpu.memory_space<hbm>>
    %dma_wait3A_77 = arith.constant 16384 : i32
    %dma_wait3A_78 = tpu.memref_slice %arg7[%dma_wait3A_77] : memref<32768xf32, #tpu.memory_space<vmem>> -> memref<16384xf32, #tpu.memory_space<vmem>>
    tpu.wait_dma2 semaphore(%arg9 : memref<!tpu.dma_semaphore, #tpu.memory_space<semaphore_mem>>) src(%dma_wait3A_78 : memref<16384xf32, #tpu.memory_space<vmem>>) dst(%dma_wait3A_76 : memref<16384xf32, #tpu.memory_space<hbm>>)
    %mul3A_79 = arith.constant 2 : i32
    %mul3A_80 = arith.muli %mul3A_79, %select_n3A_9 : i32
    %add3A_81 = arith.constant 1592 : i32
    %add3A_82 = arith.addi %add3A_81, %mul3A_80 : i32
    %add3A_83 = arith.constant 0 : i32
    %add3A_84 = arith.addi %add3A_82, %add3A_83 : i32
    %mul3A_85 = arith.constant 128 : i32
    %mul3A_86 = arith.muli %add3A_84, %mul3A_85 : i32
    %mul3A_87 = arith.constant 16 : i32
    %mul3A_88 = arith.muli %mul3A_87, %select_n3A_30 : i32
    %add3A_89 = arith.addi %mul3A_86, %mul3A_88 : i32
    %mul3A_90 = arith.constant 1024 : i32
    %mul3A_91 = arith.muli %add3A_89, %mul3A_90 : i32
    %mul3A_92 = arith.constant 2 : i32
    %mul3A_93 = arith.muli %mul3A_92, %select_n3A_9 : i32
    %add3A_94 = arith.constant 1592 : i32
    %add3A_95 = arith.addi %add3A_94, %mul3A_93 : i32
    %add3A_96 = arith.constant 1 : i32
    %add3A_97 = arith.addi %add3A_95, %add3A_96 : i32
    %mul3A_98 = arith.constant 128 : i32
    %mul3A_99 = arith.muli %add3A_97, %mul3A_98 : i32
    %mul3A_100 = arith.constant 16 : i32
    %mul3A_101 = arith.muli %mul3A_100, %select_n3A_30 : i32
    %add3A_102 = arith.addi %mul3A_99, %mul3A_101 : i32
    %mul3A_103 = arith.constant 1024 : i32
    %mul3A_104 = arith.muli %add3A_102, %mul3A_103 : i32
    %dma_wait3A_105 = arith.constant 0 : i32
    %dma_wait3A_106 = tpu.memref_slice %arg8[%dma_wait3A_105] : memref<32768xf32, #tpu.memory_space<vmem>> -> memref<16384xf32, #tpu.memory_space<vmem>>
    %dma_wait3A_107 = tpu.memref_slice %arg4[%mul3A_91] : memref<209715200xf32, #tpu.memory_space<hbm>> -> memref<16384xf32, #tpu.memory_space<hbm>>
    %dma_wait3A_108 = tpu.memref_slice %arg4[%mul3A_91] : memref<209715200xf32, #tpu.memory_space<hbm>> -> memref<16384xf32, #tpu.memory_space<hbm>>
    %dma_wait3A_109 = arith.constant 0 : i32
    %dma_wait3A_110 = tpu.memref_slice %arg8[%dma_wait3A_109] : memref<32768xf32, #tpu.memory_space<vmem>> -> memref<16384xf32, #tpu.memory_space<vmem>>
    tpu.wait_dma2 semaphore(%arg10 : memref<!tpu.dma_semaphore, #tpu.memory_space<semaphore_mem>>) src(%dma_wait3A_110 : memref<16384xf32, #tpu.memory_space<vmem>>) dst(%dma_wait3A_108 : memref<16384xf32, #tpu.memory_space<hbm>>)
    %dma_wait3A_111 = arith.constant 16384 : i32
    %dma_wait3A_112 = tpu.memref_slice %arg8[%dma_wait3A_111] : memref<32768xf32, #tpu.memory_space<vmem>> -> memref<16384xf32, #tpu.memory_space<vmem>>
    %dma_wait3A_113 = tpu.memref_slice %arg4[%mul3A_104] : memref<209715200xf32, #tpu.memory_space<hbm>> -> memref<16384xf32, #tpu.memory_space<hbm>>
    %dma_wait3A_114 = tpu.memref_slice %arg4[%mul3A_104] : memref<209715200xf32, #tpu.memory_space<hbm>> -> memref<16384xf32, #tpu.memory_space<hbm>>
    %dma_wait3A_115 = arith.constant 16384 : i32
    %dma_wait3A_116 = tpu.memref_slice %arg8[%dma_wait3A_115] : memref<32768xf32, #tpu.memory_space<vmem>> -> memref<16384xf32, #tpu.memory_space<vmem>>
    tpu.wait_dma2 semaphore(%arg10 : memref<!tpu.dma_semaphore, #tpu.memory_space<semaphore_mem>>) src(%dma_wait3A_116 : memref<16384xf32, #tpu.memory_space<vmem>>) dst(%dma_wait3A_114 : memref<16384xf32, #tpu.memory_space<hbm>>)
    return
  }
}

</mosaic_0001>

<sc_bundles>
// kernel: kernel.3.cloned.1.call-start
scs
__scs_entry_jumppad:
0x0: {  	(pc) =	sbr.rel $0x88, $3  }
0x1: {  	(tag) =	ssettag $0x0;
	lr =	simm.s32 $0x1  }
0x2: {  	[smem:$0x3F9F] =	sst lr;
	_ =	strace $0xD0000000  }
0x3: {  	_ = 	snop  }
0x4: {  	_ = 	snop  }
0x5: {  	_ = 	snop  }
0x6: {  	_ = 	snop  }
0x7: {  	_ = 	snop  }
__scs_overlays_trampoline_lowered:
0x8: {  	[smem:$0x3FAE] =	sst s0  }
0x9: {  	[smem:$0x3FAF] =	sst s1  }
0xa: {  	[smem:$0x3FB0] =	sst s2  }
0xb: {  	[smem:$0x3FB1] =	sst s3  }
0xc: {  	[smem:$0x3FB2] =	sst s4  }
0xd: {  	[smem:$0x3FB3] =	sst s5  }
0xe: {  	[smem:$0x3FB4] =	sst s6  }
0xf: {  	[smem:$0x3FB5] =	sst s7  }
0x10: {  	[smem:$0x3FB6] =	sst s8  }
0x11: {  	[smem:$0x3FB7] =	sst s9;
	s0 =	simm.s32 @!p0 $0x0  }
0x12: {  	s1 =	sld [smem:$0x3F9D];
	s0 =	simm.s32 @p0 $0x1  }
0x13: {  	[smem:$0x3FB8] =	sst s0;
	s0 =	simm.s32 @!p1 $0x0  }
0x14: {  	s2 =	sld [smem:$0x3F9C];
	s0 =	simm.s32 @p1 $0x1  }
0x15: {  	[smem:$0x3FB9] =	sst s0;
	s0 =	simm.s32 @!p2 $0x0  }
0x16: {  	s3 =	sld [smem:$0x3FDB];
	s0 =	simm.s32 @p2 $0x1  }
0x17: {  	s4 =	simm.s32 $0x1BF5;
	[smem:$0x3FBB] =	sst s0  }
0x18: {  	s0 =	sld [smem:$0x3F9E];
	_ =	swait.ge [sflag:s4], $0x0  }
0x19: {  	s7 =	sld [smem:$0x3F9F]  }
0x1a: {  	s8 =	sadd.s32 $0xFFFFE003, lr  }
0x1b: {  	s9 =	sadd.s32 $0xFFFFFEF7, lr;
	s5 =	simm.s32 $0xFFFFFFFF;
	p2 =	slt.u32 s8, $0xFFFFF086  }
0x1c: {  	p1 =	slt.u32 s9, $0xF7A;
	s5 =	simm.s32 @!p2 $0x0  }
0x1d: {  	s5 =	simm.s32 @p1 $0x1;
	p0 =	seq.s32 s7, s2  }
0x1e: {  	s7 =	smul.u32 @!p0 $0xF7A, s2;
	p2 =	seq.s32 @!p0 s5, $0x0  }
0x1f: {  	s9 =	smul.u32 $0xF7A, s1;
	s8 =	simm.s32 @!p0 $0x1BF5;
	p2 =	por !p2, p0  }
0x20: {  	[sflag:s8] =	ssyncset.s32 @!p0 $0xFFFFF086;
	s6 =	sadd.s32 @!p0 s3, s7;
	s7 =	simm.s32 @!p0 $0x108  }
0x21: {  	s3 =	sadd.s32 s3, s9;
	s6 =	sadd.s32 @!p0 $0x88, s6;
	s7 =	simm.s32 @p2 $0x1082  }
0x22: {  	[simem:s7], [sflag:s8] =	dma.local @!p0 [hbm:s6], $0xF7A  }
0x23: {  	s9 =	sor.u32 $0xD0000000, s2;
	s6 =	simm.s32 $0x108;
	_ =	swait.ge @!p0 [sflag:s8], $0x0  }
0x24: {  	s3 =	sadd.s32 $0x88, s3;
	s6 =	simm.s32 @!p1 $0x1082;
	[sflag:s4] =	ssyncset.s32 $0xFFFFF086  }
0x25: {  	[simem:s6], [sflag:s4] =	dma.local [hbm:s3], $0xF7A  }
0x26: {  	[smem:$0x3F9F] =	sst s1;
	(tag) =	ssettag s2;
	_ =	strace s9  }
0x27: {  	s1 =	sld [smem:$0x3FAF]  }
0x28: {  	s2 =	sld [smem:$0x3FB0]  }
0x29: {  	s4 =	sld [smem:$0x3FB2]  }
0x2a: {  	p0 =	seq.s32 s5, $0x0;
	s5 =	sld [smem:$0x3FB3]  }
0x2b: {  	s6 =	sld [smem:$0x3FB4]  }
0x2c: {  	s7 =	sld [smem:$0x3FB5]  }
0x2d: {  	s3 =	simm.s32 $0x108;
	s8 =	sld [smem:$0x3FB6]  }
0x2e: {  	s3 =	simm.s32 @!p0 $0x1082;
	s9 =	sld [smem:$0x3FB7]  }
0x2f: {  	lr =	sadd.s32 s0, s3;
	s0 =	sld [smem:$0x3FAE]  }
0x30: {  	s3 =	sld [smem:$0x3FB1]  }
0x31: {  	[smem:$0x3FBA] =	sst s10  }
0x32: {  	s10 =	sld [smem:$0x3FB8];
	_ =	sdelay $0x3  }
0x33: {  	p0 =	seq.s32 s10, $0x1;
	s10 =	sld [smem:$0x3FBA];
	_ =	sdelay $0x3  }
0x34: {  	[smem:$0x3FBA] =	sst s10  }
0x35: {  	s10 =	sld [smem:$0x3FB9];
	_ =	sdelay $0x3  }
0x36: {  	p1 =	seq.s32 s10, $0x1;
	s10 =	sld [smem:$0x3FBA];
	_ =	sdelay $0x3  }
0x37: {  	[smem:$0x3FBA] =	sst s10  }
0x38: {  	s10 =	sld [smem:$0x3FBB]  }
0x39: {  	_ = 	snop;
	(pc) =	sbr.ind lr, $3  }
0x3a: {  	_ = 	snop  }
0x3b: {  	_ = 	snop  }
0x3c: {  	p2 =	seq.s32 s10, $0x1;
	s10 =	sld [smem:$0x3FBA]  }
0x3d: {  	_ =	shalt  }
0x3e: {  	_ =	shalt  }
0x3f: {  	_ =	shalt  }
0x40: {  	_ =	shalt  }
0x41: {  	_ =	shalt  }
0x42: {  	_ =	shalt  }
0x43: {  	_ =	shalt  }
0x44: {  	_ =	shalt  }
0x45: {  	_ =	shalt  }
0x46: {  	_ =	shalt  }
0x47: {  	_ =	shalt  }
0x48: {  	_ =	shalt  }
0x49: {  	_ =	shalt  }
0x4a: {  	_ =	shalt  }
0x4b: {  	_ =	shalt  }
0x4c: {  	_ =	shalt  }
0x4d: {  	_ =	shalt  }
0x4e: {  	_ =	shalt  }
0x4f: {  	_ =	shalt  }
0x50: {  	_ =	shalt  }
0x51: {  	_ =	shalt  }
0x52: {  	_ =	shalt  }
0x53: {  	_ =	shalt  }
0x54: {  	_ =	shalt  }
0x55: {  	_ =	shalt  }
0x56: {  	_ =	shalt  }
0x57: {  	_ =	shalt  }
0x58: {  	_ =	shalt  }
0x59: {  	_ =	shalt  }
0x5a: {  	_ =	shalt  }
0x5b: {  	_ =	shalt  }
0x5c: {  	_ =	shalt  }
0x5d: {  	_ =	shalt  }
0x5e: {  	_ =	shalt  }
0x5f: {  	_ =	shalt  }
0x60: {  	_ =	shalt  }
0x61: {  	_ =	shalt  }
0x62: {  	_ =	shalt  }
0x63: {  	_ =	shalt  }
0x64: {  	_ =	shalt  }
0x65: {  	_ =	shalt  }
0x66: {  	_ =	shalt  }
0x67: {  	_ =	shalt  }
0x68: {  	_ =	shalt  }
0x69: {  	_ =	shalt  }
0x6a: {  	_ =	shalt  }
0x6b: {  	_ =	shalt  }
0x6c: {  	_ =	shalt  }
0x6d: {  	_ =	shalt  }
0x6e: {  	_ =	shalt  }
0x6f: {  	_ =	shalt  }
0x70: {  	_ =	shalt  }
0x71: {  	_ =	shalt  }
0x72: {  	_ =	shalt  }
0x73: {  	_ =	shalt  }
0x74: {  	_ =	shalt  }
0x75: {  	_ =	shalt  }
0x76: {  	_ =	shalt  }
0x77: {  	_ =	shalt  }
0x78: {  	_ =	shalt  }
0x79: {  	_ =	shalt  }
0x7a: {  	_ =	shalt  }
0x7b: {  	_ =	shalt  }
0x7c: {  	_ =	shalt  }
0x7d: {  	_ =	shalt  }
0x7e: {  	_ =	shalt  }
0x7f: {  	_ =	shalt  }
0x80: {  	_ =	shalt  }
0x81: {  	_ =	shalt  }
0x82: {  	_ =	shalt  }
0x83: {  	_ =	shalt  }
0x84: {  	_ =	shalt  }
0x85: {  	_ =	shalt  }
0x86: {  	_ =	shalt  }
0x87: {  	_ =	shalt  }
.Lfunc_end0:
.L_simem_size_0:
called_computation_lowered:
.L_overlay_start_0:
0x88: {  	s2 =	sld [smem:$0x3FD9]  }
0x89: {  	s3 =	sld [smem:$0x3FFE];
	_ =	sdelay $0x1  }
0x8a: {  	s1 =	srdreg.scid  }
0x8b: {  	s0 =	sand.u32 $0x1, s1  }
0x8c: {  	s17 =	sshll.u32 s0, $0xA;
	s2 =	sadd.s32 s3, s2  }
0x8d: {  	s2 =	sadd.s32 s2, s17  }
0x8e: {  	[smem:$0x3FC6] =	sst s2  }
0x8f: {  	_ = 	snop  }
0x90: {  	s2 =	sld [smem:$0x3FC9]  }
0x91: {  	s18 =	sld [smem:$0x3FD0];
	(tm) =	ssettm $0x1  }
0x92: {  	s4 =	sld [smem:$0x3FFB];
	_ =	sdelay $0x3  }
0x93: {  	_ =	strace s4  }
0x94: {  	s4 =	sld [smem:$0x3FFC];
	_ =	sdelay $0x3  }
0x95: {  	_ =	strace s4  }
0x96: {  	s4 =	sld [smem:$0x3FFD];
	_ =	sdelay $0x3  }
0x97: {  	_ =	strace s4  }
0x98: {  	_ =	strace $0x8FFFFFFF  }
0x99: {  	s19 =	sld [smem:$0x3FDB];
	_ =	sdelay $0x1  }
0x9a: {  	s5 =	simm.s32 $_scs_section_size  }
0x9b: {  	s6 =	simm.s32 $_size__tile_overlayer_lowered;
	s7 =	simm.s32 $_tile_overlayer_lowered  }
0x9c: {  	s22 =	simm.s32 $0x1BFF;
	s21 =	sshll.u32 s7, $0x1;
	s4 =	sadd.s32 s5, s19  }
0x9d: {  	s8 =	simm.s32 $0x0;
	s20 =	sshll.u32 s6, $0x1;
	s6 =	sadd.s32 s21, s4  }
0x9e: {  	[timem:s8], [sflag:s22] =	dma.local [hbm:s6], s20  }
0x9f: {  	_ =	swait.ge [sflag:s22], s20  }
0xa0: {  	s5 =	ssub.s32 $0x0, s20;
	[sflag:s22] =	ssyncset.done $0x0  }
0xa1: {  	[sflag:s22] =	ssyncadd.s32 s5;
	_ =	sdelay $0x1  }
0xa2: {  	s23 =	simm.s32 $0x1B8B  }
0xa3: {  	_ =	swait.ge [sflag:s23], $0x1  }
0xa4: {  	[sflag:s23] =	ssyncset.done $0x0  }
0xa5: {  	s25 =	simm.s32 $0x1B8E;
	s24 =	sld [smem:$0x3FFE];
	[sflag:s23] =	ssyncadd.s32 $0xFFFFFFFF  }
0xa6: {  	s26 =	simm.s32 $execute0_lowered;
	[smem:$0x3FD2] =	sst s25  }
0xa7: {  	s6 =	sshll.u32 s26, $0x1;
	_ =	strace $0x80000046;
	[dreg:$0x1] =	wrdreg $0xFFFFFFFF  }
0xa8: {  	s28 =	simm.s32 $_size_execute0_lowered;
	s4 =	sadd.s32 s4, s6;
	[dreg:$0x0] =	wrdreg $0x0  }
0xa9: {  	s6 =	sshll.u32 s28, $0x1;
	[dreg:$0x2] =	wrdreg s4  }
0xaa: {  	[dreg:$0x3] =	wrdreg s6  }
0xab: {  	[dreg:$0x4] =	wrdreg $0xC0  }
0xac: {  	_ =	task [dreg:s8], $0x5FFFF  }
0xad: {  	[dreg:$0x1] =	wrdreg $0xFFFFFFFF  }
0xae: {  	[dreg:$0x0] =	wrdreg $0x60  }
0xaf: {  	[dreg:$0x2] =	wrdreg s2  }
0xb0: {  	[dreg:$0x3] =	wrdreg s24  }
0xb1: {  	[dreg:$0x4] =	wrdreg s18  }
0xb2: {  	[dreg:$0x5] =	wrdreg $0x9  }
0xb3: {  	_ =	task.clear_ibuf [dreg:s8], $0x6FFFF;
	_ =	strace $0x90000046  }
0xb4: {  	s29 =	simm.s32 $0x9;
	_ =	strace $0x80000048  }
0xb5: {  	_ =	swait.ge [sflag:s29], $0x1  }
0xb6: {  	[sflag:s29] =	ssyncadd.s32 $0xFFFFFFFF  }
0xb7: {  	_ =	strace $0x90000048  }
0xb8: {  	_ =	sfence  }
0xb9: {  	s30 =	sld [smem:$0x0];
	_ =	sdelay $0x2  }
0xba: {  	s31 =	sshll.u32 s1, $0xD;
	s1 =	sshrl.u32 s1, $0x2  }
0xbb: {  	s3 =	sand.u32 $0x4000, s31;
	s1 =	sadd.s32 s1, s30  }
0xbc: {  	s0 =	sor.u32 s3, s0;
	s1 =	sshll.u32 s1, $0x11  }
0xbd: {  	s0 =	sor.u32 s1, s0  }
0xbe: {  	s0 =	sadd.s32 $0x8F2B, s0  }
0xbf: {  	[sflag:s0] =	ssyncadd.remote.s32 $0x1  }
0xc0: {  	_ =	sfence.sel $0xFFFF  }
0xc1: {  	[dreg:$0x0] =	wrdreg $0xFFFFFFFF;
	(pc) =	sbr.abs _section_cstart, $3  }
0xc2: {  	[dreg:$0x1] =	wrdreg $0xFFFFFFFF  }
0xc3: {  	_ =	task.clear_ibuf [dreg:s8], $0x2FFFF;
	_ =	strace $0x9FFFFFFF  }
0xc4: {  	(tm) =	ssettm $0x7FFFFFFF  }
0xc5: {  	_ =	shalt  }
tec
execute0_lowered:
.L_overlay_start_1:
0x0: {  	(tag) =	ssettag $0x1  }
0x1: {  	s0 =	rddreg [dreg:$0x0]  }
0x2: {  	s1 =	rddreg [dreg:$0x1]  }
0x3: {  	s7 =	rddreg [dreg:$0x2];
	s3 =	simm.s32 $0x0  }
0x4: {  	[smem:$0x7FF] =	sst s3;
	s11 =	sadd.s32 $0x4000, s7  }
0x5: {  	s12 =	sadd.s32 $0x20000, s7;
	_ =	strace $0x80000047;
	[dreg:$0x8] =	wrdreg s11  }
0x6: {  	s13 =	sadd.s32 $0x24000, s7;
	[dreg:$0x9] =	wrdreg s12  }
0x7: {  	s14 =	sadd.s32 $0x40000, s7;
	[dreg:$0xa] =	wrdreg s13  }
0x8: {  	s15 =	sadd.s32 $0x44000, s7;
	[dreg:$0xb] =	wrdreg s14  }
0x9: {  	s6 =	stileid.u32;
	s16 =	sadd.s32 $0x60000, s7;
	[dreg:$0xc] =	wrdreg s15  }
0xa: {  	s2 =	srdreg.scid;
	s17 =	sadd.s32 $0x64000, s7;
	[dreg:$0xd] =	wrdreg s16  }
0xb: {  	s28 =	simm.s32 $0x1000;
	s18 =	sadd.s32 $0x80000, s7;
	[dreg:$0xe] =	wrdreg s17  }
0xc: {  	s29 =	simm.s32 $0x1800;
	s19 =	sadd.s32 $0x84000, s7;
	[dreg:$0xf] =	wrdreg s18  }
0xd: {  	s30 =	simm.s32 $0x2000;
	s20 =	sadd.s32 $0xA0000, s7;
	[dreg:$0x10] =	wrdreg s19  }
0xe: {  	s31 =	simm.s32 $0x2800;
	s21 =	sadd.s32 $0xA4000, s7;
	[dreg:$0x11] =	wrdreg s20  }
0xf: {  	s4 =	sshll.u32 s6, $0x1;
	s22 =	sadd.s32 $0xC0000, s7;
	[dreg:$0x12] =	wrdreg s21  }
0x10: {  	s2 =	sand.u32 $0x1, s2;
	s23 =	sadd.s32 $0xC4000, s7;
	[dreg:$0x13] =	wrdreg s22  }
0x11: {  	s6 =	sshll.u32 s6, $0xA;
	s24 =	sadd.s32 $0xE0000, s7;
	[dreg:$0x14] =	wrdreg s23  }
0x12: {  	s25 =	sadd.s32 $0xE4000, s7;
	s7 =	simm.s32 $0x6800;
	[dreg:$0x15] =	wrdreg s24  }
0x13: {  	s4 =	sand.u32 $0x2, s4;
	s9 =	sand.u32 $0x3800, s6;
	[dreg:$0x16] =	wrdreg s25  }
0x14: {  	s24 =	simm.s32 $0x3;
	s23 =	simm.s32 $0x4800;
	s25 =	simm.s32 $0x5000  }
0x15: {  	s6 =	simm.s32 $0x6000;
	s11 =	simm.s32 $0x14000;
	s12 =	simm.s32 $0x18000  }
0x16: {  	s13 =	simm.s32 $0x1;
	s14 =	simm.s32 $0x2;
	s16 =	simm.s32 $0x0  }
0x17: {  	s4 =	sor.u32 s2, s4;
	s2 =	ssub.s32 $0x2, s2;
	[dreg:$0x5] =	wrdreg s9  }
0x18: {  	s0 =	sadd.s32 s0, s9;
	s9 =	simm.s32 $0x7800;
	s5 =	sshll.u32 s4, $0xC  }
0x19: {  	s8 =	sshrl.u32 s2, $0x1;
	[dreg:$0x6] =	wrdreg s0;
	s10 =	sshll.u32 s4, $0xF  }
0x1a: {  	s0 =	simm.s32 $0x3000;
	s4 =	simm.s32 $0x4000;
	s1 =	sadd.s32 s5, s1  }
0x1b: {  	s2 =	ssub.s32 s2, s8;
	[dreg:$0x7] =	wrdreg s10;
	s8 =	simm.s32 $0x7000  }
0x1c: {  	s10 =	simm.s32 $0xC000;
	s5 =	simm.s32 $0x10000;
	s1 =	sadd.s32 $0x400, s1  }
0x1d: {  	s26 =	smax.u32 s2, $0x1;
	s2 =	simm.s32 $0x5800;
	[dreg:$0x4] =	wrdreg s1  }
0x1e: {  	[dreg:$0x17] =	wrdreg s26;
	s26 =	simm.s32 $0x800;
	s1 =	simm.s32 $0x3800  }
.LBB2_1:
0x1f: {  	[dreg:$0x18] =	wrdreg s16  }
0x20: {  	s15 =	rddreg [dreg:$0x4]  }
0x21: {  	[tilespmem:s3], [sflag:$0x3] =	stream.linear.gather [hbm4b:s15+s3], $0x8000, $0x38;
	[tilespmem:$0x1C000] =	vst v63  }
0x22: {  	_ =	swait.ge [sflag:s24], $0x8000  }
0x23: {  	[sflag:s24] =	ssyncset.done $0x0  }
0x24: {  	s15 =	simm.s32 $0x0;
	[sflag:s24] =	ssyncadd.s32 $0xFFFF8000  }
.LBB2_2:
0x25: {  	s16 =	sshll.u32 s15, $0xE;
	s17 =	rddreg [dreg:$0x6]  }
0x26: {  	s22 =	simm.s32 $0x8000;
	s16 =	sadd.s32 s16, s17  }
0x27: {  	[tilespmem:s22], [sflag:$0x3] =	stream.linear.gather [hbm4b:s16+s3], $0x4000, $0x38;
	[tilespmem:$0x1C000] =	vst v63  }
0x28: {  	_ =	swait.ge [sflag:s24], $0x4000  }
0x29: {  	p0 =	seq.s32 s15, $0x0;
	[sflag:s24] =	ssyncset.done $0x0  }
0x2a: {  	s16 =	simm.s32 @!p0 $0x1;
	[sflag:s24] =	ssyncadd.s32 $0xFFFFC000  }
0x2b: {  	_ =	swait.ge @!p0 [sflag:s16], $0x4000  }
0x2c: {  	[sflag:s16] =	ssyncset.done @!p0 $0x0  }
0x2d: {  	[sflag:s16] =	ssyncadd.s32 @!p0 $0xFFFFC000  }
0x2e: {  	_ =	swait.ge @!p0 [sflag:s16], $0x4000  }
0x2f: {  	[sflag:s16] =	ssyncset.done @!p0 $0x0  }
0x30: {  	s17 =	simm.s32 $0x0;
	[sflag:s16] =	ssyncadd.s32 @!p0 $0xFFFFC000  }
0x31: {  	v7 =	vld [tilespmem:s17+$0x8070]  }
0x32: {  	v6 =	vld [tilespmem:s17+$0x8000]  }
0x33: {  	v5 =	vld [tilespmem:s17+$0x8010]  }
0x34: {  	v4 =	vld [tilespmem:s17+$0x8020]  }
0x35: {  	v3 =	vld [tilespmem:s17+$0x8030]  }
0x36: {  	v2 =	vld [tilespmem:s17+$0x8040]  }
0x37: {  	v1 =	vld [tilespmem:s17+$0x8050]  }
0x38: {  	v0 =	vld [tilespmem:s17+$0x8060]  }
0x39: {  	v8 =	vld.idx.msk [tilespmem:v7+s3+$0x0], $0xffff  }
0x3a: {  	v9 =	vld.idx.msk [tilespmem:v6+s3+$0x0], $0xffff  }
0x3b: {  	v10 =	vld.idx.msk [tilespmem:v5+s3+$0x0], $0xffff  }
0x3c: {  	v11 =	vld.idx.msk [tilespmem:v4+s3+$0x0], $0xffff  }
0x3d: {  	v12 =	vld.idx.msk [tilespmem:v3+s3+$0x0], $0xffff  }
0x3e: {  	v13 =	vld.idx.msk [tilespmem:v2+s3+$0x0], $0xffff;
	[tilespmem:s17+$0xC070] =	vst v8  }
0x3f: {  	v14 =	vld.idx.msk [tilespmem:v1+s3+$0x0], $0xffff;
	[tilespmem:s17+$0xC000] =	vst v9  }
0x40: {  	[tilespmem:s17+$0xC010] =	vst v10;
	v9 =	vld.idx.msk [tilespmem:v0+s3+$0x0], $0xffff  }
0x41: {  	[tilespmem:s17+$0xC020] =	vst v11;
	v8 =	vld.idx.msk [tilespmem:v7+s26+$0x0], $0xffff  }
0x42: {  	[tilespmem:s17+$0xC030] =	vst v12;
	v10 =	vld.idx.msk [tilespmem:v6+s26+$0x0], $0xffff  }
0x43: {  	[tilespmem:s17+$0xC040] =	vst v13;
	v11 =	vld.idx.msk [tilespmem:v5+s26+$0x0], $0xffff  }
0x44: {  	[tilespmem:s17+$0xC050] =	vst v14;
	v22 =	vld.idx.msk [tilespmem:v4+s26+$0x0], $0xffff  }
0x45: {  	v23 =	vld.idx.msk [tilespmem:v3+s26+$0x0], $0xffff;
	[tilespmem:s17+$0xC060] =	vst v9  }
0x46: {  	v24 =	vld.idx.msk [tilespmem:v2+s26+$0x0], $0xffff;
	[tilespmem:s17+$0xC0F0] =	vst v8  }
0x47: {  	v9 =	vld.idx.msk [tilespmem:v1+s26+$0x0], $0xffff;
	[tilespmem:s17+$0xC080] =	vst v10  }
0x48: {  	[tilespmem:s17+$0xC090] =	vst v11;
	v10 =	vld.idx.msk [tilespmem:v0+s26+$0x0], $0xffff  }
0x49: {  	[tilespmem:s17+$0xC0A0] =	vst v22;
	v8 =	vld.idx.msk [tilespmem:v7+s28+$0x0], $0xffff  }
0x4a: {  	[tilespmem:s17+$0xC0B0] =	vst v23;
	v11 =	vld.idx.msk [tilespmem:v6+s28+$0x0], $0xffff  }
0x4b: {  	[tilespmem:s17+$0xC0C0] =	vst v24;
	v25 =	vld.idx.msk [tilespmem:v5+s28+$0x0], $0xffff  }
0x4c: {  	v26 =	vld.idx.msk [tilespmem:v4+s28+$0x0], $0xffff;
	[tilespmem:s17+$0xC0D0] =	vst v9  }
0x4d: {  	v27 =	vld.idx.msk [tilespmem:v3+s28+$0x0], $0xffff;
	[tilespmem:s17+$0xC0E0] =	vst v10  }
0x4e: {  	v9 =	vld.idx.msk [tilespmem:v2+s28+$0x0], $0xffff;
	[tilespmem:s17+$0xC170] =	vst v8  }
0x4f: {  	v10 =	vld.idx.msk [tilespmem:v1+s28+$0x0], $0xffff;
	[tilespmem:s17+$0xC100] =	vst v11  }
0x50: {  	[tilespmem:s17+$0xC110] =	vst v25;
	v11 =	vld.idx.msk [tilespmem:v0+s28+$0x0], $0xffff  }
0x51: {  	[tilespmem:s17+$0xC120] =	vst v26;
	v8 =	vld.idx.msk [tilespmem:v7+s29+$0x0], $0xffff  }
0x52: {  	[tilespmem:s17+$0xC130] =	vst v27;
	v28 =	vld.idx.msk [tilespmem:v6+s29+$0x0], $0xffff  }
0x53: {  	v29 =	vld.idx.msk [tilespmem:v5+s29+$0x0], $0xffff;
	[tilespmem:s17+$0xC140] =	vst v9  }
0x54: {  	v30 =	vld.idx.msk [tilespmem:v4+s29+$0x0], $0xffff;
	[tilespmem:s17+$0xC150] =	vst v10  }
0x55: {  	v9 =	vld.idx.msk [tilespmem:v3+s29+$0x0], $0xffff;
	[tilespmem:s17+$0xC160] =	vst v11  }
0x56: {  	v10 =	vld.idx.msk [tilespmem:v2+s29+$0x0], $0xffff;
	[tilespmem:s17+$0xC1F0] =	vst v8  }
0x57: {  	v11 =	vld.idx.msk [tilespmem:v1+s29+$0x0], $0xffff;
	[tilespmem:s17+$0xC180] =	vst v28  }
0x58: {  	[tilespmem:s17+$0xC190] =	vst v29;
	v31 =	vld.idx.msk [tilespmem:v0+s29+$0x0], $0xffff  }
0x59: {  	[tilespmem:s17+$0xC1A0] =	vst v30;
	v8 =	vld.idx.msk [tilespmem:v7+s30+$0x0], $0xffff  }
0x5a: {  	v32 =	vld.idx.msk [tilespmem:v6+s30+$0x0], $0xffff;
	[tilespmem:s17+$0xC1B0] =	vst v9  }
0x5b: {  	v33 =	vld.idx.msk [tilespmem:v5+s30+$0x0], $0xffff;
	[tilespmem:s17+$0xC1C0] =	vst v10  }
0x5c: {  	v9 =	vld.idx.msk [tilespmem:v4+s30+$0x0], $0xffff;
	[tilespmem:s17+$0xC1D0] =	vst v11  }
0x5d: {  	v10 =	vld.idx.msk [tilespmem:v3+s30+$0x0], $0xffff;
	[tilespmem:s17+$0xC1E0] =	vst v31  }
0x5e: {  	v11 =	vld.idx.msk [tilespmem:v2+s30+$0x0], $0xffff;
	[tilespmem:s17+$0xC270] =	vst v8  }
0x5f: {  	v34 =	vld.idx.msk [tilespmem:v1+s30+$0x0], $0xffff;
	[tilespmem:s17+$0xC200] =	vst v32  }
0x60: {  	[tilespmem:s17+$0xC210] =	vst v33;
	v35 =	vld.idx.msk [tilespmem:v0+s30+$0x0], $0xffff  }
0x61: {  	v8 =	vld.idx.msk [tilespmem:v7+s31+$0x0], $0xffff;
	[tilespmem:s17+$0xC220] =	vst v9  }
0x62: {  	v36 =	vld.idx.msk [tilespmem:v6+s31+$0x0], $0xffff;
	[tilespmem:s17+$0xC230] =	vst v10  }
0x63: {  	v9 =	vld.idx.msk [tilespmem:v5+s31+$0x0], $0xffff;
	[tilespmem:s17+$0xC240] =	vst v11  }
0x64: {  	v10 =	vld.idx.msk [tilespmem:v4+s31+$0x0], $0xffff;
	[tilespmem:s17+$0xC250] =	vst v34  }
0x65: {  	v11 =	vld.idx.msk [tilespmem:v3+s31+$0x0], $0xffff;
	[tilespmem:s17+$0xC260] =	vst v35  }
0x66: {  	v37 =	vld.idx.msk [tilespmem:v2+s31+$0x0], $0xffff;
	[tilespmem:s17+$0xC2F0] =	vst v8  }
0x67: {  	v38 =	vld.idx.msk [tilespmem:v1+s31+$0x0], $0xffff;
	[tilespmem:s17+$0xC280] =	vst v36  }
0x68: {  	v39 =	vld.idx.msk [tilespmem:v0+s31+$0x0], $0xffff;
	[tilespmem:s17+$0xC290] =	vst v9  }
0x69: {  	v8 =	vld.idx.msk [tilespmem:v7+s0+$0x0], $0xffff;
	[tilespmem:s17+$0xC2A0] =	vst v10  }
0x6a: {  	v9 =	vld.idx.msk [tilespmem:v6+s0+$0x0], $0xffff;
	[tilespmem:s17+$0xC2B0] =	vst v11  }
0x6b: {  	v10 =	vld.idx.msk [tilespmem:v5+s0+$0x0], $0xffff;
	[tilespmem:s17+$0xC2C0] =	vst v37  }
0x6c: {  	v11 =	vld.idx.msk [tilespmem:v4+s0+$0x0], $0xffff;
	[tilespmem:s17+$0xC2D0] =	vst v38  }
0x6d: {  	v40 =	vld.idx.msk [tilespmem:v3+s0+$0x0], $0xffff;
	[tilespmem:s17+$0xC2E0] =	vst v39  }
0x6e: {  	v41 =	vld.idx.msk [tilespmem:v2+s0+$0x0], $0xffff;
	[tilespmem:s17+$0xC370] =	vst v8  }
0x6f: {  	v42 =	vld.idx.msk [tilespmem:v1+s0+$0x0], $0xffff;
	[tilespmem:s17+$0xC300] =	vst v9  }
0x70: {  	[tilespmem:s17+$0xC310] =	vst v10;
	v9 =	vld.idx.msk [tilespmem:v0+s0+$0x0], $0xffff  }
0x71: {  	v8 =	vld.idx.msk [tilespmem:v7+s1+$0x0], $0xffff;
	[tilespmem:s17+$0xC320] =	vst v11  }
0x72: {  	v10 =	vld.idx.msk [tilespmem:v6+s1+$0x0], $0xffff;
	[tilespmem:s17+$0xC330] =	vst v40  }
0x73: {  	v11 =	vld.idx.msk [tilespmem:v5+s1+$0x0], $0xffff;
	[tilespmem:s17+$0xC340] =	vst v41  }
0x74: {  	v43 =	vld.idx.msk [tilespmem:v4+s1+$0x0], $0xffff;
	[tilespmem:s17+$0xC350] =	vst v42  }
0x75: {  	v44 =	vld.idx.msk [tilespmem:v3+s1+$0x0], $0xffff;
	[tilespmem:s17+$0xC360] =	vst v9  }
0x76: {  	v45 =	vld.idx.msk [tilespmem:v2+s1+$0x0], $0xffff;
	[tilespmem:s17+$0xC3F0] =	vst v8  }
0x77: {  	v9 =	vld.idx.msk [tilespmem:v1+s1+$0x0], $0xffff;
	[tilespmem:s17+$0xC380] =	vst v10  }
0x78: {  	[tilespmem:s17+$0xC390] =	vst v11;
	v10 =	vld.idx.msk [tilespmem:v0+s1+$0x0], $0xffff  }
0x79: {  	v8 =	vld.idx.msk [tilespmem:v7+s4+$0x0], $0xffff;
	[tilespmem:s17+$0xC3A0] =	vst v43  }
0x7a: {  	v11 =	vld.idx.msk [tilespmem:v6+s4+$0x0], $0xffff;
	[tilespmem:s17+$0xC3B0] =	vst v44  }
0x7b: {  	v46 =	vld.idx.msk [tilespmem:v5+s4+$0x0], $0xffff;
	[tilespmem:s17+$0xC3C0] =	vst v45  }
0x7c: {  	v47 =	vld.idx.msk [tilespmem:v4+s4+$0x0], $0xffff;
	[tilespmem:s17+$0xC3D0] =	vst v9  }
0x7d: {  	v48 =	vld.idx.msk [tilespmem:v3+s4+$0x0], $0xffff;
	[tilespmem:s17+$0xC3E0] =	vst v10  }
0x7e: {  	v9 =	vld.idx.msk [tilespmem:v2+s4+$0x0], $0xffff;
	[tilespmem:s17+$0x10070] =	vst v8  }
0x7f: {  	v10 =	vld.idx.msk [tilespmem:v1+s4+$0x0], $0xffff;
	[tilespmem:s17+$0x10000] =	vst v11  }
0x80: {  	[tilespmem:s17+$0x10010] =	vst v46;
	v11 =	vld.idx.msk [tilespmem:v0+s4+$0x0], $0xffff  }
0x81: {  	v8 =	vld.idx.msk [tilespmem:v7+s23+$0x0], $0xffff;
	[tilespmem:s17+$0x10020] =	vst v47  }
0x82: {  	v49 =	vld.idx.msk [tilespmem:v6+s23+$0x0], $0xffff;
	[tilespmem:s17+$0x10030] =	vst v48  }
0x83: {  	v50 =	vld.idx.msk [tilespmem:v5+s23+$0x0], $0xffff;
	[tilespmem:s17+$0x10040] =	vst v9  }
0x84: {  	v51 =	vld.idx.msk [tilespmem:v4+s23+$0x0], $0xffff;
	[tilespmem:s17+$0x10050] =	vst v10  }
0x85: {  	v9 =	vld.idx.msk [tilespmem:v3+s23+$0x0], $0xffff;
	[tilespmem:s17+$0x10060] =	vst v11  }
0x86: {  	v10 =	vld.idx.msk [tilespmem:v2+s23+$0x0], $0xffff;
	[tilespmem:s17+$0x100F0] =	vst v8  }
0x87: {  	v11 =	vld.idx.msk [tilespmem:v1+s23+$0x0], $0xffff;
	[tilespmem:s17+$0x10080] =	vst v49  }
0x88: {  	[tilespmem:s17+$0x10090] =	vst v50;
	v8 =	vld.idx.msk [tilespmem:v7+s25+$0x0], $0xffff  }
0x89: {  	v52 =	vld.idx.msk [tilespmem:v0+s23+$0x0], $0xffff;
	[tilespmem:s17+$0x100A0] =	vst v51  }
0x8a: {  	v53 =	vld.idx.msk [tilespmem:v6+s25+$0x0], $0xffff;
	[tilespmem:s17+$0x100B0] =	vst v9  }
0x8b: {  	v54 =	vld.idx.msk [tilespmem:v5+s25+$0x0], $0xffff;
	[tilespmem:s17+$0x100C0] =	vst v10  }
0x8c: {  	v9 =	vld.idx.msk [tilespmem:v4+s25+$0x0], $0xffff;
	[tilespmem:s17+$0x100D0] =	vst v11  }
0x8d: {  	v10 =	vld.idx.msk [tilespmem:v3+s25+$0x0], $0xffff;
	[tilespmem:s17+$0x10170] =	vst v8  }
0x8e: {  	[tilespmem:s17+$0x100E0] =	vst v52;
	v8 =	vld.idx.msk [tilespmem:v7+s2+$0x0], $0xffff  }
0x8f: {  	v11 =	vld.idx.msk [tilespmem:v2+s25+$0x0], $0xffff;
	[tilespmem:s17+$0x10100] =	vst v53  }
0x90: {  	v55 =	vld.idx.msk [tilespmem:v1+s25+$0x0], $0xffff;
	[tilespmem:s17+$0x10110] =	vst v54  }
0x91: {  	v56 =	vld.idx.msk [tilespmem:v0+s25+$0x0], $0xffff;
	[tilespmem:s17+$0x10120] =	vst v9  }
0x92: {  	v57 =	vld.idx.msk [tilespmem:v6+s2+$0x0], $0xffff;
	[tilespmem:s17+$0x10130] =	vst v10  }
0x93: {  	v9 =	vld.idx.msk [tilespmem:v5+s2+$0x0], $0xffff;
	[tilespmem:s17+$0x101F0] =	vst v8  }
0x94: {  	[tilespmem:s17+$0x10140] =	vst v11;
	v8 =	vld.idx.msk [tilespmem:v7+s6+$0x0], $0xffff  }
0x95: {  	v10 =	vld.idx.msk [tilespmem:v4+s2+$0x0], $0xffff;
	[tilespmem:s17+$0x10150] =	vst v55  }
0x96: {  	v11 =	vld.idx.msk [tilespmem:v3+s2+$0x0], $0xffff;
	[tilespmem:s17+$0x10160] =	vst v56  }
0x97: {  	v58 =	vld.idx.msk [tilespmem:v2+s2+$0x0], $0xffff;
	[tilespmem:s17+$0x10180] =	vst v57  }
0x98: {  	v59 =	vld.idx.msk [tilespmem:v1+s2+$0x0], $0xffff;
	[tilespmem:s17+$0x10190] =	vst v9  }
0x99: {  	v60 =	vld.idx.msk [tilespmem:v0+s2+$0x0], $0xffff;
	[tilespmem:s17+$0x10270] =	vst v8  }
0x9a: {  	[tilespmem:s17+$0x101A0] =	vst v10;
	v8 =	vld.idx.msk [tilespmem:v7+s7+$0x0], $0xffff  }
0x9b: {  	v9 =	vld.idx.msk [tilespmem:v6+s6+$0x0], $0xffff;
	[tilespmem:s17+$0x101B0] =	vst v11  }
0x9c: {  	v10 =	vld.idx.msk [tilespmem:v5+s6+$0x0], $0xffff;
	[tilespmem:s17+$0x101C0] =	vst v58  }
0x9d: {  	v11 =	vld.idx.msk [tilespmem:v4+s6+$0x0], $0xffff;
	[tilespmem:s17+$0x101D0] =	vst v59  }
0x9e: {  	v61 =	vld.idx.msk [tilespmem:v3+s6+$0x0], $0xffff;
	[tilespmem:s17+$0x101E0] =	vst v60  }
0x9f: {  	v62 =	vld.idx.msk [tilespmem:v2+s6+$0x0], $0xffff;
	[tilespmem:s17+$0x102F0] =	vst v8  }
0xa0: {  	[tilespmem:s17+$0x10200] =	vst v9;
	v8 =	vld.idx.msk [tilespmem:v7+s8+$0x0], $0xffff  }
0xa1: {  	v63 =	vld.idx.msk [tilespmem:v1+s6+$0x0], $0xffff;
	[tilespmem:s17+$0x10210] =	vst v10  }
0xa2: {  	v9 =	vld.idx.msk [tilespmem:v6+s7+$0x0], $0xffff;
	[tilespmem:s17+$0x10220] =	vst v11  }
0xa3: {  	v10 =	vld.idx.msk [tilespmem:v5+s7+$0x0], $0xffff;
	[tilespmem:s17+$0x10230] =	vst v61  }
0xa4: {  	v11 =	vld.idx.msk [tilespmem:v4+s7+$0x0], $0xffff;
	[tilespmem:s17+$0x10240] =	vst v62  }
0xa5: {  	[tilespmem:s17+$0x10370] =	vst v8;
	v8 =	vld.idx.msk [tilespmem:v0+s6+$0x0], $0xffff  }
0xa6: {  	[tilespmem:s17+$0x10250] =	vst v63;
	v7 =	vld.idx.msk [tilespmem:v7+s9+$0x0], $0xffff  }
0xa7: {  	v12 =	vld.idx.msk [tilespmem:v3+s7+$0x0], $0xffff;
	[tilespmem:s17+$0x10280] =	vst v9  }
0xa8: {  	v13 =	vld.idx.msk [tilespmem:v2+s7+$0x0], $0xffff;
	[tilespmem:s17+$0x10290] =	vst v10  }
0xa9: {  	v9 =	vld.idx.msk [tilespmem:v6+s8+$0x0], $0xffff;
	[tilespmem:s17+$0x102A0] =	vst v11  }
0xaa: {  	v11 =	vld.idx.msk [tilespmem:v4+s8+$0x0], $0xffff;
	[tilespmem:s17+$0x10260] =	vst v8  }
0xab: {  	[tilespmem:s17+$0x103F0] =	vst v7;
	v7 =	vld.idx.msk [tilespmem:v1+s7+$0x0], $0xffff  }
0xac: {  	[tilespmem:s17+$0x102B0] =	vst v12;
	v8 =	vld.idx.msk [tilespmem:v0+s7+$0x0], $0xffff  }
0xad: {  	v10 =	vld.idx.msk [tilespmem:v5+s8+$0x0], $0xffff;
	[tilespmem:s17+$0x102C0] =	vst v13  }
0xae: {  	v12 =	vld.idx.msk [tilespmem:v3+s8+$0x0], $0xffff;
	[tilespmem:s17+$0x10300] =	vst v9  }
0xaf: {  	v13 =	vld.idx.msk [tilespmem:v2+s8+$0x0], $0xffff;
	[tilespmem:s17+$0x10320] =	vst v11  }
0xb0: {  	v9 =	vld.idx.msk [tilespmem:v4+s9+$0x0], $0xffff;
	[tilespmem:s17+$0x102D0] =	vst v7  }
0xb1: {  	[tilespmem:s17+$0x102E0] =	vst v8;
	v14 =	vld.idx.msk [tilespmem:v1+s8+$0x0], $0xffff  }
0xb2: {  	v15 =	vld.idx.msk [tilespmem:v0+s8+$0x0], $0xffff  }
0xb3: {  	[tilespmem:s17+$0x10310] =	vst v10;
	v7 =	vld.idx.msk [tilespmem:v6+s9+$0x0], $0xffff  }
0xb4: {  	[tilespmem:s17+$0x10330] =	vst v12;
	v8 =	vld.idx.msk [tilespmem:v5+s9+$0x0], $0xffff  }
0xb5: {  	v3 =	vld.idx.msk [tilespmem:v3+s9+$0x0], $0xffff;
	[tilespmem:s17+$0x10340] =	vst v13  }
0xb6: {  	v4 =	vld.idx.msk [tilespmem:v2+s9+$0x0], $0xffff;
	[tilespmem:s17+$0x10350] =	vst v14  }
0xb7: {  	s18 =	simm.s32 $0x1000;
	s16 =	simm.s32 $0x0;
	[tilespmem:s17+$0x10360] =	vst v15;
	v5 =	vld.idx.msk [tilespmem:v1+s9+$0x0], $0xffff  }
.LBB2_3:
0xb8: {  	s19 =	sshra.s32 s18, $0x2;
	s16 =	sadd.s32 $0x8, s16;
	[tilespmem:s17+$0x10380] =	vst v7;
	v0 =	vld.idx.msk [tilespmem:v0+s9+$0x0], $0xffff  }
0xb9: {  	v7 =	vld [tilespmem:s19+$0x8070];
	p1 =	slt.u32 s16, $0x78;
	[tilespmem:s17+$0x10390] =	vst v8  }
0xba: {  	v1 =	vld [tilespmem:s19+$0x8000];
	[tilespmem:s17+$0x103A0] =	vst v9  }
0xbb: {  	v2 =	vld [tilespmem:s19+$0x8010];
	[tilespmem:s17+$0x103B0] =	vst v3  }
0xbc: {  	v3 =	vld [tilespmem:s19+$0x8020];
	[tilespmem:s17+$0x103C0] =	vst v4  }
0xbd: {  	v4 =	vld [tilespmem:s19+$0x8030];
	[tilespmem:s17+$0x103D0] =	vst v5  }
0xbe: {  	v5 =	vld [tilespmem:s19+$0x8040];
	[tilespmem:s17+$0x103E0] =	vst v0;
	s17 =	smov.u32 s19  }
0xbf: {  	v6 =	vld [tilespmem:s17+$0x8050]  }
0xc0: {  	v0 =	vld [tilespmem:s17+$0x8060]  }
0xc1: {  	v8 =	vld.idx.msk [tilespmem:v7+s3+$0x0], $0xffff  }
0xc2: {  	v9 =	vld.idx.msk [tilespmem:v1+s3+$0x0], $0xffff  }
0xc3: {  	v10 =	vld.idx.msk [tilespmem:v2+s3+$0x0], $0xffff  }
0xc4: {  	v11 =	vld.idx.msk [tilespmem:v3+s3+$0x0], $0xffff  }
0xc5: {  	v12 =	vld.idx.msk [tilespmem:v4+s3+$0x0], $0xffff  }
0xc6: {  	v13 =	vld.idx.msk [tilespmem:v5+s3+$0x0], $0xffff  }
0xc7: {  	v14 =	vld.idx.msk [tilespmem:v6+s3+$0x0], $0xffff;
	[tilespmem:s17+$0xC070] =	vst v8  }
0xc8: {  	[tilespmem:s17+$0xC000] =	vst v9;
	v8 =	vld.idx.msk [tilespmem:v7+s26+$0x0], $0xffff  }
0xc9: {  	[tilespmem:s17+$0xC010] =	vst v10;
	v9 =	vld.idx.msk [tilespmem:v0+s3+$0x0], $0xffff  }
0xca: {  	v10 =	vld.idx.msk [tilespmem:v1+s26+$0x0], $0xffff;
	[tilespmem:s17+$0xC020] =	vst v11  }
0xcb: {  	v11 =	vld.idx.msk [tilespmem:v2+s26+$0x0], $0xffff;
	[tilespmem:s17+$0xC030] =	vst v12  }
0xcc: {  	v12 =	vld.idx.msk [tilespmem:v3+s26+$0x0], $0xffff;
	[tilespmem:s17+$0xC040] =	vst v13  }
0xcd: {  	v13 =	vld.idx.msk [tilespmem:v4+s26+$0x0], $0xffff;
	[tilespmem:s17+$0xC050] =	vst v14  }
0xce: {  	v14 =	vld.idx.msk [tilespmem:v5+s26+$0x0], $0xffff;
	[tilespmem:s17+$0xC0F0] =	vst v8  }
0xcf: {  	[tilespmem:s17+$0xC060] =	vst v9;
	v8 =	vld.idx.msk [tilespmem:v7+s28+$0x0], $0xffff  }
0xd0: {  	[tilespmem:s17+$0xC080] =	vst v10;
	v9 =	vld.idx.msk [tilespmem:v6+s26+$0x0], $0xffff  }
0xd1: {  	[tilespmem:s17+$0xC090] =	vst v11;
	v10 =	vld.idx.msk [tilespmem:v0+s26+$0x0], $0xffff  }
0xd2: {  	v11 =	vld.idx.msk [tilespmem:v1+s28+$0x0], $0xffff;
	[tilespmem:s17+$0xC0A0] =	vst v12  }
0xd3: {  	v12 =	vld.idx.msk [tilespmem:v2+s28+$0x0], $0xffff;
	[tilespmem:s17+$0xC0B0] =	vst v13  }
0xd4: {  	v13 =	vld.idx.msk [tilespmem:v3+s28+$0x0], $0xffff;
	[tilespmem:s17+$0xC0C0] =	vst v14  }
0xd5: {  	v14 =	vld.idx.msk [tilespmem:v4+s28+$0x0], $0xffff;
	[tilespmem:s17+$0xC170] =	vst v8  }
0xd6: {  	[tilespmem:s17+$0xC0D0] =	vst v9;
	v8 =	vld.idx.msk [tilespmem:v7+s29+$0x0], $0xffff  }
0xd7: {  	v9 =	vld.idx.msk [tilespmem:v5+s28+$0x0], $0xffff;
	[tilespmem:s17+$0xC0E0] =	vst v10  }
0xd8: {  	[tilespmem:s17+$0xC100] =	vst v11;
	v10 =	vld.idx.msk [tilespmem:v6+s28+$0x0], $0xffff  }
0xd9: {  	[tilespmem:s17+$0xC110] =	vst v12;
	v11 =	vld.idx.msk [tilespmem:v0+s28+$0x0], $0xffff  }
0xda: {  	v12 =	vld.idx.msk [tilespmem:v1+s29+$0x0], $0xffff;
	[tilespmem:s17+$0xC120] =	vst v13  }
0xdb: {  	v13 =	vld.idx.msk [tilespmem:v2+s29+$0x0], $0xffff;
	[tilespmem:s17+$0xC130] =	vst v14  }
0xdc: {  	v14 =	vld.idx.msk [tilespmem:v3+s29+$0x0], $0xffff;
	[tilespmem:s17+$0xC1F0] =	vst v8  }
0xdd: {  	[tilespmem:s17+$0xC140] =	vst v9;
	v8 =	vld.idx.msk [tilespmem:v7+s30+$0x0], $0xffff  }
0xde: {  	v9 =	vld.idx.msk [tilespmem:v4+s29+$0x0], $0xffff;
	[tilespmem:s17+$0xC150] =	vst v10  }
0xdf: {  	v10 =	vld.idx.msk [tilespmem:v5+s29+$0x0], $0xffff;
	[tilespmem:s17+$0xC160] =	vst v11  }
0xe0: {  	[tilespmem:s17+$0xC180] =	vst v12;
	v11 =	vld.idx.msk [tilespmem:v6+s29+$0x0], $0xffff  }
0xe1: {  	[tilespmem:s17+$0xC190] =	vst v13;
	v12 =	vld.idx.msk [tilespmem:v0+s29+$0x0], $0xffff  }
0xe2: {  	v13 =	vld.idx.msk [tilespmem:v1+s30+$0x0], $0xffff;
	[tilespmem:s17+$0xC1A0] =	vst v14  }
0xe3: {  	v14 =	vld.idx.msk [tilespmem:v2+s30+$0x0], $0xffff;
	[tilespmem:s17+$0xC270] =	vst v8  }
0xe4: {  	[tilespmem:s17+$0xC1B0] =	vst v9;
	v8 =	vld.idx.msk [tilespmem:v7+s31+$0x0], $0xffff  }
0xe5: {  	v9 =	vld.idx.msk [tilespmem:v3+s30+$0x0], $0xffff;
	[tilespmem:s17+$0xC1C0] =	vst v10  }
0xe6: {  	v10 =	vld.idx.msk [tilespmem:v4+s30+$0x0], $0xffff;
	[tilespmem:s17+$0xC1D0] =	vst v11  }
0xe7: {  	v11 =	vld.idx.msk [tilespmem:v5+s30+$0x0], $0xffff;
	[tilespmem:s17+$0xC1E0] =	vst v12  }
0xe8: {  	[tilespmem:s17+$0xC200] =	vst v13;
	v12 =	vld.idx.msk [tilespmem:v6+s30+$0x0], $0xffff  }
0xe9: {  	[tilespmem:s17+$0xC210] =	vst v14;
	v13 =	vld.idx.msk [tilespmem:v0+s30+$0x0], $0xffff  }
0xea: {  	v14 =	vld.idx.msk [tilespmem:v1+s31+$0x0], $0xffff;
	[tilespmem:s17+$0xC2F0] =	vst v8  }
0xeb: {  	[tilespmem:s17+$0xC220] =	vst v9;
	v8 =	vld.idx.msk [tilespmem:v7+s0+$0x0], $0xffff  }
0xec: {  	v9 =	vld.idx.msk [tilespmem:v2+s31+$0x0], $0xffff;
	[tilespmem:s17+$0xC230] =	vst v10  }
0xed: {  	v10 =	vld.idx.msk [tilespmem:v3+s31+$0x0], $0xffff;
	[tilespmem:s17+$0xC240] =	vst v11  }
0xee: {  	v11 =	vld.idx.msk [tilespmem:v4+s31+$0x0], $0xffff;
	[tilespmem:s17+$0xC250] =	vst v12  }
0xef: {  	v12 =	vld.idx.msk [tilespmem:v5+s31+$0x0], $0xffff;
	[tilespmem:s17+$0xC260] =	vst v13  }
0xf0: {  	[tilespmem:s17+$0xC280] =	vst v14;
	v13 =	vld.idx.msk [tilespmem:v6+s31+$0x0], $0xffff  }
0xf1: {  	v14 =	vld.idx.msk [tilespmem:v0+s31+$0x0], $0xffff;
	[tilespmem:s17+$0xC370] =	vst v8  }
0xf2: {  	[tilespmem:s17+$0xC290] =	vst v9;
	v8 =	vld.idx.msk [tilespmem:v7+s1+$0x0], $0xffff  }
0xf3: {  	v9 =	vld.idx.msk [tilespmem:v1+s0+$0x0], $0xffff;
	[tilespmem:s17+$0xC2A0] =	vst v10  }
0xf4: {  	v10 =	vld.idx.msk [tilespmem:v2+s0+$0x0], $0xffff;
	[tilespmem:s17+$0xC2B0] =	vst v11  }
0xf5: {  	v11 =	vld.idx.msk [tilespmem:v3+s0+$0x0], $0xffff;
	[tilespmem:s17+$0xC2C0] =	vst v12  }
0xf6: {  	v12 =	vld.idx.msk [tilespmem:v4+s0+$0x0], $0xffff;
	[tilespmem:s17+$0xC2D0] =	vst v13  }
0xf7: {  	v13 =	vld.idx.msk [tilespmem:v5+s0+$0x0], $0xffff;
	[tilespmem:s17+$0xC2E0] =	vst v14  }
0xf8: {  	v14 =	vld.idx.msk [tilespmem:v6+s0+$0x0], $0xffff;
	[tilespmem:s17+$0xC3F0] =	vst v8  }
0xf9: {  	[tilespmem:s17+$0xC300] =	vst v9;
	v8 =	vld.idx.msk [tilespmem:v7+s4+$0x0], $0xffff  }
0xfa: {  	[tilespmem:s17+$0xC310] =	vst v10;
	v9 =	vld.idx.msk [tilespmem:v0+s0+$0x0], $0xffff  }
0xfb: {  	v10 =	vld.idx.msk [tilespmem:v1+s1+$0x0], $0xffff;
	[tilespmem:s17+$0xC320] =	vst v11  }
0xfc: {  	v11 =	vld.idx.msk [tilespmem:v2+s1+$0x0], $0xffff;
	[tilespmem:s17+$0xC330] =	vst v12  }
0xfd: {  	v12 =	vld.idx.msk [tilespmem:v3+s1+$0x0], $0xffff;
	[tilespmem:s17+$0xC340] =	vst v13  }
0xfe: {  	v13 =	vld.idx.msk [tilespmem:v4+s1+$0x0], $0xffff;
	[tilespmem:s17+$0xC350] =	vst v14  }
0xff: {  	v14 =	vld.idx.msk [tilespmem:v5+s1+$0x0], $0xffff;
	[tilespmem:s17+$0x10070] =	vst v8  }
0x100: {  	[tilespmem:s17+$0xC360] =	vst v9;
	v8 =	vld.idx.msk [tilespmem:v7+s23+$0x0], $0xffff  }
0x101: {  	[tilespmem:s17+$0xC380] =	vst v10;
	v9 =	vld.idx.msk [tilespmem:v6+s1+$0x0], $0xffff  }
0x102: {  	[tilespmem:s17+$0xC390] =	vst v11;
	v10 =	vld.idx.msk [tilespmem:v0+s1+$0x0], $0xffff  }
0x103: {  	v11 =	vld.idx.msk [tilespmem:v1+s4+$0x0], $0xffff;
	[tilespmem:s17+$0xC3A0] =	vst v12  }
0x104: {  	v12 =	vld.idx.msk [tilespmem:v2+s4+$0x0], $0xffff;
	[tilespmem:s17+$0xC3B0] =	vst v13  }
0x105: {  	v13 =	vld.idx.msk [tilespmem:v3+s4+$0x0], $0xffff;
	[tilespmem:s17+$0xC3C0] =	vst v14  }
0x106: {  	v14 =	vld.idx.msk [tilespmem:v4+s4+$0x0], $0xffff;
	[tilespmem:s17+$0x100F0] =	vst v8  }
0x107: {  	[tilespmem:s17+$0xC3D0] =	vst v9;
	v8 =	vld.idx.msk [tilespmem:v7+s25+$0x0], $0xffff  }
0x108: {  	v9 =	vld.idx.msk [tilespmem:v5+s4+$0x0], $0xffff;
	[tilespmem:s17+$0xC3E0] =	vst v10  }
0x109: {  	[tilespmem:s17+$0x10000] =	vst v11;
	v10 =	vld.idx.msk [tilespmem:v6+s4+$0x0], $0xffff  }
0x10a: {  	[tilespmem:s17+$0x10010] =	vst v12;
	v11 =	vld.idx.msk [tilespmem:v0+s4+$0x0], $0xffff  }
0x10b: {  	v12 =	vld.idx.msk [tilespmem:v1+s23+$0x0], $0xffff;
	[tilespmem:s17+$0x10020] =	vst v13  }
0x10c: {  	v13 =	vld.idx.msk [tilespmem:v2+s23+$0x0], $0xffff;
	[tilespmem:s17+$0x10030] =	vst v14  }
0x10d: {  	v14 =	vld.idx.msk [tilespmem:v3+s23+$0x0], $0xffff;
	[tilespmem:s17+$0x10170] =	vst v8  }
0x10e: {  	[tilespmem:s17+$0x10040] =	vst v9;
	v8 =	vld.idx.msk [tilespmem:v7+s2+$0x0], $0xffff  }
0x10f: {  	v9 =	vld.idx.msk [tilespmem:v4+s23+$0x0], $0xffff;
	[tilespmem:s17+$0x10050] =	vst v10  }
0x110: {  	v10 =	vld.idx.msk [tilespmem:v5+s23+$0x0], $0xffff;
	[tilespmem:s17+$0x10060] =	vst v11  }
0x111: {  	[tilespmem:s17+$0x10080] =	vst v12;
	v11 =	vld.idx.msk [tilespmem:v6+s23+$0x0], $0xffff  }
0x112: {  	[tilespmem:s17+$0x10090] =	vst v13;
	v12 =	vld.idx.msk [tilespmem:v0+s23+$0x0], $0xffff  }
0x113: {  	v13 =	vld.idx.msk [tilespmem:v1+s25+$0x0], $0xffff;
	[tilespmem:s17+$0x100A0] =	vst v14  }
0x114: {  	v14 =	vld.idx.msk [tilespmem:v2+s25+$0x0], $0xffff;
	[tilespmem:s17+$0x101F0] =	vst v8  }
0x115: {  	[tilespmem:s17+$0x100B0] =	vst v9;
	v8 =	vld.idx.msk [tilespmem:v7+s6+$0x0], $0xffff  }
0x116: {  	v9 =	vld.idx.msk [tilespmem:v3+s25+$0x0], $0xffff;
	[tilespmem:s17+$0x100C0] =	vst v10  }
0x117: {  	v10 =	vld.idx.msk [tilespmem:v4+s25+$0x0], $0xffff;
	[tilespmem:s17+$0x100D0] =	vst v11  }
0x118: {  	v11 =	vld.idx.msk [tilespmem:v5+s25+$0x0], $0xffff;
	[tilespmem:s17+$0x100E0] =	vst v12  }
0x119: {  	[tilespmem:s17+$0x10100] =	vst v13;
	v12 =	vld.idx.msk [tilespmem:v6+s25+$0x0], $0xffff  }
0x11a: {  	[tilespmem:s17+$0x10110] =	vst v14;
	v13 =	vld.idx.msk [tilespmem:v0+s25+$0x0], $0xffff  }
0x11b: {  	v14 =	vld.idx.msk [tilespmem:v1+s2+$0x0], $0xffff;
	[tilespmem:s17+$0x10270] =	vst v8  }
0x11c: {  	[tilespmem:s17+$0x10120] =	vst v9;
	v8 =	vld.idx.msk [tilespmem:v7+s7+$0x0], $0xffff  }
0x11d: {  	v9 =	vld.idx.msk [tilespmem:v2+s2+$0x0], $0xffff;
	[tilespmem:s17+$0x10130] =	vst v10  }
0x11e: {  	v10 =	vld.idx.msk [tilespmem:v3+s2+$0x0], $0xffff;
	[tilespmem:s17+$0x10140] =	vst v11  }
0x11f: {  	v11 =	vld.idx.msk [tilespmem:v4+s2+$0x0], $0xffff;
	[tilespmem:s17+$0x10150] =	vst v12  }
0x120: {  	v12 =	vld.idx.msk [tilespmem:v5+s2+$0x0], $0xffff;
	[tilespmem:s17+$0x10160] =	vst v13  }
0x121: {  	[tilespmem:s17+$0x10180] =	vst v14;
	v13 =	vld.idx.msk [tilespmem:v6+s2+$0x0], $0xffff  }
0x122: {  	v14 =	vld.idx.msk [tilespmem:v0+s2+$0x0], $0xffff;
	[tilespmem:s17+$0x102F0] =	vst v8  }
0x123: {  	[tilespmem:s17+$0x10190] =	vst v9;
	v8 =	vld.idx.msk [tilespmem:v7+s8+$0x0], $0xffff  }
0x124: {  	v9 =	vld.idx.msk [tilespmem:v1+s6+$0x0], $0xffff;
	[tilespmem:s17+$0x101A0] =	vst v10  }
0x125: {  	v10 =	vld.idx.msk [tilespmem:v2+s6+$0x0], $0xffff;
	[tilespmem:s17+$0x101B0] =	vst v11  }
0x126: {  	v11 =	vld.idx.msk [tilespmem:v3+s6+$0x0], $0xffff;
	[tilespmem:s17+$0x101C0] =	vst v12  }
0x127: {  	v12 =	vld.idx.msk [tilespmem:v4+s6+$0x0], $0xffff;
	[tilespmem:s17+$0x101D0] =	vst v13  }
0x128: {  	v13 =	vld.idx.msk [tilespmem:v5+s6+$0x0], $0xffff;
	[tilespmem:s17+$0x101E0] =	vst v14  }
0x129: {  	v14 =	vld.idx.msk [tilespmem:v6+s6+$0x0], $0xffff;
	[tilespmem:s17+$0x10370] =	vst v8  }
0x12a: {  	[tilespmem:s17+$0x10200] =	vst v9;
	v7 =	vld.idx.msk [tilespmem:v7+s9+$0x0], $0xffff  }
0x12b: {  	[tilespmem:s17+$0x10210] =	vst v10;
	v8 =	vld.idx.msk [tilespmem:v0+s6+$0x0], $0xffff  }
0x12c: {  	v9 =	vld.idx.msk [tilespmem:v1+s7+$0x0], $0xffff;
	[tilespmem:s17+$0x10220] =	vst v11  }
0x12d: {  	v10 =	vld.idx.msk [tilespmem:v2+s7+$0x0], $0xffff;
	[tilespmem:s17+$0x10230] =	vst v12  }
0x12e: {  	v11 =	vld.idx.msk [tilespmem:v3+s7+$0x0], $0xffff;
	[tilespmem:s17+$0x10240] =	vst v13  }
0x12f: {  	v12 =	vld.idx.msk [tilespmem:v4+s7+$0x0], $0xffff;
	[tilespmem:s17+$0x10250] =	vst v14  }
0x130: {  	v13 =	vld.idx.msk [tilespmem:v5+s7+$0x0], $0xffff;
	[tilespmem:s17+$0x103F0] =	vst v7  }
0x131: {  	v7 =	vld.idx.msk [tilespmem:v6+s7+$0x0], $0xffff;
	[tilespmem:s17+$0x10260] =	vst v8  }
0x132: {  	[tilespmem:s17+$0x10280] =	vst v9;
	v8 =	vld.idx.msk [tilespmem:v0+s7+$0x0], $0xffff  }
0x133: {  	v9 =	vld.idx.msk [tilespmem:v1+s8+$0x0], $0xffff;
	[tilespmem:s17+$0x10290] =	vst v10  }
0x134: {  	v10 =	vld.idx.msk [tilespmem:v2+s8+$0x0], $0xffff;
	[tilespmem:s17+$0x102A0] =	vst v11  }
0x135: {  	v11 =	vld.idx.msk [tilespmem:v3+s8+$0x0], $0xffff;
	[tilespmem:s17+$0x102B0] =	vst v12  }
0x136: {  	v12 =	vld.idx.msk [tilespmem:v4+s8+$0x0], $0xffff;
	[tilespmem:s17+$0x102C0] =	vst v13  }
0x137: {  	v13 =	vld.idx.msk [tilespmem:v5+s8+$0x0], $0xffff;
	[tilespmem:s17+$0x102D0] =	vst v7  }
0x138: {  	v14 =	vld.idx.msk [tilespmem:v6+s8+$0x0], $0xffff;
	[tilespmem:s17+$0x102E0] =	vst v8  }
0x139: {  	[tilespmem:s17+$0x10300] =	vst v9;
	v15 =	vld.idx.msk [tilespmem:v0+s8+$0x0], $0xffff  }
0x13a: {  	v7 =	vld.idx.msk [tilespmem:v1+s9+$0x0], $0xffff;
	[tilespmem:s17+$0x10310] =	vst v10  }
.Ltmp0:
0x13b: {  	v8 =	vld.idx.msk [tilespmem:v2+s9+$0x0], $0xffff;
	[tilespmem:s17+$0x10320] =	vst v11;
	(pc) =	sbr.rel @p1 .LBB2_3-.Ltmp0, $4  }
0x13c: {  	v9 =	vld.idx.msk [tilespmem:v3+s9+$0x0], $0xffff;
	[tilespmem:s17+$0x10330] =	vst v12  }
0x13d: {  	v3 =	vld.idx.msk [tilespmem:v4+s9+$0x0], $0xffff;
	[tilespmem:s17+$0x10340] =	vst v13  }
0x13e: {  	v4 =	vld.idx.msk [tilespmem:v5+s9+$0x0], $0xffff;
	[tilespmem:s17+$0x10350] =	vst v14  }
0x13f: {  	s18 =	sadd.s32 $0x1000, s18;
	v5 =	vld.idx.msk [tilespmem:v6+s9+$0x0], $0xffff;
	[tilespmem:s17+$0x10360] =	vst v15  }
0x140: {  	_ =	sdelay $0x1  }
0x141: {  	[tilespmem:s17+$0x10380] =	vst v7  }
0x142: {  	[tilespmem:s17+$0x10390] =	vst v8  }
0x143: {  	v0 =	vld.idx.msk [tilespmem:v0+s9+$0x0], $0xffff;
	[tilespmem:s17+$0x103A0] =	vst v9  }
0x144: {  	[tilespmem:s17+$0x103B0] =	vst v3  }
0x145: {  	[tilespmem:s17+$0x103C0] =	vst v4  }
0x146: {  	s16 =	sshll.u32 s15, $0x14;
	s18 =	rddreg [dreg:$0x7];
	[tilespmem:s17+$0x103D0] =	vst v5  }
0x147: {  	s16 =	sor.u32 s16, s18;
	s20 =	rddreg [dreg:$0x5]  }
0x148: {  	s21 =	rddreg [dreg:$0x2];
	[tilespmem:s17+$0x103E0] =	vst v0;
	s16 =	sor.u32 s20, s16  }
0x149: {  	s22 =	rddreg [dreg:$0x8];
	s17 =	sadd.s32 s21, s16  }
0x14a: {  	[hbm4b:s17+s3] =	stream.linear.scatter [tilespmem:s10], [sflag:$0x1], $0x4000, $0x38;
	[tilespmem:$0x1C000] =	vst v63  }
0x14b: {  	s17 =	sadd.s32 s16, s22  }
0x14c: {  	[hbm4b:s17+s3] =	stream.linear.scatter [tilespmem:s5], [sflag:$0x1], $0x4000, $0x38;
	[tilespmem:$0x1C000] =	vst v63  }
0x14d: {  	s17 =	simm.s32 @!p0 $0x2  }
0x14e: {  	_ =	swait.ge @!p0 [sflag:s17], $0x4000  }
0x14f: {  	[sflag:s17] =	ssyncset.done @!p0 $0x0  }
0x150: {  	[sflag:s17] =	ssyncadd.s32 @!p0 $0xFFFFC000  }
0x151: {  	_ =	swait.ge @!p0 [sflag:s17], $0x4000  }
0x152: {  	[sflag:s17] =	ssyncset.done @!p0 $0x0  }
0x153: {  	[sflag:s17] =	ssyncadd.s32 @!p0 $0xFFFFC000;
	s17 =	simm.s32 $0x0  }
0x154: {  	v7 =	vld [tilespmem:s17+$0x80F0]  }
0x155: {  	v6 =	vld [tilespmem:s17+$0x8080]  }
0x156: {  	v5 =	vld [tilespmem:s17+$0x8090]  }
0x157: {  	v4 =	vld [tilespmem:s17+$0x80A0]  }
0x158: {  	v3 =	vld [tilespmem:s17+$0x80B0]  }
0x159: {  	v2 =	vld [tilespmem:s17+$0x80C0]  }
0x15a: {  	v1 =	vld [tilespmem:s17+$0x80D0]  }
0x15b: {  	v0 =	vld [tilespmem:s17+$0x80E0]  }
0x15c: {  	v8 =	vld.idx.msk [tilespmem:v7+s3+$0x0], $0xffff  }
0x15d: {  	v9 =	vld.idx.msk [tilespmem:v6+s3+$0x0], $0xffff  }
0x15e: {  	v10 =	vld.idx.msk [tilespmem:v5+s3+$0x0], $0xffff  }
0x15f: {  	v11 =	vld.idx.msk [tilespmem:v4+s3+$0x0], $0xffff  }
0x160: {  	v12 =	vld.idx.msk [tilespmem:v3+s3+$0x0], $0xffff  }
0x161: {  	v13 =	vld.idx.msk [tilespmem:v2+s3+$0x0], $0xffff;
	[tilespmem:s17+$0x14070] =	vst v8  }
0x162: {  	v14 =	vld.idx.msk [tilespmem:v1+s3+$0x0], $0xffff;
	[tilespmem:s17+$0x14000] =	vst v9  }
0x163: {  	[tilespmem:s17+$0x14010] =	vst v10;
	v9 =	vld.idx.msk [tilespmem:v0+s3+$0x0], $0xffff  }
0x164: {  	[tilespmem:s17+$0x14020] =	vst v11;
	v8 =	vld.idx.msk [tilespmem:v7+s26+$0x0], $0xffff  }
0x165: {  	[tilespmem:s17+$0x14030] =	vst v12;
	v10 =	vld.idx.msk [tilespmem:v6+s26+$0x0], $0xffff  }
0x166: {  	[tilespmem:s17+$0x14040] =	vst v13;
	v11 =	vld.idx.msk [tilespmem:v5+s26+$0x0], $0xffff  }
0x167: {  	[tilespmem:s17+$0x14050] =	vst v14;
	v22 =	vld.idx.msk [tilespmem:v4+s26+$0x0], $0xffff  }
0x168: {  	v23 =	vld.idx.msk [tilespmem:v3+s26+$0x0], $0xffff;
	[tilespmem:s17+$0x14060] =	vst v9  }
0x169: {  	v24 =	vld.idx.msk [tilespmem:v2+s26+$0x0], $0xffff;
	[tilespmem:s17+$0x140F0] =	vst v8  }
0x16a: {  	v9 =	vld.idx.msk [tilespmem:v1+s26+$0x0], $0xffff;
	[tilespmem:s17+$0x14080] =	vst v10  }
0x16b: {  	[tilespmem:s17+$0x14090] =	vst v11;
	v10 =	vld.idx.msk [tilespmem:v0+s26+$0x0], $0xffff  }
0x16c: {  	[tilespmem:s17+$0x140A0] =	vst v22;
	v8 =	vld.idx.msk [tilespmem:v7+s28+$0x0], $0xffff  }
0x16d: {  	[tilespmem:s17+$0x140B0] =	vst v23;
	v11 =	vld.idx.msk [tilespmem:v6+s28+$0x0], $0xffff  }
0x16e: {  	[tilespmem:s17+$0x140C0] =	vst v24;
	v25 =	vld.idx.msk [tilespmem:v5+s28+$0x0], $0xffff  }
0x16f: {  	v26 =	vld.idx.msk [tilespmem:v4+s28+$0x0], $0xffff;
	[tilespmem:s17+$0x140D0] =	vst v9  }
0x170: {  	v27 =	vld.idx.msk [tilespmem:v3+s28+$0x0], $0xffff;
	[tilespmem:s17+$0x140E0] =	vst v10  }
0x171: {  	v9 =	vld.idx.msk [tilespmem:v2+s28+$0x0], $0xffff;
	[tilespmem:s17+$0x14170] =	vst v8  }
0x172: {  	v10 =	vld.idx.msk [tilespmem:v1+s28+$0x0], $0xffff;
	[tilespmem:s17+$0x14100] =	vst v11  }
0x173: {  	[tilespmem:s17+$0x14110] =	vst v25;
	v11 =	vld.idx.msk [tilespmem:v0+s28+$0x0], $0xffff  }
0x174: {  	[tilespmem:s17+$0x14120] =	vst v26;
	v8 =	vld.idx.msk [tilespmem:v7+s29+$0x0], $0xffff  }
0x175: {  	[tilespmem:s17+$0x14130] =	vst v27;
	v28 =	vld.idx.msk [tilespmem:v6+s29+$0x0], $0xffff  }
0x176: {  	v29 =	vld.idx.msk [tilespmem:v5+s29+$0x0], $0xffff;
	[tilespmem:s17+$0x14140] =	vst v9  }
0x177: {  	v30 =	vld.idx.msk [tilespmem:v4+s29+$0x0], $0xffff;
	[tilespmem:s17+$0x14150] =	vst v10  }
0x178: {  	v9 =	vld.idx.msk [tilespmem:v3+s29+$0x0], $0xffff;
	[tilespmem:s17+$0x14160] =	vst v11  }
0x179: {  	v10 =	vld.idx.msk [tilespmem:v2+s29+$0x0], $0xffff;
	[tilespmem:s17+$0x141F0] =	vst v8  }
0x17a: {  	v11 =	vld.idx.msk [tilespmem:v1+s29+$0x0], $0xffff;
	[tilespmem:s17+$0x14180] =	vst v28  }
0x17b: {  	[tilespmem:s17+$0x14190] =	vst v29;
	v31 =	vld.idx.msk [tilespmem:v0+s29+$0x0], $0xffff  }
0x17c: {  	[tilespmem:s17+$0x141A0] =	vst v30;
	v8 =	vld.idx.msk [tilespmem:v7+s30+$0x0], $0xffff  }
0x17d: {  	v32 =	vld.idx.msk [tilespmem:v6+s30+$0x0], $0xffff;
	[tilespmem:s17+$0x141B0] =	vst v9  }
0x17e: {  	v33 =	vld.idx.msk [tilespmem:v5+s30+$0x0], $0xffff;
	[tilespmem:s17+$0x141C0] =	vst v10  }
0x17f: {  	v9 =	vld.idx.msk [tilespmem:v4+s30+$0x0], $0xffff;
	[tilespmem:s17+$0x141D0] =	vst v11  }
0x180: {  	v10 =	vld.idx.msk [tilespmem:v3+s30+$0x0], $0xffff;
	[tilespmem:s17+$0x141E0] =	vst v31  }
0x181: {  	v11 =	vld.idx.msk [tilespmem:v2+s30+$0x0], $0xffff;
	[tilespmem:s17+$0x14270] =	vst v8  }
0x182: {  	v34 =	vld.idx.msk [tilespmem:v1+s30+$0x0], $0xffff;
	[tilespmem:s17+$0x14200] =	vst v32  }
0x183: {  	[tilespmem:s17+$0x14210] =	vst v33;
	v35 =	vld.idx.msk [tilespmem:v0+s30+$0x0], $0xffff  }
0x184: {  	v8 =	vld.idx.msk [tilespmem:v7+s31+$0x0], $0xffff;
	[tilespmem:s17+$0x14220] =	vst v9  }
0x185: {  	v36 =	vld.idx.msk [tilespmem:v6+s31+$0x0], $0xffff;
	[tilespmem:s17+$0x14230] =	vst v10  }
0x186: {  	v9 =	vld.idx.msk [tilespmem:v5+s31+$0x0], $0xffff;
	[tilespmem:s17+$0x14240] =	vst v11  }
0x187: {  	v10 =	vld.idx.msk [tilespmem:v4+s31+$0x0], $0xffff;
	[tilespmem:s17+$0x14250] =	vst v34  }
0x188: {  	v11 =	vld.idx.msk [tilespmem:v3+s31+$0x0], $0xffff;
	[tilespmem:s17+$0x14260] =	vst v35  }
0x189: {  	v37 =	vld.idx.msk [tilespmem:v2+s31+$0x0], $0xffff;
	[tilespmem:s17+$0x142F0] =	vst v8  }
0x18a: {  	v38 =	vld.idx.msk [tilespmem:v1+s31+$0x0], $0xffff;
	[tilespmem:s17+$0x14280] =	vst v36  }
0x18b: {  	v39 =	vld.idx.msk [tilespmem:v0+s31+$0x0], $0xffff;
	[tilespmem:s17+$0x14290] =	vst v9  }
0x18c: {  	v8 =	vld.idx.msk [tilespmem:v7+s0+$0x0], $0xffff;
	[tilespmem:s17+$0x142A0] =	vst v10  }
0x18d: {  	v9 =	vld.idx.msk [tilespmem:v6+s0+$0x0], $0xffff;
	[tilespmem:s17+$0x142B0] =	vst v11  }
0x18e: {  	v10 =	vld.idx.msk [tilespmem:v5+s0+$0x0], $0xffff;
	[tilespmem:s17+$0x142C0] =	vst v37  }
0x18f: {  	v11 =	vld.idx.msk [tilespmem:v4+s0+$0x0], $0xffff;
	[tilespmem:s17+$0x142D0] =	vst v38  }
0x190: {  	v40 =	vld.idx.msk [tilespmem:v3+s0+$0x0], $0xffff;
	[tilespmem:s17+$0x142E0] =	vst v39  }
0x191: {  	v41 =	vld.idx.msk [tilespmem:v2+s0+$0x0], $0xffff;
	[tilespmem:s17+$0x14370] =	vst v8  }
0x192: {  	v42 =	vld.idx.msk [tilespmem:v1+s0+$0x0], $0xffff;
	[tilespmem:s17+$0x14300] =	vst v9  }
0x193: {  	[tilespmem:s17+$0x14310] =	vst v10;
	v9 =	vld.idx.msk [tilespmem:v0+s0+$0x0], $0xffff  }
0x194: {  	v8 =	vld.idx.msk [tilespmem:v7+s1+$0x0], $0xffff;
	[tilespmem:s17+$0x14320] =	vst v11  }
0x195: {  	v10 =	vld.idx.msk [tilespmem:v6+s1+$0x0], $0xffff;
	[tilespmem:s17+$0x14330] =	vst v40  }
0x196: {  	v11 =	vld.idx.msk [tilespmem:v5+s1+$0x0], $0xffff;
	[tilespmem:s17+$0x14340] =	vst v41  }
0x197: {  	v43 =	vld.idx.msk [tilespmem:v4+s1+$0x0], $0xffff;
	[tilespmem:s17+$0x14350] =	vst v42  }
0x198: {  	v44 =	vld.idx.msk [tilespmem:v3+s1+$0x0], $0xffff;
	[tilespmem:s17+$0x14360] =	vst v9  }
0x199: {  	v45 =	vld.idx.msk [tilespmem:v2+s1+$0x0], $0xffff;
	[tilespmem:s17+$0x143F0] =	vst v8  }
0x19a: {  	v9 =	vld.idx.msk [tilespmem:v1+s1+$0x0], $0xffff;
	[tilespmem:s17+$0x14380] =	vst v10  }
0x19b: {  	[tilespmem:s17+$0x14390] =	vst v11;
	v10 =	vld.idx.msk [tilespmem:v0+s1+$0x0], $0xffff  }
0x19c: {  	v8 =	vld.idx.msk [tilespmem:v7+s4+$0x0], $0xffff;
	[tilespmem:s17+$0x143A0] =	vst v43  }
0x19d: {  	v11 =	vld.idx.msk [tilespmem:v6+s4+$0x0], $0xffff;
	[tilespmem:s17+$0x143B0] =	vst v44  }
0x19e: {  	v46 =	vld.idx.msk [tilespmem:v5+s4+$0x0], $0xffff;
	[tilespmem:s17+$0x143C0] =	vst v45  }
0x19f: {  	v47 =	vld.idx.msk [tilespmem:v4+s4+$0x0], $0xffff;
	[tilespmem:s17+$0x143D0] =	vst v9  }
0x1a0: {  	v48 =	vld.idx.msk [tilespmem:v3+s4+$0x0], $0xffff;
	[tilespmem:s17+$0x143E0] =	vst v10  }
0x1a1: {  	v9 =	vld.idx.msk [tilespmem:v2+s4+$0x0], $0xffff;
	[tilespmem:s17+$0x18070] =	vst v8  }
0x1a2: {  	v10 =	vld.idx.msk [tilespmem:v1+s4+$0x0], $0xffff;
	[tilespmem:s17+$0x18000] =	vst v11  }
0x1a3: {  	[tilespmem:s17+$0x18010] =	vst v46;
	v11 =	vld.idx.msk [tilespmem:v0+s4+$0x0], $0xffff  }
0x1a4: {  	v8 =	vld.idx.msk [tilespmem:v7+s23+$0x0], $0xffff;
	[tilespmem:s17+$0x18020] =	vst v47  }
0x1a5: {  	v49 =	vld.idx.msk [tilespmem:v6+s23+$0x0], $0xffff;
	[tilespmem:s17+$0x18030] =	vst v48  }
0x1a6: {  	v50 =	vld.idx.msk [tilespmem:v5+s23+$0x0], $0xffff;
	[tilespmem:s17+$0x18040] =	vst v9  }
0x1a7: {  	v51 =	vld.idx.msk [tilespmem:v4+s23+$0x0], $0xffff;
	[tilespmem:s17+$0x18050] =	vst v10  }
0x1a8: {  	v9 =	vld.idx.msk [tilespmem:v3+s23+$0x0], $0xffff;
	[tilespmem:s17+$0x18060] =	vst v11  }
0x1a9: {  	v10 =	vld.idx.msk [tilespmem:v2+s23+$0x0], $0xffff;
	[tilespmem:s17+$0x180F0] =	vst v8  }
0x1aa: {  	v11 =	vld.idx.msk [tilespmem:v1+s23+$0x0], $0xffff;
	[tilespmem:s17+$0x18080] =	vst v49  }
0x1ab: {  	[tilespmem:s17+$0x18090] =	vst v50;
	v8 =	vld.idx.msk [tilespmem:v7+s25+$0x0], $0xffff  }
0x1ac: {  	v52 =	vld.idx.msk [tilespmem:v0+s23+$0x0], $0xffff;
	[tilespmem:s17+$0x180A0] =	vst v51  }
0x1ad: {  	v53 =	vld.idx.msk [tilespmem:v6+s25+$0x0], $0xffff;
	[tilespmem:s17+$0x180B0] =	vst v9  }
0x1ae: {  	v54 =	vld.idx.msk [tilespmem:v5+s25+$0x0], $0xffff;
	[tilespmem:s17+$0x180C0] =	vst v10  }
0x1af: {  	v9 =	vld.idx.msk [tilespmem:v4+s25+$0x0], $0xffff;
	[tilespmem:s17+$0x180D0] =	vst v11  }
0x1b0: {  	v10 =	vld.idx.msk [tilespmem:v3+s25+$0x0], $0xffff;
	[tilespmem:s17+$0x18170] =	vst v8  }
0x1b1: {  	[tilespmem:s17+$0x180E0] =	vst v52;
	v8 =	vld.idx.msk [tilespmem:v7+s2+$0x0], $0xffff  }
0x1b2: {  	v11 =	vld.idx.msk [tilespmem:v2+s25+$0x0], $0xffff;
	[tilespmem:s17+$0x18100] =	vst v53  }
0x1b3: {  	v55 =	vld.idx.msk [tilespmem:v1+s25+$0x0], $0xffff;
	[tilespmem:s17+$0x18110] =	vst v54  }
0x1b4: {  	v56 =	vld.idx.msk [tilespmem:v0+s25+$0x0], $0xffff;
	[tilespmem:s17+$0x18120] =	vst v9  }
0x1b5: {  	v57 =	vld.idx.msk [tilespmem:v6+s2+$0x0], $0xffff;
	[tilespmem:s17+$0x18130] =	vst v10  }
0x1b6: {  	v9 =	vld.idx.msk [tilespmem:v5+s2+$0x0], $0xffff;
	[tilespmem:s17+$0x181F0] =	vst v8  }
0x1b7: {  	[tilespmem:s17+$0x18140] =	vst v11;
	v8 =	vld.idx.msk [tilespmem:v7+s6+$0x0], $0xffff  }
0x1b8: {  	v10 =	vld.idx.msk [tilespmem:v4+s2+$0x0], $0xffff;
	[tilespmem:s17+$0x18150] =	vst v55  }
0x1b9: {  	v11 =	vld.idx.msk [tilespmem:v3+s2+$0x0], $0xffff;
	[tilespmem:s17+$0x18160] =	vst v56  }
0x1ba: {  	v58 =	vld.idx.msk [tilespmem:v2+s2+$0x0], $0xffff;
	[tilespmem:s17+$0x18180] =	vst v57  }
0x1bb: {  	v59 =	vld.idx.msk [tilespmem:v1+s2+$0x0], $0xffff;
	[tilespmem:s17+$0x18190] =	vst v9  }
0x1bc: {  	v60 =	vld.idx.msk [tilespmem:v0+s2+$0x0], $0xffff;
	[tilespmem:s17+$0x18270] =	vst v8  }
0x1bd: {  	[tilespmem:s17+$0x181A0] =	vst v10;
	v8 =	vld.idx.msk [tilespmem:v7+s7+$0x0], $0xffff  }
0x1be: {  	v9 =	vld.idx.msk [tilespmem:v6+s6+$0x0], $0xffff;
	[tilespmem:s17+$0x181B0] =	vst v11  }
0x1bf: {  	v10 =	vld.idx.msk [tilespmem:v5+s6+$0x0], $0xffff;
	[tilespmem:s17+$0x181C0] =	vst v58  }
0x1c0: {  	v11 =	vld.idx.msk [tilespmem:v4+s6+$0x0], $0xffff;
	[tilespmem:s17+$0x181D0] =	vst v59  }
0x1c1: {  	v61 =	vld.idx.msk [tilespmem:v3+s6+$0x0], $0xffff;
	[tilespmem:s17+$0x181E0] =	vst v60  }
0x1c2: {  	v62 =	vld.idx.msk [tilespmem:v2+s6+$0x0], $0xffff;
	[tilespmem:s17+$0x182F0] =	vst v8  }
0x1c3: {  	[tilespmem:s17+$0x18200] =	vst v9;
	v8 =	vld.idx.msk [tilespmem:v7+s8+$0x0], $0xffff  }
0x1c4: {  	v63 =	vld.idx.msk [tilespmem:v1+s6+$0x0], $0xffff;
	[tilespmem:s17+$0x18210] =	vst v10  }
0x1c5: {  	v9 =	vld.idx.msk [tilespmem:v6+s7+$0x0], $0xffff;
	[tilespmem:s17+$0x18220] =	vst v11  }
0x1c6: {  	v10 =	vld.idx.msk [tilespmem:v5+s7+$0x0], $0xffff;
	[tilespmem:s17+$0x18230] =	vst v61  }
0x1c7: {  	v11 =	vld.idx.msk [tilespmem:v4+s7+$0x0], $0xffff;
	[tilespmem:s17+$0x18240] =	vst v62  }
0x1c8: {  	[tilespmem:s17+$0x18370] =	vst v8;
	v8 =	vld.idx.msk [tilespmem:v0+s6+$0x0], $0xffff  }
0x1c9: {  	[tilespmem:s17+$0x18250] =	vst v63;
	v7 =	vld.idx.msk [tilespmem:v7+s9+$0x0], $0xffff  }
0x1ca: {  	v12 =	vld.idx.msk [tilespmem:v3+s7+$0x0], $0xffff;
	[tilespmem:s17+$0x18280] =	vst v9  }
0x1cb: {  	v13 =	vld.idx.msk [tilespmem:v2+s7+$0x0], $0xffff;
	[tilespmem:s17+$0x18290] =	vst v10  }
0x1cc: {  	v9 =	vld.idx.msk [tilespmem:v6+s8+$0x0], $0xffff;
	[tilespmem:s17+$0x182A0] =	vst v11  }
0x1cd: {  	v11 =	vld.idx.msk [tilespmem:v4+s8+$0x0], $0xffff;
	[tilespmem:s17+$0x18260] =	vst v8  }
0x1ce: {  	[tilespmem:s17+$0x183F0] =	vst v7;
	v7 =	vld.idx.msk [tilespmem:v1+s7+$0x0], $0xffff  }
0x1cf: {  	[tilespmem:s17+$0x182B0] =	vst v12;
	v8 =	vld.idx.msk [tilespmem:v0+s7+$0x0], $0xffff  }
0x1d0: {  	v10 =	vld.idx.msk [tilespmem:v5+s8+$0x0], $0xffff;
	[tilespmem:s17+$0x182C0] =	vst v13  }
0x1d1: {  	v12 =	vld.idx.msk [tilespmem:v3+s8+$0x0], $0xffff;
	[tilespmem:s17+$0x18300] =	vst v9  }
0x1d2: {  	v13 =	vld.idx.msk [tilespmem:v2+s8+$0x0], $0xffff;
	[tilespmem:s17+$0x18320] =	vst v11  }
0x1d3: {  	v9 =	vld.idx.msk [tilespmem:v4+s9+$0x0], $0xffff;
	[tilespmem:s17+$0x182D0] =	vst v7  }
0x1d4: {  	[tilespmem:s17+$0x182E0] =	vst v8;
	v14 =	vld.idx.msk [tilespmem:v1+s8+$0x0], $0xffff  }
0x1d5: {  	v15 =	vld.idx.msk [tilespmem:v0+s8+$0x0], $0xffff  }
0x1d6: {  	[tilespmem:s17+$0x18310] =	vst v10;
	v7 =	vld.idx.msk [tilespmem:v6+s9+$0x0], $0xffff  }
0x1d7: {  	[tilespmem:s17+$0x18330] =	vst v12;
	v8 =	vld.idx.msk [tilespmem:v5+s9+$0x0], $0xffff  }
0x1d8: {  	v3 =	vld.idx.msk [tilespmem:v3+s9+$0x0], $0xffff;
	[tilespmem:s17+$0x18340] =	vst v13  }
0x1d9: {  	v4 =	vld.idx.msk [tilespmem:v2+s9+$0x0], $0xffff;
	[tilespmem:s17+$0x18350] =	vst v14  }
0x1da: {  	s19 =	simm.s32 $0x1000;
	s18 =	simm.s32 $0x0;
	[tilespmem:s17+$0x18360] =	vst v15;
	v5 =	vld.idx.msk [tilespmem:v1+s9+$0x0], $0xffff  }
.LBB2_5:
0x1db: {  	s20 =	sshra.s32 s19, $0x2;
	s18 =	sadd.s32 $0x8, s18;
	[tilespmem:s17+$0x18380] =	vst v7;
	v0 =	vld.idx.msk [tilespmem:v0+s9+$0x0], $0xffff  }
0x1dc: {  	v7 =	vld [tilespmem:s20+$0x80F0];
	p0 =	slt.u32 s18, $0x78;
	[tilespmem:s17+$0x18390] =	vst v8  }
0x1dd: {  	v1 =	vld [tilespmem:s20+$0x8080];
	[tilespmem:s17+$0x183A0] =	vst v9  }
0x1de: {  	v2 =	vld [tilespmem:s20+$0x8090];
	[tilespmem:s17+$0x183B0] =	vst v3  }
0x1df: {  	v3 =	vld [tilespmem:s20+$0x80A0];
	[tilespmem:s17+$0x183C0] =	vst v4  }
0x1e0: {  	v4 =	vld [tilespmem:s20+$0x80B0];
	[tilespmem:s17+$0x183D0] =	vst v5  }
0x1e1: {  	v5 =	vld [tilespmem:s20+$0x80C0];
	[tilespmem:s17+$0x183E0] =	vst v0;
	s17 =	smov.u32 s20  }
0x1e2: {  	v6 =	vld [tilespmem:s17+$0x80D0]  }
0x1e3: {  	v0 =	vld [tilespmem:s17+$0x80E0]  }
0x1e4: {  	v8 =	vld.idx.msk [tilespmem:v7+s3+$0x0], $0xffff  }
0x1e5: {  	v9 =	vld.idx.msk [tilespmem:v1+s3+$0x0], $0xffff  }
0x1e6: {  	v10 =	vld.idx.msk [tilespmem:v2+s3+$0x0], $0xffff  }
0x1e7: {  	v11 =	vld.idx.msk [tilespmem:v3+s3+$0x0], $0xffff  }
0x1e8: {  	v12 =	vld.idx.msk [tilespmem:v4+s3+$0x0], $0xffff  }
0x1e9: {  	v13 =	vld.idx.msk [tilespmem:v5+s3+$0x0], $0xffff  }
0x1ea: {  	v14 =	vld.idx.msk [tilespmem:v6+s3+$0x0], $0xffff;
	[tilespmem:s17+$0x14070] =	vst v8  }
0x1eb: {  	[tilespmem:s17+$0x14000] =	vst v9;
	v8 =	vld.idx.msk [tilespmem:v7+s26+$0x0], $0xffff  }
0x1ec: {  	[tilespmem:s17+$0x14010] =	vst v10;
	v9 =	vld.idx.msk [tilespmem:v0+s3+$0x0], $0xffff  }
0x1ed: {  	v10 =	vld.idx.msk [tilespmem:v1+s26+$0x0], $0xffff;
	[tilespmem:s17+$0x14020] =	vst v11  }
0x1ee: {  	v11 =	vld.idx.msk [tilespmem:v2+s26+$0x0], $0xffff;
	[tilespmem:s17+$0x14030] =	vst v12  }
0x1ef: {  	v12 =	vld.idx.msk [tilespmem:v3+s26+$0x0], $0xffff;
	[tilespmem:s17+$0x14040] =	vst v13  }
0x1f0: {  	v13 =	vld.idx.msk [tilespmem:v4+s26+$0x0], $0xffff;
	[tilespmem:s17+$0x14050] =	vst v14  }
0x1f1: {  	v14 =	vld.idx.msk [tilespmem:v5+s26+$0x0], $0xffff;
	[tilespmem:s17+$0x140F0] =	vst v8  }
0x1f2: {  	[tilespmem:s17+$0x14060] =	vst v9;
	v8 =	vld.idx.msk [tilespmem:v7+s28+$0x0], $0xffff  }
0x1f3: {  	[tilespmem:s17+$0x14080] =	vst v10;
	v9 =	vld.idx.msk [tilespmem:v6+s26+$0x0], $0xffff  }
0x1f4: {  	[tilespmem:s17+$0x14090] =	vst v11;
	v10 =	vld.idx.msk [tilespmem:v0+s26+$0x0], $0xffff  }
0x1f5: {  	v11 =	vld.idx.msk [tilespmem:v1+s28+$0x0], $0xffff;
	[tilespmem:s17+$0x140A0] =	vst v12  }
0x1f6: {  	v12 =	vld.idx.msk [tilespmem:v2+s28+$0x0], $0xffff;
	[tilespmem:s17+$0x140B0] =	vst v13  }
0x1f7: {  	v13 =	vld.idx.msk [tilespmem:v3+s28+$0x0], $0xffff;
	[tilespmem:s17+$0x140C0] =	vst v14  }
0x1f8: {  	v14 =	vld.idx.msk [tilespmem:v4+s28+$0x0], $0xffff;
	[tilespmem:s17+$0x14170] =	vst v8  }
0x1f9: {  	[tilespmem:s17+$0x140D0] =	vst v9;
	v8 =	vld.idx.msk [tilespmem:v7+s29+$0x0], $0xffff  }
0x1fa: {  	v9 =	vld.idx.msk [tilespmem:v5+s28+$0x0], $0xffff;
	[tilespmem:s17+$0x140E0] =	vst v10  }
0x1fb: {  	[tilespmem:s17+$0x14100] =	vst v11;
	v10 =	vld.idx.msk [tilespmem:v6+s28+$0x0], $0xffff  }
0x1fc: {  	[tilespmem:s17+$0x14110] =	vst v12;
	v11 =	vld.idx.msk [tilespmem:v0+s28+$0x0], $0xffff  }
0x1fd: {  	v12 =	vld.idx.msk [tilespmem:v1+s29+$0x0], $0xffff;
	[tilespmem:s17+$0x14120] =	vst v13  }
0x1fe: {  	v13 =	vld.idx.msk [tilespmem:v2+s29+$0x0], $0xffff;
	[tilespmem:s17+$0x14130] =	vst v14  }
0x1ff: {  	v14 =	vld.idx.msk [tilespmem:v3+s29+$0x0], $0xffff;
	[tilespmem:s17+$0x141F0] =	vst v8  }
0x200: {  	[tilespmem:s17+$0x14140] =	vst v9;
	v8 =	vld.idx.msk [tilespmem:v7+s30+$0x0], $0xffff  }
0x201: {  	v9 =	vld.idx.msk [tilespmem:v4+s29+$0x0], $0xffff;
	[tilespmem:s17+$0x14150] =	vst v10  }
0x202: {  	v10 =	vld.idx.msk [tilespmem:v5+s29+$0x0], $0xffff;
	[tilespmem:s17+$0x14160] =	vst v11  }
0x203: {  	[tilespmem:s17+$0x14180] =	vst v12;
	v11 =	vld.idx.msk [tilespmem:v6+s29+$0x0], $0xffff  }
0x204: {  	[tilespmem:s17+$0x14190] =	vst v13;
	v12 =	vld.idx.msk [tilespmem:v0+s29+$0x0], $0xffff  }
0x205: {  	v13 =	vld.idx.msk [tilespmem:v1+s30+$0x0], $0xffff;
	[tilespmem:s17+$0x141A0] =	vst v14  }
0x206: {  	v14 =	vld.idx.msk [tilespmem:v2+s30+$0x0], $0xffff;
	[tilespmem:s17+$0x14270] =	vst v8  }
0x207: {  	[tilespmem:s17+$0x141B0] =	vst v9;
	v8 =	vld.idx.msk [tilespmem:v7+s31+$0x0], $0xffff  }
0x208: {  	v9 =	vld.idx.msk [tilespmem:v3+s30+$0x0], $0xffff;
	[tilespmem:s17+$0x141C0] =	vst v10  }
0x209: {  	v10 =	vld.idx.msk [tilespmem:v4+s30+$0x0], $0xffff;
	[tilespmem:s17+$0x141D0] =	vst v11  }
0x20a: {  	v11 =	vld.idx.msk [tilespmem:v5+s30+$0x0], $0xffff;
	[tilespmem:s17+$0x141E0] =	vst v12  }
0x20b: {  	[tilespmem:s17+$0x14200] =	vst v13;
	v12 =	vld.idx.msk [tilespmem:v6+s30+$0x0], $0xffff  }
0x20c: {  	[tilespmem:s17+$0x14210] =	vst v14;
	v13 =	vld.idx.msk [tilespmem:v0+s30+$0x0], $0xffff  }
0x20d: {  	v14 =	vld.idx.msk [tilespmem:v1+s31+$0x0], $0xffff;
	[tilespmem:s17+$0x142F0] =	vst v8  }
0x20e: {  	[tilespmem:s17+$0x14220] =	vst v9;
	v8 =	vld.idx.msk [tilespmem:v7+s0+$0x0], $0xffff  }
0x20f: {  	v9 =	vld.idx.msk [tilespmem:v2+s31+$0x0], $0xffff;
	[tilespmem:s17+$0x14230] =	vst v10  }
0x210: {  	v10 =	vld.idx.msk [tilespmem:v3+s31+$0x0], $0xffff;
	[tilespmem:s17+$0x14240] =	vst v11  }
0x211: {  	v11 =	vld.idx.msk [tilespmem:v4+s31+$0x0], $0xffff;
	[tilespmem:s17+$0x14250] =	vst v12  }
0x212: {  	v12 =	vld.idx.msk [tilespmem:v5+s31+$0x0], $0xffff;
	[tilespmem:s17+$0x14260] =	vst v13  }
0x213: {  	[tilespmem:s17+$0x14280] =	vst v14;
	v13 =	vld.idx.msk [tilespmem:v6+s31+$0x0], $0xffff  }
0x214: {  	v14 =	vld.idx.msk [tilespmem:v0+s31+$0x0], $0xffff;
	[tilespmem:s17+$0x14370] =	vst v8  }
0x215: {  	[tilespmem:s17+$0x14290] =	vst v9;
	v8 =	vld.idx.msk [tilespmem:v7+s1+$0x0], $0xffff  }
0x216: {  	v9 =	vld.idx.msk [tilespmem:v1+s0+$0x0], $0xffff;
	[tilespmem:s17+$0x142A0] =	vst v10  }
0x217: {  	v10 =	vld.idx.msk [tilespmem:v2+s0+$0x0], $0xffff;
	[tilespmem:s17+$0x142B0] =	vst v11  }
0x218: {  	v11 =	vld.idx.msk [tilespmem:v3+s0+$0x0], $0xffff;
	[tilespmem:s17+$0x142C0] =	vst v12  }
0x219: {  	v12 =	vld.idx.msk [tilespmem:v4+s0+$0x0], $0xffff;
	[tilespmem:s17+$0x142D0] =	vst v13  }
0x21a: {  	v13 =	vld.idx.msk [tilespmem:v5+s0+$0x0], $0xffff;
	[tilespmem:s17+$0x142E0] =	vst v14  }
0x21b: {  	v14 =	vld.idx.msk [tilespmem:v6+s0+$0x0], $0xffff;
	[tilespmem:s17+$0x143F0] =	vst v8  }
0x21c: {  	[tilespmem:s17+$0x14300] =	vst v9;
	v8 =	vld.idx.msk [tilespmem:v7+s4+$0x0], $0xffff  }
0x21d: {  	[tilespmem:s17+$0x14310] =	vst v10;
	v9 =	vld.idx.msk [tilespmem:v0+s0+$0x0], $0xffff  }
0x21e: {  	v10 =	vld.idx.msk [tilespmem:v1+s1+$0x0], $0xffff;
	[tilespmem:s17+$0x14320] =	vst v11  }
0x21f: {  	v11 =	vld.idx.msk [tilespmem:v2+s1+$0x0], $0xffff;
	[tilespmem:s17+$0x14330] =	vst v12  }
0x220: {  	v12 =	vld.idx.msk [tilespmem:v3+s1+$0x0], $0xffff;
	[tilespmem:s17+$0x14340] =	vst v13  }
0x221: {  	v13 =	vld.idx.msk [tilespmem:v4+s1+$0x0], $0xffff;
	[tilespmem:s17+$0x14350] =	vst v14  }
0x222: {  	v14 =	vld.idx.msk [tilespmem:v5+s1+$0x0], $0xffff;
	[tilespmem:s17+$0x18070] =	vst v8  }
0x223: {  	[tilespmem:s17+$0x14360] =	vst v9;
	v8 =	vld.idx.msk [tilespmem:v7+s23+$0x0], $0xffff  }
0x224: {  	[tilespmem:s17+$0x14380] =	vst v10;
	v9 =	vld.idx.msk [tilespmem:v6+s1+$0x0], $0xffff  }
0x225: {  	[tilespmem:s17+$0x14390] =	vst v11;
	v10 =	vld.idx.msk [tilespmem:v0+s1+$0x0], $0xffff  }
0x226: {  	v11 =	vld.idx.msk [tilespmem:v1+s4+$0x0], $0xffff;
	[tilespmem:s17+$0x143A0] =	vst v12  }
0x227: {  	v12 =	vld.idx.msk [tilespmem:v2+s4+$0x0], $0xffff;
	[tilespmem:s17+$0x143B0] =	vst v13  }
0x228: {  	v13 =	vld.idx.msk [tilespmem:v3+s4+$0x0], $0xffff;
	[tilespmem:s17+$0x143C0] =	vst v14  }
0x229: {  	v14 =	vld.idx.msk [tilespmem:v4+s4+$0x0], $0xffff;
	[tilespmem:s17+$0x180F0] =	vst v8  }
0x22a: {  	[tilespmem:s17+$0x143D0] =	vst v9;
	v8 =	vld.idx.msk [tilespmem:v7+s25+$0x0], $0xffff  }
0x22b: {  	v9 =	vld.idx.msk [tilespmem:v5+s4+$0x0], $0xffff;
	[tilespmem:s17+$0x143E0] =	vst v10  }
0x22c: {  	[tilespmem:s17+$0x18000] =	vst v11;
	v10 =	vld.idx.msk [tilespmem:v6+s4+$0x0], $0xffff  }
0x22d: {  	[tilespmem:s17+$0x18010] =	vst v12;
	v11 =	vld.idx.msk [tilespmem:v0+s4+$0x0], $0xffff  }
0x22e: {  	v12 =	vld.idx.msk [tilespmem:v1+s23+$0x0], $0xffff;
	[tilespmem:s17+$0x18020] =	vst v13  }
0x22f: {  	v13 =	vld.idx.msk [tilespmem:v2+s23+$0x0], $0xffff;
	[tilespmem:s17+$0x18030] =	vst v14  }
0x230: {  	v14 =	vld.idx.msk [tilespmem:v3+s23+$0x0], $0xffff;
	[tilespmem:s17+$0x18170] =	vst v8  }
0x231: {  	[tilespmem:s17+$0x18040] =	vst v9;
	v8 =	vld.idx.msk [tilespmem:v7+s2+$0x0], $0xffff  }
0x232: {  	v9 =	vld.idx.msk [tilespmem:v4+s23+$0x0], $0xffff;
	[tilespmem:s17+$0x18050] =	vst v10  }
0x233: {  	v10 =	vld.idx.msk [tilespmem:v5+s23+$0x0], $0xffff;
	[tilespmem:s17+$0x18060] =	vst v11  }
0x234: {  	[tilespmem:s17+$0x18080] =	vst v12;
	v11 =	vld.idx.msk [tilespmem:v6+s23+$0x0], $0xffff  }
0x235: {  	[tilespmem:s17+$0x18090] =	vst v13;
	v12 =	vld.idx.msk [tilespmem:v0+s23+$0x0], $0xffff  }
0x236: {  	v13 =	vld.idx.msk [tilespmem:v1+s25+$0x0], $0xffff;
	[tilespmem:s17+$0x180A0] =	vst v14  }
0x237: {  	v14 =	vld.idx.msk [tilespmem:v2+s25+$0x0], $0xffff;
	[tilespmem:s17+$0x181F0] =	vst v8  }
0x238: {  	[tilespmem:s17+$0x180B0] =	vst v9;
	v8 =	vld.idx.msk [tilespmem:v7+s6+$0x0], $0xffff  }
0x239: {  	v9 =	vld.idx.msk [tilespmem:v3+s25+$0x0], $0xffff;
	[tilespmem:s17+$0x180C0] =	vst v10  }
0x23a: {  	v10 =	vld.idx.msk [tilespmem:v4+s25+$0x0], $0xffff;
	[tilespmem:s17+$0x180D0] =	vst v11  }
0x23b: {  	v11 =	vld.idx.msk [tilespmem:v5+s25+$0x0], $0xffff;
	[tilespmem:s17+$0x180E0] =	vst v12  }
0x23c: {  	[tilespmem:s17+$0x18100] =	vst v13;
	v12 =	vld.idx.msk [tilespmem:v6+s25+$0x0], $0xffff  }
0x23d: {  	[tilespmem:s17+$0x18110] =	vst v14;
	v13 =	vld.idx.msk [tilespmem:v0+s25+$0x0], $0xffff  }
0x23e: {  	v14 =	vld.idx.msk [tilespmem:v1+s2+$0x0], $0xffff;
	[tilespmem:s17+$0x18270] =	vst v8  }
0x23f: {  	[tilespmem:s17+$0x18120] =	vst v9;
	v8 =	vld.idx.msk [tilespmem:v7+s7+$0x0], $0xffff  }
0x240: {  	v9 =	vld.idx.msk [tilespmem:v2+s2+$0x0], $0xffff;
	[tilespmem:s17+$0x18130] =	vst v10  }
0x241: {  	v10 =	vld.idx.msk [tilespmem:v3+s2+$0x0], $0xffff;
	[tilespmem:s17+$0x18140] =	vst v11  }
0x242: {  	v11 =	vld.idx.msk [tilespmem:v4+s2+$0x0], $0xffff;
	[tilespmem:s17+$0x18150] =	vst v12  }
0x243: {  	v12 =	vld.idx.msk [tilespmem:v5+s2+$0x0], $0xffff;
	[tilespmem:s17+$0x18160] =	vst v13  }
0x244: {  	[tilespmem:s17+$0x18180] =	vst v14;
	v13 =	vld.idx.msk [tilespmem:v6+s2+$0x0], $0xffff  }
0x245: {  	v14 =	vld.idx.msk [tilespmem:v0+s2+$0x0], $0xffff;
	[tilespmem:s17+$0x182F0] =	vst v8  }
0x246: {  	[tilespmem:s17+$0x18190] =	vst v9;
	v8 =	vld.idx.msk [tilespmem:v7+s8+$0x0], $0xffff  }
0x247: {  	v9 =	vld.idx.msk [tilespmem:v1+s6+$0x0], $0xffff;
	[tilespmem:s17+$0x181A0] =	vst v10  }
0x248: {  	v10 =	vld.idx.msk [tilespmem:v2+s6+$0x0], $0xffff;
	[tilespmem:s17+$0x181B0] =	vst v11  }
0x249: {  	v11 =	vld.idx.msk [tilespmem:v3+s6+$0x0], $0xffff;
	[tilespmem:s17+$0x181C0] =	vst v12  }
0x24a: {  	v12 =	vld.idx.msk [tilespmem:v4+s6+$0x0], $0xffff;
	[tilespmem:s17+$0x181D0] =	vst v13  }
0x24b: {  	v13 =	vld.idx.msk [tilespmem:v5+s6+$0x0], $0xffff;
	[tilespmem:s17+$0x181E0] =	vst v14  }
0x24c: {  	v14 =	vld.idx.msk [tilespmem:v6+s6+$0x0], $0xffff;
	[tilespmem:s17+$0x18370] =	vst v8  }
0x24d: {  	[tilespmem:s17+$0x18200] =	vst v9;
	v7 =	vld.idx.msk [tilespmem:v7+s9+$0x0], $0xffff  }
0x24e: {  	[tilespmem:s17+$0x18210] =	vst v10;
	v8 =	vld.idx.msk [tilespmem:v0+s6+$0x0], $0xffff  }
0x24f: {  	v9 =	vld.idx.msk [tilespmem:v1+s7+$0x0], $0xffff;
	[tilespmem:s17+$0x18220] =	vst v11  }
0x250: {  	v10 =	vld.idx.msk [tilespmem:v2+s7+$0x0], $0xffff;
	[tilespmem:s17+$0x18230] =	vst v12  }
0x251: {  	v11 =	vld.idx.msk [tilespmem:v3+s7+$0x0], $0xffff;
	[tilespmem:s17+$0x18240] =	vst v13  }
0x252: {  	v12 =	vld.idx.msk [tilespmem:v4+s7+$0x0], $0xffff;
	[tilespmem:s17+$0x18250] =	vst v14  }
0x253: {  	v13 =	vld.idx.msk [tilespmem:v5+s7+$0x0], $0xffff;
	[tilespmem:s17+$0x183F0] =	vst v7  }
0x254: {  	v7 =	vld.idx.msk [tilespmem:v6+s7+$0x0], $0xffff;
	[tilespmem:s17+$0x18260] =	vst v8  }
0x255: {  	[tilespmem:s17+$0x18280] =	vst v9;
	v8 =	vld.idx.msk [tilespmem:v0+s7+$0x0], $0xffff  }
0x256: {  	v9 =	vld.idx.msk [tilespmem:v1+s8+$0x0], $0xffff;
	[tilespmem:s17+$0x18290] =	vst v10  }
0x257: {  	v10 =	vld.idx.msk [tilespmem:v2+s8+$0x0], $0xffff;
	[tilespmem:s17+$0x182A0] =	vst v11  }
0x258: {  	v11 =	vld.idx.msk [tilespmem:v3+s8+$0x0], $0xffff;
	[tilespmem:s17+$0x182B0] =	vst v12  }
0x259: {  	v12 =	vld.idx.msk [tilespmem:v4+s8+$0x0], $0xffff;
	[tilespmem:s17+$0x182C0] =	vst v13  }
0x25a: {  	v13 =	vld.idx.msk [tilespmem:v5+s8+$0x0], $0xffff;
	[tilespmem:s17+$0x182D0] =	vst v7  }
0x25b: {  	v14 =	vld.idx.msk [tilespmem:v6+s8+$0x0], $0xffff;
	[tilespmem:s17+$0x182E0] =	vst v8  }
0x25c: {  	[tilespmem:s17+$0x18300] =	vst v9;
	v15 =	vld.idx.msk [tilespmem:v0+s8+$0x0], $0xffff  }
0x25d: {  	v7 =	vld.idx.msk [tilespmem:v1+s9+$0x0], $0xffff;
	[tilespmem:s17+$0x18310] =	vst v10  }
.Ltmp1:
0x25e: {  	v8 =	vld.idx.msk [tilespmem:v2+s9+$0x0], $0xffff;
	[tilespmem:s17+$0x18320] =	vst v11;
	(pc) =	sbr.rel @p0 .LBB2_5-.Ltmp1, $4  }
0x25f: {  	v9 =	vld.idx.msk [tilespmem:v3+s9+$0x0], $0xffff;
	[tilespmem:s17+$0x18330] =	vst v12  }
0x260: {  	v3 =	vld.idx.msk [tilespmem:v4+s9+$0x0], $0xffff;
	[tilespmem:s17+$0x18340] =	vst v13  }
0x261: {  	v4 =	vld.idx.msk [tilespmem:v5+s9+$0x0], $0xffff;
	[tilespmem:s17+$0x18350] =	vst v14  }
0x262: {  	s19 =	sadd.s32 $0x1000, s19;
	v5 =	vld.idx.msk [tilespmem:v6+s9+$0x0], $0xffff;
	[tilespmem:s17+$0x18360] =	vst v15  }
0x263: {  	_ =	sdelay $0x2  }
0x264: {  	[tilespmem:s17+$0x18380] =	vst v7  }
0x265: {  	v0 =	vld.idx.msk [tilespmem:v0+s9+$0x0], $0xffff;
	[tilespmem:s17+$0x18390] =	vst v8  }
0x266: {  	[tilespmem:s17+$0x183A0] =	vst v9  }
0x267: {  	[tilespmem:s17+$0x183B0] =	vst v3  }
0x268: {  	[tilespmem:s17+$0x183C0] =	vst v4  }
0x269: {  	[tilespmem:s17+$0x183D0] =	vst v5  }
0x26a: {  	[tilespmem:s17+$0x183E0] =	vst v0  }
0x26b: {  	s17 =	rddreg [dreg:$0x9]  }
0x26c: {  	s18 =	simm.s32 $0x0;
	s21 =	rddreg [dreg:$0xa];
	s17 =	sadd.s32 s16, s17  }
0x26d: {  	[hbm4b:s17+s18] =	stream.linear.scatter [tilespmem:s11], [sflag:$0x2], $0x4000, $0x38;
	[tilespmem:$0x1C000] =	vst v63  }
0x26e: {  	s17 =	sadd.s32 s16, s21  }
0x26f: {  	[hbm4b:s17+s18] =	stream.linear.scatter [tilespmem:s12], [sflag:$0x2], $0x4000, $0x38;
	[tilespmem:$0x1C000] =	vst v63  }
0x270: {  	_ =	swait.ge [sflag:s13], $0x4000  }
0x271: {  	[sflag:s13] =	ssyncset.done $0x0  }
0x272: {  	[sflag:s13] =	ssyncadd.s32 $0xFFFFC000  }
0x273: {  	_ =	swait.ge [sflag:s13], $0x4000  }
0x274: {  	[sflag:s13] =	ssyncset.done $0x0  }
0x275: {  	s17 =	simm.s32 $0x0;
	[sflag:s13] =	ssyncadd.s32 $0xFFFFC000  }
0x276: {  	v7 =	vld [tilespmem:s17+$0x8170]  }
0x277: {  	v6 =	vld [tilespmem:s17+$0x8100]  }
0x278: {  	v5 =	vld [tilespmem:s17+$0x8110]  }
0x279: {  	v4 =	vld [tilespmem:s17+$0x8120]  }
0x27a: {  	v3 =	vld [tilespmem:s17+$0x8130]  }
0x27b: {  	v2 =	vld [tilespmem:s17+$0x8140]  }
0x27c: {  	v1 =	vld [tilespmem:s17+$0x8150]  }
0x27d: {  	v0 =	vld [tilespmem:s17+$0x8160]  }
0x27e: {  	v8 =	vld.idx.msk [tilespmem:v7+s3+$0x0], $0xffff  }
0x27f: {  	v9 =	vld.idx.msk [tilespmem:v6+s3+$0x0], $0xffff  }
0x280: {  	v10 =	vld.idx.msk [tilespmem:v5+s3+$0x0], $0xffff  }
0x281: {  	v11 =	vld.idx.msk [tilespmem:v4+s3+$0x0], $0xffff  }
0x282: {  	v12 =	vld.idx.msk [tilespmem:v3+s3+$0x0], $0xffff  }
0x283: {  	v13 =	vld.idx.msk [tilespmem:v2+s3+$0x0], $0xffff;
	[tilespmem:s17+$0xC070] =	vst v8  }
0x284: {  	v14 =	vld.idx.msk [tilespmem:v1+s3+$0x0], $0xffff;
	[tilespmem:s17+$0xC000] =	vst v9  }
0x285: {  	[tilespmem:s17+$0xC010] =	vst v10;
	v9 =	vld.idx.msk [tilespmem:v0+s3+$0x0], $0xffff  }
0x286: {  	[tilespmem:s17+$0xC020] =	vst v11;
	v8 =	vld.idx.msk [tilespmem:v7+s26+$0x0], $0xffff  }
0x287: {  	[tilespmem:s17+$0xC030] =	vst v12;
	v10 =	vld.idx.msk [tilespmem:v6+s26+$0x0], $0xffff  }
0x288: {  	[tilespmem:s17+$0xC040] =	vst v13;
	v11 =	vld.idx.msk [tilespmem:v5+s26+$0x0], $0xffff  }
0x289: {  	[tilespmem:s17+$0xC050] =	vst v14;
	v22 =	vld.idx.msk [tilespmem:v4+s26+$0x0], $0xffff  }
0x28a: {  	v23 =	vld.idx.msk [tilespmem:v3+s26+$0x0], $0xffff;
	[tilespmem:s17+$0xC060] =	vst v9  }
0x28b: {  	v24 =	vld.idx.msk [tilespmem:v2+s26+$0x0], $0xffff;
	[tilespmem:s17+$0xC0F0] =	vst v8  }
0x28c: {  	v9 =	vld.idx.msk [tilespmem:v1+s26+$0x0], $0xffff;
	[tilespmem:s17+$0xC080] =	vst v10  }
0x28d: {  	[tilespmem:s17+$0xC090] =	vst v11;
	v10 =	vld.idx.msk [tilespmem:v0+s26+$0x0], $0xffff  }
0x28e: {  	[tilespmem:s17+$0xC0A0] =	vst v22;
	v8 =	vld.idx.msk [tilespmem:v7+s28+$0x0], $0xffff  }
0x28f: {  	[tilespmem:s17+$0xC0B0] =	vst v23;
	v11 =	vld.idx.msk [tilespmem:v6+s28+$0x0], $0xffff  }
0x290: {  	[tilespmem:s17+$0xC0C0] =	vst v24;
	v25 =	vld.idx.msk [tilespmem:v5+s28+$0x0], $0xffff  }
0x291: {  	v26 =	vld.idx.msk [tilespmem:v4+s28+$0x0], $0xffff;
	[tilespmem:s17+$0xC0D0] =	vst v9  }
0x292: {  	v27 =	vld.idx.msk [tilespmem:v3+s28+$0x0], $0xffff;
	[tilespmem:s17+$0xC0E0] =	vst v10  }
0x293: {  	v9 =	vld.idx.msk [tilespmem:v2+s28+$0x0], $0xffff;
	[tilespmem:s17+$0xC170] =	vst v8  }
0x294: {  	v10 =	vld.idx.msk [tilespmem:v1+s28+$0x0], $0xffff;
	[tilespmem:s17+$0xC100] =	vst v11  }
0x295: {  	[tilespmem:s17+$0xC110] =	vst v25;
	v11 =	vld.idx.msk [tilespmem:v0+s28+$0x0], $0xffff  }
0x296: {  	[tilespmem:s17+$0xC120] =	vst v26;
	v8 =	vld.idx.msk [tilespmem:v7+s29+$0x0], $0xffff  }
0x297: {  	[tilespmem:s17+$0xC130] =	vst v27;
	v28 =	vld.idx.msk [tilespmem:v6+s29+$0x0], $0xffff  }
0x298: {  	v29 =	vld.idx.msk [tilespmem:v5+s29+$0x0], $0xffff;
	[tilespmem:s17+$0xC140] =	vst v9  }
0x299: {  	v30 =	vld.idx.msk [tilespmem:v4+s29+$0x0], $0xffff;
	[tilespmem:s17+$0xC150] =	vst v10  }
0x29a: {  	v9 =	vld.idx.msk [tilespmem:v3+s29+$0x0], $0xffff;
	[tilespmem:s17+$0xC160] =	vst v11  }
0x29b: {  	v10 =	vld.idx.msk [tilespmem:v2+s29+$0x0], $0xffff;
	[tilespmem:s17+$0xC1F0] =	vst v8  }
0x29c: {  	v11 =	vld.idx.msk [tilespmem:v1+s29+$0x0], $0xffff;
	[tilespmem:s17+$0xC180] =	vst v28  }
0x29d: {  	[tilespmem:s17+$0xC190] =	vst v29;
	v31 =	vld.idx.msk [tilespmem:v0+s29+$0x0], $0xffff  }
0x29e: {  	[tilespmem:s17+$0xC1A0] =	vst v30;
	v8 =	vld.idx.msk [tilespmem:v7+s30+$0x0], $0xffff  }
0x29f: {  	v32 =	vld.idx.msk [tilespmem:v6+s30+$0x0], $0xffff;
	[tilespmem:s17+$0xC1B0] =	vst v9  }
0x2a0: {  	v33 =	vld.idx.msk [tilespmem:v5+s30+$0x0], $0xffff;
	[tilespmem:s17+$0xC1C0] =	vst v10  }
0x2a1: {  	v9 =	vld.idx.msk [tilespmem:v4+s30+$0x0], $0xffff;
	[tilespmem:s17+$0xC1D0] =	vst v11  }
0x2a2: {  	v10 =	vld.idx.msk [tilespmem:v3+s30+$0x0], $0xffff;
	[tilespmem:s17+$0xC1E0] =	vst v31  }
0x2a3: {  	v11 =	vld.idx.msk [tilespmem:v2+s30+$0x0], $0xffff;
	[tilespmem:s17+$0xC270] =	vst v8  }
0x2a4: {  	v34 =	vld.idx.msk [tilespmem:v1+s30+$0x0], $0xffff;
	[tilespmem:s17+$0xC200] =	vst v32  }
0x2a5: {  	[tilespmem:s17+$0xC210] =	vst v33;
	v35 =	vld.idx.msk [tilespmem:v0+s30+$0x0], $0xffff  }
0x2a6: {  	v8 =	vld.idx.msk [tilespmem:v7+s31+$0x0], $0xffff;
	[tilespmem:s17+$0xC220] =	vst v9  }
0x2a7: {  	v36 =	vld.idx.msk [tilespmem:v6+s31+$0x0], $0xffff;
	[tilespmem:s17+$0xC230] =	vst v10  }
0x2a8: {  	v9 =	vld.idx.msk [tilespmem:v5+s31+$0x0], $0xffff;
	[tilespmem:s17+$0xC240] =	vst v11  }
0x2a9: {  	v10 =	vld.idx.msk [tilespmem:v4+s31+$0x0], $0xffff;
	[tilespmem:s17+$0xC250] =	vst v34  }
0x2aa: {  	v11 =	vld.idx.msk [tilespmem:v3+s31+$0x0], $0xffff;
	[tilespmem:s17+$0xC260] =	vst v35  }
0x2ab: {  	v37 =	vld.idx.msk [tilespmem:v2+s31+$0x0], $0xffff;
	[tilespmem:s17+$0xC2F0] =	vst v8  }
0x2ac: {  	v38 =	vld.idx.msk [tilespmem:v1+s31+$0x0], $0xffff;
	[tilespmem:s17+$0xC280] =	vst v36  }
0x2ad: {  	v39 =	vld.idx.msk [tilespmem:v0+s31+$0x0], $0xffff;
	[tilespmem:s17+$0xC290] =	vst v9  }
0x2ae: {  	v8 =	vld.idx.msk [tilespmem:v7+s0+$0x0], $0xffff;
	[tilespmem:s17+$0xC2A0] =	vst v10  }
0x2af: {  	v9 =	vld.idx.msk [tilespmem:v6+s0+$0x0], $0xffff;
	[tilespmem:s17+$0xC2B0] =	vst v11  }
0x2b0: {  	v10 =	vld.idx.msk [tilespmem:v5+s0+$0x0], $0xffff;
	[tilespmem:s17+$0xC2C0] =	vst v37  }
0x2b1: {  	v11 =	vld.idx.msk [tilespmem:v4+s0+$0x0], $0xffff;
	[tilespmem:s17+$0xC2D0] =	vst v38  }
0x2b2: {  	v40 =	vld.idx.msk [tilespmem:v3+s0+$0x0], $0xffff;
	[tilespmem:s17+$0xC2E0] =	vst v39  }
0x2b3: {  	v41 =	vld.idx.msk [tilespmem:v2+s0+$0x0], $0xffff;
	[tilespmem:s17+$0xC370] =	vst v8  }
0x2b4: {  	v42 =	vld.idx.msk [tilespmem:v1+s0+$0x0], $0xffff;
	[tilespmem:s17+$0xC300] =	vst v9  }
0x2b5: {  	[tilespmem:s17+$0xC310] =	vst v10;
	v9 =	vld.idx.msk [tilespmem:v0+s0+$0x0], $0xffff  }
0x2b6: {  	v8 =	vld.idx.msk [tilespmem:v7+s1+$0x0], $0xffff;
	[tilespmem:s17+$0xC320] =	vst v11  }
0x2b7: {  	v10 =	vld.idx.msk [tilespmem:v6+s1+$0x0], $0xffff;
	[tilespmem:s17+$0xC330] =	vst v40  }
0x2b8: {  	v11 =	vld.idx.msk [tilespmem:v5+s1+$0x0], $0xffff;
	[tilespmem:s17+$0xC340] =	vst v41  }
0x2b9: {  	v43 =	vld.idx.msk [tilespmem:v4+s1+$0x0], $0xffff;
	[tilespmem:s17+$0xC350] =	vst v42  }
0x2ba: {  	v44 =	vld.idx.msk [tilespmem:v3+s1+$0x0], $0xffff;
	[tilespmem:s17+$0xC360] =	vst v9  }
0x2bb: {  	v45 =	vld.idx.msk [tilespmem:v2+s1+$0x0], $0xffff;
	[tilespmem:s17+$0xC3F0] =	vst v8  }
0x2bc: {  	v9 =	vld.idx.msk [tilespmem:v1+s1+$0x0], $0xffff;
	[tilespmem:s17+$0xC380] =	vst v10  }
0x2bd: {  	[tilespmem:s17+$0xC390] =	vst v11;
	v10 =	vld.idx.msk [tilespmem:v0+s1+$0x0], $0xffff  }
0x2be: {  	v8 =	vld.idx.msk [tilespmem:v7+s4+$0x0], $0xffff;
	[tilespmem:s17+$0xC3A0] =	vst v43  }
0x2bf: {  	v11 =	vld.idx.msk [tilespmem:v6+s4+$0x0], $0xffff;
	[tilespmem:s17+$0xC3B0] =	vst v44  }
0x2c0: {  	v46 =	vld.idx.msk [tilespmem:v5+s4+$0x0], $0xffff;
	[tilespmem:s17+$0xC3C0] =	vst v45  }
0x2c1: {  	v47 =	vld.idx.msk [tilespmem:v4+s4+$0x0], $0xffff;
	[tilespmem:s17+$0xC3D0] =	vst v9  }
0x2c2: {  	v48 =	vld.idx.msk [tilespmem:v3+s4+$0x0], $0xffff;
	[tilespmem:s17+$0xC3E0] =	vst v10  }
0x2c3: {  	v9 =	vld.idx.msk [tilespmem:v2+s4+$0x0], $0xffff;
	[tilespmem:s17+$0x10070] =	vst v8  }
0x2c4: {  	v10 =	vld.idx.msk [tilespmem:v1+s4+$0x0], $0xffff;
	[tilespmem:s17+$0x10000] =	vst v11  }
0x2c5: {  	[tilespmem:s17+$0x10010] =	vst v46;
	v11 =	vld.idx.msk [tilespmem:v0+s4+$0x0], $0xffff  }
0x2c6: {  	v8 =	vld.idx.msk [tilespmem:v7+s23+$0x0], $0xffff;
	[tilespmem:s17+$0x10020] =	vst v47  }
0x2c7: {  	v49 =	vld.idx.msk [tilespmem:v6+s23+$0x0], $0xffff;
	[tilespmem:s17+$0x10030] =	vst v48  }
0x2c8: {  	v50 =	vld.idx.msk [tilespmem:v5+s23+$0x0], $0xffff;
	[tilespmem:s17+$0x10040] =	vst v9  }
0x2c9: {  	v51 =	vld.idx.msk [tilespmem:v4+s23+$0x0], $0xffff;
	[tilespmem:s17+$0x10050] =	vst v10  }
0x2ca: {  	v9 =	vld.idx.msk [tilespmem:v3+s23+$0x0], $0xffff;
	[tilespmem:s17+$0x10060] =	vst v11  }
0x2cb: {  	v10 =	vld.idx.msk [tilespmem:v2+s23+$0x0], $0xffff;
	[tilespmem:s17+$0x100F0] =	vst v8  }
0x2cc: {  	[tilespmem:s17+$0x10080] =	vst v49;
	v8 =	vld.idx.msk [tilespmem:v7+s25+$0x0], $0xffff  }
0x2cd: {  	v11 =	vld.idx.msk [tilespmem:v1+s23+$0x0], $0xffff;
	[tilespmem:s17+$0x10090] =	vst v50  }
0x2ce: {  	v52 =	vld.idx.msk [tilespmem:v0+s23+$0x0], $0xffff;
	[tilespmem:s17+$0x100A0] =	vst v51  }
0x2cf: {  	v53 =	vld.idx.msk [tilespmem:v6+s25+$0x0], $0xffff;
	[tilespmem:s17+$0x100B0] =	vst v9  }
0x2d0: {  	v54 =	vld.idx.msk [tilespmem:v5+s25+$0x0], $0xffff;
	[tilespmem:s17+$0x100C0] =	vst v10  }
0x2d1: {  	v9 =	vld.idx.msk [tilespmem:v4+s25+$0x0], $0xffff;
	[tilespmem:s17+$0x10170] =	vst v8  }
0x2d2: {  	[tilespmem:s17+$0x100D0] =	vst v11;
	v8 =	vld.idx.msk [tilespmem:v7+s2+$0x0], $0xffff  }
0x2d3: {  	v10 =	vld.idx.msk [tilespmem:v3+s25+$0x0], $0xffff;
	[tilespmem:s17+$0x100E0] =	vst v52  }
0x2d4: {  	v11 =	vld.idx.msk [tilespmem:v2+s25+$0x0], $0xffff;
	[tilespmem:s17+$0x10100] =	vst v53  }
0x2d5: {  	v55 =	vld.idx.msk [tilespmem:v1+s25+$0x0], $0xffff;
	[tilespmem:s17+$0x10110] =	vst v54  }
0x2d6: {  	v56 =	vld.idx.msk [tilespmem:v0+s25+$0x0], $0xffff;
	[tilespmem:s17+$0x10120] =	vst v9  }
0x2d7: {  	v57 =	vld.idx.msk [tilespmem:v6+s2+$0x0], $0xffff;
	[tilespmem:s17+$0x101F0] =	vst v8  }
0x2d8: {  	[tilespmem:s17+$0x10130] =	vst v10;
	v8 =	vld.idx.msk [tilespmem:v7+s6+$0x0], $0xffff  }
0x2d9: {  	v9 =	vld.idx.msk [tilespmem:v5+s2+$0x0], $0xffff;
	[tilespmem:s17+$0x10140] =	vst v11  }
0x2da: {  	v10 =	vld.idx.msk [tilespmem:v4+s2+$0x0], $0xffff;
	[tilespmem:s17+$0x10150] =	vst v55  }
0x2db: {  	v11 =	vld.idx.msk [tilespmem:v3+s2+$0x0], $0xffff;
	[tilespmem:s17+$0x10160] =	vst v56  }
0x2dc: {  	v58 =	vld.idx.msk [tilespmem:v2+s2+$0x0], $0xffff;
	[tilespmem:s17+$0x10180] =	vst v57  }
0x2dd: {  	v59 =	vld.idx.msk [tilespmem:v1+s2+$0x0], $0xffff;
	[tilespmem:s17+$0x10270] =	vst v8  }
0x2de: {  	[tilespmem:s17+$0x10190] =	vst v9;
	v8 =	vld.idx.msk [tilespmem:v7+s7+$0x0], $0xffff  }
0x2df: {  	v60 =	vld.idx.msk [tilespmem:v0+s2+$0x0], $0xffff;
	[tilespmem:s17+$0x101A0] =	vst v10  }
0x2e0: {  	v9 =	vld.idx.msk [tilespmem:v6+s6+$0x0], $0xffff;
	[tilespmem:s17+$0x101B0] =	vst v11  }
0x2e1: {  	v10 =	vld.idx.msk [tilespmem:v5+s6+$0x0], $0xffff;
	[tilespmem:s17+$0x101C0] =	vst v58  }
0x2e2: {  	v11 =	vld.idx.msk [tilespmem:v4+s6+$0x0], $0xffff;
	[tilespmem:s17+$0x101D0] =	vst v59  }
0x2e3: {  	v61 =	vld.idx.msk [tilespmem:v3+s6+$0x0], $0xffff;
	[tilespmem:s17+$0x102F0] =	vst v8  }
0x2e4: {  	[tilespmem:s17+$0x101E0] =	vst v60;
	v8 =	vld.idx.msk [tilespmem:v7+s8+$0x0], $0xffff  }
0x2e5: {  	v62 =	vld.idx.msk [tilespmem:v2+s6+$0x0], $0xffff;
	[tilespmem:s17+$0x10200] =	vst v9  }
0x2e6: {  	v63 =	vld.idx.msk [tilespmem:v1+s6+$0x0], $0xffff;
	[tilespmem:s17+$0x10210] =	vst v10  }
0x2e7: {  	v9 =	vld.idx.msk [tilespmem:v6+s7+$0x0], $0xffff;
	[tilespmem:s17+$0x10220] =	vst v11  }
0x2e8: {  	v10 =	vld.idx.msk [tilespmem:v5+s7+$0x0], $0xffff;
	[tilespmem:s17+$0x10230] =	vst v61  }
0x2e9: {  	v11 =	vld.idx.msk [tilespmem:v4+s7+$0x0], $0xffff;
	[tilespmem:s17+$0x10370] =	vst v8  }
0x2ea: {  	[tilespmem:s17+$0x10240] =	vst v62;
	v7 =	vld.idx.msk [tilespmem:v7+s9+$0x0], $0xffff  }
0x2eb: {  	[tilespmem:s17+$0x10250] =	vst v63;
	v8 =	vld.idx.msk [tilespmem:v0+s6+$0x0], $0xffff  }
0x2ec: {  	v12 =	vld.idx.msk [tilespmem:v3+s7+$0x0], $0xffff;
	[tilespmem:s17+$0x10280] =	vst v9  }
0x2ed: {  	v13 =	vld.idx.msk [tilespmem:v2+s7+$0x0], $0xffff;
	[tilespmem:s17+$0x10290] =	vst v10  }
0x2ee: {  	v9 =	vld.idx.msk [tilespmem:v6+s8+$0x0], $0xffff;
	[tilespmem:s17+$0x102A0] =	vst v11  }
0x2ef: {  	[tilespmem:s17+$0x103F0] =	vst v7;
	v7 =	vld.idx.msk [tilespmem:v1+s7+$0x0], $0xffff  }
0x2f0: {  	v11 =	vld.idx.msk [tilespmem:v4+s8+$0x0], $0xffff;
	[tilespmem:s17+$0x10260] =	vst v8  }
0x2f1: {  	[tilespmem:s17+$0x102B0] =	vst v12;
	v8 =	vld.idx.msk [tilespmem:v0+s7+$0x0], $0xffff  }
0x2f2: {  	v10 =	vld.idx.msk [tilespmem:v5+s8+$0x0], $0xffff;
	[tilespmem:s17+$0x102C0] =	vst v13  }
0x2f3: {  	v12 =	vld.idx.msk [tilespmem:v3+s8+$0x0], $0xffff;
	[tilespmem:s17+$0x10300] =	vst v9  }
0x2f4: {  	v13 =	vld.idx.msk [tilespmem:v2+s8+$0x0], $0xffff;
	[tilespmem:s17+$0x102D0] =	vst v7  }
0x2f5: {  	[tilespmem:s17+$0x10320] =	vst v11;
	v14 =	vld.idx.msk [tilespmem:v1+s8+$0x0], $0xffff  }
0x2f6: {  	v9 =	vld.idx.msk [tilespmem:v4+s9+$0x0], $0xffff;
	[tilespmem:s17+$0x102E0] =	vst v8  }
0x2f7: {  	[tilespmem:s17+$0x10310] =	vst v10;
	v15 =	vld.idx.msk [tilespmem:v0+s8+$0x0], $0xffff  }
0x2f8: {  	[tilespmem:s17+$0x10330] =	vst v12;
	v7 =	vld.idx.msk [tilespmem:v6+s9+$0x0], $0xffff  }
0x2f9: {  	[tilespmem:s17+$0x10340] =	vst v13;
	v8 =	vld.idx.msk [tilespmem:v5+s9+$0x0], $0xffff  }
0x2fa: {  	v3 =	vld.idx.msk [tilespmem:v3+s9+$0x0], $0xffff;
	s22 =	rddreg [dreg:$0xb];
	[tilespmem:s17+$0x10350] =	vst v14  }
0x2fb: {  	s20 =	simm.s32 $0x0;
	v4 =	vld.idx.msk [tilespmem:v2+s9+$0x0], $0xffff;
	s19 =	rddreg [dreg:$0xc]  }
0x2fc: {  	s21 =	simm.s32 $0x1000;
	s18 =	sadd.s32 s16, s22;
	v5 =	vld.idx.msk [tilespmem:v1+s9+$0x0], $0xffff;
	[tilespmem:s17+$0x10360] =	vst v15;
	s19 =	sadd.s32 s16, s19  }
.LBB2_7:
0x2fd: {  	s22 =	sshra.s32 s21, $0x2;
	s20 =	sadd.s32 $0x8, s20;
	[tilespmem:s17+$0x10380] =	vst v7;
	v0 =	vld.idx.msk [tilespmem:v0+s9+$0x0], $0xffff  }
0x2fe: {  	v7 =	vld [tilespmem:s22+$0x8170];
	p0 =	slt.u32 s20, $0x78;
	[tilespmem:s17+$0x10390] =	vst v8  }
0x2ff: {  	v1 =	vld [tilespmem:s22+$0x8100];
	[tilespmem:s17+$0x103A0] =	vst v9  }
0x300: {  	v2 =	vld [tilespmem:s22+$0x8110];
	[tilespmem:s17+$0x103B0] =	vst v3  }
0x301: {  	v3 =	vld [tilespmem:s22+$0x8120];
	[tilespmem:s17+$0x103C0] =	vst v4  }
0x302: {  	v4 =	vld [tilespmem:s22+$0x8130];
	[tilespmem:s17+$0x103D0] =	vst v5  }
0x303: {  	v5 =	vld [tilespmem:s22+$0x8140];
	[tilespmem:s17+$0x103E0] =	vst v0;
	s17 =	smov.u32 s22  }
0x304: {  	v6 =	vld [tilespmem:s17+$0x8150]  }
0x305: {  	v0 =	vld [tilespmem:s17+$0x8160]  }
0x306: {  	v8 =	vld.idx.msk [tilespmem:v7+s3+$0x0], $0xffff  }
0x307: {  	v9 =	vld.idx.msk [tilespmem:v1+s3+$0x0], $0xffff  }
0x308: {  	v10 =	vld.idx.msk [tilespmem:v2+s3+$0x0], $0xffff  }
0x309: {  	v11 =	vld.idx.msk [tilespmem:v3+s3+$0x0], $0xffff  }
0x30a: {  	v12 =	vld.idx.msk [tilespmem:v4+s3+$0x0], $0xffff  }
0x30b: {  	v13 =	vld.idx.msk [tilespmem:v5+s3+$0x0], $0xffff  }
0x30c: {  	v14 =	vld.idx.msk [tilespmem:v6+s3+$0x0], $0xffff;
	[tilespmem:s17+$0xC070] =	vst v8  }
0x30d: {  	[tilespmem:s17+$0xC000] =	vst v9;
	v8 =	vld.idx.msk [tilespmem:v7+s26+$0x0], $0xffff  }
0x30e: {  	[tilespmem:s17+$0xC010] =	vst v10;
	v9 =	vld.idx.msk [tilespmem:v0+s3+$0x0], $0xffff  }
0x30f: {  	v10 =	vld.idx.msk [tilespmem:v1+s26+$0x0], $0xffff;
	[tilespmem:s17+$0xC020] =	vst v11  }
0x310: {  	v11 =	vld.idx.msk [tilespmem:v2+s26+$0x0], $0xffff;
	[tilespmem:s17+$0xC030] =	vst v12  }
0x311: {  	v12 =	vld.idx.msk [tilespmem:v3+s26+$0x0], $0xffff;
	[tilespmem:s17+$0xC040] =	vst v13  }
0x312: {  	v13 =	vld.idx.msk [tilespmem:v4+s26+$0x0], $0xffff;
	[tilespmem:s17+$0xC050] =	vst v14  }
0x313: {  	v14 =	vld.idx.msk [tilespmem:v5+s26+$0x0], $0xffff;
	[tilespmem:s17+$0xC0F0] =	vst v8  }
0x314: {  	[tilespmem:s17+$0xC060] =	vst v9;
	v8 =	vld.idx.msk [tilespmem:v7+s28+$0x0], $0xffff  }
0x315: {  	[tilespmem:s17+$0xC080] =	vst v10;
	v9 =	vld.idx.msk [tilespmem:v6+s26+$0x0], $0xffff  }
0x316: {  	[tilespmem:s17+$0xC090] =	vst v11;
	v10 =	vld.idx.msk [tilespmem:v0+s26+$0x0], $0xffff  }
0x317: {  	v11 =	vld.idx.msk [tilespmem:v1+s28+$0x0], $0xffff;
	[tilespmem:s17+$0xC0A0] =	vst v12  }
0x318: {  	v12 =	vld.idx.msk [tilespmem:v2+s28+$0x0], $0xffff;
	[tilespmem:s17+$0xC0B0] =	vst v13  }
0x319: {  	v13 =	vld.idx.msk [tilespmem:v3+s28+$0x0], $0xffff;
	[tilespmem:s17+$0xC0C0] =	vst v14  }
0x31a: {  	v14 =	vld.idx.msk [tilespmem:v4+s28+$0x0], $0xffff;
	[tilespmem:s17+$0xC170] =	vst v8  }
0x31b: {  	[tilespmem:s17+$0xC0D0] =	vst v9;
	v8 =	vld.idx.msk [tilespmem:v7+s29+$0x0], $0xffff  }
0x31c: {  	v9 =	vld.idx.msk [tilespmem:v5+s28+$0x0], $0xffff;
	[tilespmem:s17+$0xC0E0] =	vst v10  }
0x31d: {  	[tilespmem:s17+$0xC100] =	vst v11;
	v10 =	vld.idx.msk [tilespmem:v6+s28+$0x0], $0xffff  }
0x31e: {  	[tilespmem:s17+$0xC110] =	vst v12;
	v11 =	vld.idx.msk [tilespmem:v0+s28+$0x0], $0xffff  }
0x31f: {  	v12 =	vld.idx.msk [tilespmem:v1+s29+$0x0], $0xffff;
	[tilespmem:s17+$0xC120] =	vst v13  }
0x320: {  	v13 =	vld.idx.msk [tilespmem:v2+s29+$0x0], $0xffff;
	[tilespmem:s17+$0xC130] =	vst v14  }
0x321: {  	v14 =	vld.idx.msk [tilespmem:v3+s29+$0x0], $0xffff;
	[tilespmem:s17+$0xC1F0] =	vst v8  }
0x322: {  	[tilespmem:s17+$0xC140] =	vst v9;
	v8 =	vld.idx.msk [tilespmem:v7+s30+$0x0], $0xffff  }
0x323: {  	v9 =	vld.idx.msk [tilespmem:v4+s29+$0x0], $0xffff;
	[tilespmem:s17+$0xC150] =	vst v10  }
0x324: {  	v10 =	vld.idx.msk [tilespmem:v5+s29+$0x0], $0xffff;
	[tilespmem:s17+$0xC160] =	vst v11  }
0x325: {  	[tilespmem:s17+$0xC180] =	vst v12;
	v11 =	vld.idx.msk [tilespmem:v6+s29+$0x0], $0xffff  }
0x326: {  	[tilespmem:s17+$0xC190] =	vst v13;
	v12 =	vld.idx.msk [tilespmem:v0+s29+$0x0], $0xffff  }
0x327: {  	v13 =	vld.idx.msk [tilespmem:v1+s30+$0x0], $0xffff;
	[tilespmem:s17+$0xC1A0] =	vst v14  }
0x328: {  	v14 =	vld.idx.msk [tilespmem:v2+s30+$0x0], $0xffff;
	[tilespmem:s17+$0xC270] =	vst v8  }
0x329: {  	[tilespmem:s17+$0xC1B0] =	vst v9;
	v8 =	vld.idx.msk [tilespmem:v7+s31+$0x0], $0xffff  }
0x32a: {  	v9 =	vld.idx.msk [tilespmem:v3+s30+$0x0], $0xffff;
	[tilespmem:s17+$0xC1C0] =	vst v10  }
0x32b: {  	v10 =	vld.idx.msk [tilespmem:v4+s30+$0x0], $0xffff;
	[tilespmem:s17+$0xC1D0] =	vst v11  }
0x32c: {  	v11 =	vld.idx.msk [tilespmem:v5+s30+$0x0], $0xffff;
	[tilespmem:s17+$0xC1E0] =	vst v12  }
0x32d: {  	[tilespmem:s17+$0xC200] =	vst v13;
	v12 =	vld.idx.msk [tilespmem:v6+s30+$0x0], $0xffff  }
0x32e: {  	[tilespmem:s17+$0xC210] =	vst v14;
	v13 =	vld.idx.msk [tilespmem:v0+s30+$0x0], $0xffff  }
0x32f: {  	v14 =	vld.idx.msk [tilespmem:v1+s31+$0x0], $0xffff;
	[tilespmem:s17+$0xC2F0] =	vst v8  }
0x330: {  	[tilespmem:s17+$0xC220] =	vst v9;
	v8 =	vld.idx.msk [tilespmem:v7+s0+$0x0], $0xffff  }
0x331: {  	v9 =	vld.idx.msk [tilespmem:v2+s31+$0x0], $0xffff;
	[tilespmem:s17+$0xC230] =	vst v10  }
0x332: {  	v10 =	vld.idx.msk [tilespmem:v3+s31+$0x0], $0xffff;
	[tilespmem:s17+$0xC240] =	vst v11  }
0x333: {  	v11 =	vld.idx.msk [tilespmem:v4+s31+$0x0], $0xffff;
	[tilespmem:s17+$0xC250] =	vst v12  }
0x334: {  	v12 =	vld.idx.msk [tilespmem:v5+s31+$0x0], $0xffff;
	[tilespmem:s17+$0xC260] =	vst v13  }
0x335: {  	[tilespmem:s17+$0xC280] =	vst v14;
	v13 =	vld.idx.msk [tilespmem:v6+s31+$0x0], $0xffff  }
0x336: {  	v14 =	vld.idx.msk [tilespmem:v0+s31+$0x0], $0xffff;
	[tilespmem:s17+$0xC370] =	vst v8  }
0x337: {  	[tilespmem:s17+$0xC290] =	vst v9;
	v8 =	vld.idx.msk [tilespmem:v7+s1+$0x0], $0xffff  }
0x338: {  	v9 =	vld.idx.msk [tilespmem:v1+s0+$0x0], $0xffff;
	[tilespmem:s17+$0xC2A0] =	vst v10  }
0x339: {  	v10 =	vld.idx.msk [tilespmem:v2+s0+$0x0], $0xffff;
	[tilespmem:s17+$0xC2B0] =	vst v11  }
0x33a: {  	v11 =	vld.idx.msk [tilespmem:v3+s0+$0x0], $0xffff;
	[tilespmem:s17+$0xC2C0] =	vst v12  }
0x33b: {  	v12 =	vld.idx.msk [tilespmem:v4+s0+$0x0], $0xffff;
	[tilespmem:s17+$0xC2D0] =	vst v13  }
0x33c: {  	v13 =	vld.idx.msk [tilespmem:v5+s0+$0x0], $0xffff;
	[tilespmem:s17+$0xC2E0] =	vst v14  }
0x33d: {  	v14 =	vld.idx.msk [tilespmem:v6+s0+$0x0], $0xffff;
	[tilespmem:s17+$0xC3F0] =	vst v8  }
0x33e: {  	[tilespmem:s17+$0xC300] =	vst v9;
	v8 =	vld.idx.msk [tilespmem:v7+s4+$0x0], $0xffff  }
0x33f: {  	[tilespmem:s17+$0xC310] =	vst v10;
	v9 =	vld.idx.msk [tilespmem:v0+s0+$0x0], $0xffff  }
0x340: {  	v10 =	vld.idx.msk [tilespmem:v1+s1+$0x0], $0xffff;
	[tilespmem:s17+$0xC320] =	vst v11  }
0x341: {  	v11 =	vld.idx.msk [tilespmem:v2+s1+$0x0], $0xffff;
	[tilespmem:s17+$0xC330] =	vst v12  }
0x342: {  	v12 =	vld.idx.msk [tilespmem:v3+s1+$0x0], $0xffff;
	[tilespmem:s17+$0xC340] =	vst v13  }
0x343: {  	v13 =	vld.idx.msk [tilespmem:v4+s1+$0x0], $0xffff;
	[tilespmem:s17+$0xC350] =	vst v14  }
0x344: {  	v14 =	vld.idx.msk [tilespmem:v5+s1+$0x0], $0xffff;
	[tilespmem:s17+$0x10070] =	vst v8  }
0x345: {  	[tilespmem:s17+$0xC360] =	vst v9;
	v8 =	vld.idx.msk [tilespmem:v7+s23+$0x0], $0xffff  }
0x346: {  	[tilespmem:s17+$0xC380] =	vst v10;
	v9 =	vld.idx.msk [tilespmem:v6+s1+$0x0], $0xffff  }
0x347: {  	[tilespmem:s17+$0xC390] =	vst v11;
	v10 =	vld.idx.msk [tilespmem:v0+s1+$0x0], $0xffff  }
0x348: {  	v11 =	vld.idx.msk [tilespmem:v1+s4+$0x0], $0xffff;
	[tilespmem:s17+$0xC3A0] =	vst v12  }
0x349: {  	v12 =	vld.idx.msk [tilespmem:v2+s4+$0x0], $0xffff;
	[tilespmem:s17+$0xC3B0] =	vst v13  }
0x34a: {  	v13 =	vld.idx.msk [tilespmem:v3+s4+$0x0], $0xffff;
	[tilespmem:s17+$0xC3C0] =	vst v14  }
0x34b: {  	v14 =	vld.idx.msk [tilespmem:v4+s4+$0x0], $0xffff;
	[tilespmem:s17+$0x100F0] =	vst v8  }
0x34c: {  	[tilespmem:s17+$0xC3D0] =	vst v9;
	v8 =	vld.idx.msk [tilespmem:v7+s25+$0x0], $0xffff  }
0x34d: {  	v9 =	vld.idx.msk [tilespmem:v5+s4+$0x0], $0xffff;
	[tilespmem:s17+$0xC3E0] =	vst v10  }
0x34e: {  	[tilespmem:s17+$0x10000] =	vst v11;
	v10 =	vld.idx.msk [tilespmem:v6+s4+$0x0], $0xffff  }
0x34f: {  	[tilespmem:s17+$0x10010] =	vst v12;
	v11 =	vld.idx.msk [tilespmem:v0+s4+$0x0], $0xffff  }
0x350: {  	v12 =	vld.idx.msk [tilespmem:v1+s23+$0x0], $0xffff;
	[tilespmem:s17+$0x10020] =	vst v13  }
0x351: {  	v13 =	vld.idx.msk [tilespmem:v2+s23+$0x0], $0xffff;
	[tilespmem:s17+$0x10030] =	vst v14  }
0x352: {  	v14 =	vld.idx.msk [tilespmem:v3+s23+$0x0], $0xffff;
	[tilespmem:s17+$0x10170] =	vst v8  }
0x353: {  	[tilespmem:s17+$0x10040] =	vst v9;
	v8 =	vld.idx.msk [tilespmem:v7+s2+$0x0], $0xffff  }
0x354: {  	v9 =	vld.idx.msk [tilespmem:v4+s23+$0x0], $0xffff;
	[tilespmem:s17+$0x10050] =	vst v10  }
0x355: {  	v10 =	vld.idx.msk [tilespmem:v5+s23+$0x0], $0xffff;
	[tilespmem:s17+$0x10060] =	vst v11  }
0x356: {  	[tilespmem:s17+$0x10080] =	vst v12;
	v11 =	vld.idx.msk [tilespmem:v6+s23+$0x0], $0xffff  }
0x357: {  	[tilespmem:s17+$0x10090] =	vst v13;
	v12 =	vld.idx.msk [tilespmem:v0+s23+$0x0], $0xffff  }
0x358: {  	v13 =	vld.idx.msk [tilespmem:v1+s25+$0x0], $0xffff;
	[tilespmem:s17+$0x100A0] =	vst v14  }
0x359: {  	v14 =	vld.idx.msk [tilespmem:v2+s25+$0x0], $0xffff;
	[tilespmem:s17+$0x101F0] =	vst v8  }
0x35a: {  	[tilespmem:s17+$0x100B0] =	vst v9;
	v8 =	vld.idx.msk [tilespmem:v7+s6+$0x0], $0xffff  }
0x35b: {  	v9 =	vld.idx.msk [tilespmem:v3+s25+$0x0], $0xffff;
	[tilespmem:s17+$0x100C0] =	vst v10  }
0x35c: {  	v10 =	vld.idx.msk [tilespmem:v4+s25+$0x0], $0xffff;
	[tilespmem:s17+$0x100D0] =	vst v11  }
0x35d: {  	v11 =	vld.idx.msk [tilespmem:v5+s25+$0x0], $0xffff;
	[tilespmem:s17+$0x100E0] =	vst v12  }
0x35e: {  	[tilespmem:s17+$0x10100] =	vst v13;
	v12 =	vld.idx.msk [tilespmem:v6+s25+$0x0], $0xffff  }
0x35f: {  	[tilespmem:s17+$0x10110] =	vst v14;
	v13 =	vld.idx.msk [tilespmem:v0+s25+$0x0], $0xffff  }
0x360: {  	v14 =	vld.idx.msk [tilespmem:v1+s2+$0x0], $0xffff;
	[tilespmem:s17+$0x10270] =	vst v8  }
0x361: {  	[tilespmem:s17+$0x10120] =	vst v9;
	v8 =	vld.idx.msk [tilespmem:v7+s7+$0x0], $0xffff  }
0x362: {  	v9 =	vld.idx.msk [tilespmem:v2+s2+$0x0], $0xffff;
	[tilespmem:s17+$0x10130] =	vst v10  }
0x363: {  	v10 =	vld.idx.msk [tilespmem:v3+s2+$0x0], $0xffff;
	[tilespmem:s17+$0x10140] =	vst v11  }
0x364: {  	v11 =	vld.idx.msk [tilespmem:v4+s2+$0x0], $0xffff;
	[tilespmem:s17+$0x10150] =	vst v12  }
0x365: {  	v12 =	vld.idx.msk [tilespmem:v5+s2+$0x0], $0xffff;
	[tilespmem:s17+$0x10160] =	vst v13  }
0x366: {  	[tilespmem:s17+$0x10180] =	vst v14;
	v13 =	vld.idx.msk [tilespmem:v6+s2+$0x0], $0xffff  }
0x367: {  	v14 =	vld.idx.msk [tilespmem:v0+s2+$0x0], $0xffff;
	[tilespmem:s17+$0x102F0] =	vst v8  }
0x368: {  	[tilespmem:s17+$0x10190] =	vst v9;
	v8 =	vld.idx.msk [tilespmem:v7+s8+$0x0], $0xffff  }
0x369: {  	v9 =	vld.idx.msk [tilespmem:v1+s6+$0x0], $0xffff;
	[tilespmem:s17+$0x101A0] =	vst v10  }
0x36a: {  	v10 =	vld.idx.msk [tilespmem:v2+s6+$0x0], $0xffff;
	[tilespmem:s17+$0x101B0] =	vst v11  }
0x36b: {  	v11 =	vld.idx.msk [tilespmem:v3+s6+$0x0], $0xffff;
	[tilespmem:s17+$0x101C0] =	vst v12  }
0x36c: {  	v12 =	vld.idx.msk [tilespmem:v4+s6+$0x0], $0xffff;
	[tilespmem:s17+$0x101D0] =	vst v13  }
0x36d: {  	v13 =	vld.idx.msk [tilespmem:v5+s6+$0x0], $0xffff;
	[tilespmem:s17+$0x101E0] =	vst v14  }
0x36e: {  	v14 =	vld.idx.msk [tilespmem:v6+s6+$0x0], $0xffff;
	[tilespmem:s17+$0x10370] =	vst v8  }
0x36f: {  	[tilespmem:s17+$0x10200] =	vst v9;
	v7 =	vld.idx.msk [tilespmem:v7+s9+$0x0], $0xffff  }
0x370: {  	[tilespmem:s17+$0x10210] =	vst v10;
	v8 =	vld.idx.msk [tilespmem:v0+s6+$0x0], $0xffff  }
0x371: {  	v9 =	vld.idx.msk [tilespmem:v1+s7+$0x0], $0xffff;
	[tilespmem:s17+$0x10220] =	vst v11  }
0x372: {  	v10 =	vld.idx.msk [tilespmem:v2+s7+$0x0], $0xffff;
	[tilespmem:s17+$0x10230] =	vst v12  }
0x373: {  	v11 =	vld.idx.msk [tilespmem:v3+s7+$0x0], $0xffff;
	[tilespmem:s17+$0x10240] =	vst v13  }
0x374: {  	v12 =	vld.idx.msk [tilespmem:v4+s7+$0x0], $0xffff;
	[tilespmem:s17+$0x10250] =	vst v14  }
0x375: {  	v13 =	vld.idx.msk [tilespmem:v5+s7+$0x0], $0xffff;
	[tilespmem:s17+$0x103F0] =	vst v7  }
0x376: {  	v7 =	vld.idx.msk [tilespmem:v6+s7+$0x0], $0xffff;
	[tilespmem:s17+$0x10260] =	vst v8  }
0x377: {  	[tilespmem:s17+$0x10280] =	vst v9;
	v8 =	vld.idx.msk [tilespmem:v0+s7+$0x0], $0xffff  }
0x378: {  	v9 =	vld.idx.msk [tilespmem:v1+s8+$0x0], $0xffff;
	[tilespmem:s17+$0x10290] =	vst v10  }
0x379: {  	v10 =	vld.idx.msk [tilespmem:v2+s8+$0x0], $0xffff;
	[tilespmem:s17+$0x102A0] =	vst v11  }
0x37a: {  	v11 =	vld.idx.msk [tilespmem:v3+s8+$0x0], $0xffff;
	[tilespmem:s17+$0x102B0] =	vst v12  }
0x37b: {  	v12 =	vld.idx.msk [tilespmem:v4+s8+$0x0], $0xffff;
	[tilespmem:s17+$0x102C0] =	vst v13  }
0x37c: {  	v13 =	vld.idx.msk [tilespmem:v5+s8+$0x0], $0xffff;
	[tilespmem:s17+$0x102D0] =	vst v7  }
0x37d: {  	v14 =	vld.idx.msk [tilespmem:v6+s8+$0x0], $0xffff;
	[tilespmem:s17+$0x102E0] =	vst v8  }
0x37e: {  	[tilespmem:s17+$0x10300] =	vst v9;
	v15 =	vld.idx.msk [tilespmem:v0+s8+$0x0], $0xffff  }
0x37f: {  	v7 =	vld.idx.msk [tilespmem:v1+s9+$0x0], $0xffff;
	[tilespmem:s17+$0x10310] =	vst v10  }
.Ltmp2:
0x380: {  	v8 =	vld.idx.msk [tilespmem:v2+s9+$0x0], $0xffff;
	[tilespmem:s17+$0x10320] =	vst v11;
	(pc) =	sbr.rel @p0 .LBB2_7-.Ltmp2, $4  }
0x381: {  	v9 =	vld.idx.msk [tilespmem:v3+s9+$0x0], $0xffff;
	[tilespmem:s17+$0x10330] =	vst v12  }
0x382: {  	v3 =	vld.idx.msk [tilespmem:v4+s9+$0x0], $0xffff;
	[tilespmem:s17+$0x10340] =	vst v13  }
0x383: {  	v4 =	vld.idx.msk [tilespmem:v5+s9+$0x0], $0xffff;
	[tilespmem:s17+$0x10350] =	vst v14  }
0x384: {  	s21 =	sadd.s32 $0x1000, s21;
	v5 =	vld.idx.msk [tilespmem:v6+s9+$0x0], $0xffff;
	[tilespmem:s17+$0x10360] =	vst v15  }
0x385: {  	_ =	sdelay $0x2  }
0x386: {  	[tilespmem:s17+$0x10380] =	vst v7  }
0x387: {  	v0 =	vld.idx.msk [tilespmem:v0+s9+$0x0], $0xffff;
	[tilespmem:s17+$0x10390] =	vst v8  }
0x388: {  	[tilespmem:s17+$0x103A0] =	vst v9  }
0x389: {  	[tilespmem:s17+$0x103B0] =	vst v3  }
0x38a: {  	[tilespmem:s17+$0x103C0] =	vst v4  }
0x38b: {  	[tilespmem:s17+$0x103D0] =	vst v5  }
0x38c: {  	s20 =	simm.s32 $0x0;
	[tilespmem:s17+$0x103E0] =	vst v0  }
0x38d: {  	[hbm4b:s18+s20] =	stream.linear.scatter [tilespmem:s10], [sflag:$0x1], $0x4000, $0x38;
	[tilespmem:$0x1C000] =	vst v63  }
0x38e: {  	_ = 	snop  }
0x38f: {  	[hbm4b:s19+s20] =	stream.linear.scatter [tilespmem:s5], [sflag:$0x1], $0x4000, $0x38;
	[tilespmem:$0x1C000] =	vst v63  }
0x390: {  	_ =	swait.ge [sflag:s14], $0x4000  }
0x391: {  	[sflag:s14] =	ssyncset.done $0x0  }
0x392: {  	[sflag:s14] =	ssyncadd.s32 $0xFFFFC000  }
0x393: {  	_ =	swait.ge [sflag:s14], $0x4000  }
0x394: {  	[sflag:s14] =	ssyncset.done $0x0  }
0x395: {  	s17 =	simm.s32 $0x0;
	[sflag:s14] =	ssyncadd.s32 $0xFFFFC000  }
0x396: {  	v7 =	vld [tilespmem:s17+$0x81F0]  }
0x397: {  	v6 =	vld [tilespmem:s17+$0x8180]  }
0x398: {  	v5 =	vld [tilespmem:s17+$0x8190]  }
0x399: {  	v4 =	vld [tilespmem:s17+$0x81A0]  }
0x39a: {  	v3 =	vld [tilespmem:s17+$0x81B0]  }
0x39b: {  	v2 =	vld [tilespmem:s17+$0x81C0]  }
0x39c: {  	v1 =	vld [tilespmem:s17+$0x81D0]  }
0x39d: {  	v0 =	vld [tilespmem:s17+$0x81E0]  }
0x39e: {  	v8 =	vld.idx.msk [tilespmem:v7+s3+$0x0], $0xffff  }
0x39f: {  	v9 =	vld.idx.msk [tilespmem:v6+s3+$0x0], $0xffff  }
0x3a0: {  	v10 =	vld.idx.msk [tilespmem:v5+s3+$0x0], $0xffff  }
0x3a1: {  	v11 =	vld.idx.msk [tilespmem:v4+s3+$0x0], $0xffff  }
0x3a2: {  	v12 =	vld.idx.msk [tilespmem:v3+s3+$0x0], $0xffff  }
0x3a3: {  	v13 =	vld.idx.msk [tilespmem:v2+s3+$0x0], $0xffff;
	[tilespmem:s17+$0x14070] =	vst v8  }
0x3a4: {  	v14 =	vld.idx.msk [tilespmem:v1+s3+$0x0], $0xffff;
	[tilespmem:s17+$0x14000] =	vst v9  }
0x3a5: {  	[tilespmem:s17+$0x14010] =	vst v10;
	v9 =	vld.idx.msk [tilespmem:v0+s3+$0x0], $0xffff  }
0x3a6: {  	[tilespmem:s17+$0x14020] =	vst v11;
	v8 =	vld.idx.msk [tilespmem:v7+s26+$0x0], $0xffff  }
0x3a7: {  	[tilespmem:s17+$0x14030] =	vst v12;
	v10 =	vld.idx.msk [tilespmem:v6+s26+$0x0], $0xffff  }
0x3a8: {  	[tilespmem:s17+$0x14040] =	vst v13;
	v11 =	vld.idx.msk [tilespmem:v5+s26+$0x0], $0xffff  }
0x3a9: {  	[tilespmem:s17+$0x14050] =	vst v14;
	v22 =	vld.idx.msk [tilespmem:v4+s26+$0x0], $0xffff  }
0x3aa: {  	v23 =	vld.idx.msk [tilespmem:v3+s26+$0x0], $0xffff;
	[tilespmem:s17+$0x14060] =	vst v9  }
0x3ab: {  	v24 =	vld.idx.msk [tilespmem:v2+s26+$0x0], $0xffff;
	[tilespmem:s17+$0x140F0] =	vst v8  }
0x3ac: {  	v9 =	vld.idx.msk [tilespmem:v1+s26+$0x0], $0xffff;
	[tilespmem:s17+$0x14080] =	vst v10  }
0x3ad: {  	[tilespmem:s17+$0x14090] =	vst v11;
	v10 =	vld.idx.msk [tilespmem:v0+s26+$0x0], $0xffff  }
0x3ae: {  	[tilespmem:s17+$0x140A0] =	vst v22;
	v8 =	vld.idx.msk [tilespmem:v7+s28+$0x0], $0xffff  }
0x3af: {  	[tilespmem:s17+$0x140B0] =	vst v23;
	v11 =	vld.idx.msk [tilespmem:v6+s28+$0x0], $0xffff  }
0x3b0: {  	[tilespmem:s17+$0x140C0] =	vst v24;
	v25 =	vld.idx.msk [tilespmem:v5+s28+$0x0], $0xffff  }
0x3b1: {  	v26 =	vld.idx.msk [tilespmem:v4+s28+$0x0], $0xffff;
	[tilespmem:s17+$0x140D0] =	vst v9  }
0x3b2: {  	v27 =	vld.idx.msk [tilespmem:v3+s28+$0x0], $0xffff;
	[tilespmem:s17+$0x140E0] =	vst v10  }
0x3b3: {  	v9 =	vld.idx.msk [tilespmem:v2+s28+$0x0], $0xffff;
	[tilespmem:s17+$0x14170] =	vst v8  }
0x3b4: {  	v10 =	vld.idx.msk [tilespmem:v1+s28+$0x0], $0xffff;
	[tilespmem:s17+$0x14100] =	vst v11  }
0x3b5: {  	[tilespmem:s17+$0x14110] =	vst v25;
	v11 =	vld.idx.msk [tilespmem:v0+s28+$0x0], $0xffff  }
0x3b6: {  	[tilespmem:s17+$0x14120] =	vst v26;
	v8 =	vld.idx.msk [tilespmem:v7+s29+$0x0], $0xffff  }
0x3b7: {  	[tilespmem:s17+$0x14130] =	vst v27;
	v28 =	vld.idx.msk [tilespmem:v6+s29+$0x0], $0xffff  }
0x3b8: {  	v29 =	vld.idx.msk [tilespmem:v5+s29+$0x0], $0xffff;
	[tilespmem:s17+$0x14140] =	vst v9  }
0x3b9: {  	v30 =	vld.idx.msk [tilespmem:v4+s29+$0x0], $0xffff;
	[tilespmem:s17+$0x14150] =	vst v10  }
0x3ba: {  	v9 =	vld.idx.msk [tilespmem:v3+s29+$0x0], $0xffff;
	[tilespmem:s17+$0x14160] =	vst v11  }
0x3bb: {  	v10 =	vld.idx.msk [tilespmem:v2+s29+$0x0], $0xffff;
	[tilespmem:s17+$0x141F0] =	vst v8  }
0x3bc: {  	v11 =	vld.idx.msk [tilespmem:v1+s29+$0x0], $0xffff;
	[tilespmem:s17+$0x14180] =	vst v28  }
0x3bd: {  	[tilespmem:s17+$0x14190] =	vst v29;
	v31 =	vld.idx.msk [tilespmem:v0+s29+$0x0], $0xffff  }
0x3be: {  	[tilespmem:s17+$0x141A0] =	vst v30;
	v8 =	vld.idx.msk [tilespmem:v7+s30+$0x0], $0xffff  }
0x3bf: {  	v32 =	vld.idx.msk [tilespmem:v6+s30+$0x0], $0xffff;
	[tilespmem:s17+$0x141B0] =	vst v9  }
0x3c0: {  	v33 =	vld.idx.msk [tilespmem:v5+s30+$0x0], $0xffff;
	[tilespmem:s17+$0x141C0] =	vst v10  }
0x3c1: {  	v9 =	vld.idx.msk [tilespmem:v4+s30+$0x0], $0xffff;
	[tilespmem:s17+$0x141D0] =	vst v11  }
0x3c2: {  	v10 =	vld.idx.msk [tilespmem:v3+s30+$0x0], $0xffff;
	[tilespmem:s17+$0x141E0] =	vst v31  }
0x3c3: {  	v11 =	vld.idx.msk [tilespmem:v2+s30+$0x0], $0xffff;
	[tilespmem:s17+$0x14270] =	vst v8  }
0x3c4: {  	v34 =	vld.idx.msk [tilespmem:v1+s30+$0x0], $0xffff;
	[tilespmem:s17+$0x14200] =	vst v32  }
0x3c5: {  	[tilespmem:s17+$0x14210] =	vst v33;
	v35 =	vld.idx.msk [tilespmem:v0+s30+$0x0], $0xffff  }
0x3c6: {  	v8 =	vld.idx.msk [tilespmem:v7+s31+$0x0], $0xffff;
	[tilespmem:s17+$0x14220] =	vst v9  }
0x3c7: {  	v36 =	vld.idx.msk [tilespmem:v6+s31+$0x0], $0xffff;
	[tilespmem:s17+$0x14230] =	vst v10  }
0x3c8: {  	v9 =	vld.idx.msk [tilespmem:v5+s31+$0x0], $0xffff;
	[tilespmem:s17+$0x14240] =	vst v11  }
0x3c9: {  	v10 =	vld.idx.msk [tilespmem:v4+s31+$0x0], $0xffff;
	[tilespmem:s17+$0x14250] =	vst v34  }
0x3ca: {  	v11 =	vld.idx.msk [tilespmem:v3+s31+$0x0], $0xffff;
	[tilespmem:s17+$0x14260] =	vst v35  }
0x3cb: {  	v37 =	vld.idx.msk [tilespmem:v2+s31+$0x0], $0xffff;
	[tilespmem:s17+$0x142F0] =	vst v8  }
0x3cc: {  	v38 =	vld.idx.msk [tilespmem:v1+s31+$0x0], $0xffff;
	[tilespmem:s17+$0x14280] =	vst v36  }
0x3cd: {  	v39 =	vld.idx.msk [tilespmem:v0+s31+$0x0], $0xffff;
	[tilespmem:s17+$0x14290] =	vst v9  }
0x3ce: {  	v8 =	vld.idx.msk [tilespmem:v7+s0+$0x0], $0xffff;
	[tilespmem:s17+$0x142A0] =	vst v10  }
0x3cf: {  	v9 =	vld.idx.msk [tilespmem:v6+s0+$0x0], $0xffff;
	[tilespmem:s17+$0x142B0] =	vst v11  }
0x3d0: {  	v10 =	vld.idx.msk [tilespmem:v5+s0+$0x0], $0xffff;
	[tilespmem:s17+$0x142C0] =	vst v37  }
0x3d1: {  	v11 =	vld.idx.msk [tilespmem:v4+s0+$0x0], $0xffff;
	[tilespmem:s17+$0x142D0] =	vst v38  }
0x3d2: {  	v40 =	vld.idx.msk [tilespmem:v3+s0+$0x0], $0xffff;
	[tilespmem:s17+$0x142E0] =	vst v39  }
0x3d3: {  	v41 =	vld.idx.msk [tilespmem:v2+s0+$0x0], $0xffff;
	[tilespmem:s17+$0x14370] =	vst v8  }
0x3d4: {  	v42 =	vld.idx.msk [tilespmem:v1+s0+$0x0], $0xffff;
	[tilespmem:s17+$0x14300] =	vst v9  }
0x3d5: {  	[tilespmem:s17+$0x14310] =	vst v10;
	v9 =	vld.idx.msk [tilespmem:v0+s0+$0x0], $0xffff  }
0x3d6: {  	v8 =	vld.idx.msk [tilespmem:v7+s1+$0x0], $0xffff;
	[tilespmem:s17+$0x14320] =	vst v11  }
0x3d7: {  	v10 =	vld.idx.msk [tilespmem:v6+s1+$0x0], $0xffff;
	[tilespmem:s17+$0x14330] =	vst v40  }
0x3d8: {  	v11 =	vld.idx.msk [tilespmem:v5+s1+$0x0], $0xffff;
	[tilespmem:s17+$0x14340] =	vst v41  }
0x3d9: {  	v43 =	vld.idx.msk [tilespmem:v4+s1+$0x0], $0xffff;
	[tilespmem:s17+$0x14350] =	vst v42  }
0x3da: {  	v44 =	vld.idx.msk [tilespmem:v3+s1+$0x0], $0xffff;
	[tilespmem:s17+$0x14360] =	vst v9  }
0x3db: {  	v45 =	vld.idx.msk [tilespmem:v2+s1+$0x0], $0xffff;
	[tilespmem:s17+$0x143F0] =	vst v8  }
0x3dc: {  	v9 =	vld.idx.msk [tilespmem:v1+s1+$0x0], $0xffff;
	[tilespmem:s17+$0x14380] =	vst v10  }
0x3dd: {  	[tilespmem:s17+$0x14390] =	vst v11;
	v10 =	vld.idx.msk [tilespmem:v0+s1+$0x0], $0xffff  }
0x3de: {  	v8 =	vld.idx.msk [tilespmem:v7+s4+$0x0], $0xffff;
	[tilespmem:s17+$0x143A0] =	vst v43  }
0x3df: {  	v11 =	vld.idx.msk [tilespmem:v6+s4+$0x0], $0xffff;
	[tilespmem:s17+$0x143B0] =	vst v44  }
0x3e0: {  	v46 =	vld.idx.msk [tilespmem:v5+s4+$0x0], $0xffff;
	[tilespmem:s17+$0x143C0] =	vst v45  }
0x3e1: {  	v47 =	vld.idx.msk [tilespmem:v4+s4+$0x0], $0xffff;
	[tilespmem:s17+$0x143D0] =	vst v9  }
0x3e2: {  	v48 =	vld.idx.msk [tilespmem:v3+s4+$0x0], $0xffff;
	[tilespmem:s17+$0x143E0] =	vst v10  }
0x3e3: {  	v9 =	vld.idx.msk [tilespmem:v2+s4+$0x0], $0xffff;
	[tilespmem:s17+$0x18070] =	vst v8  }
0x3e4: {  	v10 =	vld.idx.msk [tilespmem:v1+s4+$0x0], $0xffff;
	[tilespmem:s17+$0x18000] =	vst v11  }
0x3e5: {  	[tilespmem:s17+$0x18010] =	vst v46;
	v11 =	vld.idx.msk [tilespmem:v0+s4+$0x0], $0xffff  }
0x3e6: {  	v8 =	vld.idx.msk [tilespmem:v7+s23+$0x0], $0xffff;
	[tilespmem:s17+$0x18020] =	vst v47  }
0x3e7: {  	v49 =	vld.idx.msk [tilespmem:v6+s23+$0x0], $0xffff;
	[tilespmem:s17+$0x18030] =	vst v48  }
0x3e8: {  	v50 =	vld.idx.msk [tilespmem:v5+s23+$0x0], $0xffff;
	[tilespmem:s17+$0x18040] =	vst v9  }
0x3e9: {  	v51 =	vld.idx.msk [tilespmem:v4+s23+$0x0], $0xffff;
	[tilespmem:s17+$0x18050] =	vst v10  }
0x3ea: {  	v9 =	vld.idx.msk [tilespmem:v3+s23+$0x0], $0xffff;
	[tilespmem:s17+$0x18060] =	vst v11  }
0x3eb: {  	v10 =	vld.idx.msk [tilespmem:v2+s23+$0x0], $0xffff;
	[tilespmem:s17+$0x180F0] =	vst v8  }
0x3ec: {  	[tilespmem:s17+$0x18080] =	vst v49;
	v8 =	vld.idx.msk [tilespmem:v7+s25+$0x0], $0xffff  }
0x3ed: {  	v11 =	vld.idx.msk [tilespmem:v1+s23+$0x0], $0xffff;
	[tilespmem:s17+$0x18090] =	vst v50  }
0x3ee: {  	v52 =	vld.idx.msk [tilespmem:v0+s23+$0x0], $0xffff;
	[tilespmem:s17+$0x180A0] =	vst v51  }
0x3ef: {  	v53 =	vld.idx.msk [tilespmem:v6+s25+$0x0], $0xffff;
	[tilespmem:s17+$0x180B0] =	vst v9  }
0x3f0: {  	v54 =	vld.idx.msk [tilespmem:v5+s25+$0x0], $0xffff;
	[tilespmem:s17+$0x180C0] =	vst v10  }
0x3f1: {  	v9 =	vld.idx.msk [tilespmem:v4+s25+$0x0], $0xffff;
	[tilespmem:s17+$0x18170] =	vst v8  }
0x3f2: {  	[tilespmem:s17+$0x180D0] =	vst v11;
	v8 =	vld.idx.msk [tilespmem:v7+s2+$0x0], $0xffff  }
0x3f3: {  	v10 =	vld.idx.msk [tilespmem:v3+s25+$0x0], $0xffff;
	[tilespmem:s17+$0x180E0] =	vst v52  }
0x3f4: {  	v11 =	vld.idx.msk [tilespmem:v2+s25+$0x0], $0xffff;
	[tilespmem:s17+$0x18100] =	vst v53  }
0x3f5: {  	v55 =	vld.idx.msk [tilespmem:v1+s25+$0x0], $0xffff;
	[tilespmem:s17+$0x18110] =	vst v54  }
0x3f6: {  	v56 =	vld.idx.msk [tilespmem:v0+s25+$0x0], $0xffff;
	[tilespmem:s17+$0x18120] =	vst v9  }
0x3f7: {  	v57 =	vld.idx.msk [tilespmem:v6+s2+$0x0], $0xffff;
	[tilespmem:s17+$0x181F0] =	vst v8  }
0x3f8: {  	[tilespmem:s17+$0x18130] =	vst v10;
	v8 =	vld.idx.msk [tilespmem:v7+s6+$0x0], $0xffff  }
0x3f9: {  	v9 =	vld.idx.msk [tilespmem:v5+s2+$0x0], $0xffff;
	[tilespmem:s17+$0x18140] =	vst v11  }
0x3fa: {  	v10 =	vld.idx.msk [tilespmem:v4+s2+$0x0], $0xffff;
	[tilespmem:s17+$0x18150] =	vst v55  }
0x3fb: {  	v11 =	vld.idx.msk [tilespmem:v3+s2+$0x0], $0xffff;
	[tilespmem:s17+$0x18160] =	vst v56  }
0x3fc: {  	v58 =	vld.idx.msk [tilespmem:v2+s2+$0x0], $0xffff;
	[tilespmem:s17+$0x18180] =	vst v57  }
0x3fd: {  	v59 =	vld.idx.msk [tilespmem:v1+s2+$0x0], $0xffff;
	[tilespmem:s17+$0x18270] =	vst v8  }
0x3fe: {  	[tilespmem:s17+$0x18190] =	vst v9;
	v8 =	vld.idx.msk [tilespmem:v7+s7+$0x0], $0xffff  }
0x3ff: {  	v60 =	vld.idx.msk [tilespmem:v0+s2+$0x0], $0xffff;
	[tilespmem:s17+$0x181A0] =	vst v10  }
0x400: {  	v9 =	vld.idx.msk [tilespmem:v6+s6+$0x0], $0xffff;
	[tilespmem:s17+$0x181B0] =	vst v11  }
0x401: {  	v10 =	vld.idx.msk [tilespmem:v5+s6+$0x0], $0xffff;
	[tilespmem:s17+$0x181C0] =	vst v58  }
0x402: {  	v11 =	vld.idx.msk [tilespmem:v4+s6+$0x0], $0xffff;
	[tilespmem:s17+$0x181D0] =	vst v59  }
0x403: {  	v61 =	vld.idx.msk [tilespmem:v3+s6+$0x0], $0xffff;
	[tilespmem:s17+$0x182F0] =	vst v8  }
0x404: {  	[tilespmem:s17+$0x181E0] =	vst v60;
	v8 =	vld.idx.msk [tilespmem:v7+s8+$0x0], $0xffff  }
0x405: {  	v62 =	vld.idx.msk [tilespmem:v2+s6+$0x0], $0xffff;
	[tilespmem:s17+$0x18200] =	vst v9  }
0x406: {  	v63 =	vld.idx.msk [tilespmem:v1+s6+$0x0], $0xffff;
	[tilespmem:s17+$0x18210] =	vst v10  }
0x407: {  	v9 =	vld.idx.msk [tilespmem:v6+s7+$0x0], $0xffff;
	[tilespmem:s17+$0x18220] =	vst v11  }
0x408: {  	v10 =	vld.idx.msk [tilespmem:v5+s7+$0x0], $0xffff;
	[tilespmem:s17+$0x18230] =	vst v61  }
0x409: {  	v11 =	vld.idx.msk [tilespmem:v4+s7+$0x0], $0xffff;
	[tilespmem:s17+$0x18370] =	vst v8  }
0x40a: {  	[tilespmem:s17+$0x18240] =	vst v62;
	v7 =	vld.idx.msk [tilespmem:v7+s9+$0x0], $0xffff  }
0x40b: {  	[tilespmem:s17+$0x18250] =	vst v63;
	v8 =	vld.idx.msk [tilespmem:v0+s6+$0x0], $0xffff  }
0x40c: {  	v12 =	vld.idx.msk [tilespmem:v3+s7+$0x0], $0xffff;
	[tilespmem:s17+$0x18280] =	vst v9  }
0x40d: {  	v13 =	vld.idx.msk [tilespmem:v2+s7+$0x0], $0xffff;
	[tilespmem:s17+$0x18290] =	vst v10  }
0x40e: {  	v9 =	vld.idx.msk [tilespmem:v6+s8+$0x0], $0xffff;
	[tilespmem:s17+$0x182A0] =	vst v11  }
0x40f: {  	[tilespmem:s17+$0x183F0] =	vst v7;
	v7 =	vld.idx.msk [tilespmem:v1+s7+$0x0], $0xffff  }
0x410: {  	v11 =	vld.idx.msk [tilespmem:v4+s8+$0x0], $0xffff;
	[tilespmem:s17+$0x18260] =	vst v8  }
0x411: {  	[tilespmem:s17+$0x182B0] =	vst v12;
	v8 =	vld.idx.msk [tilespmem:v0+s7+$0x0], $0xffff  }
0x412: {  	v10 =	vld.idx.msk [tilespmem:v5+s8+$0x0], $0xffff;
	[tilespmem:s17+$0x182C0] =	vst v13  }
0x413: {  	v12 =	vld.idx.msk [tilespmem:v3+s8+$0x0], $0xffff;
	[tilespmem:s17+$0x18300] =	vst v9  }
0x414: {  	v13 =	vld.idx.msk [tilespmem:v2+s8+$0x0], $0xffff;
	[tilespmem:s17+$0x182D0] =	vst v7  }
0x415: {  	[tilespmem:s17+$0x18320] =	vst v11;
	v14 =	vld.idx.msk [tilespmem:v1+s8+$0x0], $0xffff  }
0x416: {  	v9 =	vld.idx.msk [tilespmem:v4+s9+$0x0], $0xffff;
	[tilespmem:s17+$0x182E0] =	vst v8  }
0x417: {  	[tilespmem:s17+$0x18310] =	vst v10;
	v15 =	vld.idx.msk [tilespmem:v0+s8+$0x0], $0xffff  }
0x418: {  	[tilespmem:s17+$0x18330] =	vst v12;
	v7 =	vld.idx.msk [tilespmem:v6+s9+$0x0], $0xffff  }
0x419: {  	[tilespmem:s17+$0x18340] =	vst v13;
	v8 =	vld.idx.msk [tilespmem:v5+s9+$0x0], $0xffff  }
0x41a: {  	v3 =	vld.idx.msk [tilespmem:v3+s9+$0x0], $0xffff;
	s21 =	rddreg [dreg:$0xd];
	[tilespmem:s17+$0x18350] =	vst v14  }
0x41b: {  	s20 =	simm.s32 $0x0;
	v4 =	vld.idx.msk [tilespmem:v2+s9+$0x0], $0xffff;
	s22 =	rddreg [dreg:$0xe]  }
0x41c: {  	s18 =	sadd.s32 s16, s21;
	s21 =	simm.s32 $0x1000;
	v5 =	vld.idx.msk [tilespmem:v1+s9+$0x0], $0xffff;
	[tilespmem:s17+$0x18360] =	vst v15;
	s19 =	sadd.s32 s16, s22  }
.LBB2_9:
0x41d: {  	s22 =	sshra.s32 s21, $0x2;
	s20 =	sadd.s32 $0x8, s20;
	[tilespmem:s17+$0x18380] =	vst v7;
	v0 =	vld.idx.msk [tilespmem:v0+s9+$0x0], $0xffff  }
0x41e: {  	v7 =	vld [tilespmem:s22+$0x81F0];
	p0 =	slt.u32 s20, $0x78;
	[tilespmem:s17+$0x18390] =	vst v8  }
0x41f: {  	v1 =	vld [tilespmem:s22+$0x8180];
	[tilespmem:s17+$0x183A0] =	vst v9  }
0x420: {  	v2 =	vld [tilespmem:s22+$0x8190];
	[tilespmem:s17+$0x183B0] =	vst v3  }
0x421: {  	v3 =	vld [tilespmem:s22+$0x81A0];
	[tilespmem:s17+$0x183C0] =	vst v4  }
0x422: {  	v4 =	vld [tilespmem:s22+$0x81B0];
	[tilespmem:s17+$0x183D0] =	vst v5  }
0x423: {  	v5 =	vld [tilespmem:s22+$0x81C0];
	[tilespmem:s17+$0x183E0] =	vst v0;
	s17 =	smov.u32 s22  }
0x424: {  	v6 =	vld [tilespmem:s17+$0x81D0]  }
0x425: {  	v0 =	vld [tilespmem:s17+$0x81E0]  }
0x426: {  	v8 =	vld.idx.msk [tilespmem:v7+s3+$0x0], $0xffff  }
0x427: {  	v9 =	vld.idx.msk [tilespmem:v1+s3+$0x0], $0xffff  }
0x428: {  	v10 =	vld.idx.msk [tilespmem:v2+s3+$0x0], $0xffff  }
0x429: {  	v11 =	vld.idx.msk [tilespmem:v3+s3+$0x0], $0xffff  }
0x42a: {  	v12 =	vld.idx.msk [tilespmem:v4+s3+$0x0], $0xffff  }
0x42b: {  	v13 =	vld.idx.msk [tilespmem:v5+s3+$0x0], $0xffff  }
0x42c: {  	v14 =	vld.idx.msk [tilespmem:v6+s3+$0x0], $0xffff;
	[tilespmem:s17+$0x14070] =	vst v8  }
0x42d: {  	[tilespmem:s17+$0x14000] =	vst v9;
	v8 =	vld.idx.msk [tilespmem:v7+s26+$0x0], $0xffff  }
0x42e: {  	[tilespmem:s17+$0x14010] =	vst v10;
	v9 =	vld.idx.msk [tilespmem:v0+s3+$0x0], $0xffff  }
0x42f: {  	v10 =	vld.idx.msk [tilespmem:v1+s26+$0x0], $0xffff;
	[tilespmem:s17+$0x14020] =	vst v11  }
0x430: {  	v11 =	vld.idx.msk [tilespmem:v2+s26+$0x0], $0xffff;
	[tilespmem:s17+$0x14030] =	vst v12  }
0x431: {  	v12 =	vld.idx.msk [tilespmem:v3+s26+$0x0], $0xffff;
	[tilespmem:s17+$0x14040] =	vst v13  }
0x432: {  	v13 =	vld.idx.msk [tilespmem:v4+s26+$0x0], $0xffff;
	[tilespmem:s17+$0x14050] =	vst v14  }
0x433: {  	v14 =	vld.idx.msk [tilespmem:v5+s26+$0x0], $0xffff;
	[tilespmem:s17+$0x140F0] =	vst v8  }
0x434: {  	[tilespmem:s17+$0x14060] =	vst v9;
	v8 =	vld.idx.msk [tilespmem:v7+s28+$0x0], $0xffff  }
0x435: {  	[tilespmem:s17+$0x14080] =	vst v10;
	v9 =	vld.idx.msk [tilespmem:v6+s26+$0x0], $0xffff  }
0x436: {  	[tilespmem:s17+$0x14090] =	vst v11;
	v10 =	vld.idx.msk [tilespmem:v0+s26+$0x0], $0xffff  }
0x437: {  	v11 =	vld.idx.msk [tilespmem:v1+s28+$0x0], $0xffff;
	[tilespmem:s17+$0x140A0] =	vst v12  }
0x438: {  	v12 =	vld.idx.msk [tilespmem:v2+s28+$0x0], $0xffff;
	[tilespmem:s17+$0x140B0] =	vst v13  }
0x439: {  	v13 =	vld.idx.msk [tilespmem:v3+s28+$0x0], $0xffff;
	[tilespmem:s17+$0x140C0] =	vst v14  }
0x43a: {  	v14 =	vld.idx.msk [tilespmem:v4+s28+$0x0], $0xffff;
	[tilespmem:s17+$0x14170] =	vst v8  }
0x43b: {  	[tilespmem:s17+$0x140D0] =	vst v9;
	v8 =	vld.idx.msk [tilespmem:v7+s29+$0x0], $0xffff  }
0x43c: {  	v9 =	vld.idx.msk [tilespmem:v5+s28+$0x0], $0xffff;
	[tilespmem:s17+$0x140E0] =	vst v10  }
0x43d: {  	[tilespmem:s17+$0x14100] =	vst v11;
	v10 =	vld.idx.msk [tilespmem:v6+s28+$0x0], $0xffff  }
0x43e: {  	[tilespmem:s17+$0x14110] =	vst v12;
	v11 =	vld.idx.msk [tilespmem:v0+s28+$0x0], $0xffff  }
0x43f: {  	v12 =	vld.idx.msk [tilespmem:v1+s29+$0x0], $0xffff;
	[tilespmem:s17+$0x14120] =	vst v13  }
0x440: {  	v13 =	vld.idx.msk [tilespmem:v2+s29+$0x0], $0xffff;
	[tilespmem:s17+$0x14130] =	vst v14  }
0x441: {  	v14 =	vld.idx.msk [tilespmem:v3+s29+$0x0], $0xffff;
	[tilespmem:s17+$0x141F0] =	vst v8  }
0x442: {  	[tilespmem:s17+$0x14140] =	vst v9;
	v8 =	vld.idx.msk [tilespmem:v7+s30+$0x0], $0xffff  }
0x443: {  	v9 =	vld.idx.msk [tilespmem:v4+s29+$0x0], $0xffff;
	[tilespmem:s17+$0x14150] =	vst v10  }
0x444: {  	v10 =	vld.idx.msk [tilespmem:v5+s29+$0x0], $0xffff;
	[tilespmem:s17+$0x14160] =	vst v11  }
0x445: {  	[tilespmem:s17+$0x14180] =	vst v12;
	v11 =	vld.idx.msk [tilespmem:v6+s29+$0x0], $0xffff  }
0x446: {  	[tilespmem:s17+$0x14190] =	vst v13;
	v12 =	vld.idx.msk [tilespmem:v0+s29+$0x0], $0xffff  }
0x447: {  	v13 =	vld.idx.msk [tilespmem:v1+s30+$0x0], $0xffff;
	[tilespmem:s17+$0x141A0] =	vst v14  }
0x448: {  	v14 =	vld.idx.msk [tilespmem:v2+s30+$0x0], $0xffff;
	[tilespmem:s17+$0x14270] =	vst v8  }
0x449: {  	[tilespmem:s17+$0x141B0] =	vst v9;
	v8 =	vld.idx.msk [tilespmem:v7+s31+$0x0], $0xffff  }
0x44a: {  	v9 =	vld.idx.msk [tilespmem:v3+s30+$0x0], $0xffff;
	[tilespmem:s17+$0x141C0] =	vst v10  }
0x44b: {  	v10 =	vld.idx.msk [tilespmem:v4+s30+$0x0], $0xffff;
	[tilespmem:s17+$0x141D0] =	vst v11  }
0x44c: {  	v11 =	vld.idx.msk [tilespmem:v5+s30+$0x0], $0xffff;
	[tilespmem:s17+$0x141E0] =	vst v12  }
0x44d: {  	[tilespmem:s17+$0x14200] =	vst v13;
	v12 =	vld.idx.msk [tilespmem:v6+s30+$0x0], $0xffff  }
0x44e: {  	[tilespmem:s17+$0x14210] =	vst v14;
	v13 =	vld.idx.msk [tilespmem:v0+s30+$0x0], $0xffff  }
0x44f: {  	v14 =	vld.idx.msk [tilespmem:v1+s31+$0x0], $0xffff;
	[tilespmem:s17+$0x142F0] =	vst v8  }
0x450: {  	[tilespmem:s17+$0x14220] =	vst v9;
	v8 =	vld.idx.msk [tilespmem:v7+s0+$0x0], $0xffff  }
0x451: {  	v9 =	vld.idx.msk [tilespmem:v2+s31+$0x0], $0xffff;
	[tilespmem:s17+$0x14230] =	vst v10  }
0x452: {  	v10 =	vld.idx.msk [tilespmem:v3+s31+$0x0], $0xffff;
	[tilespmem:s17+$0x14240] =	vst v11  }
0x453: {  	v11 =	vld.idx.msk [tilespmem:v4+s31+$0x0], $0xffff;
	[tilespmem:s17+$0x14250] =	vst v12  }
0x454: {  	v12 =	vld.idx.msk [tilespmem:v5+s31+$0x0], $0xffff;
	[tilespmem:s17+$0x14260] =	vst v13  }
0x455: {  	[tilespmem:s17+$0x14280] =	vst v14;
	v13 =	vld.idx.msk [tilespmem:v6+s31+$0x0], $0xffff  }
0x456: {  	v14 =	vld.idx.msk [tilespmem:v0+s31+$0x0], $0xffff;
	[tilespmem:s17+$0x14370] =	vst v8  }
0x457: {  	[tilespmem:s17+$0x14290] =	vst v9;
	v8 =	vld.idx.msk [tilespmem:v7+s1+$0x0], $0xffff  }
0x458: {  	v9 =	vld.idx.msk [tilespmem:v1+s0+$0x0], $0xffff;
	[tilespmem:s17+$0x142A0] =	vst v10  }
0x459: {  	v10 =	vld.idx.msk [tilespmem:v2+s0+$0x0], $0xffff;
	[tilespmem:s17+$0x142B0] =	vst v11  }
0x45a: {  	v11 =	vld.idx.msk [tilespmem:v3+s0+$0x0], $0xffff;
	[tilespmem:s17+$0x142C0] =	vst v12  }
0x45b: {  	v12 =	vld.idx.msk [tilespmem:v4+s0+$0x0], $0xffff;
	[tilespmem:s17+$0x142D0] =	vst v13  }
0x45c: {  	v13 =	vld.idx.msk [tilespmem:v5+s0+$0x0], $0xffff;
	[tilespmem:s17+$0x142E0] =	vst v14  }
0x45d: {  	v14 =	vld.idx.msk [tilespmem:v6+s0+$0x0], $0xffff;
	[tilespmem:s17+$0x143F0] =	vst v8  }
0x45e: {  	[tilespmem:s17+$0x14300] =	vst v9;
	v8 =	vld.idx.msk [tilespmem:v7+s4+$0x0], $0xffff  }
0x45f: {  	[tilespmem:s17+$0x14310] =	vst v10;
	v9 =	vld.idx.msk [tilespmem:v0+s0+$0x0], $0xffff  }
0x460: {  	v10 =	vld.idx.msk [tilespmem:v1+s1+$0x0], $0xffff;
	[tilespmem:s17+$0x14320] =	vst v11  }
0x461: {  	v11 =	vld.idx.msk [tilespmem:v2+s1+$0x0], $0xffff;
	[tilespmem:s17+$0x14330] =	vst v12  }
0x462: {  	v12 =	vld.idx.msk [tilespmem:v3+s1+$0x0], $0xffff;
	[tilespmem:s17+$0x14340] =	vst v13  }
0x463: {  	v13 =	vld.idx.msk [tilespmem:v4+s1+$0x0], $0xffff;
	[tilespmem:s17+$0x14350] =	vst v14  }
0x464: {  	v14 =	vld.idx.msk [tilespmem:v5+s1+$0x0], $0xffff;
	[tilespmem:s17+$0x18070] =	vst v8  }
0x465: {  	[tilespmem:s17+$0x14360] =	vst v9;
	v8 =	vld.idx.msk [tilespmem:v7+s23+$0x0], $0xffff  }
0x466: {  	[tilespmem:s17+$0x14380] =	vst v10;
	v9 =	vld.idx.msk [tilespmem:v6+s1+$0x0], $0xffff  }
0x467: {  	[tilespmem:s17+$0x14390] =	vst v11;
	v10 =	vld.idx.msk [tilespmem:v0+s1+$0x0], $0xffff  }
0x468: {  	v11 =	vld.idx.msk [tilespmem:v1+s4+$0x0], $0xffff;
	[tilespmem:s17+$0x143A0] =	vst v12  }
0x469: {  	v12 =	vld.idx.msk [tilespmem:v2+s4+$0x0], $0xffff;
	[tilespmem:s17+$0x143B0] =	vst v13  }
0x46a: {  	v13 =	vld.idx.msk [tilespmem:v3+s4+$0x0], $0xffff;
	[tilespmem:s17+$0x143C0] =	vst v14  }
0x46b: {  	v14 =	vld.idx.msk [tilespmem:v4+s4+$0x0], $0xffff;
	[tilespmem:s17+$0x180F0] =	vst v8  }
0x46c: {  	[tilespmem:s17+$0x143D0] =	vst v9;
	v8 =	vld.idx.msk [tilespmem:v7+s25+$0x0], $0xffff  }
0x46d: {  	v9 =	vld.idx.msk [tilespmem:v5+s4+$0x0], $0xffff;
	[tilespmem:s17+$0x143E0] =	vst v10  }
0x46e: {  	[tilespmem:s17+$0x18000] =	vst v11;
	v10 =	vld.idx.msk [tilespmem:v6+s4+$0x0], $0xffff  }
0x46f: {  	[tilespmem:s17+$0x18010] =	vst v12;
	v11 =	vld.idx.msk [tilespmem:v0+s4+$0x0], $0xffff  }
0x470: {  	v12 =	vld.idx.msk [tilespmem:v1+s23+$0x0], $0xffff;
	[tilespmem:s17+$0x18020] =	vst v13  }
0x471: {  	v13 =	vld.idx.msk [tilespmem:v2+s23+$0x0], $0xffff;
	[tilespmem:s17+$0x18030] =	vst v14  }
0x472: {  	v14 =	vld.idx.msk [tilespmem:v3+s23+$0x0], $0xffff;
	[tilespmem:s17+$0x18170] =	vst v8  }
0x473: {  	[tilespmem:s17+$0x18040] =	vst v9;
	v8 =	vld.idx.msk [tilespmem:v7+s2+$0x0], $0xffff  }
0x474: {  	v9 =	vld.idx.msk [tilespmem:v4+s23+$0x0], $0xffff;
	[tilespmem:s17+$0x18050] =	vst v10  }
0x475: {  	v10 =	vld.idx.msk [tilespmem:v5+s23+$0x0], $0xffff;
	[tilespmem:s17+$0x18060] =	vst v11  }
0x476: {  	[tilespmem:s17+$0x18080] =	vst v12;
	v11 =	vld.idx.msk [tilespmem:v6+s23+$0x0], $0xffff  }
0x477: {  	[tilespmem:s17+$0x18090] =	vst v13;
	v12 =	vld.idx.msk [tilespmem:v0+s23+$0x0], $0xffff  }
0x478: {  	v13 =	vld.idx.msk [tilespmem:v1+s25+$0x0], $0xffff;
	[tilespmem:s17+$0x180A0] =	vst v14  }
0x479: {  	v14 =	vld.idx.msk [tilespmem:v2+s25+$0x0], $0xffff;
	[tilespmem:s17+$0x181F0] =	vst v8  }
0x47a: {  	[tilespmem:s17+$0x180B0] =	vst v9;
	v8 =	vld.idx.msk [tilespmem:v7+s6+$0x0], $0xffff  }
0x47b: {  	v9 =	vld.idx.msk [tilespmem:v3+s25+$0x0], $0xffff;
	[tilespmem:s17+$0x180C0] =	vst v10  }
0x47c: {  	v10 =	vld.idx.msk [tilespmem:v4+s25+$0x0], $0xffff;
	[tilespmem:s17+$0x180D0] =	vst v11  }
0x47d: {  	v11 =	vld.idx.msk [tilespmem:v5+s25+$0x0], $0xffff;
	[tilespmem:s17+$0x180E0] =	vst v12  }
0x47e: {  	[tilespmem:s17+$0x18100] =	vst v13;
	v12 =	vld.idx.msk [tilespmem:v6+s25+$0x0], $0xffff  }
0x47f: {  	[tilespmem:s17+$0x18110] =	vst v14;
	v13 =	vld.idx.msk [tilespmem:v0+s25+$0x0], $0xffff  }
0x480: {  	v14 =	vld.idx.msk [tilespmem:v1+s2+$0x0], $0xffff;
	[tilespmem:s17+$0x18270] =	vst v8  }
0x481: {  	[tilespmem:s17+$0x18120] =	vst v9;
	v8 =	vld.idx.msk [tilespmem:v7+s7+$0x0], $0xffff  }
0x482: {  	v9 =	vld.idx.msk [tilespmem:v2+s2+$0x0], $0xffff;
	[tilespmem:s17+$0x18130] =	vst v10  }
0x483: {  	v10 =	vld.idx.msk [tilespmem:v3+s2+$0x0], $0xffff;
	[tilespmem:s17+$0x18140] =	vst v11  }
0x484: {  	v11 =	vld.idx.msk [tilespmem:v4+s2+$0x0], $0xffff;
	[tilespmem:s17+$0x18150] =	vst v12  }
0x485: {  	v12 =	vld.idx.msk [tilespmem:v5+s2+$0x0], $0xffff;
	[tilespmem:s17+$0x18160] =	vst v13  }
0x486: {  	[tilespmem:s17+$0x18180] =	vst v14;
	v13 =	vld.idx.msk [tilespmem:v6+s2+$0x0], $0xffff  }
0x487: {  	v14 =	vld.idx.msk [tilespmem:v0+s2+$0x0], $0xffff;
	[tilespmem:s17+$0x182F0] =	vst v8  }
0x488: {  	[tilespmem:s17+$0x18190] =	vst v9;
	v8 =	vld.idx.msk [tilespmem:v7+s8+$0x0], $0xffff  }
0x489: {  	v9 =	vld.idx.msk [tilespmem:v1+s6+$0x0], $0xffff;
	[tilespmem:s17+$0x181A0] =	vst v10  }
0x48a: {  	v10 =	vld.idx.msk [tilespmem:v2+s6+$0x0], $0xffff;
	[tilespmem:s17+$0x181B0] =	vst v11  }
0x48b: {  	v11 =	vld.idx.msk [tilespmem:v3+s6+$0x0], $0xffff;
	[tilespmem:s17+$0x181C0] =	vst v12  }
0x48c: {  	v12 =	vld.idx.msk [tilespmem:v4+s6+$0x0], $0xffff;
	[tilespmem:s17+$0x181D0] =	vst v13  }
0x48d: {  	v13 =	vld.idx.msk [tilespmem:v5+s6+$0x0], $0xffff;
	[tilespmem:s17+$0x181E0] =	vst v14  }
0x48e: {  	v14 =	vld.idx.msk [tilespmem:v6+s6+$0x0], $0xffff;
	[tilespmem:s17+$0x18370] =	vst v8  }
0x48f: {  	[tilespmem:s17+$0x18200] =	vst v9;
	v7 =	vld.idx.msk [tilespmem:v7+s9+$0x0], $0xffff  }
0x490: {  	[tilespmem:s17+$0x18210] =	vst v10;
	v8 =	vld.idx.msk [tilespmem:v0+s6+$0x0], $0xffff  }
0x491: {  	v9 =	vld.idx.msk [tilespmem:v1+s7+$0x0], $0xffff;
	[tilespmem:s17+$0x18220] =	vst v11  }
0x492: {  	v10 =	vld.idx.msk [tilespmem:v2+s7+$0x0], $0xffff;
	[tilespmem:s17+$0x18230] =	vst v12  }
0x493: {  	v11 =	vld.idx.msk [tilespmem:v3+s7+$0x0], $0xffff;
	[tilespmem:s17+$0x18240] =	vst v13  }
0x494: {  	v12 =	vld.idx.msk [tilespmem:v4+s7+$0x0], $0xffff;
	[tilespmem:s17+$0x18250] =	vst v14  }
0x495: {  	v13 =	vld.idx.msk [tilespmem:v5+s7+$0x0], $0xffff;
	[tilespmem:s17+$0x183F0] =	vst v7  }
0x496: {  	v7 =	vld.idx.msk [tilespmem:v6+s7+$0x0], $0xffff;
	[tilespmem:s17+$0x18260] =	vst v8  }
0x497: {  	[tilespmem:s17+$0x18280] =	vst v9;
	v8 =	vld.idx.msk [tilespmem:v0+s7+$0x0], $0xffff  }
0x498: {  	v9 =	vld.idx.msk [tilespmem:v1+s8+$0x0], $0xffff;
	[tilespmem:s17+$0x18290] =	vst v10  }
0x499: {  	v10 =	vld.idx.msk [tilespmem:v2+s8+$0x0], $0xffff;
	[tilespmem:s17+$0x182A0] =	vst v11  }
0x49a: {  	v11 =	vld.idx.msk [tilespmem:v3+s8+$0x0], $0xffff;
	[tilespmem:s17+$0x182B0] =	vst v12  }
0x49b: {  	v12 =	vld.idx.msk [tilespmem:v4+s8+$0x0], $0xffff;
	[tilespmem:s17+$0x182C0] =	vst v13  }
0x49c: {  	v13 =	vld.idx.msk [tilespmem:v5+s8+$0x0], $0xffff;
	[tilespmem:s17+$0x182D0] =	vst v7  }
0x49d: {  	v14 =	vld.idx.msk [tilespmem:v6+s8+$0x0], $0xffff;
	[tilespmem:s17+$0x182E0] =	vst v8  }
0x49e: {  	[tilespmem:s17+$0x18300] =	vst v9;
	v15 =	vld.idx.msk [tilespmem:v0+s8+$0x0], $0xffff  }
0x49f: {  	v7 =	vld.idx.msk [tilespmem:v1+s9+$0x0], $0xffff;
	[tilespmem:s17+$0x18310] =	vst v10  }
.Ltmp3:
0x4a0: {  	v8 =	vld.idx.msk [tilespmem:v2+s9+$0x0], $0xffff;
	[tilespmem:s17+$0x18320] =	vst v11;
	(pc) =	sbr.rel @p0 .LBB2_9-.Ltmp3, $4  }
0x4a1: {  	v9 =	vld.idx.msk [tilespmem:v3+s9+$0x0], $0xffff;
	[tilespmem:s17+$0x18330] =	vst v12  }
0x4a2: {  	v3 =	vld.idx.msk [tilespmem:v4+s9+$0x0], $0xffff;
	[tilespmem:s17+$0x18340] =	vst v13  }
0x4a3: {  	v4 =	vld.idx.msk [tilespmem:v5+s9+$0x0], $0xffff;
	[tilespmem:s17+$0x18350] =	vst v14  }
0x4a4: {  	s21 =	sadd.s32 $0x1000, s21;
	v5 =	vld.idx.msk [tilespmem:v6+s9+$0x0], $0xffff;
	[tilespmem:s17+$0x18360] =	vst v15  }
0x4a5: {  	_ =	sdelay $0x2  }
0x4a6: {  	[tilespmem:s17+$0x18380] =	vst v7  }
0x4a7: {  	v0 =	vld.idx.msk [tilespmem:v0+s9+$0x0], $0xffff;
	[tilespmem:s17+$0x18390] =	vst v8  }
0x4a8: {  	[tilespmem:s17+$0x183A0] =	vst v9  }
0x4a9: {  	[tilespmem:s17+$0x183B0] =	vst v3  }
0x4aa: {  	[tilespmem:s17+$0x183C0] =	vst v4  }
0x4ab: {  	[tilespmem:s17+$0x183D0] =	vst v5  }
0x4ac: {  	s20 =	simm.s32 $0x0;
	[tilespmem:s17+$0x183E0] =	vst v0  }
0x4ad: {  	[hbm4b:s18+s20] =	stream.linear.scatter [tilespmem:s11], [sflag:$0x2], $0x4000, $0x38;
	[tilespmem:$0x1C000] =	vst v63  }
0x4ae: {  	_ = 	snop  }
0x4af: {  	[hbm4b:s19+s20] =	stream.linear.scatter [tilespmem:s12], [sflag:$0x2], $0x4000, $0x38;
	[tilespmem:$0x1C000] =	vst v63  }
0x4b0: {  	_ =	swait.ge [sflag:s13], $0x4000  }
0x4b1: {  	[sflag:s13] =	ssyncset.done $0x0  }
0x4b2: {  	[sflag:s13] =	ssyncadd.s32 $0xFFFFC000  }
0x4b3: {  	_ =	swait.ge [sflag:s13], $0x4000  }
0x4b4: {  	[sflag:s13] =	ssyncset.done $0x0  }
0x4b5: {  	s17 =	simm.s32 $0x0;
	[sflag:s13] =	ssyncadd.s32 $0xFFFFC000  }
0x4b6: {  	v7 =	vld [tilespmem:s17+$0x8270]  }
0x4b7: {  	v6 =	vld [tilespmem:s17+$0x8200]  }
0x4b8: {  	v5 =	vld [tilespmem:s17+$0x8210]  }
0x4b9: {  	v4 =	vld [tilespmem:s17+$0x8220]  }
0x4ba: {  	v3 =	vld [tilespmem:s17+$0x8230]  }
0x4bb: {  	v2 =	vld [tilespmem:s17+$0x8240]  }
0x4bc: {  	v1 =	vld [tilespmem:s17+$0x8250]  }
0x4bd: {  	v0 =	vld [tilespmem:s17+$0x8260]  }
0x4be: {  	v8 =	vld.idx.msk [tilespmem:v7+s3+$0x0], $0xffff  }
0x4bf: {  	v9 =	vld.idx.msk [tilespmem:v6+s3+$0x0], $0xffff  }
0x4c0: {  	v10 =	vld.idx.msk [tilespmem:v5+s3+$0x0], $0xffff  }
0x4c1: {  	v11 =	vld.idx.msk [tilespmem:v4+s3+$0x0], $0xffff  }
0x4c2: {  	v12 =	vld.idx.msk [tilespmem:v3+s3+$0x0], $0xffff  }
0x4c3: {  	v13 =	vld.idx.msk [tilespmem:v2+s3+$0x0], $0xffff;
	[tilespmem:s17+$0xC070] =	vst v8  }
0x4c4: {  	v14 =	vld.idx.msk [tilespmem:v1+s3+$0x0], $0xffff;
	[tilespmem:s17+$0xC000] =	vst v9  }
0x4c5: {  	[tilespmem:s17+$0xC010] =	vst v10;
	v9 =	vld.idx.msk [tilespmem:v0+s3+$0x0], $0xffff  }
0x4c6: {  	[tilespmem:s17+$0xC020] =	vst v11;
	v8 =	vld.idx.msk [tilespmem:v7+s26+$0x0], $0xffff  }
0x4c7: {  	[tilespmem:s17+$0xC030] =	vst v12;
	v10 =	vld.idx.msk [tilespmem:v6+s26+$0x0], $0xffff  }
0x4c8: {  	[tilespmem:s17+$0xC040] =	vst v13;
	v11 =	vld.idx.msk [tilespmem:v5+s26+$0x0], $0xffff  }
0x4c9: {  	[tilespmem:s17+$0xC050] =	vst v14;
	v22 =	vld.idx.msk [tilespmem:v4+s26+$0x0], $0xffff  }
0x4ca: {  	v23 =	vld.idx.msk [tilespmem:v3+s26+$0x0], $0xffff;
	[tilespmem:s17+$0xC060] =	vst v9  }
0x4cb: {  	v24 =	vld.idx.msk [tilespmem:v2+s26+$0x0], $0xffff;
	[tilespmem:s17+$0xC0F0] =	vst v8  }
0x4cc: {  	v9 =	vld.idx.msk [tilespmem:v1+s26+$0x0], $0xffff;
	[tilespmem:s17+$0xC080] =	vst v10  }
0x4cd: {  	[tilespmem:s17+$0xC090] =	vst v11;
	v10 =	vld.idx.msk [tilespmem:v0+s26+$0x0], $0xffff  }
0x4ce: {  	[tilespmem:s17+$0xC0A0] =	vst v22;
	v8 =	vld.idx.msk [tilespmem:v7+s28+$0x0], $0xffff  }
0x4cf: {  	[tilespmem:s17+$0xC0B0] =	vst v23;
	v11 =	vld.idx.msk [tilespmem:v6+s28+$0x0], $0xffff  }
0x4d0: {  	[tilespmem:s17+$0xC0C0] =	vst v24;
	v25 =	vld.idx.msk [tilespmem:v5+s28+$0x0], $0xffff  }
0x4d1: {  	v26 =	vld.idx.msk [tilespmem:v4+s28+$0x0], $0xffff;
	[tilespmem:s17+$0xC0D0] =	vst v9  }
0x4d2: {  	v27 =	vld.idx.msk [tilespmem:v3+s28+$0x0], $0xffff;
	[tilespmem:s17+$0xC0E0] =	vst v10  }
0x4d3: {  	v9 =	vld.idx.msk [tilespmem:v2+s28+$0x0], $0xffff;
	[tilespmem:s17+$0xC170] =	vst v8  }
0x4d4: {  	v10 =	vld.idx.msk [tilespmem:v1+s28+$0x0], $0xffff;
	[tilespmem:s17+$0xC100] =	vst v11  }
0x4d5: {  	[tilespmem:s17+$0xC110] =	vst v25;
	v11 =	vld.idx.msk [tilespmem:v0+s28+$0x0], $0xffff  }
0x4d6: {  	[tilespmem:s17+$0xC120] =	vst v26;
	v8 =	vld.idx.msk [tilespmem:v7+s29+$0x0], $0xffff  }
0x4d7: {  	[tilespmem:s17+$0xC130] =	vst v27;
	v28 =	vld.idx.msk [tilespmem:v6+s29+$0x0], $0xffff  }
0x4d8: {  	v29 =	vld.idx.msk [tilespmem:v5+s29+$0x0], $0xffff;
	[tilespmem:s17+$0xC140] =	vst v9  }
0x4d9: {  	v30 =	vld.idx.msk [tilespmem:v4+s29+$0x0], $0xffff;
	[tilespmem:s17+$0xC150] =	vst v10  }
0x4da: {  	v9 =	vld.idx.msk [tilespmem:v3+s29+$0x0], $0xffff;
	[tilespmem:s17+$0xC160] =	vst v11  }
0x4db: {  	v10 =	vld.idx.msk [tilespmem:v2+s29+$0x0], $0xffff;
	[tilespmem:s17+$0xC1F0] =	vst v8  }
0x4dc: {  	v11 =	vld.idx.msk [tilespmem:v1+s29+$0x0], $0xffff;
	[tilespmem:s17+$0xC180] =	vst v28  }
0x4dd: {  	[tilespmem:s17+$0xC190] =	vst v29;
	v31 =	vld.idx.msk [tilespmem:v0+s29+$0x0], $0xffff  }
0x4de: {  	[tilespmem:s17+$0xC1A0] =	vst v30;
	v8 =	vld.idx.msk [tilespmem:v7+s30+$0x0], $0xffff  }
0x4df: {  	v32 =	vld.idx.msk [tilespmem:v6+s30+$0x0], $0xffff;
	[tilespmem:s17+$0xC1B0] =	vst v9  }
0x4e0: {  	v33 =	vld.idx.msk [tilespmem:v5+s30+$0x0], $0xffff;
	[tilespmem:s17+$0xC1C0] =	vst v10  }
0x4e1: {  	v9 =	vld.idx.msk [tilespmem:v4+s30+$0x0], $0xffff;
	[tilespmem:s17+$0xC1D0] =	vst v11  }
0x4e2: {  	v10 =	vld.idx.msk [tilespmem:v3+s30+$0x0], $0xffff;
	[tilespmem:s17+$0xC1E0] =	vst v31  }
0x4e3: {  	v11 =	vld.idx.msk [tilespmem:v2+s30+$0x0], $0xffff;
	[tilespmem:s17+$0xC270] =	vst v8  }
0x4e4: {  	v34 =	vld.idx.msk [tilespmem:v1+s30+$0x0], $0xffff;
	[tilespmem:s17+$0xC200] =	vst v32  }
0x4e5: {  	[tilespmem:s17+$0xC210] =	vst v33;
	v35 =	vld.idx.msk [tilespmem:v0+s30+$0x0], $0xffff  }
0x4e6: {  	v8 =	vld.idx.msk [tilespmem:v7+s31+$0x0], $0xffff;
	[tilespmem:s17+$0xC220] =	vst v9  }
0x4e7: {  	v36 =	vld.idx.msk [tilespmem:v6+s31+$0x0], $0xffff;
	[tilespmem:s17+$0xC230] =	vst v10  }
0x4e8: {  	v9 =	vld.idx.msk [tilespmem:v5+s31+$0x0], $0xffff;
	[tilespmem:s17+$0xC240] =	vst v11  }
0x4e9: {  	v10 =	vld.idx.msk [tilespmem:v4+s31+$0x0], $0xffff;
	[tilespmem:s17+$0xC250] =	vst v34  }
0x4ea: {  	v11 =	vld.idx.msk [tilespmem:v3+s31+$0x0], $0xffff;
	[tilespmem:s17+$0xC260] =	vst v35  }
0x4eb: {  	v37 =	vld.idx.msk [tilespmem:v2+s31+$0x0], $0xffff;
	[tilespmem:s17+$0xC2F0] =	vst v8  }
0x4ec: {  	v38 =	vld.idx.msk [tilespmem:v1+s31+$0x0], $0xffff;
	[tilespmem:s17+$0xC280] =	vst v36  }
0x4ed: {  	v39 =	vld.idx.msk [tilespmem:v0+s31+$0x0], $0xffff;
	[tilespmem:s17+$0xC290] =	vst v9  }
0x4ee: {  	v8 =	vld.idx.msk [tilespmem:v7+s0+$0x0], $0xffff;
	[tilespmem:s17+$0xC2A0] =	vst v10  }
0x4ef: {  	v9 =	vld.idx.msk [tilespmem:v6+s0+$0x0], $0xffff;
	[tilespmem:s17+$0xC2B0] =	vst v11  }
0x4f0: {  	v10 =	vld.idx.msk [tilespmem:v5+s0+$0x0], $0xffff;
	[tilespmem:s17+$0xC2C0] =	vst v37  }
0x4f1: {  	v11 =	vld.idx.msk [tilespmem:v4+s0+$0x0], $0xffff;
	[tilespmem:s17+$0xC2D0] =	vst v38  }
0x4f2: {  	v40 =	vld.idx.msk [tilespmem:v3+s0+$0x0], $0xffff;
	[tilespmem:s17+$0xC2E0] =	vst v39  }
0x4f3: {  	v41 =	vld.idx.msk [tilespmem:v2+s0+$0x0], $0xffff;
	[tilespmem:s17+$0xC370] =	vst v8  }
0x4f4: {  	v42 =	vld.idx.msk [tilespmem:v1+s0+$0x0], $0xffff;
	[tilespmem:s17+$0xC300] =	vst v9  }
0x4f5: {  	[tilespmem:s17+$0xC310] =	vst v10;
	v9 =	vld.idx.msk [tilespmem:v0+s0+$0x0], $0xffff  }
0x4f6: {  	v8 =	vld.idx.msk [tilespmem:v7+s1+$0x0], $0xffff;
	[tilespmem:s17+$0xC320] =	vst v11  }
0x4f7: {  	v10 =	vld.idx.msk [tilespmem:v6+s1+$0x0], $0xffff;
	[tilespmem:s17+$0xC330] =	vst v40  }
0x4f8: {  	v11 =	vld.idx.msk [tilespmem:v5+s1+$0x0], $0xffff;
	[tilespmem:s17+$0xC340] =	vst v41  }
0x4f9: {  	v43 =	vld.idx.msk [tilespmem:v4+s1+$0x0], $0xffff;
	[tilespmem:s17+$0xC350] =	vst v42  }
0x4fa: {  	v44 =	vld.idx.msk [tilespmem:v3+s1+$0x0], $0xffff;
	[tilespmem:s17+$0xC360] =	vst v9  }
0x4fb: {  	v45 =	vld.idx.msk [tilespmem:v2+s1+$0x0], $0xffff;
	[tilespmem:s17+$0xC3F0] =	vst v8  }
0x4fc: {  	v9 =	vld.idx.msk [tilespmem:v1+s1+$0x0], $0xffff;
	[tilespmem:s17+$0xC380] =	vst v10  }
0x4fd: {  	[tilespmem:s17+$0xC390] =	vst v11;
	v10 =	vld.idx.msk [tilespmem:v0+s1+$0x0], $0xffff  }
0x4fe: {  	v8 =	vld.idx.msk [tilespmem:v7+s4+$0x0], $0xffff;
	[tilespmem:s17+$0xC3A0] =	vst v43  }
0x4ff: {  	v11 =	vld.idx.msk [tilespmem:v6+s4+$0x0], $0xffff;
	[tilespmem:s17+$0xC3B0] =	vst v44  }
0x500: {  	v46 =	vld.idx.msk [tilespmem:v5+s4+$0x0], $0xffff;
	[tilespmem:s17+$0xC3C0] =	vst v45  }
0x501: {  	v47 =	vld.idx.msk [tilespmem:v4+s4+$0x0], $0xffff;
	[tilespmem:s17+$0xC3D0] =	vst v9  }
0x502: {  	v48 =	vld.idx.msk [tilespmem:v3+s4+$0x0], $0xffff;
	[tilespmem:s17+$0xC3E0] =	vst v10  }
0x503: {  	v9 =	vld.idx.msk [tilespmem:v2+s4+$0x0], $0xffff;
	[tilespmem:s17+$0x10070] =	vst v8  }
0x504: {  	v10 =	vld.idx.msk [tilespmem:v1+s4+$0x0], $0xffff;
	[tilespmem:s17+$0x10000] =	vst v11  }
0x505: {  	[tilespmem:s17+$0x10010] =	vst v46;
	v11 =	vld.idx.msk [tilespmem:v0+s4+$0x0], $0xffff  }
0x506: {  	v8 =	vld.idx.msk [tilespmem:v7+s23+$0x0], $0xffff;
	[tilespmem:s17+$0x10020] =	vst v47  }
0x507: {  	v49 =	vld.idx.msk [tilespmem:v6+s23+$0x0], $0xffff;
	[tilespmem:s17+$0x10030] =	vst v48  }
0x508: {  	v50 =	vld.idx.msk [tilespmem:v5+s23+$0x0], $0xffff;
	[tilespmem:s17+$0x10040] =	vst v9  }
0x509: {  	v51 =	vld.idx.msk [tilespmem:v4+s23+$0x0], $0xffff;
	[tilespmem:s17+$0x10050] =	vst v10  }
0x50a: {  	v9 =	vld.idx.msk [tilespmem:v3+s23+$0x0], $0xffff;
	[tilespmem:s17+$0x10060] =	vst v11  }
0x50b: {  	v10 =	vld.idx.msk [tilespmem:v2+s23+$0x0], $0xffff;
	[tilespmem:s17+$0x100F0] =	vst v8  }
0x50c: {  	[tilespmem:s17+$0x10080] =	vst v49;
	v8 =	vld.idx.msk [tilespmem:v7+s25+$0x0], $0xffff  }
0x50d: {  	v11 =	vld.idx.msk [tilespmem:v1+s23+$0x0], $0xffff;
	[tilespmem:s17+$0x10090] =	vst v50  }
0x50e: {  	v52 =	vld.idx.msk [tilespmem:v0+s23+$0x0], $0xffff;
	[tilespmem:s17+$0x100A0] =	vst v51  }
0x50f: {  	v53 =	vld.idx.msk [tilespmem:v6+s25+$0x0], $0xffff;
	[tilespmem:s17+$0x100B0] =	vst v9  }
0x510: {  	v54 =	vld.idx.msk [tilespmem:v5+s25+$0x0], $0xffff;
	[tilespmem:s17+$0x100C0] =	vst v10  }
0x511: {  	v9 =	vld.idx.msk [tilespmem:v4+s25+$0x0], $0xffff;
	[tilespmem:s17+$0x10170] =	vst v8  }
0x512: {  	[tilespmem:s17+$0x100D0] =	vst v11;
	v8 =	vld.idx.msk [tilespmem:v7+s2+$0x0], $0xffff  }
0x513: {  	v10 =	vld.idx.msk [tilespmem:v3+s25+$0x0], $0xffff;
	[tilespmem:s17+$0x100E0] =	vst v52  }
0x514: {  	v11 =	vld.idx.msk [tilespmem:v2+s25+$0x0], $0xffff;
	[tilespmem:s17+$0x10100] =	vst v53  }
0x515: {  	v55 =	vld.idx.msk [tilespmem:v1+s25+$0x0], $0xffff;
	[tilespmem:s17+$0x10110] =	vst v54  }
0x516: {  	v56 =	vld.idx.msk [tilespmem:v0+s25+$0x0], $0xffff;
	[tilespmem:s17+$0x10120] =	vst v9  }
0x517: {  	v57 =	vld.idx.msk [tilespmem:v6+s2+$0x0], $0xffff;
	[tilespmem:s17+$0x101F0] =	vst v8  }
0x518: {  	[tilespmem:s17+$0x10130] =	vst v10;
	v8 =	vld.idx.msk [tilespmem:v7+s6+$0x0], $0xffff  }
0x519: {  	v9 =	vld.idx.msk [tilespmem:v5+s2+$0x0], $0xffff;
	[tilespmem:s17+$0x10140] =	vst v11  }
0x51a: {  	v10 =	vld.idx.msk [tilespmem:v4+s2+$0x0], $0xffff;
	[tilespmem:s17+$0x10150] =	vst v55  }
0x51b: {  	v11 =	vld.idx.msk [tilespmem:v3+s2+$0x0], $0xffff;
	[tilespmem:s17+$0x10160] =	vst v56  }
0x51c: {  	v58 =	vld.idx.msk [tilespmem:v2+s2+$0x0], $0xffff;
	[tilespmem:s17+$0x10180] =	vst v57  }
0x51d: {  	v59 =	vld.idx.msk [tilespmem:v1+s2+$0x0], $0xffff;
	[tilespmem:s17+$0x10270] =	vst v8  }
0x51e: {  	[tilespmem:s17+$0x10190] =	vst v9;
	v8 =	vld.idx.msk [tilespmem:v7+s7+$0x0], $0xffff  }
0x51f: {  	v60 =	vld.idx.msk [tilespmem:v0+s2+$0x0], $0xffff;
	[tilespmem:s17+$0x101A0] =	vst v10  }
0x520: {  	v9 =	vld.idx.msk [tilespmem:v6+s6+$0x0], $0xffff;
	[tilespmem:s17+$0x101B0] =	vst v11  }
0x521: {  	v10 =	vld.idx.msk [tilespmem:v5+s6+$0x0], $0xffff;
	[tilespmem:s17+$0x101C0] =	vst v58  }
0x522: {  	v11 =	vld.idx.msk [tilespmem:v4+s6+$0x0], $0xffff;
	[tilespmem:s17+$0x101D0] =	vst v59  }
0x523: {  	v61 =	vld.idx.msk [tilespmem:v3+s6+$0x0], $0xffff;
	[tilespmem:s17+$0x102F0] =	vst v8  }
0x524: {  	[tilespmem:s17+$0x101E0] =	vst v60;
	v8 =	vld.idx.msk [tilespmem:v7+s8+$0x0], $0xffff  }
0x525: {  	v62 =	vld.idx.msk [tilespmem:v2+s6+$0x0], $0xffff;
	[tilespmem:s17+$0x10200] =	vst v9  }
0x526: {  	v63 =	vld.idx.msk [tilespmem:v1+s6+$0x0], $0xffff;
	[tilespmem:s17+$0x10210] =	vst v10  }
0x527: {  	v9 =	vld.idx.msk [tilespmem:v6+s7+$0x0], $0xffff;
	[tilespmem:s17+$0x10220] =	vst v11  }
0x528: {  	v10 =	vld.idx.msk [tilespmem:v5+s7+$0x0], $0xffff;
	[tilespmem:s17+$0x10230] =	vst v61  }
0x529: {  	v11 =	vld.idx.msk [tilespmem:v4+s7+$0x0], $0xffff;
	[tilespmem:s17+$0x10370] =	vst v8  }
0x52a: {  	[tilespmem:s17+$0x10240] =	vst v62;
	v7 =	vld.idx.msk [tilespmem:v7+s9+$0x0], $0xffff  }
0x52b: {  	[tilespmem:s17+$0x10250] =	vst v63;
	v8 =	vld.idx.msk [tilespmem:v0+s6+$0x0], $0xffff  }
0x52c: {  	v12 =	vld.idx.msk [tilespmem:v3+s7+$0x0], $0xffff;
	[tilespmem:s17+$0x10280] =	vst v9  }
0x52d: {  	v13 =	vld.idx.msk [tilespmem:v2+s7+$0x0], $0xffff;
	[tilespmem:s17+$0x10290] =	vst v10  }
0x52e: {  	v9 =	vld.idx.msk [tilespmem:v6+s8+$0x0], $0xffff;
	[tilespmem:s17+$0x102A0] =	vst v11  }
0x52f: {  	[tilespmem:s17+$0x103F0] =	vst v7;
	v7 =	vld.idx.msk [tilespmem:v1+s7+$0x0], $0xffff  }
0x530: {  	v11 =	vld.idx.msk [tilespmem:v4+s8+$0x0], $0xffff;
	[tilespmem:s17+$0x10260] =	vst v8  }
0x531: {  	[tilespmem:s17+$0x102B0] =	vst v12;
	v8 =	vld.idx.msk [tilespmem:v0+s7+$0x0], $0xffff  }
0x532: {  	v10 =	vld.idx.msk [tilespmem:v5+s8+$0x0], $0xffff;
	[tilespmem:s17+$0x102C0] =	vst v13  }
0x533: {  	v12 =	vld.idx.msk [tilespmem:v3+s8+$0x0], $0xffff;
	[tilespmem:s17+$0x10300] =	vst v9  }
0x534: {  	v13 =	vld.idx.msk [tilespmem:v2+s8+$0x0], $0xffff;
	[tilespmem:s17+$0x102D0] =	vst v7  }
0x535: {  	[tilespmem:s17+$0x10320] =	vst v11;
	v14 =	vld.idx.msk [tilespmem:v1+s8+$0x0], $0xffff  }
0x536: {  	v9 =	vld.idx.msk [tilespmem:v4+s9+$0x0], $0xffff;
	[tilespmem:s17+$0x102E0] =	vst v8  }
0x537: {  	[tilespmem:s17+$0x10310] =	vst v10;
	v15 =	vld.idx.msk [tilespmem:v0+s8+$0x0], $0xffff  }
0x538: {  	[tilespmem:s17+$0x10330] =	vst v12;
	v7 =	vld.idx.msk [tilespmem:v6+s9+$0x0], $0xffff  }
0x539: {  	[tilespmem:s17+$0x10340] =	vst v13;
	v8 =	vld.idx.msk [tilespmem:v5+s9+$0x0], $0xffff  }
0x53a: {  	v3 =	vld.idx.msk [tilespmem:v3+s9+$0x0], $0xffff;
	s21 =	rddreg [dreg:$0xf];
	[tilespmem:s17+$0x10350] =	vst v14  }
0x53b: {  	s20 =	simm.s32 $0x0;
	v4 =	vld.idx.msk [tilespmem:v2+s9+$0x0], $0xffff;
	s22 =	rddreg [dreg:$0x10]  }
0x53c: {  	s18 =	sadd.s32 s16, s21;
	s21 =	simm.s32 $0x1000;
	v5 =	vld.idx.msk [tilespmem:v1+s9+$0x0], $0xffff;
	[tilespmem:s17+$0x10360] =	vst v15;
	s19 =	sadd.s32 s16, s22  }
.LBB2_11:
0x53d: {  	s22 =	sshra.s32 s21, $0x2;
	s20 =	sadd.s32 $0x8, s20;
	[tilespmem:s17+$0x10380] =	vst v7;
	v0 =	vld.idx.msk [tilespmem:v0+s9+$0x0], $0xffff  }
0x53e: {  	v7 =	vld [tilespmem:s22+$0x8270];
	p0 =	slt.u32 s20, $0x78;
	[tilespmem:s17+$0x10390] =	vst v8  }
0x53f: {  	v1 =	vld [tilespmem:s22+$0x8200];
	[tilespmem:s17+$0x103A0] =	vst v9  }
0x540: {  	v2 =	vld [tilespmem:s22+$0x8210];
	[tilespmem:s17+$0x103B0] =	vst v3  }
0x541: {  	v3 =	vld [tilespmem:s22+$0x8220];
	[tilespmem:s17+$0x103C0] =	vst v4  }
0x542: {  	v4 =	vld [tilespmem:s22+$0x8230];
	[tilespmem:s17+$0x103D0] =	vst v5  }
0x543: {  	v5 =	vld [tilespmem:s22+$0x8240];
	[tilespmem:s17+$0x103E0] =	vst v0;
	s17 =	smov.u32 s22  }
0x544: {  	v6 =	vld [tilespmem:s17+$0x8250]  }
0x545: {  	v0 =	vld [tilespmem:s17+$0x8260]  }
0x546: {  	v8 =	vld.idx.msk [tilespmem:v7+s3+$0x0], $0xffff  }
0x547: {  	v9 =	vld.idx.msk [tilespmem:v1+s3+$0x0], $0xffff  }
0x548: {  	v10 =	vld.idx.msk [tilespmem:v2+s3+$0x0], $0xffff  }
0x549: {  	v11 =	vld.idx.msk [tilespmem:v3+s3+$0x0], $0xffff  }
0x54a: {  	v12 =	vld.idx.msk [tilespmem:v4+s3+$0x0], $0xffff  }
0x54b: {  	v13 =	vld.idx.msk [tilespmem:v5+s3+$0x0], $0xffff  }
0x54c: {  	v14 =	vld.idx.msk [tilespmem:v6+s3+$0x0], $0xffff;
	[tilespmem:s17+$0xC070] =	vst v8  }
0x54d: {  	[tilespmem:s17+$0xC000] =	vst v9;
	v8 =	vld.idx.msk [tilespmem:v7+s26+$0x0], $0xffff  }
0x54e: {  	[tilespmem:s17+$0xC010] =	vst v10;
	v9 =	vld.idx.msk [tilespmem:v0+s3+$0x0], $0xffff  }
0x54f: {  	v10 =	vld.idx.msk [tilespmem:v1+s26+$0x0], $0xffff;
	[tilespmem:s17+$0xC020] =	vst v11  }
0x550: {  	v11 =	vld.idx.msk [tilespmem:v2+s26+$0x0], $0xffff;
	[tilespmem:s17+$0xC030] =	vst v12  }
0x551: {  	v12 =	vld.idx.msk [tilespmem:v3+s26+$0x0], $0xffff;
	[tilespmem:s17+$0xC040] =	vst v13  }
0x552: {  	v13 =	vld.idx.msk [tilespmem:v4+s26+$0x0], $0xffff;
	[tilespmem:s17+$0xC050] =	vst v14  }
0x553: {  	v14 =	vld.idx.msk [tilespmem:v5+s26+$0x0], $0xffff;
	[tilespmem:s17+$0xC0F0] =	vst v8  }
0x554: {  	[tilespmem:s17+$0xC060] =	vst v9;
	v8 =	vld.idx.msk [tilespmem:v7+s28+$0x0], $0xffff  }
0x555: {  	[tilespmem:s17+$0xC080] =	vst v10;
	v9 =	vld.idx.msk [tilespmem:v6+s26+$0x0], $0xffff  }
0x556: {  	[tilespmem:s17+$0xC090] =	vst v11;
	v10 =	vld.idx.msk [tilespmem:v0+s26+$0x0], $0xffff  }
0x557: {  	v11 =	vld.idx.msk [tilespmem:v1+s28+$0x0], $0xffff;
	[tilespmem:s17+$0xC0A0] =	vst v12  }
0x558: {  	v12 =	vld.idx.msk [tilespmem:v2+s28+$0x0], $0xffff;
	[tilespmem:s17+$0xC0B0] =	vst v13  }
0x559: {  	v13 =	vld.idx.msk [tilespmem:v3+s28+$0x0], $0xffff;
	[tilespmem:s17+$0xC0C0] =	vst v14  }
0x55a: {  	v14 =	vld.idx.msk [tilespmem:v4+s28+$0x0], $0xffff;
	[tilespmem:s17+$0xC170] =	vst v8  }
0x55b: {  	[tilespmem:s17+$0xC0D0] =	vst v9;
	v8 =	vld.idx.msk [tilespmem:v7+s29+$0x0], $0xffff  }
0x55c: {  	v9 =	vld.idx.msk [tilespmem:v5+s28+$0x0], $0xffff;
	[tilespmem:s17+$0xC0E0] =	vst v10  }
0x55d: {  	[tilespmem:s17+$0xC100] =	vst v11;
	v10 =	vld.idx.msk [tilespmem:v6+s28+$0x0], $0xffff  }
0x55e: {  	[tilespmem:s17+$0xC110] =	vst v12;
	v11 =	vld.idx.msk [tilespmem:v0+s28+$0x0], $0xffff  }
0x55f: {  	v12 =	vld.idx.msk [tilespmem:v1+s29+$0x0], $0xffff;
	[tilespmem:s17+$0xC120] =	vst v13  }
0x560: {  	v13 =	vld.idx.msk [tilespmem:v2+s29+$0x0], $0xffff;
	[tilespmem:s17+$0xC130] =	vst v14  }
0x561: {  	v14 =	vld.idx.msk [tilespmem:v3+s29+$0x0], $0xffff;
	[tilespmem:s17+$0xC1F0] =	vst v8  }
0x562: {  	[tilespmem:s17+$0xC140] =	vst v9;
	v8 =	vld.idx.msk [tilespmem:v7+s30+$0x0], $0xffff  }
0x563: {  	v9 =	vld.idx.msk [tilespmem:v4+s29+$0x0], $0xffff;
	[tilespmem:s17+$0xC150] =	vst v10  }
0x564: {  	v10 =	vld.idx.msk [tilespmem:v5+s29+$0x0], $0xffff;
	[tilespmem:s17+$0xC160] =	vst v11  }
0x565: {  	[tilespmem:s17+$0xC180] =	vst v12;
	v11 =	vld.idx.msk [tilespmem:v6+s29+$0x0], $0xffff  }
0x566: {  	[tilespmem:s17+$0xC190] =	vst v13;
	v12 =	vld.idx.msk [tilespmem:v0+s29+$0x0], $0xffff  }
0x567: {  	v13 =	vld.idx.msk [tilespmem:v1+s30+$0x0], $0xffff;
	[tilespmem:s17+$0xC1A0] =	vst v14  }
0x568: {  	v14 =	vld.idx.msk [tilespmem:v2+s30+$0x0], $0xffff;
	[tilespmem:s17+$0xC270] =	vst v8  }
0x569: {  	[tilespmem:s17+$0xC1B0] =	vst v9;
	v8 =	vld.idx.msk [tilespmem:v7+s31+$0x0], $0xffff  }
0x56a: {  	v9 =	vld.idx.msk [tilespmem:v3+s30+$0x0], $0xffff;
	[tilespmem:s17+$0xC1C0] =	vst v10  }
0x56b: {  	v10 =	vld.idx.msk [tilespmem:v4+s30+$0x0], $0xffff;
	[tilespmem:s17+$0xC1D0] =	vst v11  }
0x56c: {  	v11 =	vld.idx.msk [tilespmem:v5+s30+$0x0], $0xffff;
	[tilespmem:s17+$0xC1E0] =	vst v12  }
0x56d: {  	[tilespmem:s17+$0xC200] =	vst v13;
	v12 =	vld.idx.msk [tilespmem:v6+s30+$0x0], $0xffff  }
0x56e: {  	[tilespmem:s17+$0xC210] =	vst v14;
	v13 =	vld.idx.msk [tilespmem:v0+s30+$0x0], $0xffff  }
0x56f: {  	v14 =	vld.idx.msk [tilespmem:v1+s31+$0x0], $0xffff;
	[tilespmem:s17+$0xC2F0] =	vst v8  }
0x570: {  	[tilespmem:s17+$0xC220] =	vst v9;
	v8 =	vld.idx.msk [tilespmem:v7+s0+$0x0], $0xffff  }
0x571: {  	v9 =	vld.idx.msk [tilespmem:v2+s31+$0x0], $0xffff;
	[tilespmem:s17+$0xC230] =	vst v10  }
0x572: {  	v10 =	vld.idx.msk [tilespmem:v3+s31+$0x0], $0xffff;
	[tilespmem:s17+$0xC240] =	vst v11  }
0x573: {  	v11 =	vld.idx.msk [tilespmem:v4+s31+$0x0], $0xffff;
	[tilespmem:s17+$0xC250] =	vst v12  }
0x574: {  	v12 =	vld.idx.msk [tilespmem:v5+s31+$0x0], $0xffff;
	[tilespmem:s17+$0xC260] =	vst v13  }
0x575: {  	[tilespmem:s17+$0xC280] =	vst v14;
	v13 =	vld.idx.msk [tilespmem:v6+s31+$0x0], $0xffff  }
0x576: {  	v14 =	vld.idx.msk [tilespmem:v0+s31+$0x0], $0xffff;
	[tilespmem:s17+$0xC370] =	vst v8  }
0x577: {  	[tilespmem:s17+$0xC290] =	vst v9;
	v8 =	vld.idx.msk [tilespmem:v7+s1+$0x0], $0xffff  }
0x578: {  	v9 =	vld.idx.msk [tilespmem:v1+s0+$0x0], $0xffff;
	[tilespmem:s17+$0xC2A0] =	vst v10  }
0x579: {  	v10 =	vld.idx.msk [tilespmem:v2+s0+$0x0], $0xffff;
	[tilespmem:s17+$0xC2B0] =	vst v11  }
0x57a: {  	v11 =	vld.idx.msk [tilespmem:v3+s0+$0x0], $0xffff;
	[tilespmem:s17+$0xC2C0] =	vst v12  }
0x57b: {  	v12 =	vld.idx.msk [tilespmem:v4+s0+$0x0], $0xffff;
	[tilespmem:s17+$0xC2D0] =	vst v13  }
0x57c: {  	v13 =	vld.idx.msk [tilespmem:v5+s0+$0x0], $0xffff;
	[tilespmem:s17+$0xC2E0] =	vst v14  }
0x57d: {  	v14 =	vld.idx.msk [tilespmem:v6+s0+$0x0], $0xffff;
	[tilespmem:s17+$0xC3F0] =	vst v8  }
0x57e: {  	[tilespmem:s17+$0xC300] =	vst v9;
	v8 =	vld.idx.msk [tilespmem:v7+s4+$0x0], $0xffff  }
0x57f: {  	[tilespmem:s17+$0xC310] =	vst v10;
	v9 =	vld.idx.msk [tilespmem:v0+s0+$0x0], $0xffff  }
0x580: {  	v10 =	vld.idx.msk [tilespmem:v1+s1+$0x0], $0xffff;
	[tilespmem:s17+$0xC320] =	vst v11  }
0x581: {  	v11 =	vld.idx.msk [tilespmem:v2+s1+$0x0], $0xffff;
	[tilespmem:s17+$0xC330] =	vst v12  }
0x582: {  	v12 =	vld.idx.msk [tilespmem:v3+s1+$0x0], $0xffff;
	[tilespmem:s17+$0xC340] =	vst v13  }
0x583: {  	v13 =	vld.idx.msk [tilespmem:v4+s1+$0x0], $0xffff;
	[tilespmem:s17+$0xC350] =	vst v14  }
0x584: {  	v14 =	vld.idx.msk [tilespmem:v5+s1+$0x0], $0xffff;
	[tilespmem:s17+$0x10070] =	vst v8  }
0x585: {  	[tilespmem:s17+$0xC360] =	vst v9;
	v8 =	vld.idx.msk [tilespmem:v7+s23+$0x0], $0xffff  }
0x586: {  	[tilespmem:s17+$0xC380] =	vst v10;
	v9 =	vld.idx.msk [tilespmem:v6+s1+$0x0], $0xffff  }
0x587: {  	[tilespmem:s17+$0xC390] =	vst v11;
	v10 =	vld.idx.msk [tilespmem:v0+s1+$0x0], $0xffff  }
0x588: {  	v11 =	vld.idx.msk [tilespmem:v1+s4+$0x0], $0xffff;
	[tilespmem:s17+$0xC3A0] =	vst v12  }
0x589: {  	v12 =	vld.idx.msk [tilespmem:v2+s4+$0x0], $0xffff;
	[tilespmem:s17+$0xC3B0] =	vst v13  }
0x58a: {  	v13 =	vld.idx.msk [tilespmem:v3+s4+$0x0], $0xffff;
	[tilespmem:s17+$0xC3C0] =	vst v14  }
0x58b: {  	v14 =	vld.idx.msk [tilespmem:v4+s4+$0x0], $0xffff;
	[tilespmem:s17+$0x100F0] =	vst v8  }
0x58c: {  	[tilespmem:s17+$0xC3D0] =	vst v9;
	v8 =	vld.idx.msk [tilespmem:v7+s25+$0x0], $0xffff  }
0x58d: {  	v9 =	vld.idx.msk [tilespmem:v5+s4+$0x0], $0xffff;
	[tilespmem:s17+$0xC3E0] =	vst v10  }
0x58e: {  	[tilespmem:s17+$0x10000] =	vst v11;
	v10 =	vld.idx.msk [tilespmem:v6+s4+$0x0], $0xffff  }
0x58f: {  	[tilespmem:s17+$0x10010] =	vst v12;
	v11 =	vld.idx.msk [tilespmem:v0+s4+$0x0], $0xffff  }
0x590: {  	v12 =	vld.idx.msk [tilespmem:v1+s23+$0x0], $0xffff;
	[tilespmem:s17+$0x10020] =	vst v13  }
0x591: {  	v13 =	vld.idx.msk [tilespmem:v2+s23+$0x0], $0xffff;
	[tilespmem:s17+$0x10030] =	vst v14  }
0x592: {  	v14 =	vld.idx.msk [tilespmem:v3+s23+$0x0], $0xffff;
	[tilespmem:s17+$0x10170] =	vst v8  }
0x593: {  	[tilespmem:s17+$0x10040] =	vst v9;
	v8 =	vld.idx.msk [tilespmem:v7+s2+$0x0], $0xffff  }
0x594: {  	v9 =	vld.idx.msk [tilespmem:v4+s23+$0x0], $0xffff;
	[tilespmem:s17+$0x10050] =	vst v10  }
0x595: {  	v10 =	vld.idx.msk [tilespmem:v5+s23+$0x0], $0xffff;
	[tilespmem:s17+$0x10060] =	vst v11  }
0x596: {  	[tilespmem:s17+$0x10080] =	vst v12;
	v11 =	vld.idx.msk [tilespmem:v6+s23+$0x0], $0xffff  }
0x597: {  	[tilespmem:s17+$0x10090] =	vst v13;
	v12 =	vld.idx.msk [tilespmem:v0+s23+$0x0], $0xffff  }
0x598: {  	v13 =	vld.idx.msk [tilespmem:v1+s25+$0x0], $0xffff;
	[tilespmem:s17+$0x100A0] =	vst v14  }
0x599: {  	v14 =	vld.idx.msk [tilespmem:v2+s25+$0x0], $0xffff;
	[tilespmem:s17+$0x101F0] =	vst v8  }
0x59a: {  	[tilespmem:s17+$0x100B0] =	vst v9;
	v8 =	vld.idx.msk [tilespmem:v7+s6+$0x0], $0xffff  }
0x59b: {  	v9 =	vld.idx.msk [tilespmem:v3+s25+$0x0], $0xffff;
	[tilespmem:s17+$0x100C0] =	vst v10  }
0x59c: {  	v10 =	vld.idx.msk [tilespmem:v4+s25+$0x0], $0xffff;
	[tilespmem:s17+$0x100D0] =	vst v11  }
0x59d: {  	v11 =	vld.idx.msk [tilespmem:v5+s25+$0x0], $0xffff;
	[tilespmem:s17+$0x100E0] =	vst v12  }
0x59e: {  	[tilespmem:s17+$0x10100] =	vst v13;
	v12 =	vld.idx.msk [tilespmem:v6+s25+$0x0], $0xffff  }
0x59f: {  	[tilespmem:s17+$0x10110] =	vst v14;
	v13 =	vld.idx.msk [tilespmem:v0+s25+$0x0], $0xffff  }
0x5a0: {  	v14 =	vld.idx.msk [tilespmem:v1+s2+$0x0], $0xffff;
	[tilespmem:s17+$0x10270] =	vst v8  }
0x5a1: {  	[tilespmem:s17+$0x10120] =	vst v9;
	v8 =	vld.idx.msk [tilespmem:v7+s7+$0x0], $0xffff  }
0x5a2: {  	v9 =	vld.idx.msk [tilespmem:v2+s2+$0x0], $0xffff;
	[tilespmem:s17+$0x10130] =	vst v10  }
0x5a3: {  	v10 =	vld.idx.msk [tilespmem:v3+s2+$0x0], $0xffff;
	[tilespmem:s17+$0x10140] =	vst v11  }
0x5a4: {  	v11 =	vld.idx.msk [tilespmem:v4+s2+$0x0], $0xffff;
	[tilespmem:s17+$0x10150] =	vst v12  }
0x5a5: {  	v12 =	vld.idx.msk [tilespmem:v5+s2+$0x0], $0xffff;
	[tilespmem:s17+$0x10160] =	vst v13  }
0x5a6: {  	[tilespmem:s17+$0x10180] =	vst v14;
	v13 =	vld.idx.msk [tilespmem:v6+s2+$0x0], $0xffff  }
0x5a7: {  	v14 =	vld.idx.msk [tilespmem:v0+s2+$0x0], $0xffff;
	[tilespmem:s17+$0x102F0] =	vst v8  }
0x5a8: {  	[tilespmem:s17+$0x10190] =	vst v9;
	v8 =	vld.idx.msk [tilespmem:v7+s8+$0x0], $0xffff  }
0x5a9: {  	v9 =	vld.idx.msk [tilespmem:v1+s6+$0x0], $0xffff;
	[tilespmem:s17+$0x101A0] =	vst v10  }
0x5aa: {  	v10 =	vld.idx.msk [tilespmem:v2+s6+$0x0], $0xffff;
	[tilespmem:s17+$0x101B0] =	vst v11  }
0x5ab: {  	v11 =	vld.idx.msk [tilespmem:v3+s6+$0x0], $0xffff;
	[tilespmem:s17+$0x101C0] =	vst v12  }
0x5ac: {  	v12 =	vld.idx.msk [tilespmem:v4+s6+$0x0], $0xffff;
	[tilespmem:s17+$0x101D0] =	vst v13  }
0x5ad: {  	v13 =	vld.idx.msk [tilespmem:v5+s6+$0x0], $0xffff;
	[tilespmem:s17+$0x101E0] =	vst v14  }
0x5ae: {  	v14 =	vld.idx.msk [tilespmem:v6+s6+$0x0], $0xffff;
	[tilespmem:s17+$0x10370] =	vst v8  }
0x5af: {  	[tilespmem:s17+$0x10200] =	vst v9;
	v7 =	vld.idx.msk [tilespmem:v7+s9+$0x0], $0xffff  }
0x5b0: {  	[tilespmem:s17+$0x10210] =	vst v10;
	v8 =	vld.idx.msk [tilespmem:v0+s6+$0x0], $0xffff  }
0x5b1: {  	v9 =	vld.idx.msk [tilespmem:v1+s7+$0x0], $0xffff;
	[tilespmem:s17+$0x10220] =	vst v11  }
0x5b2: {  	v10 =	vld.idx.msk [tilespmem:v2+s7+$0x0], $0xffff;
	[tilespmem:s17+$0x10230] =	vst v12  }
0x5b3: {  	v11 =	vld.idx.msk [tilespmem:v3+s7+$0x0], $0xffff;
	[tilespmem:s17+$0x10240] =	vst v13  }
0x5b4: {  	v12 =	vld.idx.msk [tilespmem:v4+s7+$0x0], $0xffff;
	[tilespmem:s17+$0x10250] =	vst v14  }
0x5b5: {  	v13 =	vld.idx.msk [tilespmem:v5+s7+$0x0], $0xffff;
	[tilespmem:s17+$0x103F0] =	vst v7  }
0x5b6: {  	v7 =	vld.idx.msk [tilespmem:v6+s7+$0x0], $0xffff;
	[tilespmem:s17+$0x10260] =	vst v8  }
0x5b7: {  	[tilespmem:s17+$0x10280] =	vst v9;
	v8 =	vld.idx.msk [tilespmem:v0+s7+$0x0], $0xffff  }
0x5b8: {  	v9 =	vld.idx.msk [tilespmem:v1+s8+$0x0], $0xffff;
	[tilespmem:s17+$0x10290] =	vst v10  }
0x5b9: {  	v10 =	vld.idx.msk [tilespmem:v2+s8+$0x0], $0xffff;
	[tilespmem:s17+$0x102A0] =	vst v11  }
0x5ba: {  	v11 =	vld.idx.msk [tilespmem:v3+s8+$0x0], $0xffff;
	[tilespmem:s17+$0x102B0] =	vst v12  }
0x5bb: {  	v12 =	vld.idx.msk [tilespmem:v4+s8+$0x0], $0xffff;
	[tilespmem:s17+$0x102C0] =	vst v13  }
0x5bc: {  	v13 =	vld.idx.msk [tilespmem:v5+s8+$0x0], $0xffff;
	[tilespmem:s17+$0x102D0] =	vst v7  }
0x5bd: {  	v14 =	vld.idx.msk [tilespmem:v6+s8+$0x0], $0xffff;
	[tilespmem:s17+$0x102E0] =	vst v8  }
0x5be: {  	[tilespmem:s17+$0x10300] =	vst v9;
	v15 =	vld.idx.msk [tilespmem:v0+s8+$0x0], $0xffff  }
0x5bf: {  	v7 =	vld.idx.msk [tilespmem:v1+s9+$0x0], $0xffff;
	[tilespmem:s17+$0x10310] =	vst v10  }
.Ltmp4:
0x5c0: {  	v8 =	vld.idx.msk [tilespmem:v2+s9+$0x0], $0xffff;
	[tilespmem:s17+$0x10320] =	vst v11;
	(pc) =	sbr.rel @p0 .LBB2_11-.Ltmp4, $4  }
0x5c1: {  	v9 =	vld.idx.msk [tilespmem:v3+s9+$0x0], $0xffff;
	[tilespmem:s17+$0x10330] =	vst v12  }
0x5c2: {  	v3 =	vld.idx.msk [tilespmem:v4+s9+$0x0], $0xffff;
	[tilespmem:s17+$0x10340] =	vst v13  }
0x5c3: {  	v4 =	vld.idx.msk [tilespmem:v5+s9+$0x0], $0xffff;
	[tilespmem:s17+$0x10350] =	vst v14  }
0x5c4: {  	s21 =	sadd.s32 $0x1000, s21;
	v5 =	vld.idx.msk [tilespmem:v6+s9+$0x0], $0xffff;
	[tilespmem:s17+$0x10360] =	vst v15  }
0x5c5: {  	_ =	sdelay $0x2  }
0x5c6: {  	[tilespmem:s17+$0x10380] =	vst v7  }
0x5c7: {  	v0 =	vld.idx.msk [tilespmem:v0+s9+$0x0], $0xffff;
	[tilespmem:s17+$0x10390] =	vst v8  }
0x5c8: {  	[tilespmem:s17+$0x103A0] =	vst v9  }
0x5c9: {  	[tilespmem:s17+$0x103B0] =	vst v3  }
0x5ca: {  	[tilespmem:s17+$0x103C0] =	vst v4  }
0x5cb: {  	[tilespmem:s17+$0x103D0] =	vst v5  }
0x5cc: {  	s20 =	simm.s32 $0x0;
	[tilespmem:s17+$0x103E0] =	vst v0  }
0x5cd: {  	[hbm4b:s18+s20] =	stream.linear.scatter [tilespmem:s10], [sflag:$0x1], $0x4000, $0x38;
	[tilespmem:$0x1C000] =	vst v63  }
0x5ce: {  	_ = 	snop  }
0x5cf: {  	[hbm4b:s19+s20] =	stream.linear.scatter [tilespmem:s5], [sflag:$0x1], $0x4000, $0x38;
	[tilespmem:$0x1C000] =	vst v63  }
0x5d0: {  	_ =	swait.ge [sflag:s14], $0x4000  }
0x5d1: {  	[sflag:s14] =	ssyncset.done $0x0  }
0x5d2: {  	[sflag:s14] =	ssyncadd.s32 $0xFFFFC000  }
0x5d3: {  	_ =	swait.ge [sflag:s14], $0x4000  }
0x5d4: {  	[sflag:s14] =	ssyncset.done $0x0  }
0x5d5: {  	s17 =	simm.s32 $0x0;
	[sflag:s14] =	ssyncadd.s32 $0xFFFFC000  }
0x5d6: {  	v7 =	vld [tilespmem:s17+$0x82F0]  }
0x5d7: {  	v6 =	vld [tilespmem:s17+$0x8280]  }
0x5d8: {  	v5 =	vld [tilespmem:s17+$0x8290]  }
0x5d9: {  	v4 =	vld [tilespmem:s17+$0x82A0]  }
0x5da: {  	v3 =	vld [tilespmem:s17+$0x82B0]  }
0x5db: {  	v2 =	vld [tilespmem:s17+$0x82C0]  }
0x5dc: {  	v1 =	vld [tilespmem:s17+$0x82D0]  }
0x5dd: {  	v0 =	vld [tilespmem:s17+$0x82E0]  }
0x5de: {  	v8 =	vld.idx.msk [tilespmem:v7+s3+$0x0], $0xffff  }
0x5df: {  	v9 =	vld.idx.msk [tilespmem:v6+s3+$0x0], $0xffff  }
0x5e0: {  	v10 =	vld.idx.msk [tilespmem:v5+s3+$0x0], $0xffff  }
0x5e1: {  	v11 =	vld.idx.msk [tilespmem:v4+s3+$0x0], $0xffff  }
0x5e2: {  	v12 =	vld.idx.msk [tilespmem:v3+s3+$0x0], $0xffff  }
0x5e3: {  	v13 =	vld.idx.msk [tilespmem:v2+s3+$0x0], $0xffff;
	[tilespmem:s17+$0x14070] =	vst v8  }
0x5e4: {  	v14 =	vld.idx.msk [tilespmem:v1+s3+$0x0], $0xffff;
	[tilespmem:s17+$0x14000] =	vst v9  }
0x5e5: {  	[tilespmem:s17+$0x14010] =	vst v10;
	v9 =	vld.idx.msk [tilespmem:v0+s3+$0x0], $0xffff  }
0x5e6: {  	[tilespmem:s17+$0x14020] =	vst v11;
	v8 =	vld.idx.msk [tilespmem:v7+s26+$0x0], $0xffff  }
0x5e7: {  	[tilespmem:s17+$0x14030] =	vst v12;
	v10 =	vld.idx.msk [tilespmem:v6+s26+$0x0], $0xffff  }
0x5e8: {  	[tilespmem:s17+$0x14040] =	vst v13;
	v11 =	vld.idx.msk [tilespmem:v5+s26+$0x0], $0xffff  }
0x5e9: {  	[tilespmem:s17+$0x14050] =	vst v14;
	v22 =	vld.idx.msk [tilespmem:v4+s26+$0x0], $0xffff  }
0x5ea: {  	v23 =	vld.idx.msk [tilespmem:v3+s26+$0x0], $0xffff;
	[tilespmem:s17+$0x14060] =	vst v9  }
0x5eb: {  	v24 =	vld.idx.msk [tilespmem:v2+s26+$0x0], $0xffff;
	[tilespmem:s17+$0x140F0] =	vst v8  }
0x5ec: {  	v9 =	vld.idx.msk [tilespmem:v1+s26+$0x0], $0xffff;
	[tilespmem:s17+$0x14080] =	vst v10  }
0x5ed: {  	[tilespmem:s17+$0x14090] =	vst v11;
	v10 =	vld.idx.msk [tilespmem:v0+s26+$0x0], $0xffff  }
0x5ee: {  	[tilespmem:s17+$0x140A0] =	vst v22;
	v8 =	vld.idx.msk [tilespmem:v7+s28+$0x0], $0xffff  }
0x5ef: {  	[tilespmem:s17+$0x140B0] =	vst v23;
	v11 =	vld.idx.msk [tilespmem:v6+s28+$0x0], $0xffff  }
0x5f0: {  	[tilespmem:s17+$0x140C0] =	vst v24;
	v25 =	vld.idx.msk [tilespmem:v5+s28+$0x0], $0xffff  }
0x5f1: {  	v26 =	vld.idx.msk [tilespmem:v4+s28+$0x0], $0xffff;
	[tilespmem:s17+$0x140D0] =	vst v9  }
0x5f2: {  	v27 =	vld.idx.msk [tilespmem:v3+s28+$0x0], $0xffff;
	[tilespmem:s17+$0x140E0] =	vst v10  }
0x5f3: {  	v9 =	vld.idx.msk [tilespmem:v2+s28+$0x0], $0xffff;
	[tilespmem:s17+$0x14170] =	vst v8  }
0x5f4: {  	v10 =	vld.idx.msk [tilespmem:v1+s28+$0x0], $0xffff;
	[tilespmem:s17+$0x14100] =	vst v11  }
0x5f5: {  	[tilespmem:s17+$0x14110] =	vst v25;
	v11 =	vld.idx.msk [tilespmem:v0+s28+$0x0], $0xffff  }
0x5f6: {  	[tilespmem:s17+$0x14120] =	vst v26;
	v8 =	vld.idx.msk [tilespmem:v7+s29+$0x0], $0xffff  }
0x5f7: {  	[tilespmem:s17+$0x14130] =	vst v27;
	v28 =	vld.idx.msk [tilespmem:v6+s29+$0x0], $0xffff  }
0x5f8: {  	v29 =	vld.idx.msk [tilespmem:v5+s29+$0x0], $0xffff;
	[tilespmem:s17+$0x14140] =	vst v9  }
0x5f9: {  	v30 =	vld.idx.msk [tilespmem:v4+s29+$0x0], $0xffff;
	[tilespmem:s17+$0x14150] =	vst v10  }
0x5fa: {  	v9 =	vld.idx.msk [tilespmem:v3+s29+$0x0], $0xffff;
	[tilespmem:s17+$0x14160] =	vst v11  }
0x5fb: {  	v10 =	vld.idx.msk [tilespmem:v2+s29+$0x0], $0xffff;
	[tilespmem:s17+$0x141F0] =	vst v8  }
0x5fc: {  	v11 =	vld.idx.msk [tilespmem:v1+s29+$0x0], $0xffff;
	[tilespmem:s17+$0x14180] =	vst v28  }
0x5fd: {  	[tilespmem:s17+$0x14190] =	vst v29;
	v31 =	vld.idx.msk [tilespmem:v0+s29+$0x0], $0xffff  }
0x5fe: {  	[tilespmem:s17+$0x141A0] =	vst v30;
	v8 =	vld.idx.msk [tilespmem:v7+s30+$0x0], $0xffff  }
0x5ff: {  	v32 =	vld.idx.msk [tilespmem:v6+s30+$0x0], $0xffff;
	[tilespmem:s17+$0x141B0] =	vst v9  }
0x600: {  	v33 =	vld.idx.msk [tilespmem:v5+s30+$0x0], $0xffff;
	[tilespmem:s17+$0x141C0] =	vst v10  }
0x601: {  	v9 =	vld.idx.msk [tilespmem:v4+s30+$0x0], $0xffff;
	[tilespmem:s17+$0x141D0] =	vst v11  }
0x602: {  	v10 =	vld.idx.msk [tilespmem:v3+s30+$0x0], $0xffff;
	[tilespmem:s17+$0x141E0] =	vst v31  }
0x603: {  	v11 =	vld.idx.msk [tilespmem:v2+s30+$0x0], $0xffff;
	[tilespmem:s17+$0x14270] =	vst v8  }
0x604: {  	v34 =	vld.idx.msk [tilespmem:v1+s30+$0x0], $0xffff;
	[tilespmem:s17+$0x14200] =	vst v32  }
0x605: {  	[tilespmem:s17+$0x14210] =	vst v33;
	v35 =	vld.idx.msk [tilespmem:v0+s30+$0x0], $0xffff  }
0x606: {  	v8 =	vld.idx.msk [tilespmem:v7+s31+$0x0], $0xffff;
	[tilespmem:s17+$0x14220] =	vst v9  }
0x607: {  	v36 =	vld.idx.msk [tilespmem:v6+s31+$0x0], $0xffff;
	[tilespmem:s17+$0x14230] =	vst v10  }
0x608: {  	v9 =	vld.idx.msk [tilespmem:v5+s31+$0x0], $0xffff;
	[tilespmem:s17+$0x14240] =	vst v11  }
0x609: {  	v10 =	vld.idx.msk [tilespmem:v4+s31+$0x0], $0xffff;
	[tilespmem:s17+$0x14250] =	vst v34  }
0x60a: {  	v11 =	vld.idx.msk [tilespmem:v3+s31+$0x0], $0xffff;
	[tilespmem:s17+$0x14260] =	vst v35  }
0x60b: {  	v37 =	vld.idx.msk [tilespmem:v2+s31+$0x0], $0xffff;
	[tilespmem:s17+$0x142F0] =	vst v8  }
0x60c: {  	v38 =	vld.idx.msk [tilespmem:v1+s31+$0x0], $0xffff;
	[tilespmem:s17+$0x14280] =	vst v36  }
0x60d: {  	v39 =	vld.idx.msk [tilespmem:v0+s31+$0x0], $0xffff;
	[tilespmem:s17+$0x14290] =	vst v9  }
0x60e: {  	v8 =	vld.idx.msk [tilespmem:v7+s0+$0x0], $0xffff;
	[tilespmem:s17+$0x142A0] =	vst v10  }
0x60f: {  	v9 =	vld.idx.msk [tilespmem:v6+s0+$0x0], $0xffff;
	[tilespmem:s17+$0x142B0] =	vst v11  }
0x610: {  	v10 =	vld.idx.msk [tilespmem:v5+s0+$0x0], $0xffff;
	[tilespmem:s17+$0x142C0] =	vst v37  }
0x611: {  	v11 =	vld.idx.msk [tilespmem:v4+s0+$0x0], $0xffff;
	[tilespmem:s17+$0x142D0] =	vst v38  }
0x612: {  	v40 =	vld.idx.msk [tilespmem:v3+s0+$0x0], $0xffff;
	[tilespmem:s17+$0x142E0] =	vst v39  }
0x613: {  	v41 =	vld.idx.msk [tilespmem:v2+s0+$0x0], $0xffff;
	[tilespmem:s17+$0x14370] =	vst v8  }
0x614: {  	v42 =	vld.idx.msk [tilespmem:v1+s0+$0x0], $0xffff;
	[tilespmem:s17+$0x14300] =	vst v9  }
0x615: {  	[tilespmem:s17+$0x14310] =	vst v10;
	v9 =	vld.idx.msk [tilespmem:v0+s0+$0x0], $0xffff  }
0x616: {  	v8 =	vld.idx.msk [tilespmem:v7+s1+$0x0], $0xffff;
	[tilespmem:s17+$0x14320] =	vst v11  }
0x617: {  	v10 =	vld.idx.msk [tilespmem:v6+s1+$0x0], $0xffff;
	[tilespmem:s17+$0x14330] =	vst v40  }
0x618: {  	v11 =	vld.idx.msk [tilespmem:v5+s1+$0x0], $0xffff;
	[tilespmem:s17+$0x14340] =	vst v41  }
0x619: {  	v43 =	vld.idx.msk [tilespmem:v4+s1+$0x0], $0xffff;
	[tilespmem:s17+$0x14350] =	vst v42  }
0x61a: {  	v44 =	vld.idx.msk [tilespmem:v3+s1+$0x0], $0xffff;
	[tilespmem:s17+$0x14360] =	vst v9  }
0x61b: {  	v45 =	vld.idx.msk [tilespmem:v2+s1+$0x0], $0xffff;
	[tilespmem:s17+$0x143F0] =	vst v8  }
0x61c: {  	v9 =	vld.idx.msk [tilespmem:v1+s1+$0x0], $0xffff;
	[tilespmem:s17+$0x14380] =	vst v10  }
0x61d: {  	[tilespmem:s17+$0x14390] =	vst v11;
	v10 =	vld.idx.msk [tilespmem:v0+s1+$0x0], $0xffff  }
0x61e: {  	v8 =	vld.idx.msk [tilespmem:v7+s4+$0x0], $0xffff;
	[tilespmem:s17+$0x143A0] =	vst v43  }
0x61f: {  	v11 =	vld.idx.msk [tilespmem:v6+s4+$0x0], $0xffff;
	[tilespmem:s17+$0x143B0] =	vst v44  }
0x620: {  	v46 =	vld.idx.msk [tilespmem:v5+s4+$0x0], $0xffff;
	[tilespmem:s17+$0x143C0] =	vst v45  }
0x621: {  	v47 =	vld.idx.msk [tilespmem:v4+s4+$0x0], $0xffff;
	[tilespmem:s17+$0x143D0] =	vst v9  }
0x622: {  	v48 =	vld.idx.msk [tilespmem:v3+s4+$0x0], $0xffff;
	[tilespmem:s17+$0x143E0] =	vst v10  }
0x623: {  	v9 =	vld.idx.msk [tilespmem:v2+s4+$0x0], $0xffff;
	[tilespmem:s17+$0x18070] =	vst v8  }
0x624: {  	v10 =	vld.idx.msk [tilespmem:v1+s4+$0x0], $0xffff;
	[tilespmem:s17+$0x18000] =	vst v11  }
0x625: {  	[tilespmem:s17+$0x18010] =	vst v46;
	v11 =	vld.idx.msk [tilespmem:v0+s4+$0x0], $0xffff  }
0x626: {  	v8 =	vld.idx.msk [tilespmem:v7+s23+$0x0], $0xffff;
	[tilespmem:s17+$0x18020] =	vst v47  }
0x627: {  	v49 =	vld.idx.msk [tilespmem:v6+s23+$0x0], $0xffff;
	[tilespmem:s17+$0x18030] =	vst v48  }
0x628: {  	v50 =	vld.idx.msk [tilespmem:v5+s23+$0x0], $0xffff;
	[tilespmem:s17+$0x18040] =	vst v9  }
0x629: {  	v51 =	vld.idx.msk [tilespmem:v4+s23+$0x0], $0xffff;
	[tilespmem:s17+$0x18050] =	vst v10  }
0x62a: {  	v9 =	vld.idx.msk [tilespmem:v3+s23+$0x0], $0xffff;
	[tilespmem:s17+$0x18060] =	vst v11  }
0x62b: {  	v10 =	vld.idx.msk [tilespmem:v2+s23+$0x0], $0xffff;
	[tilespmem:s17+$0x180F0] =	vst v8  }
0x62c: {  	[tilespmem:s17+$0x18080] =	vst v49;
	v8 =	vld.idx.msk [tilespmem:v7+s25+$0x0], $0xffff  }
0x62d: {  	v11 =	vld.idx.msk [tilespmem:v1+s23+$0x0], $0xffff;
	[tilespmem:s17+$0x18090] =	vst v50  }
0x62e: {  	v52 =	vld.idx.msk [tilespmem:v0+s23+$0x0], $0xffff;
	[tilespmem:s17+$0x180A0] =	vst v51  }
0x62f: {  	v53 =	vld.idx.msk [tilespmem:v6+s25+$0x0], $0xffff;
	[tilespmem:s17+$0x180B0] =	vst v9  }
0x630: {  	v54 =	vld.idx.msk [tilespmem:v5+s25+$0x0], $0xffff;
	[tilespmem:s17+$0x180C0] =	vst v10  }
0x631: {  	v9 =	vld.idx.msk [tilespmem:v4+s25+$0x0], $0xffff;
	[tilespmem:s17+$0x18170] =	vst v8  }
0x632: {  	[tilespmem:s17+$0x180D0] =	vst v11;
	v8 =	vld.idx.msk [tilespmem:v7+s2+$0x0], $0xffff  }
0x633: {  	v10 =	vld.idx.msk [tilespmem:v3+s25+$0x0], $0xffff;
	[tilespmem:s17+$0x180E0] =	vst v52  }
0x634: {  	v11 =	vld.idx.msk [tilespmem:v2+s25+$0x0], $0xffff;
	[tilespmem:s17+$0x18100] =	vst v53  }
0x635: {  	v55 =	vld.idx.msk [tilespmem:v1+s25+$0x0], $0xffff;
	[tilespmem:s17+$0x18110] =	vst v54  }
0x636: {  	v56 =	vld.idx.msk [tilespmem:v0+s25+$0x0], $0xffff;
	[tilespmem:s17+$0x18120] =	vst v9  }
0x637: {  	v57 =	vld.idx.msk [tilespmem:v6+s2+$0x0], $0xffff;
	[tilespmem:s17+$0x181F0] =	vst v8  }
0x638: {  	[tilespmem:s17+$0x18130] =	vst v10;
	v8 =	vld.idx.msk [tilespmem:v7+s6+$0x0], $0xffff  }
0x639: {  	v9 =	vld.idx.msk [tilespmem:v5+s2+$0x0], $0xffff;
	[tilespmem:s17+$0x18140] =	vst v11  }
0x63a: {  	v10 =	vld.idx.msk [tilespmem:v4+s2+$0x0], $0xffff;
	[tilespmem:s17+$0x18150] =	vst v55  }
0x63b: {  	v11 =	vld.idx.msk [tilespmem:v3+s2+$0x0], $0xffff;
	[tilespmem:s17+$0x18160] =	vst v56  }
0x63c: {  	v58 =	vld.idx.msk [tilespmem:v2+s2+$0x0], $0xffff;
	[tilespmem:s17+$0x18180] =	vst v57  }
0x63d: {  	v59 =	vld.idx.msk [tilespmem:v1+s2+$0x0], $0xffff;
	[tilespmem:s17+$0x18270] =	vst v8  }
0x63e: {  	[tilespmem:s17+$0x18190] =	vst v9;
	v8 =	vld.idx.msk [tilespmem:v7+s7+$0x0], $0xffff  }
0x63f: {  	v60 =	vld.idx.msk [tilespmem:v0+s2+$0x0], $0xffff;
	[tilespmem:s17+$0x181A0] =	vst v10  }
0x640: {  	v9 =	vld.idx.msk [tilespmem:v6+s6+$0x0], $0xffff;
	[tilespmem:s17+$0x181B0] =	vst v11  }
0x641: {  	v10 =	vld.idx.msk [tilespmem:v5+s6+$0x0], $0xffff;
	[tilespmem:s17+$0x181C0] =	vst v58  }
0x642: {  	v11 =	vld.idx.msk [tilespmem:v4+s6+$0x0], $0xffff;
	[tilespmem:s17+$0x181D0] =	vst v59  }
0x643: {  	v61 =	vld.idx.msk [tilespmem:v3+s6+$0x0], $0xffff;
	[tilespmem:s17+$0x182F0] =	vst v8  }
0x644: {  	[tilespmem:s17+$0x181E0] =	vst v60;
	v8 =	vld.idx.msk [tilespmem:v7+s8+$0x0], $0xffff  }
0x645: {  	v62 =	vld.idx.msk [tilespmem:v2+s6+$0x0], $0xffff;
	[tilespmem:s17+$0x18200] =	vst v9  }
0x646: {  	v63 =	vld.idx.msk [tilespmem:v1+s6+$0x0], $0xffff;
	[tilespmem:s17+$0x18210] =	vst v10  }
0x647: {  	v9 =	vld.idx.msk [tilespmem:v6+s7+$0x0], $0xffff;
	[tilespmem:s17+$0x18220] =	vst v11  }
0x648: {  	v10 =	vld.idx.msk [tilespmem:v5+s7+$0x0], $0xffff;
	[tilespmem:s17+$0x18230] =	vst v61  }
0x649: {  	v11 =	vld.idx.msk [tilespmem:v4+s7+$0x0], $0xffff;
	[tilespmem:s17+$0x18370] =	vst v8  }
0x64a: {  	[tilespmem:s17+$0x18240] =	vst v62;
	v7 =	vld.idx.msk [tilespmem:v7+s9+$0x0], $0xffff  }
0x64b: {  	[tilespmem:s17+$0x18250] =	vst v63;
	v8 =	vld.idx.msk [tilespmem:v0+s6+$0x0], $0xffff  }
0x64c: {  	v12 =	vld.idx.msk [tilespmem:v3+s7+$0x0], $0xffff;
	[tilespmem:s17+$0x18280] =	vst v9  }
0x64d: {  	v13 =	vld.idx.msk [tilespmem:v2+s7+$0x0], $0xffff;
	[tilespmem:s17+$0x18290] =	vst v10  }
0x64e: {  	v9 =	vld.idx.msk [tilespmem:v6+s8+$0x0], $0xffff;
	[tilespmem:s17+$0x182A0] =	vst v11  }
0x64f: {  	[tilespmem:s17+$0x183F0] =	vst v7;
	v7 =	vld.idx.msk [tilespmem:v1+s7+$0x0], $0xffff  }
0x650: {  	v11 =	vld.idx.msk [tilespmem:v4+s8+$0x0], $0xffff;
	[tilespmem:s17+$0x18260] =	vst v8  }
0x651: {  	[tilespmem:s17+$0x182B0] =	vst v12;
	v8 =	vld.idx.msk [tilespmem:v0+s7+$0x0], $0xffff  }
0x652: {  	v10 =	vld.idx.msk [tilespmem:v5+s8+$0x0], $0xffff;
	[tilespmem:s17+$0x182C0] =	vst v13  }
0x653: {  	v12 =	vld.idx.msk [tilespmem:v3+s8+$0x0], $0xffff;
	[tilespmem:s17+$0x18300] =	vst v9  }
0x654: {  	v13 =	vld.idx.msk [tilespmem:v2+s8+$0x0], $0xffff;
	[tilespmem:s17+$0x182D0] =	vst v7  }
0x655: {  	[tilespmem:s17+$0x18320] =	vst v11;
	v14 =	vld.idx.msk [tilespmem:v1+s8+$0x0], $0xffff  }
0x656: {  	v9 =	vld.idx.msk [tilespmem:v4+s9+$0x0], $0xffff;
	[tilespmem:s17+$0x182E0] =	vst v8  }
0x657: {  	[tilespmem:s17+$0x18310] =	vst v10;
	v15 =	vld.idx.msk [tilespmem:v0+s8+$0x0], $0xffff  }
0x658: {  	[tilespmem:s17+$0x18330] =	vst v12;
	v7 =	vld.idx.msk [tilespmem:v6+s9+$0x0], $0xffff  }
0x659: {  	[tilespmem:s17+$0x18340] =	vst v13;
	v8 =	vld.idx.msk [tilespmem:v5+s9+$0x0], $0xffff  }
0x65a: {  	v3 =	vld.idx.msk [tilespmem:v3+s9+$0x0], $0xffff;
	s21 =	rddreg [dreg:$0x11];
	[tilespmem:s17+$0x18350] =	vst v14  }
0x65b: {  	s20 =	simm.s32 $0x0;
	v4 =	vld.idx.msk [tilespmem:v2+s9+$0x0], $0xffff;
	s22 =	rddreg [dreg:$0x12]  }
0x65c: {  	s18 =	sadd.s32 s16, s21;
	s21 =	simm.s32 $0x1000;
	v5 =	vld.idx.msk [tilespmem:v1+s9+$0x0], $0xffff;
	[tilespmem:s17+$0x18360] =	vst v15;
	s19 =	sadd.s32 s16, s22  }
.LBB2_13:
0x65d: {  	s22 =	sshra.s32 s21, $0x2;
	s20 =	sadd.s32 $0x8, s20;
	[tilespmem:s17+$0x18380] =	vst v7;
	v0 =	vld.idx.msk [tilespmem:v0+s9+$0x0], $0xffff  }
0x65e: {  	v7 =	vld [tilespmem:s22+$0x82F0];
	p0 =	slt.u32 s20, $0x78;
	[tilespmem:s17+$0x18390] =	vst v8  }
0x65f: {  	v1 =	vld [tilespmem:s22+$0x8280];
	[tilespmem:s17+$0x183A0] =	vst v9  }
0x660: {  	v2 =	vld [tilespmem:s22+$0x8290];
	[tilespmem:s17+$0x183B0] =	vst v3  }
0x661: {  	v3 =	vld [tilespmem:s22+$0x82A0];
	[tilespmem:s17+$0x183C0] =	vst v4  }
0x662: {  	v4 =	vld [tilespmem:s22+$0x82B0];
	[tilespmem:s17+$0x183D0] =	vst v5  }
0x663: {  	v5 =	vld [tilespmem:s22+$0x82C0];
	[tilespmem:s17+$0x183E0] =	vst v0;
	s17 =	smov.u32 s22  }
0x664: {  	v6 =	vld [tilespmem:s17+$0x82D0]  }
0x665: {  	v0 =	vld [tilespmem:s17+$0x82E0]  }
0x666: {  	v8 =	vld.idx.msk [tilespmem:v7+s3+$0x0], $0xffff  }
0x667: {  	v9 =	vld.idx.msk [tilespmem:v1+s3+$0x0], $0xffff  }
0x668: {  	v10 =	vld.idx.msk [tilespmem:v2+s3+$0x0], $0xffff  }
0x669: {  	v11 =	vld.idx.msk [tilespmem:v3+s3+$0x0], $0xffff  }
0x66a: {  	v12 =	vld.idx.msk [tilespmem:v4+s3+$0x0], $0xffff  }
0x66b: {  	v13 =	vld.idx.msk [tilespmem:v5+s3+$0x0], $0xffff  }
0x66c: {  	v14 =	vld.idx.msk [tilespmem:v6+s3+$0x0], $0xffff;
	[tilespmem:s17+$0x14070] =	vst v8  }
0x66d: {  	[tilespmem:s17+$0x14000] =	vst v9;
	v8 =	vld.idx.msk [tilespmem:v7+s26+$0x0], $0xffff  }
0x66e: {  	[tilespmem:s17+$0x14010] =	vst v10;
	v9 =	vld.idx.msk [tilespmem:v0+s3+$0x0], $0xffff  }
0x66f: {  	v10 =	vld.idx.msk [tilespmem:v1+s26+$0x0], $0xffff;
	[tilespmem:s17+$0x14020] =	vst v11  }
0x670: {  	v11 =	vld.idx.msk [tilespmem:v2+s26+$0x0], $0xffff;
	[tilespmem:s17+$0x14030] =	vst v12  }
0x671: {  	v12 =	vld.idx.msk [tilespmem:v3+s26+$0x0], $0xffff;
	[tilespmem:s17+$0x14040] =	vst v13  }
0x672: {  	v13 =	vld.idx.msk [tilespmem:v4+s26+$0x0], $0xffff;
	[tilespmem:s17+$0x14050] =	vst v14  }
0x673: {  	v14 =	vld.idx.msk [tilespmem:v5+s26+$0x0], $0xffff;
	[tilespmem:s17+$0x140F0] =	vst v8  }
0x674: {  	[tilespmem:s17+$0x14060] =	vst v9;
	v8 =	vld.idx.msk [tilespmem:v7+s28+$0x0], $0xffff  }
0x675: {  	[tilespmem:s17+$0x14080] =	vst v10;
	v9 =	vld.idx.msk [tilespmem:v6+s26+$0x0], $0xffff  }
0x676: {  	[tilespmem:s17+$0x14090] =	vst v11;
	v10 =	vld.idx.msk [tilespmem:v0+s26+$0x0], $0xffff  }
0x677: {  	v11 =	vld.idx.msk [tilespmem:v1+s28+$0x0], $0xffff;
	[tilespmem:s17+$0x140A0] =	vst v12  }
0x678: {  	v12 =	vld.idx.msk [tilespmem:v2+s28+$0x0], $0xffff;
	[tilespmem:s17+$0x140B0] =	vst v13  }
0x679: {  	v13 =	vld.idx.msk [tilespmem:v3+s28+$0x0], $0xffff;
	[tilespmem:s17+$0x140C0] =	vst v14  }
0x67a: {  	v14 =	vld.idx.msk [tilespmem:v4+s28+$0x0], $0xffff;
	[tilespmem:s17+$0x14170] =	vst v8  }
0x67b: {  	[tilespmem:s17+$0x140D0] =	vst v9;
	v8 =	vld.idx.msk [tilespmem:v7+s29+$0x0], $0xffff  }
0x67c: {  	v9 =	vld.idx.msk [tilespmem:v5+s28+$0x0], $0xffff;
	[tilespmem:s17+$0x140E0] =	vst v10  }
0x67d: {  	[tilespmem:s17+$0x14100] =	vst v11;
	v10 =	vld.idx.msk [tilespmem:v6+s28+$0x0], $0xffff  }
0x67e: {  	[tilespmem:s17+$0x14110] =	vst v12;
	v11 =	vld.idx.msk [tilespmem:v0+s28+$0x0], $0xffff  }
0x67f: {  	v12 =	vld.idx.msk [tilespmem:v1+s29+$0x0], $0xffff;
	[tilespmem:s17+$0x14120] =	vst v13  }
0x680: {  	v13 =	vld.idx.msk [tilespmem:v2+s29+$0x0], $0xffff;
	[tilespmem:s17+$0x14130] =	vst v14  }
0x681: {  	v14 =	vld.idx.msk [tilespmem:v3+s29+$0x0], $0xffff;
	[tilespmem:s17+$0x141F0] =	vst v8  }
0x682: {  	[tilespmem:s17+$0x14140] =	vst v9;
	v8 =	vld.idx.msk [tilespmem:v7+s30+$0x0], $0xffff  }
0x683: {  	v9 =	vld.idx.msk [tilespmem:v4+s29+$0x0], $0xffff;
	[tilespmem:s17+$0x14150] =	vst v10  }
0x684: {  	v10 =	vld.idx.msk [tilespmem:v5+s29+$0x0], $0xffff;
	[tilespmem:s17+$0x14160] =	vst v11  }
0x685: {  	[tilespmem:s17+$0x14180] =	vst v12;
	v11 =	vld.idx.msk [tilespmem:v6+s29+$0x0], $0xffff  }
0x686: {  	[tilespmem:s17+$0x14190] =	vst v13;
	v12 =	vld.idx.msk [tilespmem:v0+s29+$0x0], $0xffff  }
0x687: {  	v13 =	vld.idx.msk [tilespmem:v1+s30+$0x0], $0xffff;
	[tilespmem:s17+$0x141A0] =	vst v14  }
0x688: {  	v14 =	vld.idx.msk [tilespmem:v2+s30+$0x0], $0xffff;
	[tilespmem:s17+$0x14270] =	vst v8  }
0x689: {  	[tilespmem:s17+$0x141B0] =	vst v9;
	v8 =	vld.idx.msk [tilespmem:v7+s31+$0x0], $0xffff  }
0x68a: {  	v9 =	vld.idx.msk [tilespmem:v3+s30+$0x0], $0xffff;
	[tilespmem:s17+$0x141C0] =	vst v10  }
0x68b: {  	v10 =	vld.idx.msk [tilespmem:v4+s30+$0x0], $0xffff;
	[tilespmem:s17+$0x141D0] =	vst v11  }
0x68c: {  	v11 =	vld.idx.msk [tilespmem:v5+s30+$0x0], $0xffff;
	[tilespmem:s17+$0x141E0] =	vst v12  }
0x68d: {  	[tilespmem:s17+$0x14200] =	vst v13;
	v12 =	vld.idx.msk [tilespmem:v6+s30+$0x0], $0xffff  }
0x68e: {  	[tilespmem:s17+$0x14210] =	vst v14;
	v13 =	vld.idx.msk [tilespmem:v0+s30+$0x0], $0xffff  }
0x68f: {  	v14 =	vld.idx.msk [tilespmem:v1+s31+$0x0], $0xffff;
	[tilespmem:s17+$0x142F0] =	vst v8  }
0x690: {  	[tilespmem:s17+$0x14220] =	vst v9;
	v8 =	vld.idx.msk [tilespmem:v7+s0+$0x0], $0xffff  }
0x691: {  	v9 =	vld.idx.msk [tilespmem:v2+s31+$0x0], $0xffff;
	[tilespmem:s17+$0x14230] =	vst v10  }
0x692: {  	v10 =	vld.idx.msk [tilespmem:v3+s31+$0x0], $0xffff;
	[tilespmem:s17+$0x14240] =	vst v11  }
0x693: {  	v11 =	vld.idx.msk [tilespmem:v4+s31+$0x0], $0xffff;
	[tilespmem:s17+$0x14250] =	vst v12  }
0x694: {  	v12 =	vld.idx.msk [tilespmem:v5+s31+$0x0], $0xffff;
	[tilespmem:s17+$0x14260] =	vst v13  }
0x695: {  	[tilespmem:s17+$0x14280] =	vst v14;
	v13 =	vld.idx.msk [tilespmem:v6+s31+$0x0], $0xffff  }
0x696: {  	v14 =	vld.idx.msk [tilespmem:v0+s31+$0x0], $0xffff;
	[tilespmem:s17+$0x14370] =	vst v8  }
0x697: {  	[tilespmem:s17+$0x14290] =	vst v9;
	v8 =	vld.idx.msk [tilespmem:v7+s1+$0x0], $0xffff  }
0x698: {  	v9 =	vld.idx.msk [tilespmem:v1+s0+$0x0], $0xffff;
	[tilespmem:s17+$0x142A0] =	vst v10  }
0x699: {  	v10 =	vld.idx.msk [tilespmem:v2+s0+$0x0], $0xffff;
	[tilespmem:s17+$0x142B0] =	vst v11  }
0x69a: {  	v11 =	vld.idx.msk [tilespmem:v3+s0+$0x0], $0xffff;
	[tilespmem:s17+$0x142C0] =	vst v12  }
0x69b: {  	v12 =	vld.idx.msk [tilespmem:v4+s0+$0x0], $0xffff;
	[tilespmem:s17+$0x142D0] =	vst v13  }
0x69c: {  	v13 =	vld.idx.msk [tilespmem:v5+s0+$0x0], $0xffff;
	[tilespmem:s17+$0x142E0] =	vst v14  }
0x69d: {  	v14 =	vld.idx.msk [tilespmem:v6+s0+$0x0], $0xffff;
	[tilespmem:s17+$0x143F0] =	vst v8  }
0x69e: {  	[tilespmem:s17+$0x14300] =	vst v9;
	v8 =	vld.idx.msk [tilespmem:v7+s4+$0x0], $0xffff  }
0x69f: {  	[tilespmem:s17+$0x14310] =	vst v10;
	v9 =	vld.idx.msk [tilespmem:v0+s0+$0x0], $0xffff  }
0x6a0: {  	v10 =	vld.idx.msk [tilespmem:v1+s1+$0x0], $0xffff;
	[tilespmem:s17+$0x14320] =	vst v11  }
0x6a1: {  	v11 =	vld.idx.msk [tilespmem:v2+s1+$0x0], $0xffff;
	[tilespmem:s17+$0x14330] =	vst v12  }
0x6a2: {  	v12 =	vld.idx.msk [tilespmem:v3+s1+$0x0], $0xffff;
	[tilespmem:s17+$0x14340] =	vst v13  }
0x6a3: {  	v13 =	vld.idx.msk [tilespmem:v4+s1+$0x0], $0xffff;
	[tilespmem:s17+$0x14350] =	vst v14  }
0x6a4: {  	v14 =	vld.idx.msk [tilespmem:v5+s1+$0x0], $0xffff;
	[tilespmem:s17+$0x18070] =	vst v8  }
0x6a5: {  	[tilespmem:s17+$0x14360] =	vst v9;
	v8 =	vld.idx.msk [tilespmem:v7+s23+$0x0], $0xffff  }
0x6a6: {  	[tilespmem:s17+$0x14380] =	vst v10;
	v9 =	vld.idx.msk [tilespmem:v6+s1+$0x0], $0xffff  }
0x6a7: {  	[tilespmem:s17+$0x14390] =	vst v11;
	v10 =	vld.idx.msk [tilespmem:v0+s1+$0x0], $0xffff  }
0x6a8: {  	v11 =	vld.idx.msk [tilespmem:v1+s4+$0x0], $0xffff;
	[tilespmem:s17+$0x143A0] =	vst v12  }
0x6a9: {  	v12 =	vld.idx.msk [tilespmem:v2+s4+$0x0], $0xffff;
	[tilespmem:s17+$0x143B0] =	vst v13  }
0x6aa: {  	v13 =	vld.idx.msk [tilespmem:v3+s4+$0x0], $0xffff;
	[tilespmem:s17+$0x143C0] =	vst v14  }
0x6ab: {  	v14 =	vld.idx.msk [tilespmem:v4+s4+$0x0], $0xffff;
	[tilespmem:s17+$0x180F0] =	vst v8  }
0x6ac: {  	[tilespmem:s17+$0x143D0] =	vst v9;
	v8 =	vld.idx.msk [tilespmem:v7+s25+$0x0], $0xffff  }
0x6ad: {  	v9 =	vld.idx.msk [tilespmem:v5+s4+$0x0], $0xffff;
	[tilespmem:s17+$0x143E0] =	vst v10  }
0x6ae: {  	[tilespmem:s17+$0x18000] =	vst v11;
	v10 =	vld.idx.msk [tilespmem:v6+s4+$0x0], $0xffff  }
0x6af: {  	[tilespmem:s17+$0x18010] =	vst v12;
	v11 =	vld.idx.msk [tilespmem:v0+s4+$0x0], $0xffff  }
0x6b0: {  	v12 =	vld.idx.msk [tilespmem:v1+s23+$0x0], $0xffff;
	[tilespmem:s17+$0x18020] =	vst v13  }
0x6b1: {  	v13 =	vld.idx.msk [tilespmem:v2+s23+$0x0], $0xffff;
	[tilespmem:s17+$0x18030] =	vst v14  }
0x6b2: {  	v14 =	vld.idx.msk [tilespmem:v3+s23+$0x0], $0xffff;
	[tilespmem:s17+$0x18170] =	vst v8  }
0x6b3: {  	[tilespmem:s17+$0x18040] =	vst v9;
	v8 =	vld.idx.msk [tilespmem:v7+s2+$0x0], $0xffff  }
0x6b4: {  	v9 =	vld.idx.msk [tilespmem:v4+s23+$0x0], $0xffff;
	[tilespmem:s17+$0x18050] =	vst v10  }
0x6b5: {  	v10 =	vld.idx.msk [tilespmem:v5+s23+$0x0], $0xffff;
	[tilespmem:s17+$0x18060] =	vst v11  }
0x6b6: {  	[tilespmem:s17+$0x18080] =	vst v12;
	v11 =	vld.idx.msk [tilespmem:v6+s23+$0x0], $0xffff  }
0x6b7: {  	[tilespmem:s17+$0x18090] =	vst v13;
	v12 =	vld.idx.msk [tilespmem:v0+s23+$0x0], $0xffff  }
0x6b8: {  	v13 =	vld.idx.msk [tilespmem:v1+s25+$0x0], $0xffff;
	[tilespmem:s17+$0x180A0] =	vst v14  }
0x6b9: {  	v14 =	vld.idx.msk [tilespmem:v2+s25+$0x0], $0xffff;
	[tilespmem:s17+$0x181F0] =	vst v8  }
0x6ba: {  	[tilespmem:s17+$0x180B0] =	vst v9;
	v8 =	vld.idx.msk [tilespmem:v7+s6+$0x0], $0xffff  }
0x6bb: {  	v9 =	vld.idx.msk [tilespmem:v3+s25+$0x0], $0xffff;
	[tilespmem:s17+$0x180C0] =	vst v10  }
0x6bc: {  	v10 =	vld.idx.msk [tilespmem:v4+s25+$0x0], $0xffff;
	[tilespmem:s17+$0x180D0] =	vst v11  }
0x6bd: {  	v11 =	vld.idx.msk [tilespmem:v5+s25+$0x0], $0xffff;
	[tilespmem:s17+$0x180E0] =	vst v12  }
0x6be: {  	[tilespmem:s17+$0x18100] =	vst v13;
	v12 =	vld.idx.msk [tilespmem:v6+s25+$0x0], $0xffff  }
0x6bf: {  	[tilespmem:s17+$0x18110] =	vst v14;
	v13 =	vld.idx.msk [tilespmem:v0+s25+$0x0], $0xffff  }
0x6c0: {  	v14 =	vld.idx.msk [tilespmem:v1+s2+$0x0], $0xffff;
	[tilespmem:s17+$0x18270] =	vst v8  }
0x6c1: {  	[tilespmem:s17+$0x18120] =	vst v9;
	v8 =	vld.idx.msk [tilespmem:v7+s7+$0x0], $0xffff  }
0x6c2: {  	v9 =	vld.idx.msk [tilespmem:v2+s2+$0x0], $0xffff;
	[tilespmem:s17+$0x18130] =	vst v10  }
0x6c3: {  	v10 =	vld.idx.msk [tilespmem:v3+s2+$0x0], $0xffff;
	[tilespmem:s17+$0x18140] =	vst v11  }
0x6c4: {  	v11 =	vld.idx.msk [tilespmem:v4+s2+$0x0], $0xffff;
	[tilespmem:s17+$0x18150] =	vst v12  }
0x6c5: {  	v12 =	vld.idx.msk [tilespmem:v5+s2+$0x0], $0xffff;
	[tilespmem:s17+$0x18160] =	vst v13  }
0x6c6: {  	[tilespmem:s17+$0x18180] =	vst v14;
	v13 =	vld.idx.msk [tilespmem:v6+s2+$0x0], $0xffff  }
0x6c7: {  	v14 =	vld.idx.msk [tilespmem:v0+s2+$0x0], $0xffff;
	[tilespmem:s17+$0x182F0] =	vst v8  }
0x6c8: {  	[tilespmem:s17+$0x18190] =	vst v9;
	v8 =	vld.idx.msk [tilespmem:v7+s8+$0x0], $0xffff  }
0x6c9: {  	v9 =	vld.idx.msk [tilespmem:v1+s6+$0x0], $0xffff;
	[tilespmem:s17+$0x181A0] =	vst v10  }
0x6ca: {  	v10 =	vld.idx.msk [tilespmem:v2+s6+$0x0], $0xffff;
	[tilespmem:s17+$0x181B0] =	vst v11  }
0x6cb: {  	v11 =	vld.idx.msk [tilespmem:v3+s6+$0x0], $0xffff;
	[tilespmem:s17+$0x181C0] =	vst v12  }
0x6cc: {  	v12 =	vld.idx.msk [tilespmem:v4+s6+$0x0], $0xffff;
	[tilespmem:s17+$0x181D0] =	vst v13  }
0x6cd: {  	v13 =	vld.idx.msk [tilespmem:v5+s6+$0x0], $0xffff;
	[tilespmem:s17+$0x181E0] =	vst v14  }
0x6ce: {  	v14 =	vld.idx.msk [tilespmem:v6+s6+$0x0], $0xffff;
	[tilespmem:s17+$0x18370] =	vst v8  }
0x6cf: {  	[tilespmem:s17+$0x18200] =	vst v9;
	v7 =	vld.idx.msk [tilespmem:v7+s9+$0x0], $0xffff  }
0x6d0: {  	[tilespmem:s17+$0x18210] =	vst v10;
	v8 =	vld.idx.msk [tilespmem:v0+s6+$0x0], $0xffff  }
0x6d1: {  	v9 =	vld.idx.msk [tilespmem:v1+s7+$0x0], $0xffff;
	[tilespmem:s17+$0x18220] =	vst v11  }
0x6d2: {  	v10 =	vld.idx.msk [tilespmem:v2+s7+$0x0], $0xffff;
	[tilespmem:s17+$0x18230] =	vst v12  }
0x6d3: {  	v11 =	vld.idx.msk [tilespmem:v3+s7+$0x0], $0xffff;
	[tilespmem:s17+$0x18240] =	vst v13  }
0x6d4: {  	v12 =	vld.idx.msk [tilespmem:v4+s7+$0x0], $0xffff;
	[tilespmem:s17+$0x18250] =	vst v14  }
0x6d5: {  	v13 =	vld.idx.msk [tilespmem:v5+s7+$0x0], $0xffff;
	[tilespmem:s17+$0x183F0] =	vst v7  }
0x6d6: {  	v7 =	vld.idx.msk [tilespmem:v6+s7+$0x0], $0xffff;
	[tilespmem:s17+$0x18260] =	vst v8  }
0x6d7: {  	[tilespmem:s17+$0x18280] =	vst v9;
	v8 =	vld.idx.msk [tilespmem:v0+s7+$0x0], $0xffff  }
0x6d8: {  	v9 =	vld.idx.msk [tilespmem:v1+s8+$0x0], $0xffff;
	[tilespmem:s17+$0x18290] =	vst v10  }
0x6d9: {  	v10 =	vld.idx.msk [tilespmem:v2+s8+$0x0], $0xffff;
	[tilespmem:s17+$0x182A0] =	vst v11  }
0x6da: {  	v11 =	vld.idx.msk [tilespmem:v3+s8+$0x0], $0xffff;
	[tilespmem:s17+$0x182B0] =	vst v12  }
0x6db: {  	v12 =	vld.idx.msk [tilespmem:v4+s8+$0x0], $0xffff;
	[tilespmem:s17+$0x182C0] =	vst v13  }
0x6dc: {  	v13 =	vld.idx.msk [tilespmem:v5+s8+$0x0], $0xffff;
	[tilespmem:s17+$0x182D0] =	vst v7  }
0x6dd: {  	v14 =	vld.idx.msk [tilespmem:v6+s8+$0x0], $0xffff;
	[tilespmem:s17+$0x182E0] =	vst v8  }
0x6de: {  	[tilespmem:s17+$0x18300] =	vst v9;
	v15 =	vld.idx.msk [tilespmem:v0+s8+$0x0], $0xffff  }
0x6df: {  	v7 =	vld.idx.msk [tilespmem:v1+s9+$0x0], $0xffff;
	[tilespmem:s17+$0x18310] =	vst v10  }
.Ltmp5:
0x6e0: {  	v8 =	vld.idx.msk [tilespmem:v2+s9+$0x0], $0xffff;
	[tilespmem:s17+$0x18320] =	vst v11;
	(pc) =	sbr.rel @p0 .LBB2_13-.Ltmp5, $4  }
0x6e1: {  	v9 =	vld.idx.msk [tilespmem:v3+s9+$0x0], $0xffff;
	[tilespmem:s17+$0x18330] =	vst v12  }
0x6e2: {  	v3 =	vld.idx.msk [tilespmem:v4+s9+$0x0], $0xffff;
	[tilespmem:s17+$0x18340] =	vst v13  }
0x6e3: {  	v4 =	vld.idx.msk [tilespmem:v5+s9+$0x0], $0xffff;
	[tilespmem:s17+$0x18350] =	vst v14  }
0x6e4: {  	s21 =	sadd.s32 $0x1000, s21;
	v5 =	vld.idx.msk [tilespmem:v6+s9+$0x0], $0xffff;
	[tilespmem:s17+$0x18360] =	vst v15  }
0x6e5: {  	_ =	sdelay $0x2  }
0x6e6: {  	[tilespmem:s17+$0x18380] =	vst v7  }
0x6e7: {  	v0 =	vld.idx.msk [tilespmem:v0+s9+$0x0], $0xffff;
	[tilespmem:s17+$0x18390] =	vst v8  }
0x6e8: {  	[tilespmem:s17+$0x183A0] =	vst v9  }
0x6e9: {  	[tilespmem:s17+$0x183B0] =	vst v3  }
0x6ea: {  	[tilespmem:s17+$0x183C0] =	vst v4  }
0x6eb: {  	[tilespmem:s17+$0x183D0] =	vst v5  }
0x6ec: {  	s20 =	simm.s32 $0x0;
	[tilespmem:s17+$0x183E0] =	vst v0  }
0x6ed: {  	[hbm4b:s18+s20] =	stream.linear.scatter [tilespmem:s11], [sflag:$0x2], $0x4000, $0x38;
	[tilespmem:$0x1C000] =	vst v63  }
0x6ee: {  	_ = 	snop  }
0x6ef: {  	[hbm4b:s19+s20] =	stream.linear.scatter [tilespmem:s12], [sflag:$0x2], $0x4000, $0x38;
	[tilespmem:$0x1C000] =	vst v63  }
0x6f0: {  	_ =	swait.ge [sflag:s13], $0x4000  }
0x6f1: {  	[sflag:s13] =	ssyncset.done $0x0  }
0x6f2: {  	[sflag:s13] =	ssyncadd.s32 $0xFFFFC000  }
0x6f3: {  	_ =	swait.ge [sflag:s13], $0x4000  }
0x6f4: {  	[sflag:s13] =	ssyncset.done $0x0  }
0x6f5: {  	s17 =	simm.s32 $0x0;
	[sflag:s13] =	ssyncadd.s32 $0xFFFFC000  }
0x6f6: {  	v7 =	vld [tilespmem:s17+$0x8370]  }
0x6f7: {  	v6 =	vld [tilespmem:s17+$0x8300]  }
0x6f8: {  	v5 =	vld [tilespmem:s17+$0x8310]  }
0x6f9: {  	v4 =	vld [tilespmem:s17+$0x8320]  }
0x6fa: {  	v3 =	vld [tilespmem:s17+$0x8330]  }
0x6fb: {  	v2 =	vld [tilespmem:s17+$0x8340]  }
0x6fc: {  	v1 =	vld [tilespmem:s17+$0x8350]  }
0x6fd: {  	v0 =	vld [tilespmem:s17+$0x8360]  }
0x6fe: {  	v8 =	vld.idx.msk [tilespmem:v7+s3+$0x0], $0xffff  }
0x6ff: {  	v9 =	vld.idx.msk [tilespmem:v6+s3+$0x0], $0xffff  }
0x700: {  	v10 =	vld.idx.msk [tilespmem:v5+s3+$0x0], $0xffff  }
0x701: {  	v11 =	vld.idx.msk [tilespmem:v4+s3+$0x0], $0xffff  }
0x702: {  	v12 =	vld.idx.msk [tilespmem:v3+s3+$0x0], $0xffff  }
0x703: {  	v13 =	vld.idx.msk [tilespmem:v2+s3+$0x0], $0xffff;
	[tilespmem:s17+$0xC070] =	vst v8  }
0x704: {  	v14 =	vld.idx.msk [tilespmem:v1+s3+$0x0], $0xffff;
	[tilespmem:s17+$0xC000] =	vst v9  }
0x705: {  	[tilespmem:s17+$0xC010] =	vst v10;
	v9 =	vld.idx.msk [tilespmem:v0+s3+$0x0], $0xffff  }
0x706: {  	[tilespmem:s17+$0xC020] =	vst v11;
	v8 =	vld.idx.msk [tilespmem:v7+s26+$0x0], $0xffff  }
0x707: {  	[tilespmem:s17+$0xC030] =	vst v12;
	v10 =	vld.idx.msk [tilespmem:v6+s26+$0x0], $0xffff  }
0x708: {  	[tilespmem:s17+$0xC040] =	vst v13;
	v11 =	vld.idx.msk [tilespmem:v5+s26+$0x0], $0xffff  }
0x709: {  	[tilespmem:s17+$0xC050] =	vst v14;
	v22 =	vld.idx.msk [tilespmem:v4+s26+$0x0], $0xffff  }
0x70a: {  	v23 =	vld.idx.msk [tilespmem:v3+s26+$0x0], $0xffff;
	[tilespmem:s17+$0xC060] =	vst v9  }
0x70b: {  	v24 =	vld.idx.msk [tilespmem:v2+s26+$0x0], $0xffff;
	[tilespmem:s17+$0xC0F0] =	vst v8  }
0x70c: {  	v9 =	vld.idx.msk [tilespmem:v1+s26+$0x0], $0xffff;
	[tilespmem:s17+$0xC080] =	vst v10  }
0x70d: {  	[tilespmem:s17+$0xC090] =	vst v11;
	v10 =	vld.idx.msk [tilespmem:v0+s26+$0x0], $0xffff  }
0x70e: {  	[tilespmem:s17+$0xC0A0] =	vst v22;
	v8 =	vld.idx.msk [tilespmem:v7+s28+$0x0], $0xffff  }
0x70f: {  	[tilespmem:s17+$0xC0B0] =	vst v23;
	v11 =	vld.idx.msk [tilespmem:v6+s28+$0x0], $0xffff  }
0x710: {  	[tilespmem:s17+$0xC0C0] =	vst v24;
	v25 =	vld.idx.msk [tilespmem:v5+s28+$0x0], $0xffff  }
0x711: {  	v26 =	vld.idx.msk [tilespmem:v4+s28+$0x0], $0xffff;
	[tilespmem:s17+$0xC0D0] =	vst v9  }
0x712: {  	v27 =	vld.idx.msk [tilespmem:v3+s28+$0x0], $0xffff;
	[tilespmem:s17+$0xC0E0] =	vst v10  }
0x713: {  	v9 =	vld.idx.msk [tilespmem:v2+s28+$0x0], $0xffff;
	[tilespmem:s17+$0xC170] =	vst v8  }
0x714: {  	v10 =	vld.idx.msk [tilespmem:v1+s28+$0x0], $0xffff;
	[tilespmem:s17+$0xC100] =	vst v11  }
0x715: {  	[tilespmem:s17+$0xC110] =	vst v25;
	v11 =	vld.idx.msk [tilespmem:v0+s28+$0x0], $0xffff  }
0x716: {  	[tilespmem:s17+$0xC120] =	vst v26;
	v8 =	vld.idx.msk [tilespmem:v7+s29+$0x0], $0xffff  }
0x717: {  	[tilespmem:s17+$0xC130] =	vst v27;
	v28 =	vld.idx.msk [tilespmem:v6+s29+$0x0], $0xffff  }
0x718: {  	v29 =	vld.idx.msk [tilespmem:v5+s29+$0x0], $0xffff;
	[tilespmem:s17+$0xC140] =	vst v9  }
0x719: {  	v30 =	vld.idx.msk [tilespmem:v4+s29+$0x0], $0xffff;
	[tilespmem:s17+$0xC150] =	vst v10  }
0x71a: {  	v9 =	vld.idx.msk [tilespmem:v3+s29+$0x0], $0xffff;
	[tilespmem:s17+$0xC160] =	vst v11  }
0x71b: {  	v10 =	vld.idx.msk [tilespmem:v2+s29+$0x0], $0xffff;
	[tilespmem:s17+$0xC1F0] =	vst v8  }
0x71c: {  	v11 =	vld.idx.msk [tilespmem:v1+s29+$0x0], $0xffff;
	[tilespmem:s17+$0xC180] =	vst v28  }
0x71d: {  	[tilespmem:s17+$0xC190] =	vst v29;
	v31 =	vld.idx.msk [tilespmem:v0+s29+$0x0], $0xffff  }
0x71e: {  	[tilespmem:s17+$0xC1A0] =	vst v30;
	v8 =	vld.idx.msk [tilespmem:v7+s30+$0x0], $0xffff  }
0x71f: {  	v32 =	vld.idx.msk [tilespmem:v6+s30+$0x0], $0xffff;
	[tilespmem:s17+$0xC1B0] =	vst v9  }
0x720: {  	v33 =	vld.idx.msk [tilespmem:v5+s30+$0x0], $0xffff;
	[tilespmem:s17+$0xC1C0] =	vst v10  }
0x721: {  	v9 =	vld.idx.msk [tilespmem:v4+s30+$0x0], $0xffff;
	[tilespmem:s17+$0xC1D0] =	vst v11  }
0x722: {  	v10 =	vld.idx.msk [tilespmem:v3+s30+$0x0], $0xffff;
	[tilespmem:s17+$0xC1E0] =	vst v31  }
0x723: {  	v11 =	vld.idx.msk [tilespmem:v2+s30+$0x0], $0xffff;
	[tilespmem:s17+$0xC270] =	vst v8  }
0x724: {  	v34 =	vld.idx.msk [tilespmem:v1+s30+$0x0], $0xffff;
	[tilespmem:s17+$0xC200] =	vst v32  }
0x725: {  	[tilespmem:s17+$0xC210] =	vst v33;
	v35 =	vld.idx.msk [tilespmem:v0+s30+$0x0], $0xffff  }
0x726: {  	v8 =	vld.idx.msk [tilespmem:v7+s31+$0x0], $0xffff;
	[tilespmem:s17+$0xC220] =	vst v9  }
0x727: {  	v36 =	vld.idx.msk [tilespmem:v6+s31+$0x0], $0xffff;
	[tilespmem:s17+$0xC230] =	vst v10  }
0x728: {  	v9 =	vld.idx.msk [tilespmem:v5+s31+$0x0], $0xffff;
	[tilespmem:s17+$0xC240] =	vst v11  }
0x729: {  	v10 =	vld.idx.msk [tilespmem:v4+s31+$0x0], $0xffff;
	[tilespmem:s17+$0xC250] =	vst v34  }
0x72a: {  	v11 =	vld.idx.msk [tilespmem:v3+s31+$0x0], $0xffff;
	[tilespmem:s17+$0xC260] =	vst v35  }
0x72b: {  	v37 =	vld.idx.msk [tilespmem:v2+s31+$0x0], $0xffff;
	[tilespmem:s17+$0xC2F0] =	vst v8  }
0x72c: {  	v38 =	vld.idx.msk [tilespmem:v1+s31+$0x0], $0xffff;
	[tilespmem:s17+$0xC280] =	vst v36  }
0x72d: {  	v39 =	vld.idx.msk [tilespmem:v0+s31+$0x0], $0xffff;
	[tilespmem:s17+$0xC290] =	vst v9  }
0x72e: {  	v8 =	vld.idx.msk [tilespmem:v7+s0+$0x0], $0xffff;
	[tilespmem:s17+$0xC2A0] =	vst v10  }
0x72f: {  	v9 =	vld.idx.msk [tilespmem:v6+s0+$0x0], $0xffff;
	[tilespmem:s17+$0xC2B0] =	vst v11  }
0x730: {  	v10 =	vld.idx.msk [tilespmem:v5+s0+$0x0], $0xffff;
	[tilespmem:s17+$0xC2C0] =	vst v37  }
0x731: {  	v11 =	vld.idx.msk [tilespmem:v4+s0+$0x0], $0xffff;
	[tilespmem:s17+$0xC2D0] =	vst v38  }
0x732: {  	v40 =	vld.idx.msk [tilespmem:v3+s0+$0x0], $0xffff;
	[tilespmem:s17+$0xC2E0] =	vst v39  }
0x733: {  	v41 =	vld.idx.msk [tilespmem:v2+s0+$0x0], $0xffff;
	[tilespmem:s17+$0xC370] =	vst v8  }
0x734: {  	v42 =	vld.idx.msk [tilespmem:v1+s0+$0x0], $0xffff;
	[tilespmem:s17+$0xC300] =	vst v9  }
0x735: {  	[tilespmem:s17+$0xC310] =	vst v10;
	v9 =	vld.idx.msk [tilespmem:v0+s0+$0x0], $0xffff  }
0x736: {  	v8 =	vld.idx.msk [tilespmem:v7+s1+$0x0], $0xffff;
	[tilespmem:s17+$0xC320] =	vst v11  }
0x737: {  	v10 =	vld.idx.msk [tilespmem:v6+s1+$0x0], $0xffff;
	[tilespmem:s17+$0xC330] =	vst v40  }
0x738: {  	v11 =	vld.idx.msk [tilespmem:v5+s1+$0x0], $0xffff;
	[tilespmem:s17+$0xC340] =	vst v41  }
0x739: {  	v43 =	vld.idx.msk [tilespmem:v4+s1+$0x0], $0xffff;
	[tilespmem:s17+$0xC350] =	vst v42  }
0x73a: {  	v44 =	vld.idx.msk [tilespmem:v3+s1+$0x0], $0xffff;
	[tilespmem:s17+$0xC360] =	vst v9  }
0x73b: {  	v45 =	vld.idx.msk [tilespmem:v2+s1+$0x0], $0xffff;
	[tilespmem:s17+$0xC3F0] =	vst v8  }
0x73c: {  	v9 =	vld.idx.msk [tilespmem:v1+s1+$0x0], $0xffff;
	[tilespmem:s17+$0xC380] =	vst v10  }
0x73d: {  	[tilespmem:s17+$0xC390] =	vst v11;
	v10 =	vld.idx.msk [tilespmem:v0+s1+$0x0], $0xffff  }
0x73e: {  	v8 =	vld.idx.msk [tilespmem:v7+s4+$0x0], $0xffff;
	[tilespmem:s17+$0xC3A0] =	vst v43  }
0x73f: {  	v11 =	vld.idx.msk [tilespmem:v6+s4+$0x0], $0xffff;
	[tilespmem:s17+$0xC3B0] =	vst v44  }
0x740: {  	v46 =	vld.idx.msk [tilespmem:v5+s4+$0x0], $0xffff;
	[tilespmem:s17+$0xC3C0] =	vst v45  }
0x741: {  	v47 =	vld.idx.msk [tilespmem:v4+s4+$0x0], $0xffff;
	[tilespmem:s17+$0xC3D0] =	vst v9  }
0x742: {  	v48 =	vld.idx.msk [tilespmem:v3+s4+$0x0], $0xffff;
	[tilespmem:s17+$0xC3E0] =	vst v10  }
0x743: {  	v9 =	vld.idx.msk [tilespmem:v2+s4+$0x0], $0xffff;
	[tilespmem:s17+$0x10070] =	vst v8  }
0x744: {  	v10 =	vld.idx.msk [tilespmem:v1+s4+$0x0], $0xffff;
	[tilespmem:s17+$0x10000] =	vst v11  }
0x745: {  	[tilespmem:s17+$0x10010] =	vst v46;
	v11 =	vld.idx.msk [tilespmem:v0+s4+$0x0], $0xffff  }
0x746: {  	v8 =	vld.idx.msk [tilespmem:v7+s23+$0x0], $0xffff;
	[tilespmem:s17+$0x10020] =	vst v47  }
0x747: {  	v49 =	vld.idx.msk [tilespmem:v6+s23+$0x0], $0xffff;
	[tilespmem:s17+$0x10030] =	vst v48  }
0x748: {  	v50 =	vld.idx.msk [tilespmem:v5+s23+$0x0], $0xffff;
	[tilespmem:s17+$0x10040] =	vst v9  }
0x749: {  	v51 =	vld.idx.msk [tilespmem:v4+s23+$0x0], $0xffff;
	[tilespmem:s17+$0x10050] =	vst v10  }
0x74a: {  	v9 =	vld.idx.msk [tilespmem:v3+s23+$0x0], $0xffff;
	[tilespmem:s17+$0x10060] =	vst v11  }
0x74b: {  	v10 =	vld.idx.msk [tilespmem:v2+s23+$0x0], $0xffff;
	[tilespmem:s17+$0x100F0] =	vst v8  }
0x74c: {  	[tilespmem:s17+$0x10080] =	vst v49;
	v8 =	vld.idx.msk [tilespmem:v7+s25+$0x0], $0xffff  }
0x74d: {  	v11 =	vld.idx.msk [tilespmem:v1+s23+$0x0], $0xffff;
	[tilespmem:s17+$0x10090] =	vst v50  }
0x74e: {  	v52 =	vld.idx.msk [tilespmem:v0+s23+$0x0], $0xffff;
	[tilespmem:s17+$0x100A0] =	vst v51  }
0x74f: {  	v53 =	vld.idx.msk [tilespmem:v6+s25+$0x0], $0xffff;
	[tilespmem:s17+$0x100B0] =	vst v9  }
0x750: {  	v54 =	vld.idx.msk [tilespmem:v5+s25+$0x0], $0xffff;
	[tilespmem:s17+$0x100C0] =	vst v10  }
0x751: {  	v9 =	vld.idx.msk [tilespmem:v4+s25+$0x0], $0xffff;
	[tilespmem:s17+$0x10170] =	vst v8  }
0x752: {  	[tilespmem:s17+$0x100D0] =	vst v11;
	v8 =	vld.idx.msk [tilespmem:v7+s2+$0x0], $0xffff  }
0x753: {  	v10 =	vld.idx.msk [tilespmem:v3+s25+$0x0], $0xffff;
	[tilespmem:s17+$0x100E0] =	vst v52  }
0x754: {  	v11 =	vld.idx.msk [tilespmem:v2+s25+$0x0], $0xffff;
	[tilespmem:s17+$0x10100] =	vst v53  }
0x755: {  	v55 =	vld.idx.msk [tilespmem:v1+s25+$0x0], $0xffff;
	[tilespmem:s17+$0x10110] =	vst v54  }
0x756: {  	v56 =	vld.idx.msk [tilespmem:v0+s25+$0x0], $0xffff;
	[tilespmem:s17+$0x10120] =	vst v9  }
0x757: {  	v57 =	vld.idx.msk [tilespmem:v6+s2+$0x0], $0xffff;
	[tilespmem:s17+$0x101F0] =	vst v8  }
0x758: {  	[tilespmem:s17+$0x10130] =	vst v10;
	v8 =	vld.idx.msk [tilespmem:v7+s6+$0x0], $0xffff  }
0x759: {  	v9 =	vld.idx.msk [tilespmem:v5+s2+$0x0], $0xffff;
	[tilespmem:s17+$0x10140] =	vst v11  }
0x75a: {  	v10 =	vld.idx.msk [tilespmem:v4+s2+$0x0], $0xffff;
	[tilespmem:s17+$0x10150] =	vst v55  }
0x75b: {  	v11 =	vld.idx.msk [tilespmem:v3+s2+$0x0], $0xffff;
	[tilespmem:s17+$0x10160] =	vst v56  }
0x75c: {  	v58 =	vld.idx.msk [tilespmem:v2+s2+$0x0], $0xffff;
	[tilespmem:s17+$0x10180] =	vst v57  }
0x75d: {  	v59 =	vld.idx.msk [tilespmem:v1+s2+$0x0], $0xffff;
	[tilespmem:s17+$0x10270] =	vst v8  }
0x75e: {  	[tilespmem:s17+$0x10190] =	vst v9;
	v8 =	vld.idx.msk [tilespmem:v7+s7+$0x0], $0xffff  }
0x75f: {  	v60 =	vld.idx.msk [tilespmem:v0+s2+$0x0], $0xffff;
	[tilespmem:s17+$0x101A0] =	vst v10  }
0x760: {  	v9 =	vld.idx.msk [tilespmem:v6+s6+$0x0], $0xffff;
	[tilespmem:s17+$0x101B0] =	vst v11  }
0x761: {  	v10 =	vld.idx.msk [tilespmem:v5+s6+$0x0], $0xffff;
	[tilespmem:s17+$0x101C0] =	vst v58  }
0x762: {  	v11 =	vld.idx.msk [tilespmem:v4+s6+$0x0], $0xffff;
	[tilespmem:s17+$0x101D0] =	vst v59  }
0x763: {  	v61 =	vld.idx.msk [tilespmem:v3+s6+$0x0], $0xffff;
	[tilespmem:s17+$0x102F0] =	vst v8  }
0x764: {  	[tilespmem:s17+$0x101E0] =	vst v60;
	v8 =	vld.idx.msk [tilespmem:v7+s8+$0x0], $0xffff  }
0x765: {  	v62 =	vld.idx.msk [tilespmem:v2+s6+$0x0], $0xffff;
	[tilespmem:s17+$0x10200] =	vst v9  }
0x766: {  	v63 =	vld.idx.msk [tilespmem:v1+s6+$0x0], $0xffff;
	[tilespmem:s17+$0x10210] =	vst v10  }
0x767: {  	v9 =	vld.idx.msk [tilespmem:v6+s7+$0x0], $0xffff;
	[tilespmem:s17+$0x10220] =	vst v11  }
0x768: {  	v10 =	vld.idx.msk [tilespmem:v5+s7+$0x0], $0xffff;
	[tilespmem:s17+$0x10230] =	vst v61  }
0x769: {  	v11 =	vld.idx.msk [tilespmem:v4+s7+$0x0], $0xffff;
	[tilespmem:s17+$0x10370] =	vst v8  }
0x76a: {  	[tilespmem:s17+$0x10240] =	vst v62;
	v7 =	vld.idx.msk [tilespmem:v7+s9+$0x0], $0xffff  }
0x76b: {  	[tilespmem:s17+$0x10250] =	vst v63;
	v8 =	vld.idx.msk [tilespmem:v0+s6+$0x0], $0xffff  }
0x76c: {  	v12 =	vld.idx.msk [tilespmem:v3+s7+$0x0], $0xffff;
	[tilespmem:s17+$0x10280] =	vst v9  }
0x76d: {  	v13 =	vld.idx.msk [tilespmem:v2+s7+$0x0], $0xffff;
	[tilespmem:s17+$0x10290] =	vst v10  }
0x76e: {  	v9 =	vld.idx.msk [tilespmem:v6+s8+$0x0], $0xffff;
	[tilespmem:s17+$0x102A0] =	vst v11  }
0x76f: {  	[tilespmem:s17+$0x103F0] =	vst v7;
	v7 =	vld.idx.msk [tilespmem:v1+s7+$0x0], $0xffff  }
0x770: {  	v11 =	vld.idx.msk [tilespmem:v4+s8+$0x0], $0xffff;
	[tilespmem:s17+$0x10260] =	vst v8  }
0x771: {  	[tilespmem:s17+$0x102B0] =	vst v12;
	v8 =	vld.idx.msk [tilespmem:v0+s7+$0x0], $0xffff  }
0x772: {  	v10 =	vld.idx.msk [tilespmem:v5+s8+$0x0], $0xffff;
	[tilespmem:s17+$0x102C0] =	vst v13  }
0x773: {  	v12 =	vld.idx.msk [tilespmem:v3+s8+$0x0], $0xffff;
	[tilespmem:s17+$0x10300] =	vst v9  }
0x774: {  	v13 =	vld.idx.msk [tilespmem:v2+s8+$0x0], $0xffff;
	[tilespmem:s17+$0x102D0] =	vst v7  }
0x775: {  	[tilespmem:s17+$0x10320] =	vst v11;
	v14 =	vld.idx.msk [tilespmem:v1+s8+$0x0], $0xffff  }
0x776: {  	v9 =	vld.idx.msk [tilespmem:v4+s9+$0x0], $0xffff;
	[tilespmem:s17+$0x102E0] =	vst v8  }
0x777: {  	[tilespmem:s17+$0x10310] =	vst v10;
	v15 =	vld.idx.msk [tilespmem:v0+s8+$0x0], $0xffff  }
0x778: {  	[tilespmem:s17+$0x10330] =	vst v12;
	v7 =	vld.idx.msk [tilespmem:v6+s9+$0x0], $0xffff  }
0x779: {  	[tilespmem:s17+$0x10340] =	vst v13;
	v8 =	vld.idx.msk [tilespmem:v5+s9+$0x0], $0xffff  }
0x77a: {  	v3 =	vld.idx.msk [tilespmem:v3+s9+$0x0], $0xffff;
	s21 =	rddreg [dreg:$0x13];
	[tilespmem:s17+$0x10350] =	vst v14  }
0x77b: {  	s20 =	simm.s32 $0x0;
	v4 =	vld.idx.msk [tilespmem:v2+s9+$0x0], $0xffff;
	s22 =	rddreg [dreg:$0x14]  }
0x77c: {  	s18 =	sadd.s32 s16, s21;
	s21 =	simm.s32 $0x1000;
	v5 =	vld.idx.msk [tilespmem:v1+s9+$0x0], $0xffff;
	[tilespmem:s17+$0x10360] =	vst v15;
	s19 =	sadd.s32 s16, s22  }
.LBB2_15:
0x77d: {  	s22 =	sshra.s32 s21, $0x2;
	s20 =	sadd.s32 $0x8, s20;
	[tilespmem:s17+$0x10380] =	vst v7;
	v0 =	vld.idx.msk [tilespmem:v0+s9+$0x0], $0xffff  }
0x77e: {  	v7 =	vld [tilespmem:s22+$0x8370];
	p0 =	slt.u32 s20, $0x78;
	[tilespmem:s17+$0x10390] =	vst v8  }
0x77f: {  	v1 =	vld [tilespmem:s22+$0x8300];
	[tilespmem:s17+$0x103A0] =	vst v9  }
0x780: {  	v2 =	vld [tilespmem:s22+$0x8310];
	[tilespmem:s17+$0x103B0] =	vst v3  }
0x781: {  	v3 =	vld [tilespmem:s22+$0x8320];
	[tilespmem:s17+$0x103C0] =	vst v4  }
0x782: {  	v4 =	vld [tilespmem:s22+$0x8330];
	[tilespmem:s17+$0x103D0] =	vst v5  }
0x783: {  	v5 =	vld [tilespmem:s22+$0x8340];
	[tilespmem:s17+$0x103E0] =	vst v0;
	s17 =	smov.u32 s22  }
0x784: {  	v6 =	vld [tilespmem:s17+$0x8350]  }
0x785: {  	v0 =	vld [tilespmem:s17+$0x8360]  }
0x786: {  	v8 =	vld.idx.msk [tilespmem:v7+s3+$0x0], $0xffff  }
0x787: {  	v9 =	vld.idx.msk [tilespmem:v1+s3+$0x0], $0xffff  }
0x788: {  	v10 =	vld.idx.msk [tilespmem:v2+s3+$0x0], $0xffff  }
0x789: {  	v11 =	vld.idx.msk [tilespmem:v3+s3+$0x0], $0xffff  }
0x78a: {  	v12 =	vld.idx.msk [tilespmem:v4+s3+$0x0], $0xffff  }
0x78b: {  	v13 =	vld.idx.msk [tilespmem:v5+s3+$0x0], $0xffff  }
0x78c: {  	v14 =	vld.idx.msk [tilespmem:v6+s3+$0x0], $0xffff;
	[tilespmem:s17+$0xC070] =	vst v8  }
0x78d: {  	[tilespmem:s17+$0xC000] =	vst v9;
	v8 =	vld.idx.msk [tilespmem:v7+s26+$0x0], $0xffff  }
0x78e: {  	[tilespmem:s17+$0xC010] =	vst v10;
	v9 =	vld.idx.msk [tilespmem:v0+s3+$0x0], $0xffff  }
0x78f: {  	v10 =	vld.idx.msk [tilespmem:v1+s26+$0x0], $0xffff;
	[tilespmem:s17+$0xC020] =	vst v11  }
0x790: {  	v11 =	vld.idx.msk [tilespmem:v2+s26+$0x0], $0xffff;
	[tilespmem:s17+$0xC030] =	vst v12  }
0x791: {  	v12 =	vld.idx.msk [tilespmem:v3+s26+$0x0], $0xffff;
	[tilespmem:s17+$0xC040] =	vst v13  }
0x792: {  	v13 =	vld.idx.msk [tilespmem:v4+s26+$0x0], $0xffff;
	[tilespmem:s17+$0xC050] =	vst v14  }
0x793: {  	v14 =	vld.idx.msk [tilespmem:v5+s26+$0x0], $0xffff;
	[tilespmem:s17+$0xC0F0] =	vst v8  }
0x794: {  	[tilespmem:s17+$0xC060] =	vst v9;
	v8 =	vld.idx.msk [tilespmem:v7+s28+$0x0], $0xffff  }
0x795: {  	[tilespmem:s17+$0xC080] =	vst v10;
	v9 =	vld.idx.msk [tilespmem:v6+s26+$0x0], $0xffff  }
0x796: {  	[tilespmem:s17+$0xC090] =	vst v11;
	v10 =	vld.idx.msk [tilespmem:v0+s26+$0x0], $0xffff  }
0x797: {  	v11 =	vld.idx.msk [tilespmem:v1+s28+$0x0], $0xffff;
	[tilespmem:s17+$0xC0A0] =	vst v12  }
0x798: {  	v12 =	vld.idx.msk [tilespmem:v2+s28+$0x0], $0xffff;
	[tilespmem:s17+$0xC0B0] =	vst v13  }
0x799: {  	v13 =	vld.idx.msk [tilespmem:v3+s28+$0x0], $0xffff;
	[tilespmem:s17+$0xC0C0] =	vst v14  }
0x79a: {  	v14 =	vld.idx.msk [tilespmem:v4+s28+$0x0], $0xffff;
	[tilespmem:s17+$0xC170] =	vst v8  }
0x79b: {  	[tilespmem:s17+$0xC0D0] =	vst v9;
	v8 =	vld.idx.msk [tilespmem:v7+s29+$0x0], $0xffff  }
0x79c: {  	v9 =	vld.idx.msk [tilespmem:v5+s28+$0x0], $0xffff;
	[tilespmem:s17+$0xC0E0] =	vst v10  }
0x79d: {  	[tilespmem:s17+$0xC100] =	vst v11;
	v10 =	vld.idx.msk [tilespmem:v6+s28+$0x0], $0xffff  }
0x79e: {  	[tilespmem:s17+$0xC110] =	vst v12;
	v11 =	vld.idx.msk [tilespmem:v0+s28+$0x0], $0xffff  }
0x79f: {  	v12 =	vld.idx.msk [tilespmem:v1+s29+$0x0], $0xffff;
	[tilespmem:s17+$0xC120] =	vst v13  }
0x7a0: {  	v13 =	vld.idx.msk [tilespmem:v2+s29+$0x0], $0xffff;
	[tilespmem:s17+$0xC130] =	vst v14  }
0x7a1: {  	v14 =	vld.idx.msk [tilespmem:v3+s29+$0x0], $0xffff;
	[tilespmem:s17+$0xC1F0] =	vst v8  }
0x7a2: {  	[tilespmem:s17+$0xC140] =	vst v9;
	v8 =	vld.idx.msk [tilespmem:v7+s30+$0x0], $0xffff  }
0x7a3: {  	v9 =	vld.idx.msk [tilespmem:v4+s29+$0x0], $0xffff;
	[tilespmem:s17+$0xC150] =	vst v10  }
0x7a4: {  	v10 =	vld.idx.msk [tilespmem:v5+s29+$0x0], $0xffff;
	[tilespmem:s17+$0xC160] =	vst v11  }
0x7a5: {  	[tilespmem:s17+$0xC180] =	vst v12;
	v11 =	vld.idx.msk [tilespmem:v6+s29+$0x0], $0xffff  }
0x7a6: {  	[tilespmem:s17+$0xC190] =	vst v13;
	v12 =	vld.idx.msk [tilespmem:v0+s29+$0x0], $0xffff  }
0x7a7: {  	v13 =	vld.idx.msk [tilespmem:v1+s30+$0x0], $0xffff;
	[tilespmem:s17+$0xC1A0] =	vst v14  }
0x7a8: {  	v14 =	vld.idx.msk [tilespmem:v2+s30+$0x0], $0xffff;
	[tilespmem:s17+$0xC270] =	vst v8  }
0x7a9: {  	[tilespmem:s17+$0xC1B0] =	vst v9;
	v8 =	vld.idx.msk [tilespmem:v7+s31+$0x0], $0xffff  }
0x7aa: {  	v9 =	vld.idx.msk [tilespmem:v3+s30+$0x0], $0xffff;
	[tilespmem:s17+$0xC1C0] =	vst v10  }
0x7ab: {  	v10 =	vld.idx.msk [tilespmem:v4+s30+$0x0], $0xffff;
	[tilespmem:s17+$0xC1D0] =	vst v11  }
0x7ac: {  	v11 =	vld.idx.msk [tilespmem:v5+s30+$0x0], $0xffff;
	[tilespmem:s17+$0xC1E0] =	vst v12  }
0x7ad: {  	[tilespmem:s17+$0xC200] =	vst v13;
	v12 =	vld.idx.msk [tilespmem:v6+s30+$0x0], $0xffff  }
0x7ae: {  	[tilespmem:s17+$0xC210] =	vst v14;
	v13 =	vld.idx.msk [tilespmem:v0+s30+$0x0], $0xffff  }
0x7af: {  	v14 =	vld.idx.msk [tilespmem:v1+s31+$0x0], $0xffff;
	[tilespmem:s17+$0xC2F0] =	vst v8  }
0x7b0: {  	[tilespmem:s17+$0xC220] =	vst v9;
	v8 =	vld.idx.msk [tilespmem:v7+s0+$0x0], $0xffff  }
0x7b1: {  	v9 =	vld.idx.msk [tilespmem:v2+s31+$0x0], $0xffff;
	[tilespmem:s17+$0xC230] =	vst v10  }
0x7b2: {  	v10 =	vld.idx.msk [tilespmem:v3+s31+$0x0], $0xffff;
	[tilespmem:s17+$0xC240] =	vst v11  }
0x7b3: {  	v11 =	vld.idx.msk [tilespmem:v4+s31+$0x0], $0xffff;
	[tilespmem:s17+$0xC250] =	vst v12  }
0x7b4: {  	v12 =	vld.idx.msk [tilespmem:v5+s31+$0x0], $0xffff;
	[tilespmem:s17+$0xC260] =	vst v13  }
0x7b5: {  	[tilespmem:s17+$0xC280] =	vst v14;
	v13 =	vld.idx.msk [tilespmem:v6+s31+$0x0], $0xffff  }
0x7b6: {  	v14 =	vld.idx.msk [tilespmem:v0+s31+$0x0], $0xffff;
	[tilespmem:s17+$0xC370] =	vst v8  }
0x7b7: {  	[tilespmem:s17+$0xC290] =	vst v9;
	v8 =	vld.idx.msk [tilespmem:v7+s1+$0x0], $0xffff  }
0x7b8: {  	v9 =	vld.idx.msk [tilespmem:v1+s0+$0x0], $0xffff;
	[tilespmem:s17+$0xC2A0] =	vst v10  }
0x7b9: {  	v10 =	vld.idx.msk [tilespmem:v2+s0+$0x0], $0xffff;
	[tilespmem:s17+$0xC2B0] =	vst v11  }
0x7ba: {  	v11 =	vld.idx.msk [tilespmem:v3+s0+$0x0], $0xffff;
	[tilespmem:s17+$0xC2C0] =	vst v12  }
0x7bb: {  	v12 =	vld.idx.msk [tilespmem:v4+s0+$0x0], $0xffff;
	[tilespmem:s17+$0xC2D0] =	vst v13  }
0x7bc: {  	v13 =	vld.idx.msk [tilespmem:v5+s0+$0x0], $0xffff;
	[tilespmem:s17+$0xC2E0] =	vst v14  }
0x7bd: {  	v14 =	vld.idx.msk [tilespmem:v6+s0+$0x0], $0xffff;
	[tilespmem:s17+$0xC3F0] =	vst v8  }
0x7be: {  	[tilespmem:s17+$0xC300] =	vst v9;
	v8 =	vld.idx.msk [tilespmem:v7+s4+$0x0], $0xffff  }
0x7bf: {  	[tilespmem:s17+$0xC310] =	vst v10;
	v9 =	vld.idx.msk [tilespmem:v0+s0+$0x0], $0xffff  }
0x7c0: {  	v10 =	vld.idx.msk [tilespmem:v1+s1+$0x0], $0xffff;
	[tilespmem:s17+$0xC320] =	vst v11  }
0x7c1: {  	v11 =	vld.idx.msk [tilespmem:v2+s1+$0x0], $0xffff;
	[tilespmem:s17+$0xC330] =	vst v12  }
0x7c2: {  	v12 =	vld.idx.msk [tilespmem:v3+s1+$0x0], $0xffff;
	[tilespmem:s17+$0xC340] =	vst v13  }
0x7c3: {  	v13 =	vld.idx.msk [tilespmem:v4+s1+$0x0], $0xffff;
	[tilespmem:s17+$0xC350] =	vst v14  }
0x7c4: {  	v14 =	vld.idx.msk [tilespmem:v5+s1+$0x0], $0xffff;
	[tilespmem:s17+$0x10070] =	vst v8  }
0x7c5: {  	[tilespmem:s17+$0xC360] =	vst v9;
	v8 =	vld.idx.msk [tilespmem:v7+s23+$0x0], $0xffff  }
0x7c6: {  	[tilespmem:s17+$0xC380] =	vst v10;
	v9 =	vld.idx.msk [tilespmem:v6+s1+$0x0], $0xffff  }
0x7c7: {  	[tilespmem:s17+$0xC390] =	vst v11;
	v10 =	vld.idx.msk [tilespmem:v0+s1+$0x0], $0xffff  }
0x7c8: {  	v11 =	vld.idx.msk [tilespmem:v1+s4+$0x0], $0xffff;
	[tilespmem:s17+$0xC3A0] =	vst v12  }
0x7c9: {  	v12 =	vld.idx.msk [tilespmem:v2+s4+$0x0], $0xffff;
	[tilespmem:s17+$0xC3B0] =	vst v13  }
0x7ca: {  	v13 =	vld.idx.msk [tilespmem:v3+s4+$0x0], $0xffff;
	[tilespmem:s17+$0xC3C0] =	vst v14  }
0x7cb: {  	v14 =	vld.idx.msk [tilespmem:v4+s4+$0x0], $0xffff;
	[tilespmem:s17+$0x100F0] =	vst v8  }
0x7cc: {  	[tilespmem:s17+$0xC3D0] =	vst v9;
	v8 =	vld.idx.msk [tilespmem:v7+s25+$0x0], $0xffff  }
0x7cd: {  	v9 =	vld.idx.msk [tilespmem:v5+s4+$0x0], $0xffff;
	[tilespmem:s17+$0xC3E0] =	vst v10  }
0x7ce: {  	[tilespmem:s17+$0x10000] =	vst v11;
	v10 =	vld.idx.msk [tilespmem:v6+s4+$0x0], $0xffff  }
0x7cf: {  	[tilespmem:s17+$0x10010] =	vst v12;
	v11 =	vld.idx.msk [tilespmem:v0+s4+$0x0], $0xffff  }
0x7d0: {  	v12 =	vld.idx.msk [tilespmem:v1+s23+$0x0], $0xffff;
	[tilespmem:s17+$0x10020] =	vst v13  }
0x7d1: {  	v13 =	vld.idx.msk [tilespmem:v2+s23+$0x0], $0xffff;
	[tilespmem:s17+$0x10030] =	vst v14  }
0x7d2: {  	v14 =	vld.idx.msk [tilespmem:v3+s23+$0x0], $0xffff;
	[tilespmem:s17+$0x10170] =	vst v8  }
0x7d3: {  	[tilespmem:s17+$0x10040] =	vst v9;
	v8 =	vld.idx.msk [tilespmem:v7+s2+$0x0], $0xffff  }
0x7d4: {  	v9 =	vld.idx.msk [tilespmem:v4+s23+$0x0], $0xffff;
	[tilespmem:s17+$0x10050] =	vst v10  }
0x7d5: {  	v10 =	vld.idx.msk [tilespmem:v5+s23+$0x0], $0xffff;
	[tilespmem:s17+$0x10060] =	vst v11  }
0x7d6: {  	[tilespmem:s17+$0x10080] =	vst v12;
	v11 =	vld.idx.msk [tilespmem:v6+s23+$0x0], $0xffff  }
0x7d7: {  	[tilespmem:s17+$0x10090] =	vst v13;
	v12 =	vld.idx.msk [tilespmem:v0+s23+$0x0], $0xffff  }
0x7d8: {  	v13 =	vld.idx.msk [tilespmem:v1+s25+$0x0], $0xffff;
	[tilespmem:s17+$0x100A0] =	vst v14  }
0x7d9: {  	v14 =	vld.idx.msk [tilespmem:v2+s25+$0x0], $0xffff;
	[tilespmem:s17+$0x101F0] =	vst v8  }
0x7da: {  	[tilespmem:s17+$0x100B0] =	vst v9;
	v8 =	vld.idx.msk [tilespmem:v7+s6+$0x0], $0xffff  }
0x7db: {  	v9 =	vld.idx.msk [tilespmem:v3+s25+$0x0], $0xffff;
	[tilespmem:s17+$0x100C0] =	vst v10  }
0x7dc: {  	v10 =	vld.idx.msk [tilespmem:v4+s25+$0x0], $0xffff;
	[tilespmem:s17+$0x100D0] =	vst v11  }
0x7dd: {  	v11 =	vld.idx.msk [tilespmem:v5+s25+$0x0], $0xffff;
	[tilespmem:s17+$0x100E0] =	vst v12  }
0x7de: {  	[tilespmem:s17+$0x10100] =	vst v13;
	v12 =	vld.idx.msk [tilespmem:v6+s25+$0x0], $0xffff  }
0x7df: {  	[tilespmem:s17+$0x10110] =	vst v14;
	v13 =	vld.idx.msk [tilespmem:v0+s25+$0x0], $0xffff  }
0x7e0: {  	v14 =	vld.idx.msk [tilespmem:v1+s2+$0x0], $0xffff;
	[tilespmem:s17+$0x10270] =	vst v8  }
0x7e1: {  	[tilespmem:s17+$0x10120] =	vst v9;
	v8 =	vld.idx.msk [tilespmem:v7+s7+$0x0], $0xffff  }
0x7e2: {  	v9 =	vld.idx.msk [tilespmem:v2+s2+$0x0], $0xffff;
	[tilespmem:s17+$0x10130] =	vst v10  }
0x7e3: {  	v10 =	vld.idx.msk [tilespmem:v3+s2+$0x0], $0xffff;
	[tilespmem:s17+$0x10140] =	vst v11  }
0x7e4: {  	v11 =	vld.idx.msk [tilespmem:v4+s2+$0x0], $0xffff;
	[tilespmem:s17+$0x10150] =	vst v12  }
0x7e5: {  	v12 =	vld.idx.msk [tilespmem:v5+s2+$0x0], $0xffff;
	[tilespmem:s17+$0x10160] =	vst v13  }
0x7e6: {  	[tilespmem:s17+$0x10180] =	vst v14;
	v13 =	vld.idx.msk [tilespmem:v6+s2+$0x0], $0xffff  }
0x7e7: {  	v14 =	vld.idx.msk [tilespmem:v0+s2+$0x0], $0xffff;
	[tilespmem:s17+$0x102F0] =	vst v8  }
0x7e8: {  	[tilespmem:s17+$0x10190] =	vst v9;
	v8 =	vld.idx.msk [tilespmem:v7+s8+$0x0], $0xffff  }
0x7e9: {  	v9 =	vld.idx.msk [tilespmem:v1+s6+$0x0], $0xffff;
	[tilespmem:s17+$0x101A0] =	vst v10  }
0x7ea: {  	v10 =	vld.idx.msk [tilespmem:v2+s6+$0x0], $0xffff;
	[tilespmem:s17+$0x101B0] =	vst v11  }
0x7eb: {  	v11 =	vld.idx.msk [tilespmem:v3+s6+$0x0], $0xffff;
	[tilespmem:s17+$0x101C0] =	vst v12  }
0x7ec: {  	v12 =	vld.idx.msk [tilespmem:v4+s6+$0x0], $0xffff;
	[tilespmem:s17+$0x101D0] =	vst v13  }
0x7ed: {  	v13 =	vld.idx.msk [tilespmem:v5+s6+$0x0], $0xffff;
	[tilespmem:s17+$0x101E0] =	vst v14  }
0x7ee: {  	v14 =	vld.idx.msk [tilespmem:v6+s6+$0x0], $0xffff;
	[tilespmem:s17+$0x10370] =	vst v8  }
0x7ef: {  	[tilespmem:s17+$0x10200] =	vst v9;
	v7 =	vld.idx.msk [tilespmem:v7+s9+$0x0], $0xffff  }
0x7f0: {  	[tilespmem:s17+$0x10210] =	vst v10;
	v8 =	vld.idx.msk [tilespmem:v0+s6+$0x0], $0xffff  }
0x7f1: {  	v9 =	vld.idx.msk [tilespmem:v1+s7+$0x0], $0xffff;
	[tilespmem:s17+$0x10220] =	vst v11  }
0x7f2: {  	v10 =	vld.idx.msk [tilespmem:v2+s7+$0x0], $0xffff;
	[tilespmem:s17+$0x10230] =	vst v12  }
0x7f3: {  	v11 =	vld.idx.msk [tilespmem:v3+s7+$0x0], $0xffff;
	[tilespmem:s17+$0x10240] =	vst v13  }
0x7f4: {  	v12 =	vld.idx.msk [tilespmem:v4+s7+$0x0], $0xffff;
	[tilespmem:s17+$0x10250] =	vst v14  }
0x7f5: {  	v13 =	vld.idx.msk [tilespmem:v5+s7+$0x0], $0xffff;
	[tilespmem:s17+$0x103F0] =	vst v7  }
0x7f6: {  	v7 =	vld.idx.msk [tilespmem:v6+s7+$0x0], $0xffff;
	[tilespmem:s17+$0x10260] =	vst v8  }
0x7f7: {  	[tilespmem:s17+$0x10280] =	vst v9;
	v8 =	vld.idx.msk [tilespmem:v0+s7+$0x0], $0xffff  }
0x7f8: {  	v9 =	vld.idx.msk [tilespmem:v1+s8+$0x0], $0xffff;
	[tilespmem:s17+$0x10290] =	vst v10  }
0x7f9: {  	v10 =	vld.idx.msk [tilespmem:v2+s8+$0x0], $0xffff;
	[tilespmem:s17+$0x102A0] =	vst v11  }
0x7fa: {  	v11 =	vld.idx.msk [tilespmem:v3+s8+$0x0], $0xffff;
	[tilespmem:s17+$0x102B0] =	vst v12  }
0x7fb: {  	v12 =	vld.idx.msk [tilespmem:v4+s8+$0x0], $0xffff;
	[tilespmem:s17+$0x102C0] =	vst v13  }
0x7fc: {  	v13 =	vld.idx.msk [tilespmem:v5+s8+$0x0], $0xffff;
	[tilespmem:s17+$0x102D0] =	vst v7  }
0x7fd: {  	v14 =	vld.idx.msk [tilespmem:v6+s8+$0x0], $0xffff;
	[tilespmem:s17+$0x102E0] =	vst v8  }
0x7fe: {  	[tilespmem:s17+$0x10300] =	vst v9;
	v15 =	vld.idx.msk [tilespmem:v0+s8+$0x0], $0xffff  }
0x7ff: {  	v7 =	vld.idx.msk [tilespmem:v1+s9+$0x0], $0xffff;
	[tilespmem:s17+$0x10310] =	vst v10  }
.Ltmp6:
0x800: {  	v8 =	vld.idx.msk [tilespmem:v2+s9+$0x0], $0xffff;
	[tilespmem:s17+$0x10320] =	vst v11;
	(pc) =	sbr.rel @p0 .LBB2_15-.Ltmp6, $4  }
0x801: {  	v9 =	vld.idx.msk [tilespmem:v3+s9+$0x0], $0xffff;
	[tilespmem:s17+$0x10330] =	vst v12  }
0x802: {  	v3 =	vld.idx.msk [tilespmem:v4+s9+$0x0], $0xffff;
	[tilespmem:s17+$0x10340] =	vst v13  }
0x803: {  	v4 =	vld.idx.msk [tilespmem:v5+s9+$0x0], $0xffff;
	[tilespmem:s17+$0x10350] =	vst v14  }
0x804: {  	s21 =	sadd.s32 $0x1000, s21;
	v5 =	vld.idx.msk [tilespmem:v6+s9+$0x0], $0xffff;
	[tilespmem:s17+$0x10360] =	vst v15  }
0x805: {  	_ =	sdelay $0x2  }
0x806: {  	[tilespmem:s17+$0x10380] =	vst v7  }
0x807: {  	v0 =	vld.idx.msk [tilespmem:v0+s9+$0x0], $0xffff;
	[tilespmem:s17+$0x10390] =	vst v8  }
0x808: {  	[tilespmem:s17+$0x103A0] =	vst v9  }
0x809: {  	[tilespmem:s17+$0x103B0] =	vst v3  }
0x80a: {  	[tilespmem:s17+$0x103C0] =	vst v4  }
0x80b: {  	[tilespmem:s17+$0x103D0] =	vst v5  }
0x80c: {  	s20 =	simm.s32 $0x0;
	[tilespmem:s17+$0x103E0] =	vst v0  }
0x80d: {  	[hbm4b:s18+s20] =	stream.linear.scatter [tilespmem:s10], [sflag:$0x1], $0x4000, $0x38;
	[tilespmem:$0x1C000] =	vst v63  }
0x80e: {  	_ = 	snop  }
0x80f: {  	[hbm4b:s19+s20] =	stream.linear.scatter [tilespmem:s5], [sflag:$0x1], $0x4000, $0x38;
	[tilespmem:$0x1C000] =	vst v63  }
0x810: {  	_ =	swait.ge [sflag:s14], $0x4000  }
0x811: {  	[sflag:s14] =	ssyncset.done $0x0  }
0x812: {  	[sflag:s14] =	ssyncadd.s32 $0xFFFFC000  }
0x813: {  	_ =	swait.ge [sflag:s14], $0x4000  }
0x814: {  	[sflag:s14] =	ssyncset.done $0x0  }
0x815: {  	s17 =	simm.s32 $0x0;
	[sflag:s14] =	ssyncadd.s32 $0xFFFFC000  }
0x816: {  	v7 =	vld [tilespmem:s17+$0x83F0]  }
0x817: {  	v6 =	vld [tilespmem:s17+$0x8380]  }
0x818: {  	v5 =	vld [tilespmem:s17+$0x8390]  }
0x819: {  	v4 =	vld [tilespmem:s17+$0x83A0]  }
0x81a: {  	v3 =	vld [tilespmem:s17+$0x83B0]  }
0x81b: {  	v2 =	vld [tilespmem:s17+$0x83C0]  }
0x81c: {  	v1 =	vld [tilespmem:s17+$0x83D0]  }
0x81d: {  	v0 =	vld [tilespmem:s17+$0x83E0]  }
0x81e: {  	v8 =	vld.idx.msk [tilespmem:v7+s3+$0x0], $0xffff  }
0x81f: {  	v9 =	vld.idx.msk [tilespmem:v6+s3+$0x0], $0xffff  }
0x820: {  	v10 =	vld.idx.msk [tilespmem:v5+s3+$0x0], $0xffff  }
0x821: {  	v11 =	vld.idx.msk [tilespmem:v4+s3+$0x0], $0xffff  }
0x822: {  	v12 =	vld.idx.msk [tilespmem:v3+s3+$0x0], $0xffff  }
0x823: {  	v13 =	vld.idx.msk [tilespmem:v2+s3+$0x0], $0xffff;
	[tilespmem:s17+$0x14070] =	vst v8  }
0x824: {  	v14 =	vld.idx.msk [tilespmem:v1+s3+$0x0], $0xffff;
	[tilespmem:s17+$0x14000] =	vst v9  }
0x825: {  	[tilespmem:s17+$0x14010] =	vst v10;
	v9 =	vld.idx.msk [tilespmem:v0+s3+$0x0], $0xffff  }
0x826: {  	[tilespmem:s17+$0x14020] =	vst v11;
	v8 =	vld.idx.msk [tilespmem:v7+s26+$0x0], $0xffff  }
0x827: {  	[tilespmem:s17+$0x14030] =	vst v12;
	v10 =	vld.idx.msk [tilespmem:v6+s26+$0x0], $0xffff  }
0x828: {  	[tilespmem:s17+$0x14040] =	vst v13;
	v11 =	vld.idx.msk [tilespmem:v5+s26+$0x0], $0xffff  }
0x829: {  	[tilespmem:s17+$0x14050] =	vst v14;
	v22 =	vld.idx.msk [tilespmem:v4+s26+$0x0], $0xffff  }
0x82a: {  	v23 =	vld.idx.msk [tilespmem:v3+s26+$0x0], $0xffff;
	[tilespmem:s17+$0x14060] =	vst v9  }
0x82b: {  	v24 =	vld.idx.msk [tilespmem:v2+s26+$0x0], $0xffff;
	[tilespmem:s17+$0x140F0] =	vst v8  }
0x82c: {  	v9 =	vld.idx.msk [tilespmem:v1+s26+$0x0], $0xffff;
	[tilespmem:s17+$0x14080] =	vst v10  }
0x82d: {  	[tilespmem:s17+$0x14090] =	vst v11;
	v10 =	vld.idx.msk [tilespmem:v0+s26+$0x0], $0xffff  }
0x82e: {  	[tilespmem:s17+$0x140A0] =	vst v22;
	v8 =	vld.idx.msk [tilespmem:v7+s28+$0x0], $0xffff  }
0x82f: {  	[tilespmem:s17+$0x140B0] =	vst v23;
	v11 =	vld.idx.msk [tilespmem:v6+s28+$0x0], $0xffff  }
0x830: {  	[tilespmem:s17+$0x140C0] =	vst v24;
	v25 =	vld.idx.msk [tilespmem:v5+s28+$0x0], $0xffff  }
0x831: {  	v26 =	vld.idx.msk [tilespmem:v4+s28+$0x0], $0xffff;
	[tilespmem:s17+$0x140D0] =	vst v9  }
0x832: {  	v27 =	vld.idx.msk [tilespmem:v3+s28+$0x0], $0xffff;
	[tilespmem:s17+$0x140E0] =	vst v10  }
0x833: {  	v9 =	vld.idx.msk [tilespmem:v2+s28+$0x0], $0xffff;
	[tilespmem:s17+$0x14170] =	vst v8  }
0x834: {  	v10 =	vld.idx.msk [tilespmem:v1+s28+$0x0], $0xffff;
	[tilespmem:s17+$0x14100] =	vst v11  }
0x835: {  	[tilespmem:s17+$0x14110] =	vst v25;
	v11 =	vld.idx.msk [tilespmem:v0+s28+$0x0], $0xffff  }
0x836: {  	[tilespmem:s17+$0x14120] =	vst v26;
	v8 =	vld.idx.msk [tilespmem:v7+s29+$0x0], $0xffff  }
0x837: {  	[tilespmem:s17+$0x14130] =	vst v27;
	v28 =	vld.idx.msk [tilespmem:v6+s29+$0x0], $0xffff  }
0x838: {  	v29 =	vld.idx.msk [tilespmem:v5+s29+$0x0], $0xffff;
	[tilespmem:s17+$0x14140] =	vst v9  }
0x839: {  	v30 =	vld.idx.msk [tilespmem:v4+s29+$0x0], $0xffff;
	[tilespmem:s17+$0x14150] =	vst v10  }
0x83a: {  	v9 =	vld.idx.msk [tilespmem:v3+s29+$0x0], $0xffff;
	[tilespmem:s17+$0x14160] =	vst v11  }
0x83b: {  	v10 =	vld.idx.msk [tilespmem:v2+s29+$0x0], $0xffff;
	[tilespmem:s17+$0x141F0] =	vst v8  }
0x83c: {  	v11 =	vld.idx.msk [tilespmem:v1+s29+$0x0], $0xffff;
	[tilespmem:s17+$0x14180] =	vst v28  }
0x83d: {  	[tilespmem:s17+$0x14190] =	vst v29;
	v31 =	vld.idx.msk [tilespmem:v0+s29+$0x0], $0xffff  }
0x83e: {  	[tilespmem:s17+$0x141A0] =	vst v30;
	v8 =	vld.idx.msk [tilespmem:v7+s30+$0x0], $0xffff  }
0x83f: {  	v32 =	vld.idx.msk [tilespmem:v6+s30+$0x0], $0xffff;
	[tilespmem:s17+$0x141B0] =	vst v9  }
0x840: {  	v33 =	vld.idx.msk [tilespmem:v5+s30+$0x0], $0xffff;
	[tilespmem:s17+$0x141C0] =	vst v10  }
0x841: {  	v9 =	vld.idx.msk [tilespmem:v4+s30+$0x0], $0xffff;
	[tilespmem:s17+$0x141D0] =	vst v11  }
0x842: {  	v10 =	vld.idx.msk [tilespmem:v3+s30+$0x0], $0xffff;
	[tilespmem:s17+$0x141E0] =	vst v31  }
0x843: {  	v11 =	vld.idx.msk [tilespmem:v2+s30+$0x0], $0xffff;
	[tilespmem:s17+$0x14270] =	vst v8  }
0x844: {  	v34 =	vld.idx.msk [tilespmem:v1+s30+$0x0], $0xffff;
	[tilespmem:s17+$0x14200] =	vst v32  }
0x845: {  	[tilespmem:s17+$0x14210] =	vst v33;
	v35 =	vld.idx.msk [tilespmem:v0+s30+$0x0], $0xffff  }
0x846: {  	v8 =	vld.idx.msk [tilespmem:v7+s31+$0x0], $0xffff;
	[tilespmem:s17+$0x14220] =	vst v9  }
0x847: {  	v36 =	vld.idx.msk [tilespmem:v6+s31+$0x0], $0xffff;
	[tilespmem:s17+$0x14230] =	vst v10  }
0x848: {  	v9 =	vld.idx.msk [tilespmem:v5+s31+$0x0], $0xffff;
	[tilespmem:s17+$0x14240] =	vst v11  }
0x849: {  	v10 =	vld.idx.msk [tilespmem:v4+s31+$0x0], $0xffff;
	[tilespmem:s17+$0x14250] =	vst v34  }
0x84a: {  	v11 =	vld.idx.msk [tilespmem:v3+s31+$0x0], $0xffff;
	[tilespmem:s17+$0x14260] =	vst v35  }
0x84b: {  	v37 =	vld.idx.msk [tilespmem:v2+s31+$0x0], $0xffff;
	[tilespmem:s17+$0x142F0] =	vst v8  }
0x84c: {  	v38 =	vld.idx.msk [tilespmem:v1+s31+$0x0], $0xffff;
	[tilespmem:s17+$0x14280] =	vst v36  }
0x84d: {  	v39 =	vld.idx.msk [tilespmem:v0+s31+$0x0], $0xffff;
	[tilespmem:s17+$0x14290] =	vst v9  }
0x84e: {  	v8 =	vld.idx.msk [tilespmem:v7+s0+$0x0], $0xffff;
	[tilespmem:s17+$0x142A0] =	vst v10  }
0x84f: {  	v9 =	vld.idx.msk [tilespmem:v6+s0+$0x0], $0xffff;
	[tilespmem:s17+$0x142B0] =	vst v11  }
0x850: {  	v10 =	vld.idx.msk [tilespmem:v5+s0+$0x0], $0xffff;
	[tilespmem:s17+$0x142C0] =	vst v37  }
0x851: {  	v11 =	vld.idx.msk [tilespmem:v4+s0+$0x0], $0xffff;
	[tilespmem:s17+$0x142D0] =	vst v38  }
0x852: {  	v40 =	vld.idx.msk [tilespmem:v3+s0+$0x0], $0xffff;
	[tilespmem:s17+$0x142E0] =	vst v39  }
0x853: {  	v41 =	vld.idx.msk [tilespmem:v2+s0+$0x0], $0xffff;
	[tilespmem:s17+$0x14370] =	vst v8  }
0x854: {  	v42 =	vld.idx.msk [tilespmem:v1+s0+$0x0], $0xffff;
	[tilespmem:s17+$0x14300] =	vst v9  }
0x855: {  	[tilespmem:s17+$0x14310] =	vst v10;
	v9 =	vld.idx.msk [tilespmem:v0+s0+$0x0], $0xffff  }
0x856: {  	v8 =	vld.idx.msk [tilespmem:v7+s1+$0x0], $0xffff;
	[tilespmem:s17+$0x14320] =	vst v11  }
0x857: {  	v10 =	vld.idx.msk [tilespmem:v6+s1+$0x0], $0xffff;
	[tilespmem:s17+$0x14330] =	vst v40  }
0x858: {  	v11 =	vld.idx.msk [tilespmem:v5+s1+$0x0], $0xffff;
	[tilespmem:s17+$0x14340] =	vst v41  }
0x859: {  	v43 =	vld.idx.msk [tilespmem:v4+s1+$0x0], $0xffff;
	[tilespmem:s17+$0x14350] =	vst v42  }
0x85a: {  	v44 =	vld.idx.msk [tilespmem:v3+s1+$0x0], $0xffff;
	[tilespmem:s17+$0x14360] =	vst v9  }
0x85b: {  	v45 =	vld.idx.msk [tilespmem:v2+s1+$0x0], $0xffff;
	[tilespmem:s17+$0x143F0] =	vst v8  }
0x85c: {  	v9 =	vld.idx.msk [tilespmem:v1+s1+$0x0], $0xffff;
	[tilespmem:s17+$0x14380] =	vst v10  }
0x85d: {  	[tilespmem:s17+$0x14390] =	vst v11;
	v10 =	vld.idx.msk [tilespmem:v0+s1+$0x0], $0xffff  }
0x85e: {  	v8 =	vld.idx.msk [tilespmem:v7+s4+$0x0], $0xffff;
	[tilespmem:s17+$0x143A0] =	vst v43  }
0x85f: {  	v11 =	vld.idx.msk [tilespmem:v6+s4+$0x0], $0xffff;
	[tilespmem:s17+$0x143B0] =	vst v44  }
0x860: {  	v46 =	vld.idx.msk [tilespmem:v5+s4+$0x0], $0xffff;
	[tilespmem:s17+$0x143C0] =	vst v45  }
0x861: {  	v47 =	vld.idx.msk [tilespmem:v4+s4+$0x0], $0xffff;
	[tilespmem:s17+$0x143D0] =	vst v9  }
0x862: {  	v48 =	vld.idx.msk [tilespmem:v3+s4+$0x0], $0xffff;
	[tilespmem:s17+$0x143E0] =	vst v10  }
0x863: {  	v9 =	vld.idx.msk [tilespmem:v2+s4+$0x0], $0xffff;
	[tilespmem:s17+$0x18070] =	vst v8  }
0x864: {  	v10 =	vld.idx.msk [tilespmem:v1+s4+$0x0], $0xffff;
	[tilespmem:s17+$0x18000] =	vst v11  }
0x865: {  	[tilespmem:s17+$0x18010] =	vst v46;
	v11 =	vld.idx.msk [tilespmem:v0+s4+$0x0], $0xffff  }
0x866: {  	v8 =	vld.idx.msk [tilespmem:v7+s23+$0x0], $0xffff;
	[tilespmem:s17+$0x18020] =	vst v47  }
0x867: {  	v49 =	vld.idx.msk [tilespmem:v6+s23+$0x0], $0xffff;
	[tilespmem:s17+$0x18030] =	vst v48  }
0x868: {  	v50 =	vld.idx.msk [tilespmem:v5+s23+$0x0], $0xffff;
	[tilespmem:s17+$0x18040] =	vst v9  }
0x869: {  	v51 =	vld.idx.msk [tilespmem:v4+s23+$0x0], $0xffff;
	[tilespmem:s17+$0x18050] =	vst v10  }
0x86a: {  	v9 =	vld.idx.msk [tilespmem:v3+s23+$0x0], $0xffff;
	[tilespmem:s17+$0x18060] =	vst v11  }
0x86b: {  	v10 =	vld.idx.msk [tilespmem:v2+s23+$0x0], $0xffff;
	[tilespmem:s17+$0x180F0] =	vst v8  }
0x86c: {  	[tilespmem:s17+$0x18080] =	vst v49;
	v8 =	vld.idx.msk [tilespmem:v7+s25+$0x0], $0xffff  }
0x86d: {  	v11 =	vld.idx.msk [tilespmem:v1+s23+$0x0], $0xffff;
	[tilespmem:s17+$0x18090] =	vst v50  }
0x86e: {  	v52 =	vld.idx.msk [tilespmem:v0+s23+$0x0], $0xffff;
	[tilespmem:s17+$0x180A0] =	vst v51  }
0x86f: {  	v53 =	vld.idx.msk [tilespmem:v6+s25+$0x0], $0xffff;
	[tilespmem:s17+$0x180B0] =	vst v9  }
0x870: {  	v54 =	vld.idx.msk [tilespmem:v5+s25+$0x0], $0xffff;
	[tilespmem:s17+$0x180C0] =	vst v10  }
0x871: {  	v9 =	vld.idx.msk [tilespmem:v4+s25+$0x0], $0xffff;
	[tilespmem:s17+$0x18170] =	vst v8  }
0x872: {  	[tilespmem:s17+$0x180D0] =	vst v11;
	v8 =	vld.idx.msk [tilespmem:v7+s2+$0x0], $0xffff  }
0x873: {  	v10 =	vld.idx.msk [tilespmem:v3+s25+$0x0], $0xffff;
	[tilespmem:s17+$0x180E0] =	vst v52  }
0x874: {  	v11 =	vld.idx.msk [tilespmem:v2+s25+$0x0], $0xffff;
	[tilespmem:s17+$0x18100] =	vst v53  }
0x875: {  	v55 =	vld.idx.msk [tilespmem:v1+s25+$0x0], $0xffff;
	[tilespmem:s17+$0x18110] =	vst v54  }
0x876: {  	v56 =	vld.idx.msk [tilespmem:v0+s25+$0x0], $0xffff;
	[tilespmem:s17+$0x18120] =	vst v9  }
0x877: {  	v57 =	vld.idx.msk [tilespmem:v6+s2+$0x0], $0xffff;
	[tilespmem:s17+$0x181F0] =	vst v8  }
0x878: {  	[tilespmem:s17+$0x18130] =	vst v10;
	v8 =	vld.idx.msk [tilespmem:v7+s6+$0x0], $0xffff  }
0x879: {  	v9 =	vld.idx.msk [tilespmem:v5+s2+$0x0], $0xffff;
	[tilespmem:s17+$0x18140] =	vst v11  }
0x87a: {  	v10 =	vld.idx.msk [tilespmem:v4+s2+$0x0], $0xffff;
	[tilespmem:s17+$0x18150] =	vst v55  }
0x87b: {  	v11 =	vld.idx.msk [tilespmem:v3+s2+$0x0], $0xffff;
	[tilespmem:s17+$0x18160] =	vst v56  }
0x87c: {  	v58 =	vld.idx.msk [tilespmem:v2+s2+$0x0], $0xffff;
	[tilespmem:s17+$0x18180] =	vst v57  }
0x87d: {  	v59 =	vld.idx.msk [tilespmem:v1+s2+$0x0], $0xffff;
	[tilespmem:s17+$0x18270] =	vst v8  }
0x87e: {  	[tilespmem:s17+$0x18190] =	vst v9;
	v8 =	vld.idx.msk [tilespmem:v7+s7+$0x0], $0xffff  }
0x87f: {  	v60 =	vld.idx.msk [tilespmem:v0+s2+$0x0], $0xffff;
	[tilespmem:s17+$0x181A0] =	vst v10  }
0x880: {  	v9 =	vld.idx.msk [tilespmem:v6+s6+$0x0], $0xffff;
	[tilespmem:s17+$0x181B0] =	vst v11  }
0x881: {  	v10 =	vld.idx.msk [tilespmem:v5+s6+$0x0], $0xffff;
	[tilespmem:s17+$0x181C0] =	vst v58  }
0x882: {  	v11 =	vld.idx.msk [tilespmem:v4+s6+$0x0], $0xffff;
	[tilespmem:s17+$0x181D0] =	vst v59  }
0x883: {  	v61 =	vld.idx.msk [tilespmem:v3+s6+$0x0], $0xffff;
	[tilespmem:s17+$0x182F0] =	vst v8  }
0x884: {  	[tilespmem:s17+$0x181E0] =	vst v60;
	v8 =	vld.idx.msk [tilespmem:v7+s8+$0x0], $0xffff  }
0x885: {  	v62 =	vld.idx.msk [tilespmem:v2+s6+$0x0], $0xffff;
	[tilespmem:s17+$0x18200] =	vst v9  }
0x886: {  	v63 =	vld.idx.msk [tilespmem:v1+s6+$0x0], $0xffff;
	[tilespmem:s17+$0x18210] =	vst v10  }
0x887: {  	v9 =	vld.idx.msk [tilespmem:v6+s7+$0x0], $0xffff;
	[tilespmem:s17+$0x18220] =	vst v11  }
0x888: {  	v10 =	vld.idx.msk [tilespmem:v5+s7+$0x0], $0xffff;
	[tilespmem:s17+$0x18230] =	vst v61  }
0x889: {  	v11 =	vld.idx.msk [tilespmem:v4+s7+$0x0], $0xffff;
	[tilespmem:s17+$0x18370] =	vst v8  }
0x88a: {  	[tilespmem:s17+$0x18240] =	vst v62;
	v7 =	vld.idx.msk [tilespmem:v7+s9+$0x0], $0xffff  }
0x88b: {  	[tilespmem:s17+$0x18250] =	vst v63;
	v8 =	vld.idx.msk [tilespmem:v0+s6+$0x0], $0xffff  }
0x88c: {  	v12 =	vld.idx.msk [tilespmem:v3+s7+$0x0], $0xffff;
	[tilespmem:s17+$0x18280] =	vst v9  }
0x88d: {  	v13 =	vld.idx.msk [tilespmem:v2+s7+$0x0], $0xffff;
	[tilespmem:s17+$0x18290] =	vst v10  }
0x88e: {  	v9 =	vld.idx.msk [tilespmem:v6+s8+$0x0], $0xffff;
	[tilespmem:s17+$0x182A0] =	vst v11  }
0x88f: {  	[tilespmem:s17+$0x183F0] =	vst v7;
	v7 =	vld.idx.msk [tilespmem:v1+s7+$0x0], $0xffff  }
0x890: {  	v11 =	vld.idx.msk [tilespmem:v4+s8+$0x0], $0xffff;
	[tilespmem:s17+$0x18260] =	vst v8  }
0x891: {  	[tilespmem:s17+$0x182B0] =	vst v12;
	v8 =	vld.idx.msk [tilespmem:v0+s7+$0x0], $0xffff  }
0x892: {  	v10 =	vld.idx.msk [tilespmem:v5+s8+$0x0], $0xffff;
	[tilespmem:s17+$0x182C0] =	vst v13  }
0x893: {  	v12 =	vld.idx.msk [tilespmem:v3+s8+$0x0], $0xffff;
	[tilespmem:s17+$0x18300] =	vst v9  }
0x894: {  	v13 =	vld.idx.msk [tilespmem:v2+s8+$0x0], $0xffff;
	[tilespmem:s17+$0x182D0] =	vst v7  }
0x895: {  	[tilespmem:s17+$0x18320] =	vst v11;
	v14 =	vld.idx.msk [tilespmem:v1+s8+$0x0], $0xffff  }
0x896: {  	v9 =	vld.idx.msk [tilespmem:v4+s9+$0x0], $0xffff;
	[tilespmem:s17+$0x182E0] =	vst v8  }
0x897: {  	[tilespmem:s17+$0x18310] =	vst v10;
	v15 =	vld.idx.msk [tilespmem:v0+s8+$0x0], $0xffff  }
0x898: {  	[tilespmem:s17+$0x18330] =	vst v12;
	v7 =	vld.idx.msk [tilespmem:v6+s9+$0x0], $0xffff  }
0x899: {  	[tilespmem:s17+$0x18340] =	vst v13;
	v8 =	vld.idx.msk [tilespmem:v5+s9+$0x0], $0xffff  }
0x89a: {  	v3 =	vld.idx.msk [tilespmem:v3+s9+$0x0], $0xffff;
	s21 =	rddreg [dreg:$0x15];
	[tilespmem:s17+$0x18350] =	vst v14  }
0x89b: {  	s19 =	simm.s32 $0x0;
	v4 =	vld.idx.msk [tilespmem:v2+s9+$0x0], $0xffff;
	s22 =	rddreg [dreg:$0x16]  }
0x89c: {  	s20 =	simm.s32 $0x1000;
	s18 =	sadd.s32 s16, s21;
	v5 =	vld.idx.msk [tilespmem:v1+s9+$0x0], $0xffff;
	[tilespmem:s17+$0x18360] =	vst v15;
	s16 =	sadd.s32 s16, s22  }
.LBB2_17:
0x89d: {  	s21 =	sshra.s32 s20, $0x2;
	s19 =	sadd.s32 $0x8, s19;
	[tilespmem:s17+$0x18380] =	vst v7;
	v0 =	vld.idx.msk [tilespmem:v0+s9+$0x0], $0xffff  }
0x89e: {  	v7 =	vld [tilespmem:s21+$0x83F0];
	p0 =	slt.u32 s19, $0x78;
	[tilespmem:s17+$0x18390] =	vst v8  }
0x89f: {  	v1 =	vld [tilespmem:s21+$0x8380];
	[tilespmem:s17+$0x183A0] =	vst v9  }
0x8a0: {  	v2 =	vld [tilespmem:s21+$0x8390];
	[tilespmem:s17+$0x183B0] =	vst v3  }
0x8a1: {  	v3 =	vld [tilespmem:s21+$0x83A0];
	[tilespmem:s17+$0x183C0] =	vst v4  }
0x8a2: {  	v4 =	vld [tilespmem:s21+$0x83B0];
	[tilespmem:s17+$0x183D0] =	vst v5  }
0x8a3: {  	v5 =	vld [tilespmem:s21+$0x83C0];
	[tilespmem:s17+$0x183E0] =	vst v0;
	s17 =	smov.u32 s21  }
0x8a4: {  	v6 =	vld [tilespmem:s17+$0x83D0]  }
0x8a5: {  	v0 =	vld [tilespmem:s17+$0x83E0]  }
0x8a6: {  	v8 =	vld.idx.msk [tilespmem:v7+s3+$0x0], $0xffff  }
0x8a7: {  	v9 =	vld.idx.msk [tilespmem:v1+s3+$0x0], $0xffff  }
0x8a8: {  	v10 =	vld.idx.msk [tilespmem:v2+s3+$0x0], $0xffff  }
0x8a9: {  	v11 =	vld.idx.msk [tilespmem:v3+s3+$0x0], $0xffff  }
0x8aa: {  	v12 =	vld.idx.msk [tilespmem:v4+s3+$0x0], $0xffff  }
0x8ab: {  	v13 =	vld.idx.msk [tilespmem:v5+s3+$0x0], $0xffff  }
0x8ac: {  	v14 =	vld.idx.msk [tilespmem:v6+s3+$0x0], $0xffff;
	[tilespmem:s17+$0x14070] =	vst v8  }
0x8ad: {  	[tilespmem:s17+$0x14000] =	vst v9;
	v8 =	vld.idx.msk [tilespmem:v7+s26+$0x0], $0xffff  }
0x8ae: {  	[tilespmem:s17+$0x14010] =	vst v10;
	v9 =	vld.idx.msk [tilespmem:v0+s3+$0x0], $0xffff  }
0x8af: {  	v10 =	vld.idx.msk [tilespmem:v1+s26+$0x0], $0xffff;
	[tilespmem:s17+$0x14020] =	vst v11  }
0x8b0: {  	v11 =	vld.idx.msk [tilespmem:v2+s26+$0x0], $0xffff;
	[tilespmem:s17+$0x14030] =	vst v12  }
0x8b1: {  	v12 =	vld.idx.msk [tilespmem:v3+s26+$0x0], $0xffff;
	[tilespmem:s17+$0x14040] =	vst v13  }
0x8b2: {  	v13 =	vld.idx.msk [tilespmem:v4+s26+$0x0], $0xffff;
	[tilespmem:s17+$0x14050] =	vst v14  }
0x8b3: {  	v14 =	vld.idx.msk [tilespmem:v5+s26+$0x0], $0xffff;
	[tilespmem:s17+$0x140F0] =	vst v8  }
0x8b4: {  	[tilespmem:s17+$0x14060] =	vst v9;
	v8 =	vld.idx.msk [tilespmem:v7+s28+$0x0], $0xffff  }
0x8b5: {  	[tilespmem:s17+$0x14080] =	vst v10;
	v9 =	vld.idx.msk [tilespmem:v6+s26+$0x0], $0xffff  }
0x8b6: {  	[tilespmem:s17+$0x14090] =	vst v11;
	v10 =	vld.idx.msk [tilespmem:v0+s26+$0x0], $0xffff  }
0x8b7: {  	v11 =	vld.idx.msk [tilespmem:v1+s28+$0x0], $0xffff;
	[tilespmem:s17+$0x140A0] =	vst v12  }
0x8b8: {  	v12 =	vld.idx.msk [tilespmem:v2+s28+$0x0], $0xffff;
	[tilespmem:s17+$0x140B0] =	vst v13  }
0x8b9: {  	v13 =	vld.idx.msk [tilespmem:v3+s28+$0x0], $0xffff;
	[tilespmem:s17+$0x140C0] =	vst v14  }
0x8ba: {  	v14 =	vld.idx.msk [tilespmem:v4+s28+$0x0], $0xffff;
	[tilespmem:s17+$0x14170] =	vst v8  }
0x8bb: {  	[tilespmem:s17+$0x140D0] =	vst v9;
	v8 =	vld.idx.msk [tilespmem:v7+s29+$0x0], $0xffff  }
0x8bc: {  	v9 =	vld.idx.msk [tilespmem:v5+s28+$0x0], $0xffff;
	[tilespmem:s17+$0x140E0] =	vst v10  }
0x8bd: {  	[tilespmem:s17+$0x14100] =	vst v11;
	v10 =	vld.idx.msk [tilespmem:v6+s28+$0x0], $0xffff  }
0x8be: {  	[tilespmem:s17+$0x14110] =	vst v12;
	v11 =	vld.idx.msk [tilespmem:v0+s28+$0x0], $0xffff  }
0x8bf: {  	v12 =	vld.idx.msk [tilespmem:v1+s29+$0x0], $0xffff;
	[tilespmem:s17+$0x14120] =	vst v13  }
0x8c0: {  	v13 =	vld.idx.msk [tilespmem:v2+s29+$0x0], $0xffff;
	[tilespmem:s17+$0x14130] =	vst v14  }
0x8c1: {  	v14 =	vld.idx.msk [tilespmem:v3+s29+$0x0], $0xffff;
	[tilespmem:s17+$0x141F0] =	vst v8  }
0x8c2: {  	[tilespmem:s17+$0x14140] =	vst v9;
	v8 =	vld.idx.msk [tilespmem:v7+s30+$0x0], $0xffff  }
0x8c3: {  	v9 =	vld.idx.msk [tilespmem:v4+s29+$0x0], $0xffff;
	[tilespmem:s17+$0x14150] =	vst v10  }
0x8c4: {  	v10 =	vld.idx.msk [tilespmem:v5+s29+$0x0], $0xffff;
	[tilespmem:s17+$0x14160] =	vst v11  }
0x8c5: {  	[tilespmem:s17+$0x14180] =	vst v12;
	v11 =	vld.idx.msk [tilespmem:v6+s29+$0x0], $0xffff  }
0x8c6: {  	[tilespmem:s17+$0x14190] =	vst v13;
	v12 =	vld.idx.msk [tilespmem:v0+s29+$0x0], $0xffff  }
0x8c7: {  	v13 =	vld.idx.msk [tilespmem:v1+s30+$0x0], $0xffff;
	[tilespmem:s17+$0x141A0] =	vst v14  }
0x8c8: {  	v14 =	vld.idx.msk [tilespmem:v2+s30+$0x0], $0xffff;
	[tilespmem:s17+$0x14270] =	vst v8  }
0x8c9: {  	[tilespmem:s17+$0x141B0] =	vst v9;
	v8 =	vld.idx.msk [tilespmem:v7+s31+$0x0], $0xffff  }
0x8ca: {  	v9 =	vld.idx.msk [tilespmem:v3+s30+$0x0], $0xffff;
	[tilespmem:s17+$0x141C0] =	vst v10  }
0x8cb: {  	v10 =	vld.idx.msk [tilespmem:v4+s30+$0x0], $0xffff;
	[tilespmem:s17+$0x141D0] =	vst v11  }
0x8cc: {  	v11 =	vld.idx.msk [tilespmem:v5+s30+$0x0], $0xffff;
	[tilespmem:s17+$0x141E0] =	vst v12  }
0x8cd: {  	[tilespmem:s17+$0x14200] =	vst v13;
	v12 =	vld.idx.msk [tilespmem:v6+s30+$0x0], $0xffff  }
0x8ce: {  	[tilespmem:s17+$0x14210] =	vst v14;
	v13 =	vld.idx.msk [tilespmem:v0+s30+$0x0], $0xffff  }
0x8cf: {  	v14 =	vld.idx.msk [tilespmem:v1+s31+$0x0], $0xffff;
	[tilespmem:s17+$0x142F0] =	vst v8  }
0x8d0: {  	[tilespmem:s17+$0x14220] =	vst v9;
	v8 =	vld.idx.msk [tilespmem:v7+s0+$0x0], $0xffff  }
0x8d1: {  	v9 =	vld.idx.msk [tilespmem:v2+s31+$0x0], $0xffff;
	[tilespmem:s17+$0x14230] =	vst v10  }
0x8d2: {  	v10 =	vld.idx.msk [tilespmem:v3+s31+$0x0], $0xffff;
	[tilespmem:s17+$0x14240] =	vst v11  }
0x8d3: {  	v11 =	vld.idx.msk [tilespmem:v4+s31+$0x0], $0xffff;
	[tilespmem:s17+$0x14250] =	vst v12  }
0x8d4: {  	v12 =	vld.idx.msk [tilespmem:v5+s31+$0x0], $0xffff;
	[tilespmem:s17+$0x14260] =	vst v13  }
0x8d5: {  	[tilespmem:s17+$0x14280] =	vst v14;
	v13 =	vld.idx.msk [tilespmem:v6+s31+$0x0], $0xffff  }
0x8d6: {  	v14 =	vld.idx.msk [tilespmem:v0+s31+$0x0], $0xffff;
	[tilespmem:s17+$0x14370] =	vst v8  }
0x8d7: {  	[tilespmem:s17+$0x14290] =	vst v9;
	v8 =	vld.idx.msk [tilespmem:v7+s1+$0x0], $0xffff  }
0x8d8: {  	v9 =	vld.idx.msk [tilespmem:v1+s0+$0x0], $0xffff;
	[tilespmem:s17+$0x142A0] =	vst v10  }
0x8d9: {  	v10 =	vld.idx.msk [tilespmem:v2+s0+$0x0], $0xffff;
	[tilespmem:s17+$0x142B0] =	vst v11  }
0x8da: {  	v11 =	vld.idx.msk [tilespmem:v3+s0+$0x0], $0xffff;
	[tilespmem:s17+$0x142C0] =	vst v12  }
0x8db: {  	v12 =	vld.idx.msk [tilespmem:v4+s0+$0x0], $0xffff;
	[tilespmem:s17+$0x142D0] =	vst v13  }
0x8dc: {  	v13 =	vld.idx.msk [tilespmem:v5+s0+$0x0], $0xffff;
	[tilespmem:s17+$0x142E0] =	vst v14  }
0x8dd: {  	v14 =	vld.idx.msk [tilespmem:v6+s0+$0x0], $0xffff;
	[tilespmem:s17+$0x143F0] =	vst v8  }
0x8de: {  	[tilespmem:s17+$0x14300] =	vst v9;
	v8 =	vld.idx.msk [tilespmem:v7+s4+$0x0], $0xffff  }
0x8df: {  	[tilespmem:s17+$0x14310] =	vst v10;
	v9 =	vld.idx.msk [tilespmem:v0+s0+$0x0], $0xffff  }
0x8e0: {  	v10 =	vld.idx.msk [tilespmem:v1+s1+$0x0], $0xffff;
	[tilespmem:s17+$0x14320] =	vst v11  }
0x8e1: {  	v11 =	vld.idx.msk [tilespmem:v2+s1+$0x0], $0xffff;
	[tilespmem:s17+$0x14330] =	vst v12  }
0x8e2: {  	v12 =	vld.idx.msk [tilespmem:v3+s1+$0x0], $0xffff;
	[tilespmem:s17+$0x14340] =	vst v13  }
0x8e3: {  	v13 =	vld.idx.msk [tilespmem:v4+s1+$0x0], $0xffff;
	[tilespmem:s17+$0x14350] =	vst v14  }
0x8e4: {  	v14 =	vld.idx.msk [tilespmem:v5+s1+$0x0], $0xffff;
	[tilespmem:s17+$0x18070] =	vst v8  }
0x8e5: {  	[tilespmem:s17+$0x14360] =	vst v9;
	v8 =	vld.idx.msk [tilespmem:v7+s23+$0x0], $0xffff  }
0x8e6: {  	[tilespmem:s17+$0x14380] =	vst v10;
	v9 =	vld.idx.msk [tilespmem:v6+s1+$0x0], $0xffff  }
0x8e7: {  	[tilespmem:s17+$0x14390] =	vst v11;
	v10 =	vld.idx.msk [tilespmem:v0+s1+$0x0], $0xffff  }
0x8e8: {  	v11 =	vld.idx.msk [tilespmem:v1+s4+$0x0], $0xffff;
	[tilespmem:s17+$0x143A0] =	vst v12  }
0x8e9: {  	v12 =	vld.idx.msk [tilespmem:v2+s4+$0x0], $0xffff;
	[tilespmem:s17+$0x143B0] =	vst v13  }
0x8ea: {  	v13 =	vld.idx.msk [tilespmem:v3+s4+$0x0], $0xffff;
	[tilespmem:s17+$0x143C0] =	vst v14  }
0x8eb: {  	v14 =	vld.idx.msk [tilespmem:v4+s4+$0x0], $0xffff;
	[tilespmem:s17+$0x180F0] =	vst v8  }
0x8ec: {  	[tilespmem:s17+$0x143D0] =	vst v9;
	v8 =	vld.idx.msk [tilespmem:v7+s25+$0x0], $0xffff  }
0x8ed: {  	v9 =	vld.idx.msk [tilespmem:v5+s4+$0x0], $0xffff;
	[tilespmem:s17+$0x143E0] =	vst v10  }
0x8ee: {  	[tilespmem:s17+$0x18000] =	vst v11;
	v10 =	vld.idx.msk [tilespmem:v6+s4+$0x0], $0xffff  }
0x8ef: {  	[tilespmem:s17+$0x18010] =	vst v12;
	v11 =	vld.idx.msk [tilespmem:v0+s4+$0x0], $0xffff  }
0x8f0: {  	v12 =	vld.idx.msk [tilespmem:v1+s23+$0x0], $0xffff;
	[tilespmem:s17+$0x18020] =	vst v13  }
0x8f1: {  	v13 =	vld.idx.msk [tilespmem:v2+s23+$0x0], $0xffff;
	[tilespmem:s17+$0x18030] =	vst v14  }
0x8f2: {  	v14 =	vld.idx.msk [tilespmem:v3+s23+$0x0], $0xffff;
	[tilespmem:s17+$0x18170] =	vst v8  }
0x8f3: {  	[tilespmem:s17+$0x18040] =	vst v9;
	v8 =	vld.idx.msk [tilespmem:v7+s2+$0x0], $0xffff  }
0x8f4: {  	v9 =	vld.idx.msk [tilespmem:v4+s23+$0x0], $0xffff;
	[tilespmem:s17+$0x18050] =	vst v10  }
0x8f5: {  	v10 =	vld.idx.msk [tilespmem:v5+s23+$0x0], $0xffff;
	[tilespmem:s17+$0x18060] =	vst v11  }
0x8f6: {  	[tilespmem:s17+$0x18080] =	vst v12;
	v11 =	vld.idx.msk [tilespmem:v6+s23+$0x0], $0xffff  }
0x8f7: {  	[tilespmem:s17+$0x18090] =	vst v13;
	v12 =	vld.idx.msk [tilespmem:v0+s23+$0x0], $0xffff  }
0x8f8: {  	v13 =	vld.idx.msk [tilespmem:v1+s25+$0x0], $0xffff;
	[tilespmem:s17+$0x180A0] =	vst v14  }
0x8f9: {  	v14 =	vld.idx.msk [tilespmem:v2+s25+$0x0], $0xffff;
	[tilespmem:s17+$0x181F0] =	vst v8  }
0x8fa: {  	[tilespmem:s17+$0x180B0] =	vst v9;
	v8 =	vld.idx.msk [tilespmem:v7+s6+$0x0], $0xffff  }
0x8fb: {  	v9 =	vld.idx.msk [tilespmem:v3+s25+$0x0], $0xffff;
	[tilespmem:s17+$0x180C0] =	vst v10  }
0x8fc: {  	v10 =	vld.idx.msk [tilespmem:v4+s25+$0x0], $0xffff;
	[tilespmem:s17+$0x180D0] =	vst v11  }
0x8fd: {  	v11 =	vld.idx.msk [tilespmem:v5+s25+$0x0], $0xffff;
	[tilespmem:s17+$0x180E0] =	vst v12  }
0x8fe: {  	[tilespmem:s17+$0x18100] =	vst v13;
	v12 =	vld.idx.msk [tilespmem:v6+s25+$0x0], $0xffff  }
0x8ff: {  	[tilespmem:s17+$0x18110] =	vst v14;
	v13 =	vld.idx.msk [tilespmem:v0+s25+$0x0], $0xffff  }
0x900: {  	v14 =	vld.idx.msk [tilespmem:v1+s2+$0x0], $0xffff;
	[tilespmem:s17+$0x18270] =	vst v8  }
0x901: {  	[tilespmem:s17+$0x18120] =	vst v9;
	v8 =	vld.idx.msk [tilespmem:v7+s7+$0x0], $0xffff  }
0x902: {  	v9 =	vld.idx.msk [tilespmem:v2+s2+$0x0], $0xffff;
	[tilespmem:s17+$0x18130] =	vst v10  }
0x903: {  	v10 =	vld.idx.msk [tilespmem:v3+s2+$0x0], $0xffff;
	[tilespmem:s17+$0x18140] =	vst v11  }
0x904: {  	v11 =	vld.idx.msk [tilespmem:v4+s2+$0x0], $0xffff;
	[tilespmem:s17+$0x18150] =	vst v12  }
0x905: {  	v12 =	vld.idx.msk [tilespmem:v5+s2+$0x0], $0xffff;
	[tilespmem:s17+$0x18160] =	vst v13  }
0x906: {  	[tilespmem:s17+$0x18180] =	vst v14;
	v13 =	vld.idx.msk [tilespmem:v6+s2+$0x0], $0xffff  }
0x907: {  	v14 =	vld.idx.msk [tilespmem:v0+s2+$0x0], $0xffff;
	[tilespmem:s17+$0x182F0] =	vst v8  }
0x908: {  	[tilespmem:s17+$0x18190] =	vst v9;
	v8 =	vld.idx.msk [tilespmem:v7+s8+$0x0], $0xffff  }
0x909: {  	v9 =	vld.idx.msk [tilespmem:v1+s6+$0x0], $0xffff;
	[tilespmem:s17+$0x181A0] =	vst v10  }
0x90a: {  	v10 =	vld.idx.msk [tilespmem:v2+s6+$0x0], $0xffff;
	[tilespmem:s17+$0x181B0] =	vst v11  }
0x90b: {  	v11 =	vld.idx.msk [tilespmem:v3+s6+$0x0], $0xffff;
	[tilespmem:s17+$0x181C0] =	vst v12  }
0x90c: {  	v12 =	vld.idx.msk [tilespmem:v4+s6+$0x0], $0xffff;
	[tilespmem:s17+$0x181D0] =	vst v13  }
0x90d: {  	v13 =	vld.idx.msk [tilespmem:v5+s6+$0x0], $0xffff;
	[tilespmem:s17+$0x181E0] =	vst v14  }
0x90e: {  	v14 =	vld.idx.msk [tilespmem:v6+s6+$0x0], $0xffff;
	[tilespmem:s17+$0x18370] =	vst v8  }
0x90f: {  	[tilespmem:s17+$0x18200] =	vst v9;
	v7 =	vld.idx.msk [tilespmem:v7+s9+$0x0], $0xffff  }
0x910: {  	[tilespmem:s17+$0x18210] =	vst v10;
	v8 =	vld.idx.msk [tilespmem:v0+s6+$0x0], $0xffff  }
0x911: {  	v9 =	vld.idx.msk [tilespmem:v1+s7+$0x0], $0xffff;
	[tilespmem:s17+$0x18220] =	vst v11  }
0x912: {  	v10 =	vld.idx.msk [tilespmem:v2+s7+$0x0], $0xffff;
	[tilespmem:s17+$0x18230] =	vst v12  }
0x913: {  	v11 =	vld.idx.msk [tilespmem:v3+s7+$0x0], $0xffff;
	[tilespmem:s17+$0x18240] =	vst v13  }
0x914: {  	v12 =	vld.idx.msk [tilespmem:v4+s7+$0x0], $0xffff;
	[tilespmem:s17+$0x18250] =	vst v14  }
0x915: {  	v13 =	vld.idx.msk [tilespmem:v5+s7+$0x0], $0xffff;
	[tilespmem:s17+$0x183F0] =	vst v7  }
0x916: {  	v7 =	vld.idx.msk [tilespmem:v6+s7+$0x0], $0xffff;
	[tilespmem:s17+$0x18260] =	vst v8  }
0x917: {  	[tilespmem:s17+$0x18280] =	vst v9;
	v8 =	vld.idx.msk [tilespmem:v0+s7+$0x0], $0xffff  }
0x918: {  	v9 =	vld.idx.msk [tilespmem:v1+s8+$0x0], $0xffff;
	[tilespmem:s17+$0x18290] =	vst v10  }
0x919: {  	v10 =	vld.idx.msk [tilespmem:v2+s8+$0x0], $0xffff;
	[tilespmem:s17+$0x182A0] =	vst v11  }
0x91a: {  	v11 =	vld.idx.msk [tilespmem:v3+s8+$0x0], $0xffff;
	[tilespmem:s17+$0x182B0] =	vst v12  }
0x91b: {  	v12 =	vld.idx.msk [tilespmem:v4+s8+$0x0], $0xffff;
	[tilespmem:s17+$0x182C0] =	vst v13  }
0x91c: {  	v13 =	vld.idx.msk [tilespmem:v5+s8+$0x0], $0xffff;
	[tilespmem:s17+$0x182D0] =	vst v7  }
0x91d: {  	v14 =	vld.idx.msk [tilespmem:v6+s8+$0x0], $0xffff;
	[tilespmem:s17+$0x182E0] =	vst v8  }
0x91e: {  	[tilespmem:s17+$0x18300] =	vst v9;
	v15 =	vld.idx.msk [tilespmem:v0+s8+$0x0], $0xffff  }
0x91f: {  	v7 =	vld.idx.msk [tilespmem:v1+s9+$0x0], $0xffff;
	[tilespmem:s17+$0x18310] =	vst v10  }
.Ltmp7:
0x920: {  	v8 =	vld.idx.msk [tilespmem:v2+s9+$0x0], $0xffff;
	[tilespmem:s17+$0x18320] =	vst v11;
	(pc) =	sbr.rel @p0 .LBB2_17-.Ltmp7, $4  }
0x921: {  	v9 =	vld.idx.msk [tilespmem:v3+s9+$0x0], $0xffff;
	[tilespmem:s17+$0x18330] =	vst v12  }
0x922: {  	v3 =	vld.idx.msk [tilespmem:v4+s9+$0x0], $0xffff;
	[tilespmem:s17+$0x18340] =	vst v13  }
0x923: {  	v4 =	vld.idx.msk [tilespmem:v5+s9+$0x0], $0xffff;
	[tilespmem:s17+$0x18350] =	vst v14  }
0x924: {  	s20 =	sadd.s32 $0x1000, s20;
	v5 =	vld.idx.msk [tilespmem:v6+s9+$0x0], $0xffff;
	[tilespmem:s17+$0x18360] =	vst v15  }
0x925: {  	_ =	sdelay $0x2  }
0x926: {  	[tilespmem:s17+$0x18380] =	vst v7  }
0x927: {  	v0 =	vld.idx.msk [tilespmem:v0+s9+$0x0], $0xffff;
	[tilespmem:s17+$0x18390] =	vst v8  }
0x928: {  	[tilespmem:s17+$0x183A0] =	vst v9  }
0x929: {  	s15 =	sadd.s32 $0x1, s15;
	[tilespmem:s17+$0x183B0] =	vst v3  }
0x92a: {  	p0 =	sne.s32 s15, $0x19;
	[tilespmem:s17+$0x183C0] =	vst v4  }
.Ltmp8:
0x92b: {  	[tilespmem:s17+$0x183D0] =	vst v5;
	(pc) =	sbr.rel @p0 .LBB2_2-.Ltmp8, $4  }
0x92c: {  	[tilespmem:s17+$0x183E0] =	vst v0  }
0x92d: {  	[hbm4b:s18+s3] =	stream.linear.scatter [tilespmem:s11], [sflag:$0x2], $0x4000, $0x38;
	[tilespmem:$0x1C000] =	vst v63  }
0x92e: {  	_ = 	snop  }
0x92f: {  	[hbm4b:s16+s3] =	stream.linear.scatter [tilespmem:s12], [sflag:$0x2], $0x4000, $0x38;
	[tilespmem:$0x1C000] =	vst v63  }
0x930: {  	_ =	swait.ge [sflag:s13], $0x4000  }
0x931: {  	[sflag:s13] =	ssyncset.done $0x0  }
0x932: {  	[sflag:s13] =	ssyncadd.s32 $0xFFFFC000  }
0x933: {  	_ =	swait.ge [sflag:s13], $0x4000  }
0x934: {  	[sflag:s13] =	ssyncset.done $0x0  }
0x935: {  	[sflag:s13] =	ssyncadd.s32 $0xFFFFC000  }
0x936: {  	_ =	swait.ge [sflag:s14], $0x4000  }
0x937: {  	[sflag:s14] =	ssyncset.done $0x0  }
0x938: {  	[sflag:s14] =	ssyncadd.s32 $0xFFFFC000  }
0x939: {  	_ =	swait.ge [sflag:s14], $0x4000  }
0x93a: {  	s16 =	rddreg [dreg:$0x18]  }
0x93b: {  	s15 =	rddreg [dreg:$0x17];
	s16 =	sadd.s32 $0x1, s16  }
0x93c: {  	p0 =	sne.s32 s16, s15  }
.Ltmp9:
0x93d: {  	_ = 	snop;
	(pc) =	sbr.rel @p0 .LBB2_1-.Ltmp9, $3  }
0x93e: {  	_ =	sdelay $0x1  }
0x93f: {  	[sflag:s14] =	ssyncset.done $0x0  }
0x940: {  	[sflag:s14] =	ssyncadd.s32 $0xFFFFC000  }
0x941: {  	_ =	sfence.sel $0x180000  }
0x942: {  	[bflag:$0x0] =	sbarrier.arrive $0xFFFF  }
0x943: {  	_ =	strace $0x90000047  }
0x944: {  	s0 =	stileid.u32;
	[bflag:$0x2] =	sbarrier.arrive $0xFFFF  }
0x945: {  	p0 =	sne.s32 s0, $0x0;
	s0 =	rddreg [dreg:$0x3]  }
0x946: {  	s0 =	sadd.s32 @!p0 $0x100000, s0  }
0x947: {  	[sflag:s0] =	ssyncadd.tile.s32 @!p0 $0x1;
	_ =	shalt  }
.Lfunc_end2:
_tile_overlayer_lowered:
.L_overlay_start_2:
0x948: {  	(tag) =	ssettag $0x2  }
0x949: {  	s0 =	rddreg [dreg:$0x0];
	s2 =	stileid.u32  }
0x94a: {  	s1 =	rddreg [dreg:$0x1];
	p0 =	sne.s32 s2, $0x0  }
0x94b: {  	s3 =	rddreg [dreg:$0x2];
	[bflag:$0x3] =	sbarrier.arrive $0xFFFF;
	s2 =	simm.s32 @!p0 $0x1C03  }
0x94c: {  	[timem:s3], [sflag:s2] =	dma.local @!p0 [hbm:s0], s1  }
0x94d: {  	s0 =	simm.s32 @!p0 $0x3  }
0x94e: {  	_ =	swait.ge @!p0 [sflag:s0], s1  }
0x94f: {  	s1 =	ssub.s32 @!p0 $0x0, s1;
	[sflag:s0] =	ssyncset.done @!p0 $0x0  }
0x950: {  	[sflag:s0] =	ssyncadd.s32 @!p0 s1  }
0x951: {  	[bflag:$0x3] =	sbarrier.arrive $0xFFFF  }
0x952: {  	_ =	shalt  }

</sc_bundles>
